<compile_context>
chip_gen: v7x
topology: tpu7x:2x2x1
jax: 0.10.2.dev20260603
libtpu: 0.0.44.dev20260713+nightly
codegen_flags: <defaults>
</compile_context>

<pallas_src>
import functools

import jax
import jax.numpy as jnp
from jax import lax
from jax.experimental import pallas as pl
from jax.experimental.pallas import tpu as pltpu
from jax.experimental.pallas import tpu_sc as plsc


def _sc_mesh():
    info = plsc.get_sparse_core_info()
    nc, ns = info.num_cores, info.num_subcores
    mesh = plsc.VectorSubcoreMesh(core_axis_name="c", subcore_axis_name="s")
    return mesh, nc, ns


def _sc_compiler_params():
    return pltpu.CompilerParams(needs_layout_passes=False)


@functools.lru_cache(maxsize=None)
def _make_sc_deg(N, E):
    mesh, nc, ns = _sc_mesh()
    nw = nc * ns
    assert E % (nw * 16) == 0
    ep = E // nw

    @functools.partial(
        pl.kernel, mesh=mesh,
        compiler_params=_sc_compiler_params(),
        out_type=(jax.ShapeDtypeStruct((nw, N), jnp.float32),
                  jax.ShapeDtypeStruct((E,), jnp.int32)),
        scratch_types=[
            pltpu.VMEM((ep,), jnp.int32),
            pltpu.VMEM((ep,), jnp.int32),
            pltpu.VMEM((ep,), jnp.float32),
            pltpu.VMEM((N,), jnp.float32),
        ],
    )
    def deg_kernel(src_hbm, dst_hbm, ew_hbm, out_hbm, pk_hbm,
                   src_v, dst_v, ew_v, acc_v):
        wid = lax.axis_index("s") * nc + lax.axis_index("c")
        base = wid * ep

        @plsc.parallel_loop(0, N // 16, unroll=8)
        def _zero(i):
            acc_v[pl.ds(i * 16, 16)] = jnp.zeros((16,), jnp.float32)

        pltpu.sync_copy(src_hbm.at[pl.ds(base, ep)], src_v)
        pltpu.sync_copy(dst_hbm.at[pl.ds(base, ep)], dst_v)
        pltpu.sync_copy(ew_hbm.at[pl.ds(base, ep)], ew_v)

        @plsc.parallel_loop(0, ep // 16, unroll=8)
        def _body(g):
            sl = pl.ds(g * 16, 16)
            idx = src_v[sl]
            w = ew_v[sl]
            plsc.addupdate_scatter(acc_v, [idx], w)
            dst_v[sl] = idx + lax.shift_left(dst_v[sl], 14)

        pltpu.sync_copy(acc_v, out_hbm.at[wid])
        pltpu.sync_copy(dst_v, pk_hbm.at[pl.ds(base, ep)])

    return deg_kernel


@functools.lru_cache(maxsize=None)
def _make_sc_spmm(N, E, D, CH):
    mesh, nc, ns = _sc_mesh()
    nw = nc * ns
    DP = D // 2
    assert DP % nw == 0 and E % CH == 0 and CH % 16 == 0
    FP = DP // nw
    F = 2 * FP
    nch = E // CH
    assert nch % 2 == 0

    @functools.partial(
        pl.kernel, mesh=mesh,
        compiler_params=_sc_compiler_params(),
        out_type=jax.ShapeDtypeStruct((D, N), jnp.float32),
        scratch_types=[
            pltpu.VMEM((FP, N), jnp.int32),
            pltpu.VMEM((F, N), jnp.float32),
            pltpu.VMEM((CH,), jnp.int32),
            pltpu.VMEM((CH,), jnp.int32),
            pltpu.VMEM((CH,), jnp.float32),
            pltpu.VMEM((CH,), jnp.float32),
            pltpu.SemaphoreType.DMA,
            pltpu.SemaphoreType.DMA,
        ],
    )
    def spmm_kernel(pk_hbm, ew_hbm, featP_hbm, out_hbm,
                    feat_v, acc_v, pk_v0, pk_v1, ew_v0, ew_v1, sem0, sem1):
        wid = lax.axis_index("s") * nc + lax.axis_index("c")
        p0 = wid * FP
        sems = (sem0, sem1)
        pk_b = (pk_v0, pk_v1)
        ew_b = (ew_v0, ew_v1)

        def start(c, b):
            base = c * CH
            pltpu.async_copy(pk_hbm.at[pl.ds(base, CH)], pk_b[b], sems[b])
            pltpu.async_copy(ew_hbm.at[pl.ds(base, CH)], ew_b[b], sems[b])

        def wait(b):
            pltpu.make_async_copy(pk_hbm.at[pl.ds(0, CH)], pk_b[b], sems[b]).wait()
            pltpu.make_async_copy(ew_hbm.at[pl.ds(0, CH)], ew_b[b], sems[b]).wait()

        start(0, 0)
        pltpu.sync_copy(featP_hbm.at[pl.ds(p0, FP)], feat_v)

        @plsc.parallel_loop(0, N // 16, unroll=8)
        def _zero(i):
            z = jnp.zeros((16,), jnp.float32)
            for f in range(F):
                acc_v[f, pl.ds(i * 16, 16)] = z

        def outer(i, _):
            for b in range(2):
                c = i * 2 + b

                @pl.when(c + 1 < nch)
                def _():
                    start(c + 1, 1 - b)

                wait(b)

                @plsc.parallel_loop(0, CH // 16, unroll=20)
                def _body(g):
                    pk16 = pk_b[b][pl.ds(g * 16, 16)]
                    w16 = ew_b[b][pl.ds(g * 16, 16)]
                    s16 = jnp.bitwise_and(pk16, 16383)
                    d16 = lax.shift_right_logical(pk16, 14)
                    for j in range(FP):
                        jidx = jnp.full((16,), j, jnp.int32)
                        vp = plsc.load_gather(feat_v, [jidx, s16])
                        lo = plsc.bitcast(lax.shift_left(vp, 16), jnp.float32)
                        hi = plsc.bitcast(
                            jnp.bitwise_and(vp, jnp.int32(-65536)), jnp.float32)
                        lidx = jnp.full((16,), 2 * j, jnp.int32)
                        hidx = jnp.full((16,), 2 * j + 1, jnp.int32)
                        plsc.addupdate_scatter(acc_v, [lidx, d16], lo * w16)
                        plsc.addupdate_scatter(acc_v, [hidx, d16], hi * w16)
            return 0
        lax.fori_loop(0, nch // 2, outer, 0)

        pltpu.sync_copy(acc_v, out_hbm.at[pl.ds(2 * p0, F)])

    return spmm_kernel


def _dot(a, b):
    return lax.dot_general(a, b, (((1,), (0,)), ((), ())),
                           precision=lax.Precision.HIGHEST,
                           preferred_element_type=jnp.float32)


def _dotT(aT, b):
    return lax.dot_general(aT, b, (((0,), (0,)), ((), ())),
                           precision=lax.Precision.HIGHEST,
                           preferred_element_type=jnp.float32)


def _sigmoid(t):
    return 1.0 / (1.0 + jnp.exp(-t))


def _pack_pairs(a):
    hw = a.shape[1] // 2
    lo = lax.bitcast_convert_type(a[:, :hw].astype(jnp.bfloat16), jnp.uint16)
    hi = lax.bitcast_convert_type(a[:, hw:].astype(jnp.bfloat16), jnp.uint16)
    return (lo.astype(jnp.int32) | (hi.astype(jnp.int32) << 16))


@functools.lru_cache(maxsize=None)
def _make_tc_pre(N, D, NW, BN):
    grid = (N // BN,)

    def body(degT, x, h, wxz, whz, wxr, whr, bz, br,
             dis_o, gz_o, gr_o, xs_o, hs_o):
        deg = jnp.sum(degT[...], axis=1)
        dis = jnp.where(deg > 0, lax.rsqrt(jnp.where(deg > 0, deg, 1.0)), 0.0)
        d = dis[:, None]
        dis_o[...] = d
        xx = x[...]
        hh = h[...]
        xs_o[...] = _pack_pairs(d * xx)
        hs_o[...] = _pack_pairs(d * hh)
        gz_o[...] = _dot(xx, wxz[...]) + _dot(hh, whz[...]) + bz[...]
        gr_o[...] = _dot(xx, wxr[...]) + _dot(hh, whr[...]) + br[...]

    row_blk = pl.BlockSpec((BN, D), lambda i: (i, 0))
    pk_blk = pl.BlockSpec((BN, D // 2), lambda i: (i, 0))
    w_blk = pl.BlockSpec((D, D), lambda i: (0, 0))
    b_blk = pl.BlockSpec((1, D), lambda i: (0, 0))
    return pl.pallas_call(
        body, grid=grid,
        in_specs=[pl.BlockSpec((BN, NW), lambda i: (i, 0)), row_blk, row_blk,
                  w_blk, w_blk, w_blk, w_blk, b_blk, b_blk],
        out_specs=[pl.BlockSpec((BN, 1), lambda i: (i, 0)),
                   row_blk, row_blk, pk_blk, pk_blk],
        out_shape=[jax.ShapeDtypeStruct((N, 1), jnp.float32),
                   jax.ShapeDtypeStruct((N, D), jnp.float32),
                   jax.ShapeDtypeStruct((N, D), jnp.float32),
                   jax.ShapeDtypeStruct((N, D // 2), jnp.int32),
                   jax.ShapeDtypeStruct((N, D // 2), jnp.int32)],
    )


@functools.lru_cache(maxsize=None)
def _make_tc_mid(N, D, BN):
    grid = (N // BN,)

    def body(gz, gr, x, txt, tht, dis, h, wxz1, whz1, wxr1, whr1, wxh0, whh0,
             bh, z_o, hrs_o, gh_o):
        d = dis[...]
        tx = txt[...]
        th = tht[...]
        z = _sigmoid(gz[...] - d * (_dotT(tx, wxz1[...]) + _dotT(th, whz1[...])))
        r = _sigmoid(gr[...] - d * (_dotT(tx, wxr1[...]) + _dotT(th, whr1[...])))
        hr = h[...] * r
        z_o[...] = z
        hrs_o[...] = _pack_pairs(d * hr)
        gh_o[...] = _dot(x[...], wxh0[...]) + bh[...] + _dot(hr, whh0[...])

    row_blk = pl.BlockSpec((BN, D), lambda i: (i, 0))
    pk_blk = pl.BlockSpec((BN, D // 2), lambda i: (i, 0))
    t_blk = pl.BlockSpec((D, BN), lambda i: (0, i))
    w_blk = pl.BlockSpec((D, D), lambda i: (0, 0))
    b_blk = pl.BlockSpec((1, D), lambda i: (0, 0))
    return pl.pallas_call(
        body, grid=grid,
        in_specs=[row_blk, row_blk, row_blk, t_blk, t_blk,
                  pl.BlockSpec((BN, 1), lambda i: (i, 0)), row_blk,
                  w_blk, w_blk, w_blk, w_blk, w_blk, w_blk, b_blk],
        out_specs=[row_blk, pk_blk, row_blk],
        out_shape=[jax.ShapeDtypeStruct((N, D), jnp.float32),
                   jax.ShapeDtypeStruct((N, D // 2), jnp.int32),
                   jax.ShapeDtypeStruct((N, D), jnp.float32)],
    )


@functools.lru_cache(maxsize=None)
def _make_tc_fin(N, D, BN):
    grid = (N // BN,)

    def body(gh, txt, thrt, dis, z, h, wxh1, whh1, wlin, blin, out_o, h_o):
        d = dis[...]
        ht = jnp.tanh(gh[...] - d * (_dotT(txt[...], wxh1[...]) +
                                     _dotT(thrt[...], whh1[...])))
        zz = z[...]
        hv = zz * h[...] + (1.0 - zz) * ht
        h_o[...] = hv
        v = _dot(jnp.maximum(hv, 0.0), wlin[...]) + blin[...]
        out_o[...] = jnp.maximum(v, 0.0) + jnp.log1p(jnp.exp(-jnp.abs(v)))

    row_blk = pl.BlockSpec((BN, D), lambda i: (i, 0))
    t_blk = pl.BlockSpec((D, BN), lambda i: (0, i))
    w_blk = pl.BlockSpec((D, D), lambda i: (0, 0))
    return pl.pallas_call(
        body, grid=grid,
        in_specs=[row_blk, t_blk, t_blk,
                  pl.BlockSpec((BN, 1), lambda i: (i, 0)), row_blk, row_blk,
                  w_blk, w_blk, pl.BlockSpec((D, 1), lambda i: (0, 0)),
                  pl.BlockSpec((1, 1), lambda i: (0, 0))],
        out_specs=[pl.BlockSpec((BN, 1), lambda i: (i, 0)), row_blk],
        out_shape=[jax.ShapeDtypeStruct((N, 1), jnp.float32),
                   jax.ShapeDtypeStruct((N, D), jnp.float32)],
    )


def kernel(x, edge_index, edge_weight, h,
           W_xz, b_xz, W_hz, b_hz, W_xr, b_xr, W_hr, b_hr,
           W_xh, b_xh, W_hh, b_hh, W_lin, b_lin):
    N, D = x.shape
    E = edge_index.shape[1]
    info = plsc.get_sparse_core_info()
    NW = info.num_cores * info.num_subcores
    BN = 2048
    CH = 8000
    NP = -(-N // BN) * BN

    assert N <= 16384

    src = edge_index[0]
    dst = edge_index[1]
    xp = jnp.pad(x, ((0, NP - N), (0, 0)))
    hp = jnp.pad(h, ((0, NP - N), (0, 0)))

    deg_parts, pk = _make_sc_deg(NP, E)(src, dst, edge_weight)

    bz = (b_xz + b_hz).reshape(1, D)
    br = (b_xr + b_hr).reshape(1, D)
    bh = (b_xh + b_hh).reshape(1, D)
    dis, Gz, Gr, xs_pk, hs_pk = _make_tc_pre(NP, D, NW, BN)(
        deg_parts.T, xp, hp, W_xz[0], W_hz[0], W_xr[0], W_hr[0], bz, br)

    DP = D // 2
    perm = jnp.array([p + b * DP for p in range(DP) for b in (0, 1)],
                     dtype=jnp.int32)

    spmm = _make_sc_spmm(NP, E, D, CH)
    TxT = spmm(pk, edge_weight, xs_pk.T)
    ThT = spmm(pk, edge_weight, hs_pk.T)

    Z, hrs_pk, Gh = _make_tc_mid(NP, D, BN)(
        Gz, Gr, xp, TxT, ThT, dis, hp,
        W_xz[1][perm], W_hz[1][perm], W_xr[1][perm], W_hr[1][perm],
        W_xh[0], W_hh[0], bh)

    ThrT = spmm(pk, edge_weight, hrs_pk.T)

    out, H = _make_tc_fin(NP, D, BN)(
        Gh, TxT, ThrT, dis, Z, hp, W_xh[1][perm], W_hh[1][perm], W_lin,
        b_lin.reshape(1, 1))
    return (out[:N], H[:N])

# --- scband reference (transcript-rebuilt; emitter-appended) ---
"""Pipeline reference for scband-gconv-grumodel-79585743995076 (READ-ONLY COPY).

The authoritative reference and input builder live on the scoring server;
editing this copy changes nothing except your own understanding.
"""

import jax, jax.numpy as jnp
import numpy as np

N = 10000
E = 320000
D_IN = 128
D_OUT = 128


def setup_inputs(seed: int = 0) -> dict:
    key = jax.random.key(seed)
    ks = jax.random.split(key, 24)
    inp = {}
    inp['x'] = jax.random.normal(ks[0], (N, D_IN), dtype=jnp.float32)
    inp['edge_index'] = jax.random.randint(ks[1], (2, E), 0, N, dtype=jnp.int32)
    inp['edge_weight'] = jax.random.uniform(ks[2], (E,), dtype=jnp.float32)
    inp['h'] = jax.random.normal(ks[3], (N, D_OUT), dtype=jnp.float32)
    # 6 ChebConv(K=2) weight stacks [K, d_in, d_out] + biases (x_z, h_z, x_r, h_r, x_h, h_h)
    names = ['xz', 'hz', 'xr', 'hr', 'xh', 'hh']
    for i, nm in enumerate(names):
        din = D_IN if nm[0] == 'x' else D_OUT
        inp['W_' + nm] = jax.random.normal(ks[4 + 2 * i], (2, din, D_OUT), dtype=jnp.float32) * (1.0 / np.sqrt(din))
        inp['b_' + nm] = jnp.zeros((D_OUT,), dtype=jnp.float32)
    inp['W_lin'] = jax.random.normal(ks[20], (D_OUT, 1), dtype=jnp.float32) * (1.0 / np.sqrt(D_OUT))
    inp['b_lin'] = jnp.zeros((1,), dtype=jnp.float32)
    return inp


def _laplacian_norm(edge_index, edge_weight):
    # ChebConv 'sym' normalization with lambda_max=2.0: L_hat = -D^{-1/2} A D^{-1/2}
    src = edge_index[0]
    dst = edge_index[1]
    deg = jax.ops.segment_sum(edge_weight, src, num_segments=N)
    dis = jnp.where(deg > 0, 1.0 / jnp.sqrt(jnp.where(deg > 0, deg, 1.0)), 0.0)
    norm = -dis[src] * edge_weight * dis[dst]
    return src, dst, norm


def _cheb(feat, W, b, src, dst, norm):
    # K=2 Chebyshev: T0(x)=x, T1(x)=L_hat x
    Tx1 = jax.ops.segment_sum(norm[:, None] * feat[src], dst, num_segments=N)
    return feat @ W[0] + Tx1 @ W[1] + b


def reference(x, edge_index, edge_weight, h, W_xz, b_xz, W_hz, b_hz, W_xr, b_xr, W_hr, b_hr, W_xh, b_xh, W_hh, b_hh, W_lin, b_lin):
    src, dst, norm = _laplacian_norm(edge_index, edge_weight)
    Z = jax.nn.sigmoid(_cheb(x, W_xz, b_xz, src, dst, norm) + _cheb(h, W_hz, b_hz, src, dst, norm))
    R = jax.nn.sigmoid(_cheb(x, W_xr, b_xr, src, dst, norm) + _cheb(h, W_hr, b_hr, src, dst, norm))
    H_tilde = jnp.tanh(_cheb(x, W_xh, b_xh, src, dst, norm) + _cheb(h * R, W_hh, b_hh, src, dst, norm))
    H = Z * h + (1.0 - Z) * H_tilde
    out = jax.nn.softplus(jax.nn.relu(H) @ W_lin + b_lin)
    return (out, H)

if __name__ == "__main__":
    import jax
    _d = setup_inputs()
    print(jax.jit(kernel)(*tuple(_d.values())))

</pallas_src>

<mosaic_0001>
#map = affine_map<(d0, d1) -> (0)>
#map1 = affine_map<(d0, d1) -> (0, 0)>
module attributes {stable_mosaic.version = 14 : i64} {
  func.func @deg_kernel(%arg0: i32, %arg1: i32, %arg2: memref<320000xi32, #tpu.memory_space<hbm>>, %arg3: memref<320000xi32, #tpu.memory_space<hbm>>, %arg4: memref<320000xf32, #tpu.memory_space<hbm>>, %arg5: memref<32x10240xf32, #tpu.memory_space<hbm>>, %arg6: memref<320000xi32, #tpu.memory_space<hbm>>, %arg7: memref<10000xi32, #tpu.memory_space<vmem>>, %arg8: memref<10000xi32, #tpu.memory_space<vmem>>, %arg9: memref<10000xf32, #tpu.memory_space<vmem>>, %arg10: memref<10240xf32, #tpu.memory_space<vmem>>) attributes {dimension_semantics = [#tpu.dimension_semantics<core_parallel>, #tpu.dimension_semantics<subcore_parallel>], iteration_bounds = array<i64: 2, 16>, scalar_prefetch = 0 : i64, scratch_operands = 4 : i64, tpu.core_type = #tpu.core_type<sc_vector_subcore>, window_params = [{transform_indices = #map}, {transform_indices = #map}, {transform_indices = #map}, {transform_indices = #map1}, {transform_indices = #map}]} {
    %mul3A = arith.constant 2 : i32
    %mul3A_0 = arith.muli %arg1, %mul3A : i32
    %add3A = arith.addi %mul3A_0, %arg0 : i32
    %mul3A_1 = arith.constant 10000 : i32
    %mul3A_2 = arith.muli %add3A, %mul3A_1 : i32
    %parallel_loop3A = arith.constant 0 : i32
    %parallel_loop3A_3 = arith.constant 640 : i32
    %parallel_loop3A_4 = arith.constant 1 : i32
    scf.for %parallel_loop3A_8 = %parallel_loop3A to %parallel_loop3A_3 step %parallel_loop3A_4  : i32 {
      %parallel_loop3A_9 = arith.constant 0.000000e+00 : f32
      %parallel_loop3A_10 = vector.broadcast %parallel_loop3A_9 : f32 to vector<16xf32>
      %parallel_loop3A_11 = arith.constant 16 : i32
      %parallel_loop3A_12 = arith.muli %parallel_loop3A_8, %parallel_loop3A_11 : i32
      %parallel_loop3A_13 = arith.index_cast %parallel_loop3A_12 : i32 to index
      %parallel_loop3A_14 = tpu.vector_load %arg10[%parallel_loop3A_13] {strides = array<i32>} : memref<10240xf32, #tpu.memory_space<vmem>>, vector<16xf32>,
      tpu.vector_store %arg10[%parallel_loop3A_13], %parallel_loop3A_10 {strides = array<i32>} : memref<10240xf32, #tpu.memory_space<vmem>>, vector<16xf32>,
    } {sc.loop_unroll_factor = 8 : i64, sc.parallel_access}
    "tpu.region"() ({
      %run_scoped3A = tpu.sem_alloc : memref<!tpu.dma_semaphore, #tpu.memory_space<semaphore_mem>>
      %dma_start3A = tpu.memref_slice %arg2[%mul3A_2] : memref<320000xi32, #tpu.memory_space<hbm>> -> memref<10000xi32, #tpu.memory_space<hbm>>
      %dma_start3A_8 = tpu.memref_slice %arg2[%mul3A_2] : memref<320000xi32, #tpu.memory_space<hbm>> -> memref<10000xi32, #tpu.memory_space<hbm>>
      tpu.enqueue_dma source(%dma_start3A_8 : memref<10000xi32, #tpu.memory_space<hbm>>) target(%arg7 : memref<10000xi32, #tpu.memory_space<vmem>>) target_semaphore(%run_scoped3A : memref<!tpu.dma_semaphore, #tpu.memory_space<semaphore_mem>>)
      %dma_wait3A = tpu.memref_slice %arg2[%mul3A_2] : memref<320000xi32, #tpu.memory_space<hbm>> -> memref<10000xi32, #tpu.memory_space<hbm>>
      %dma_wait3A_9 = tpu.memref_slice %arg2[%mul3A_2] : memref<320000xi32, #tpu.memory_space<hbm>> -> memref<10000xi32, #tpu.memory_space<hbm>>
      tpu.wait_dma2 semaphore(%run_scoped3A : memref<!tpu.dma_semaphore, #tpu.memory_space<semaphore_mem>>) src(%dma_wait3A_9 : memref<10000xi32, #tpu.memory_space<hbm>>) dst(%arg7 : memref<10000xi32, #tpu.memory_space<vmem>>)
      tpu.yield
    }) : () -> ()
    "tpu.region"() ({
      %run_scoped3A = tpu.sem_alloc : memref<!tpu.dma_semaphore, #tpu.memory_space<semaphore_mem>>
      %dma_start3A = tpu.memref_slice %arg3[%mul3A_2] : memref<320000xi32, #tpu.memory_space<hbm>> -> memref<10000xi32, #tpu.memory_space<hbm>>
      %dma_start3A_8 = tpu.memref_slice %arg3[%mul3A_2] : memref<320000xi32, #tpu.memory_space<hbm>> -> memref<10000xi32, #tpu.memory_space<hbm>>
      tpu.enqueue_dma source(%dma_start3A_8 : memref<10000xi32, #tpu.memory_space<hbm>>) target(%arg8 : memref<10000xi32, #tpu.memory_space<vmem>>) target_semaphore(%run_scoped3A : memref<!tpu.dma_semaphore, #tpu.memory_space<semaphore_mem>>)
      %dma_wait3A = tpu.memref_slice %arg3[%mul3A_2] : memref<320000xi32, #tpu.memory_space<hbm>> -> memref<10000xi32, #tpu.memory_space<hbm>>
      %dma_wait3A_9 = tpu.memref_slice %arg3[%mul3A_2] : memref<320000xi32, #tpu.memory_space<hbm>> -> memref<10000xi32, #tpu.memory_space<hbm>>
      tpu.wait_dma2 semaphore(%run_scoped3A : memref<!tpu.dma_semaphore, #tpu.memory_space<semaphore_mem>>) src(%dma_wait3A_9 : memref<10000xi32, #tpu.memory_space<hbm>>) dst(%arg8 : memref<10000xi32, #tpu.memory_space<vmem>>)
      tpu.yield
    }) : () -> ()
    "tpu.region"() ({
      %run_scoped3A = tpu.sem_alloc : memref<!tpu.dma_semaphore, #tpu.memory_space<semaphore_mem>>
      %dma_start3A = tpu.memref_slice %arg4[%mul3A_2] : memref<320000xf32, #tpu.memory_space<hbm>> -> memref<10000xf32, #tpu.memory_space<hbm>>
      %dma_start3A_8 = tpu.memref_slice %arg4[%mul3A_2] : memref<320000xf32, #tpu.memory_space<hbm>> -> memref<10000xf32, #tpu.memory_space<hbm>>
      tpu.enqueue_dma source(%dma_start3A_8 : memref<10000xf32, #tpu.memory_space<hbm>>) target(%arg9 : memref<10000xf32, #tpu.memory_space<vmem>>) target_semaphore(%run_scoped3A : memref<!tpu.dma_semaphore, #tpu.memory_space<semaphore_mem>>)
      %dma_wait3A = tpu.memref_slice %arg4[%mul3A_2] : memref<320000xf32, #tpu.memory_space<hbm>> -> memref<10000xf32, #tpu.memory_space<hbm>>
      %dma_wait3A_9 = tpu.memref_slice %arg4[%mul3A_2] : memref<320000xf32, #tpu.memory_space<hbm>> -> memref<10000xf32, #tpu.memory_space<hbm>>
      tpu.wait_dma2 semaphore(%run_scoped3A : memref<!tpu.dma_semaphore, #tpu.memory_space<semaphore_mem>>) src(%dma_wait3A_9 : memref<10000xf32, #tpu.memory_space<hbm>>) dst(%arg9 : memref<10000xf32, #tpu.memory_space<vmem>>)
      tpu.yield
    }) : () -> ()
    %parallel_loop3A_5 = arith.constant 0 : i32
    %parallel_loop3A_6 = arith.constant 625 : i32
    %parallel_loop3A_7 = arith.constant 1 : i32
    scf.for %parallel_loop3A_8 = %parallel_loop3A_5 to %parallel_loop3A_6 step %parallel_loop3A_7  : i32 {
      %parallel_loop3A_9 = arith.constant 16 : i32
      %parallel_loop3A_10 = arith.muli %parallel_loop3A_8, %parallel_loop3A_9 : i32
      %parallel_loop3A_11 = arith.index_cast %parallel_loop3A_10 : i32 to index
      %parallel_loop3A_12 = tpu.vector_load %arg7[%parallel_loop3A_11] {strides = array<i32>} : memref<10000xi32, #tpu.memory_space<vmem>>, vector<16xi32>,
      %parallel_loop3A_13 = arith.index_cast %parallel_loop3A_10 : i32 to index
      %parallel_loop3A_14 = tpu.vector_load %arg9[%parallel_loop3A_13] {strides = array<i32>} : memref<10000xf32, #tpu.memory_space<vmem>>, vector<16xf32>,
      tpu.vector_store_idx %arg10[%parallel_loop3A_12], %parallel_loop3A_14 {add = true} : memref<10240xf32, #tpu.memory_space<vmem>>[vector<16xi32>], vector<16xf32>,
      %parallel_loop3A_15 = arith.index_cast %parallel_loop3A_10 : i32 to index
      %parallel_loop3A_16 = tpu.vector_load %arg8[%parallel_loop3A_15] {strides = array<i32>} : memref<10000xi32, #tpu.memory_space<vmem>>, vector<16xi32>,
      %parallel_loop3A_17 = arith.constant 14 : i32
      %parallel_loop3A_18 = vector.broadcast %parallel_loop3A_17 : i32 to vector<16xi32>
      %parallel_loop3A_19 = arith.shli %parallel_loop3A_16, %parallel_loop3A_18 : vector<16xi32>
      %parallel_loop3A_20 = arith.addi %parallel_loop3A_12, %parallel_loop3A_19 : vector<16xi32>
      %parallel_loop3A_21 = arith.index_cast %parallel_loop3A_10 : i32 to index
      %parallel_loop3A_22 = tpu.vector_load %arg8[%parallel_loop3A_21] {strides = array<i32>} : memref<10000xi32, #tpu.memory_space<vmem>>, vector<16xi32>,
      tpu.vector_store %arg8[%parallel_loop3A_21], %parallel_loop3A_20 {strides = array<i32>} : memref<10000xi32, #tpu.memory_space<vmem>>, vector<16xi32>,
    } {sc.loop_unroll_factor = 8 : i64, sc.parallel_access}
    "tpu.region"() ({
      %run_scoped3A = tpu.sem_alloc : memref<!tpu.dma_semaphore, #tpu.memory_space<semaphore_mem>>
      %dma_start3A = arith.constant 0 : i32
      %dma_start3A_8 = tpu.memref_slice %arg5[%add3A, %dma_start3A] : memref<32x10240xf32, #tpu.memory_space<hbm>> -> memref<1x10240xf32, #tpu.memory_space<hbm>>
      %dma_start3A_9 = tpu.memref_squeeze %dma_start3A_8 : memref<1x10240xf32, #tpu.memory_space<hbm>> -> memref<10240xf32, #tpu.memory_space<hbm>>
      %dma_start3A_10 = arith.constant 0 : i32
      %dma_start3A_11 = tpu.memref_slice %arg5[%add3A, %dma_start3A_10] : memref<32x10240xf32, #tpu.memory_space<hbm>> -> memref<1x10240xf32, #tpu.memory_space<hbm>>
      %dma_start3A_12 = tpu.memref_squeeze %dma_start3A_11 : memref<1x10240xf32, #tpu.memory_space<hbm>> -> memref<10240xf32, #tpu.memory_space<hbm>>
      tpu.enqueue_dma source(%arg10 : memref<10240xf32, #tpu.memory_space<vmem>>) target(%dma_start3A_12 : memref<10240xf32, #tpu.memory_space<hbm>>) target_semaphore(%run_scoped3A : memref<!tpu.dma_semaphore, #tpu.memory_space<semaphore_mem>>)
      %dma_wait3A = arith.constant 0 : i32
      %dma_wait3A_13 = tpu.memref_slice %arg5[%add3A, %dma_wait3A] : memref<32x10240xf32, #tpu.memory_space<hbm>> -> memref<1x10240xf32, #tpu.memory_space<hbm>>
      %dma_wait3A_14 = tpu.memref_squeeze %dma_wait3A_13 : memref<1x10240xf32, #tpu.memory_space<hbm>> -> memref<10240xf32, #tpu.memory_space<hbm>>
      %dma_wait3A_15 = arith.constant 0 : i32
      %dma_wait3A_16 = tpu.memref_slice %arg5[%add3A, %dma_wait3A_15] : memref<32x10240xf32, #tpu.memory_space<hbm>> -> memref<1x10240xf32, #tpu.memory_space<hbm>>
      %dma_wait3A_17 = tpu.memref_squeeze %dma_wait3A_16 : memref<1x10240xf32, #tpu.memory_space<hbm>> -> memref<10240xf32, #tpu.memory_space<hbm>>
      tpu.wait_dma2 semaphore(%run_scoped3A : memref<!tpu.dma_semaphore, #tpu.memory_space<semaphore_mem>>) src(%arg10 : memref<10240xf32, #tpu.memory_space<vmem>>) dst(%dma_wait3A_17 : memref<10240xf32, #tpu.memory_space<hbm>>)
      tpu.yield
    }) : () -> ()
    "tpu.region"() ({
      %run_scoped3A = tpu.sem_alloc : memref<!tpu.dma_semaphore, #tpu.memory_space<semaphore_mem>>
      %dma_start3A = tpu.memref_slice %arg6[%mul3A_2] : memref<320000xi32, #tpu.memory_space<hbm>> -> memref<10000xi32, #tpu.memory_space<hbm>>
      %dma_start3A_8 = tpu.memref_slice %arg6[%mul3A_2] : memref<320000xi32, #tpu.memory_space<hbm>> -> memref<10000xi32, #tpu.memory_space<hbm>>
      tpu.enqueue_dma source(%arg8 : memref<10000xi32, #tpu.memory_space<vmem>>) target(%dma_start3A_8 : memref<10000xi32, #tpu.memory_space<hbm>>) target_semaphore(%run_scoped3A : memref<!tpu.dma_semaphore, #tpu.memory_space<semaphore_mem>>)
      %dma_wait3A = tpu.memref_slice %arg6[%mul3A_2] : memref<320000xi32, #tpu.memory_space<hbm>> -> memref<10000xi32, #tpu.memory_space<hbm>>
      %dma_wait3A_9 = tpu.memref_slice %arg6[%mul3A_2] : memref<320000xi32, #tpu.memory_space<hbm>> -> memref<10000xi32, #tpu.memory_space<hbm>>
      tpu.wait_dma2 semaphore(%run_scoped3A : memref<!tpu.dma_semaphore, #tpu.memory_space<semaphore_mem>>) src(%arg8 : memref<10000xi32, #tpu.memory_space<vmem>>) dst(%dma_wait3A_9 : memref<10000xi32, #tpu.memory_space<hbm>>)
      tpu.yield
    }) : () -> ()
    return
  }
}

#map = affine_map<(d0, d1) -> (0)>
#map1 = affine_map<(d0, d1) -> (0, 0)>
module attributes {stable_mosaic.version = 14 : i64} {
  func.func @spmm_kernel(%arg0: i32, %arg1: i32, %arg2: memref<320000xi32, #tpu.memory_space<hbm>>, %arg3: memref<320000xf32, #tpu.memory_space<hbm>>, %arg4: memref<64x10240xi32, #tpu.memory_space<hbm>>, %arg5: memref<128x10240xf32, #tpu.memory_space<hbm>>, %arg6: memref<2x10240xi32, #tpu.memory_space<vmem>>, %arg7: memref<4x10240xf32, #tpu.memory_space<vmem>>, %arg8: memref<8000xi32, #tpu.memory_space<vmem>>, %arg9: memref<8000xi32, #tpu.memory_space<vmem>>, %arg10: memref<8000xf32, #tpu.memory_space<vmem>>, %arg11: memref<8000xf32, #tpu.memory_space<vmem>>, %arg12: memref<!tpu.dma_semaphore, #tpu.memory_space<semaphore_mem>>, %arg13: memref<!tpu.dma_semaphore, #tpu.memory_space<semaphore_mem>>) attributes {dimension_semantics = [#tpu.dimension_semantics<core_parallel>, #tpu.dimension_semantics<subcore_parallel>], iteration_bounds = array<i64: 2, 16>, scalar_prefetch = 0 : i64, scratch_operands = 8 : i64, tpu.core_type = #tpu.core_type<sc_vector_subcore>, window_params = [{transform_indices = #map}, {transform_indices = #map}, {transform_indices = #map1}, {transform_indices = #map1}]} {
    %mul3A = arith.constant 2 : i32
    %mul3A_0 = arith.muli %arg1, %mul3A : i32
    %add3A = arith.addi %mul3A_0, %arg0 : i32
    %mul3A_1 = arith.constant 2 : i32
    %mul3A_2 = arith.muli %add3A, %mul3A_1 : i32
    %dma_start3A = arith.constant 0 : i32
    %dma_start3A_3 = tpu.memref_slice %arg2[%dma_start3A] : memref<320000xi32, #tpu.memory_space<hbm>> -> memref<8000xi32, #tpu.memory_space<hbm>>
    %dma_start3A_4 = arith.constant 0 : i32
    %dma_start3A_5 = tpu.memref_slice %arg2[%dma_start3A_4] : memref<320000xi32, #tpu.memory_space<hbm>> -> memref<8000xi32, #tpu.memory_space<hbm>>
    tpu.enqueue_dma source(%dma_start3A_5 : memref<8000xi32, #tpu.memory_space<hbm>>) target(%arg8 : memref<8000xi32, #tpu.memory_space<vmem>>) target_semaphore(%arg12 : memref<!tpu.dma_semaphore, #tpu.memory_space<semaphore_mem>>)
    %dma_start3A_6 = arith.constant 0 : i32
    %dma_start3A_7 = tpu.memref_slice %arg3[%dma_start3A_6] : memref<320000xf32, #tpu.memory_space<hbm>> -> memref<8000xf32, #tpu.memory_space<hbm>>
    %dma_start3A_8 = arith.constant 0 : i32
    %dma_start3A_9 = tpu.memref_slice %arg3[%dma_start3A_8] : memref<320000xf32, #tpu.memory_space<hbm>> -> memref<8000xf32, #tpu.memory_space<hbm>>
    tpu.enqueue_dma source(%dma_start3A_9 : memref<8000xf32, #tpu.memory_space<hbm>>) target(%arg10 : memref<8000xf32, #tpu.memory_space<vmem>>) target_semaphore(%arg12 : memref<!tpu.dma_semaphore, #tpu.memory_space<semaphore_mem>>)
    "tpu.region"() ({
      %run_scoped3A = tpu.sem_alloc : memref<!tpu.dma_semaphore, #tpu.memory_space<semaphore_mem>>
      %dma_start3A_20 = arith.constant 0 : i32
      %dma_start3A_21 = tpu.memref_slice %arg4[%mul3A_2, %dma_start3A_20] : memref<64x10240xi32, #tpu.memory_space<hbm>> -> memref<2x10240xi32, #tpu.memory_space<hbm>>
      %dma_start3A_22 = arith.constant 0 : i32
      %dma_start3A_23 = tpu.memref_slice %arg4[%mul3A_2, %dma_start3A_22] : memref<64x10240xi32, #tpu.memory_space<hbm>> -> memref<2x10240xi32, #tpu.memory_space<hbm>>
      tpu.enqueue_dma source(%dma_start3A_23 : memref<2x10240xi32, #tpu.memory_space<hbm>>) target(%arg6 : memref<2x10240xi32, #tpu.memory_space<vmem>>) target_semaphore(%run_scoped3A : memref<!tpu.dma_semaphore, #tpu.memory_space<semaphore_mem>>)
      %dma_wait3A = arith.constant 0 : i32
      %dma_wait3A_24 = tpu.memref_slice %arg4[%mul3A_2, %dma_wait3A] : memref<64x10240xi32, #tpu.memory_space<hbm>> -> memref<2x10240xi32, #tpu.memory_space<hbm>>
      %dma_wait3A_25 = arith.constant 0 : i32
      %dma_wait3A_26 = tpu.memref_slice %arg4[%mul3A_2, %dma_wait3A_25] : memref<64x10240xi32, #tpu.memory_space<hbm>> -> memref<2x10240xi32, #tpu.memory_space<hbm>>
      tpu.wait_dma2 semaphore(%run_scoped3A : memref<!tpu.dma_semaphore, #tpu.memory_space<semaphore_mem>>) src(%dma_wait3A_26 : memref<2x10240xi32, #tpu.memory_space<hbm>>) dst(%arg6 : memref<2x10240xi32, #tpu.memory_space<vmem>>)
      tpu.yield
    }) : () -> ()
    %parallel_loop3A = arith.constant 0 : i32
    %parallel_loop3A_10 = arith.constant 640 : i32
    %parallel_loop3A_11 = arith.constant 1 : i32
    scf.for %parallel_loop3A_20 = %parallel_loop3A to %parallel_loop3A_10 step %parallel_loop3A_11  : i32 {
      %parallel_loop3A_21 = arith.constant 0.000000e+00 : f32
      %parallel_loop3A_22 = vector.broadcast %parallel_loop3A_21 : f32 to vector<16xf32>
      %parallel_loop3A_23 = arith.constant 16 : i32
      %parallel_loop3A_24 = arith.muli %parallel_loop3A_20, %parallel_loop3A_23 : i32
      %parallel_loop3A_25 = arith.constant 0 : i32
      %parallel_loop3A_26 = arith.index_cast %parallel_loop3A_25 : i32 to index
      %parallel_loop3A_27 = arith.index_cast %parallel_loop3A_24 : i32 to index
      %parallel_loop3A_28 = tpu.vector_load %arg7[%parallel_loop3A_26, %parallel_loop3A_27] {strides = array<i32>} : memref<4x10240xf32, #tpu.memory_space<vmem>>, vector<16xf32>,
      tpu.vector_store %arg7[%parallel_loop3A_26, %parallel_loop3A_27], %parallel_loop3A_22 {strides = array<i32>} : memref<4x10240xf32, #tpu.memory_space<vmem>>, vector<16xf32>,
      %parallel_loop3A_29 = arith.constant 16 : i32
      %parallel_loop3A_30 = arith.muli %parallel_loop3A_20, %parallel_loop3A_29 : i32
      %parallel_loop3A_31 = arith.constant 1 : i32
      %parallel_loop3A_32 = arith.index_cast %parallel_loop3A_31 : i32 to index
      %parallel_loop3A_33 = arith.index_cast %parallel_loop3A_30 : i32 to index
      %parallel_loop3A_34 = tpu.vector_load %arg7[%parallel_loop3A_32, %parallel_loop3A_33] {strides = array<i32>} : memref<4x10240xf32, #tpu.memory_space<vmem>>, vector<16xf32>,
      tpu.vector_store %arg7[%parallel_loop3A_32, %parallel_loop3A_33], %parallel_loop3A_22 {strides = array<i32>} : memref<4x10240xf32, #tpu.memory_space<vmem>>, vector<16xf32>,
      %parallel_loop3A_35 = arith.constant 16 : i32
      %parallel_loop3A_36 = arith.muli %parallel_loop3A_20, %parallel_loop3A_35 : i32
      %parallel_loop3A_37 = arith.constant 2 : i32
      %parallel_loop3A_38 = arith.index_cast %parallel_loop3A_37 : i32 to index
      %parallel_loop3A_39 = arith.index_cast %parallel_loop3A_36 : i32 to index
      %parallel_loop3A_40 = tpu.vector_load %arg7[%parallel_loop3A_38, %parallel_loop3A_39] {strides = array<i32>} : memref<4x10240xf32, #tpu.memory_space<vmem>>, vector<16xf32>,
      tpu.vector_store %arg7[%parallel_loop3A_38, %parallel_loop3A_39], %parallel_loop3A_22 {strides = array<i32>} : memref<4x10240xf32, #tpu.memory_space<vmem>>, vector<16xf32>,
      %parallel_loop3A_41 = arith.constant 16 : i32
      %parallel_loop3A_42 = arith.muli %parallel_loop3A_20, %parallel_loop3A_41 : i32
      %parallel_loop3A_43 = arith.constant 3 : i32
      %parallel_loop3A_44 = arith.index_cast %parallel_loop3A_43 : i32 to index
      %parallel_loop3A_45 = arith.index_cast %parallel_loop3A_42 : i32 to index
      %parallel_loop3A_46 = tpu.vector_load %arg7[%parallel_loop3A_44, %parallel_loop3A_45] {strides = array<i32>} : memref<4x10240xf32, #tpu.memory_space<vmem>>, vector<16xf32>,
      tpu.vector_store %arg7[%parallel_loop3A_44, %parallel_loop3A_45], %parallel_loop3A_22 {strides = array<i32>} : memref<4x10240xf32, #tpu.memory_space<vmem>>, vector<16xf32>,
    } {sc.loop_unroll_factor = 8 : i64, sc.parallel_access}
    %scan3A = arith.constant 0 : i32
    %scan3A_12 = arith.constant 0 : i32
    %scan3A_13 = arith.constant 20 : i32
    %scan3A_14 = arith.addi %scan3A_12, %scan3A_13 : i32
    %scan3A_15 = arith.constant 1 : i32
    %scan3A_16 = scf.for %scan3A_20 = %scan3A_12 to %scan3A_14 step %scan3A_15 iter_args(%scan3A_21 = %scan3A) -> (i32)  : i32 {
      %mul3A_22 = arith.constant 2 : i32
      %mul3A_23 = arith.muli %scan3A_20, %mul3A_22 : i32
      %add3A_24 = arith.constant 0 : i32
      %add3A_25 = arith.addi %mul3A_23, %add3A_24 : i32
      %add3A_26 = arith.constant 1 : i32
      %add3A_27 = arith.addi %add3A_25, %add3A_26 : i32
      %lt3A = arith.constant 40 : i32
      %lt3A_28 = arith.cmpi slt, %add3A_27, %lt3A : i32
      %convert_element_type3A = arith.extui %lt3A_28 : i1 to i32
      %cond3A = arith.constant 0 : i32
      %cond3A_29 = arith.cmpi ne, %convert_element_type3A, %cond3A : i32
      scf.if %cond3A_29 {
        %add3A_63 = arith.constant 1 : i32
        %add3A_64 = arith.addi %add3A_25, %add3A_63 : i32
        %mul3A_65 = arith.constant 8000 : i32
        %mul3A_66 = arith.muli %add3A_64, %mul3A_65 : i32
        %dma_start3A_67 = tpu.memref_slice %arg2[%mul3A_66] : memref<320000xi32, #tpu.memory_space<hbm>> -> memref<8000xi32, #tpu.memory_space<hbm>>
        %dma_start3A_68 = tpu.memref_slice %arg2[%mul3A_66] : memref<320000xi32, #tpu.memory_space<hbm>> -> memref<8000xi32, #tpu.memory_space<hbm>>
        tpu.enqueue_dma source(%dma_start3A_68 : memref<8000xi32, #tpu.memory_space<hbm>>) target(%arg9 : memref<8000xi32, #tpu.memory_space<vmem>>) target_semaphore(%arg13 : memref<!tpu.dma_semaphore, #tpu.memory_space<semaphore_mem>>)
        %dma_start3A_69 = tpu.memref_slice %arg3[%mul3A_66] : memref<320000xf32, #tpu.memory_space<hbm>> -> memref<8000xf32, #tpu.memory_space<hbm>>
        %dma_start3A_70 = tpu.memref_slice %arg3[%mul3A_66] : memref<320000xf32, #tpu.memory_space<hbm>> -> memref<8000xf32, #tpu.memory_space<hbm>>
        tpu.enqueue_dma source(%dma_start3A_70 : memref<8000xf32, #tpu.memory_space<hbm>>) target(%arg11 : memref<8000xf32, #tpu.memory_space<vmem>>) target_semaphore(%arg13 : memref<!tpu.dma_semaphore, #tpu.memory_space<semaphore_mem>>)
      } else {
      }
      %dma_wait3A = arith.constant 0 : i32
      %dma_wait3A_30 = tpu.memref_slice %arg2[%dma_wait3A] : memref<320000xi32, #tpu.memory_space<hbm>> -> memref<8000xi32, #tpu.memory_space<hbm>>
      %dma_wait3A_31 = arith.constant 0 : i32
      %dma_wait3A_32 = tpu.memref_slice %arg2[%dma_wait3A_31] : memref<320000xi32, #tpu.memory_space<hbm>> -> memref<8000xi32, #tpu.memory_space<hbm>>
      tpu.wait_dma2 semaphore(%arg12 : memref<!tpu.dma_semaphore, #tpu.memory_space<semaphore_mem>>) src(%dma_wait3A_32 : memref<8000xi32, #tpu.memory_space<hbm>>) dst(%arg8 : memref<8000xi32, #tpu.memory_space<vmem>>)
      %dma_wait3A_33 = arith.constant 0 : i32
      %dma_wait3A_34 = tpu.memref_slice %arg3[%dma_wait3A_33] : memref<320000xf32, #tpu.memory_space<hbm>> -> memref<8000xf32, #tpu.memory_space<hbm>>
      %dma_wait3A_35 = arith.constant 0 : i32
      %dma_wait3A_36 = tpu.memref_slice %arg3[%dma_wait3A_35] : memref<320000xf32, #tpu.memory_space<hbm>> -> memref<8000xf32, #tpu.memory_space<hbm>>
      tpu.wait_dma2 semaphore(%arg12 : memref<!tpu.dma_semaphore, #tpu.memory_space<semaphore_mem>>) src(%dma_wait3A_36 : memref<8000xf32, #tpu.memory_space<hbm>>) dst(%arg10 : memref<8000xf32, #tpu.memory_space<vmem>>)
      %parallel_loop3A_37 = arith.constant 0 : i32
      %parallel_loop3A_38 = arith.constant 500 : i32
      %parallel_loop3A_39 = arith.constant 1 : i32
      scf.for %parallel_loop3A_63 = %parallel_loop3A_37 to %parallel_loop3A_38 step %parallel_loop3A_39  : i32 {
        %parallel_loop3A_64 = arith.constant 16 : i32
        %parallel_loop3A_65 = arith.muli %parallel_loop3A_63, %parallel_loop3A_64 : i32
        %parallel_loop3A_66 = arith.index_cast %parallel_loop3A_65 : i32 to index
        %parallel_loop3A_67 = tpu.vector_load %arg8[%parallel_loop3A_66] {strides = array<i32>} : memref<8000xi32, #tpu.memory_space<vmem>>, vector<16xi32>,
        %parallel_loop3A_68 = arith.constant 16 : i32
        %parallel_loop3A_69 = arith.muli %parallel_loop3A_63, %parallel_loop3A_68 : i32
        %parallel_loop3A_70 = arith.index_cast %parallel_loop3A_69 : i32 to index
        %parallel_loop3A_71 = tpu.vector_load %arg10[%parallel_loop3A_70] {strides = array<i32>} : memref<8000xf32, #tpu.memory_space<vmem>>, vector<16xf32>,
        %parallel_loop3A_72 = arith.constant 16383 : i32
        %parallel_loop3A_73 = vector.broadcast %parallel_loop3A_72 : i32 to vector<16xi32>
        %parallel_loop3A_74 = arith.andi %parallel_loop3A_67, %parallel_loop3A_73 : vector<16xi32>
        %parallel_loop3A_75 = arith.constant 14 : i32
        %parallel_loop3A_76 = vector.broadcast %parallel_loop3A_75 : i32 to vector<16xi32>
        %parallel_loop3A_77 = arith.shrui %parallel_loop3A_67, %parallel_loop3A_76 : vector<16xi32>
        %parallel_loop3A_78 = arith.constant 0 : i32
        %parallel_loop3A_79 = vector.broadcast %parallel_loop3A_78 : i32 to vector<16xi32>
        %parallel_loop3A_80 = tpu.vector_load_idx %arg6[%parallel_loop3A_79, %parallel_loop3A_74] : memref<2x10240xi32, #tpu.memory_space<vmem>>[vector<16xi32>, vector<16xi32>], vector<16xi32>,
        %parallel_loop3A_81 = arith.constant 16 : i32
        %parallel_loop3A_82 = vector.broadcast %parallel_loop3A_81 : i32 to vector<16xi32>
        %parallel_loop3A_83 = arith.shli %parallel_loop3A_80, %parallel_loop3A_82 : vector<16xi32>
        %parallel_loop3A_84 = vector.bitcast %parallel_loop3A_83 : vector<16xi32> to vector<16xf32>
        %parallel_loop3A_85 = arith.constant -65536 : i32
        %parallel_loop3A_86 = vector.broadcast %parallel_loop3A_85 : i32 to vector<16xi32>
        %parallel_loop3A_87 = arith.andi %parallel_loop3A_80, %parallel_loop3A_86 : vector<16xi32>
        %parallel_loop3A_88 = vector.bitcast %parallel_loop3A_87 : vector<16xi32> to vector<16xf32>
        %parallel_loop3A_89 = arith.constant 0 : i32
        %parallel_loop3A_90 = vector.broadcast %parallel_loop3A_89 : i32 to vector<16xi32>
        %parallel_loop3A_91 = arith.constant 1 : i32
        %parallel_loop3A_92 = vector.broadcast %parallel_loop3A_91 : i32 to vector<16xi32>
        %parallel_loop3A_93 = arith.mulf %parallel_loop3A_84, %parallel_loop3A_71 : vector<16xf32>
        tpu.vector_store_idx %arg7[%parallel_loop3A_90, %parallel_loop3A_77], %parallel_loop3A_93 {add = true} : memref<4x10240xf32, #tpu.memory_space<vmem>>[vector<16xi32>, vector<16xi32>], vector<16xf32>,
        %parallel_loop3A_94 = arith.mulf %parallel_loop3A_88, %parallel_loop3A_71 : vector<16xf32>
        tpu.vector_store_idx %arg7[%parallel_loop3A_92, %parallel_loop3A_77], %parallel_loop3A_94 {add = true} : memref<4x10240xf32, #tpu.memory_space<vmem>>[vector<16xi32>, vector<16xi32>], vector<16xf32>,
        %parallel_loop3A_95 = arith.constant 1 : i32
        %parallel_loop3A_96 = vector.broadcast %parallel_loop3A_95 : i32 to vector<16xi32>
        %parallel_loop3A_97 = tpu.vector_load_idx %arg6[%parallel_loop3A_96, %parallel_loop3A_74] : memref<2x10240xi32, #tpu.memory_space<vmem>>[vector<16xi32>, vector<16xi32>], vector<16xi32>,
        %parallel_loop3A_98 = arith.constant 16 : i32
        %parallel_loop3A_99 = vector.broadcast %parallel_loop3A_98 : i32 to vector<16xi32>
        %parallel_loop3A_100 = arith.shli %parallel_loop3A_97, %parallel_loop3A_99 : vector<16xi32>
        %parallel_loop3A_101 = vector.bitcast %parallel_loop3A_100 : vector<16xi32> to vector<16xf32>
        %parallel_loop3A_102 = arith.constant -65536 : i32
        %parallel_loop3A_103 = vector.broadcast %parallel_loop3A_102 : i32 to vector<16xi32>
        %parallel_loop3A_104 = arith.andi %parallel_loop3A_97, %parallel_loop3A_103 : vector<16xi32>
        %parallel_loop3A_105 = vector.bitcast %parallel_loop3A_104 : vector<16xi32> to vector<16xf32>
        %parallel_loop3A_106 = arith.constant 2 : i32
        %parallel_loop3A_107 = vector.broadcast %parallel_loop3A_106 : i32 to vector<16xi32>
        %parallel_loop3A_108 = arith.constant 3 : i32
        %parallel_loop3A_109 = vector.broadcast %parallel_loop3A_108 : i32 to vector<16xi32>
        %parallel_loop3A_110 = arith.mulf %parallel_loop3A_101, %parallel_loop3A_71 : vector<16xf32>
        tpu.vector_store_idx %arg7[%parallel_loop3A_107, %parallel_loop3A_77], %parallel_loop3A_110 {add = true} : memref<4x10240xf32, #tpu.memory_space<vmem>>[vector<16xi32>, vector<16xi32>], vector<16xf32>,
        %parallel_loop3A_111 = arith.mulf %parallel_loop3A_105, %parallel_loop3A_71 : vector<16xf32>
        tpu.vector_store_idx %arg7[%parallel_loop3A_109, %parallel_loop3A_77], %parallel_loop3A_111 {add = true} : memref<4x10240xf32, #tpu.memory_space<vmem>>[vector<16xi32>, vector<16xi32>], vector<16xf32>,
      } {sc.loop_unroll_factor = 20 : i64, sc.parallel_access}
      %mul3A_40 = arith.constant 2 : i32
      %mul3A_41 = arith.muli %scan3A_20, %mul3A_40 : i32
      %add3A_42 = arith.constant 1 : i32
      %add3A_43 = arith.addi %mul3A_41, %add3A_42 : i32
      %add3A_44 = arith.constant 1 : i32
      %add3A_45 = arith.addi %add3A_43, %add3A_44 : i32
      %lt3A_46 = arith.constant 40 : i32
      %lt3A_47 = arith.cmpi slt, %add3A_45, %lt3A_46 : i32
      %convert_element_type3A_48 = arith.extui %lt3A_47 : i1 to i32
      %cond3A_49 = arith.constant 0 : i32
      %cond3A_50 = arith.cmpi ne, %convert_element_type3A_48, %cond3A_49 : i32
      scf.if %cond3A_50 {
        %add3A_63 = arith.constant 1 : i32
        %add3A_64 = arith.addi %add3A_43, %add3A_63 : i32
        %mul3A_65 = arith.constant 8000 : i32
        %mul3A_66 = arith.muli %add3A_64, %mul3A_65 : i32
        %dma_start3A_67 = tpu.memref_slice %arg2[%mul3A_66] : memref<320000xi32, #tpu.memory_space<hbm>> -> memref<8000xi32, #tpu.memory_space<hbm>>
        %dma_start3A_68 = tpu.memref_slice %arg2[%mul3A_66] : memref<320000xi32, #tpu.memory_space<hbm>> -> memref<8000xi32, #tpu.memory_space<hbm>>
        tpu.enqueue_dma source(%dma_start3A_68 : memref<8000xi32, #tpu.memory_space<hbm>>) target(%arg8 : memref<8000xi32, #tpu.memory_space<vmem>>) target_semaphore(%arg12 : memref<!tpu.dma_semaphore, #tpu.memory_space<semaphore_mem>>)
        %dma_start3A_69 = tpu.memref_slice %arg3[%mul3A_66] : memref<320000xf32, #tpu.memory_space<hbm>> -> memref<8000xf32, #tpu.memory_space<hbm>>
        %dma_start3A_70 = tpu.memref_slice %arg3[%mul3A_66] : memref<320000xf32, #tpu.memory_space<hbm>> -> memref<8000xf32, #tpu.memory_space<hbm>>
        tpu.enqueue_dma source(%dma_start3A_70 : memref<8000xf32, #tpu.memory_space<hbm>>) target(%arg10 : memref<8000xf32, #tpu.memory_space<vmem>>) target_semaphore(%arg12 : memref<!tpu.dma_semaphore, #tpu.memory_space<semaphore_mem>>)
      } else {
      }
      %dma_wait3A_51 = arith.constant 0 : i32
      %dma_wait3A_52 = tpu.memref_slice %arg2[%dma_wait3A_51] : memref<320000xi32, #tpu.memory_space<hbm>> -> memref<8000xi32, #tpu.memory_space<hbm>>
      %dma_wait3A_53 = arith.constant 0 : i32
      %dma_wait3A_54 = tpu.memref_slice %arg2[%dma_wait3A_53] : memref<320000xi32, #tpu.memory_space<hbm>> -> memref<8000xi32, #tpu.memory_space<hbm>>
      tpu.wait_dma2 semaphore(%arg13 : memref<!tpu.dma_semaphore, #tpu.memory_space<semaphore_mem>>) src(%dma_wait3A_54 : memref<8000xi32, #tpu.memory_space<hbm>>) dst(%arg9 : memref<8000xi32, #tpu.memory_space<vmem>>)
      %dma_wait3A_55 = arith.constant 0 : i32
      %dma_wait3A_56 = tpu.memref_slice %arg3[%dma_wait3A_55] : memref<320000xf32, #tpu.memory_space<hbm>> -> memref<8000xf32, #tpu.memory_space<hbm>>
      %dma_wait3A_57 = arith.constant 0 : i32
      %dma_wait3A_58 = tpu.memref_slice %arg3[%dma_wait3A_57] : memref<320000xf32, #tpu.memory_space<hbm>> -> memref<8000xf32, #tpu.memory_space<hbm>>
      tpu.wait_dma2 semaphore(%arg13 : memref<!tpu.dma_semaphore, #tpu.memory_space<semaphore_mem>>) src(%dma_wait3A_58 : memref<8000xf32, #tpu.memory_space<hbm>>) dst(%arg11 : memref<8000xf32, #tpu.memory_space<vmem>>)
      %parallel_loop3A_59 = arith.constant 0 : i32
      %parallel_loop3A_60 = arith.constant 500 : i32
      %parallel_loop3A_61 = arith.constant 1 : i32
      scf.for %parallel_loop3A_63 = %parallel_loop3A_59 to %parallel_loop3A_60 step %parallel_loop3A_61  : i32 {
        %parallel_loop3A_64 = arith.constant 16 : i32
        %parallel_loop3A_65 = arith.muli %parallel_loop3A_63, %parallel_loop3A_64 : i32
        %parallel_loop3A_66 = arith.index_cast %parallel_loop3A_65 : i32 to index
        %parallel_loop3A_67 = tpu.vector_load %arg9[%parallel_loop3A_66] {strides = array<i32>} : memref<8000xi32, #tpu.memory_space<vmem>>, vector<16xi32>,
        %parallel_loop3A_68 = arith.constant 16 : i32
        %parallel_loop3A_69 = arith.muli %parallel_loop3A_63, %parallel_loop3A_68 : i32
        %parallel_loop3A_70 = arith.index_cast %parallel_loop3A_69 : i32 to index
        %parallel_loop3A_71 = tpu.vector_load %arg11[%parallel_loop3A_70] {strides = array<i32>} : memref<8000xf32, #tpu.memory_space<vmem>>, vector<16xf32>,
        %parallel_loop3A_72 = arith.constant 16383 : i32
        %parallel_loop3A_73 = vector.broadcast %parallel_loop3A_72 : i32 to vector<16xi32>
        %parallel_loop3A_74 = arith.andi %parallel_loop3A_67, %parallel_loop3A_73 : vector<16xi32>
        %parallel_loop3A_75 = arith.constant 14 : i32
        %parallel_loop3A_76 = vector.broadcast %parallel_loop3A_75 : i32 to vector<16xi32>
        %parallel_loop3A_77 = arith.shrui %parallel_loop3A_67, %parallel_loop3A_76 : vector<16xi32>
        %parallel_loop3A_78 = arith.constant 0 : i32
        %parallel_loop3A_79 = vector.broadcast %parallel_loop3A_78 : i32 to vector<16xi32>
        %parallel_loop3A_80 = tpu.vector_load_idx %arg6[%parallel_loop3A_79, %parallel_loop3A_74] : memref<2x10240xi32, #tpu.memory_space<vmem>>[vector<16xi32>, vector<16xi32>], vector<16xi32>,
        %parallel_loop3A_81 = arith.constant 16 : i32
        %parallel_loop3A_82 = vector.broadcast %parallel_loop3A_81 : i32 to vector<16xi32>
        %parallel_loop3A_83 = arith.shli %parallel_loop3A_80, %parallel_loop3A_82 : vector<16xi32>
        %parallel_loop3A_84 = vector.bitcast %parallel_loop3A_83 : vector<16xi32> to vector<16xf32>
        %parallel_loop3A_85 = arith.constant -65536 : i32
        %parallel_loop3A_86 = vector.broadcast %parallel_loop3A_85 : i32 to vector<16xi32>
        %parallel_loop3A_87 = arith.andi %parallel_loop3A_80, %parallel_loop3A_86 : vector<16xi32>
        %parallel_loop3A_88 = vector.bitcast %parallel_loop3A_87 : vector<16xi32> to vector<16xf32>
        %parallel_loop3A_89 = arith.constant 0 : i32
        %parallel_loop3A_90 = vector.broadcast %parallel_loop3A_89 : i32 to vector<16xi32>
        %parallel_loop3A_91 = arith.constant 1 : i32
        %parallel_loop3A_92 = vector.broadcast %parallel_loop3A_91 : i32 to vector<16xi32>
        %parallel_loop3A_93 = arith.mulf %parallel_loop3A_84, %parallel_loop3A_71 : vector<16xf32>
        tpu.vector_store_idx %arg7[%parallel_loop3A_90, %parallel_loop3A_77], %parallel_loop3A_93 {add = true} : memref<4x10240xf32, #tpu.memory_space<vmem>>[vector<16xi32>, vector<16xi32>], vector<16xf32>,
        %parallel_loop3A_94 = arith.mulf %parallel_loop3A_88, %parallel_loop3A_71 : vector<16xf32>
        tpu.vector_store_idx %arg7[%parallel_loop3A_92, %parallel_loop3A_77], %parallel_loop3A_94 {add = true} : memref<4x10240xf32, #tpu.memory_space<vmem>>[vector<16xi32>, vector<16xi32>], vector<16xf32>,
        %parallel_loop3A_95 = arith.constant 1 : i32
        %parallel_loop3A_96 = vector.broadcast %parallel_loop3A_95 : i32 to vector<16xi32>
        %parallel_loop3A_97 = tpu.vector_load_idx %arg6[%parallel_loop3A_96, %parallel_loop3A_74] : memref<2x10240xi32, #tpu.memory_space<vmem>>[vector<16xi32>, vector<16xi32>], vector<16xi32>,
        %parallel_loop3A_98 = arith.constant 16 : i32
        %parallel_loop3A_99 = vector.broadcast %parallel_loop3A_98 : i32 to vector<16xi32>
        %parallel_loop3A_100 = arith.shli %parallel_loop3A_97, %parallel_loop3A_99 : vector<16xi32>
        %parallel_loop3A_101 = vector.bitcast %parallel_loop3A_100 : vector<16xi32> to vector<16xf32>
        %parallel_loop3A_102 = arith.constant -65536 : i32
        %parallel_loop3A_103 = vector.broadcast %parallel_loop3A_102 : i32 to vector<16xi32>
        %parallel_loop3A_104 = arith.andi %parallel_loop3A_97, %parallel_loop3A_103 : vector<16xi32>
        %parallel_loop3A_105 = vector.bitcast %parallel_loop3A_104 : vector<16xi32> to vector<16xf32>
        %parallel_loop3A_106 = arith.constant 2 : i32
        %parallel_loop3A_107 = vector.broadcast %parallel_loop3A_106 : i32 to vector<16xi32>
        %parallel_loop3A_108 = arith.constant 3 : i32
        %parallel_loop3A_109 = vector.broadcast %parallel_loop3A_108 : i32 to vector<16xi32>
        %parallel_loop3A_110 = arith.mulf %parallel_loop3A_101, %parallel_loop3A_71 : vector<16xf32>
        tpu.vector_store_idx %arg7[%parallel_loop3A_107, %parallel_loop3A_77], %parallel_loop3A_110 {add = true} : memref<4x10240xf32, #tpu.memory_space<vmem>>[vector<16xi32>, vector<16xi32>], vector<16xf32>,
        %parallel_loop3A_111 = arith.mulf %parallel_loop3A_105, %parallel_loop3A_71 : vector<16xf32>
        tpu.vector_store_idx %arg7[%parallel_loop3A_109, %parallel_loop3A_77], %parallel_loop3A_111 {add = true} : memref<4x10240xf32, #tpu.memory_space<vmem>>[vector<16xi32>, vector<16xi32>], vector<16xf32>,
      } {sc.loop_unroll_factor = 20 : i64, sc.parallel_access}
      %scan3A_62 = arith.constant 0 : i32
      scf.yield %scan3A_62 : i32
    }
    %scan3A_17 = arith.constant 20 : i32
    %mul3A_18 = arith.constant 2 : i32
    %mul3A_19 = arith.muli %mul3A_18, %mul3A_2 : i32
    "tpu.region"() ({
      %run_scoped3A = tpu.sem_alloc : memref<!tpu.dma_semaphore, #tpu.memory_space<semaphore_mem>>
      %dma_start3A_20 = arith.constant 0 : i32
      %dma_start3A_21 = tpu.memref_slice %arg5[%mul3A_19, %dma_start3A_20] : memref<128x10240xf32, #tpu.memory_space<hbm>> -> memref<4x10240xf32, #tpu.memory_space<hbm>>
      %dma_start3A_22 = arith.constant 0 : i32
      %dma_start3A_23 = tpu.memref_slice %arg5[%mul3A_19, %dma_start3A_22] : memref<128x10240xf32, #tpu.memory_space<hbm>> -> memref<4x10240xf32, #tpu.memory_space<hbm>>
      tpu.enqueue_dma source(%arg7 : memref<4x10240xf32, #tpu.memory_space<vmem>>) target(%dma_start3A_23 : memref<4x10240xf32, #tpu.memory_space<hbm>>) target_semaphore(%run_scoped3A : memref<!tpu.dma_semaphore, #tpu.memory_space<semaphore_mem>>)
      %dma_wait3A = arith.constant 0 : i32
      %dma_wait3A_24 = tpu.memref_slice %arg5[%mul3A_19, %dma_wait3A] : memref<128x10240xf32, #tpu.memory_space<hbm>> -> memref<4x10240xf32, #tpu.memory_space<hbm>>
      %dma_wait3A_25 = arith.constant 0 : i32
      %dma_wait3A_26 = tpu.memref_slice %arg5[%mul3A_19, %dma_wait3A_25] : memref<128x10240xf32, #tpu.memory_space<hbm>> -> memref<4x10240xf32, #tpu.memory_space<hbm>>
      tpu.wait_dma2 semaphore(%run_scoped3A : memref<!tpu.dma_semaphore, #tpu.memory_space<semaphore_mem>>) src(%arg7 : memref<4x10240xf32, #tpu.memory_space<vmem>>) dst(%dma_wait3A_26 : memref<4x10240xf32, #tpu.memory_space<hbm>>)
      tpu.yield
    }) : () -> ()
    return
  }
}

#map = affine_map<(d0, d1) -> (0)>
#map1 = affine_map<(d0, d1) -> (0, 0)>
module attributes {stable_mosaic.version = 14 : i64} {
  func.func @spmm_kernel(%arg0: i32, %arg1: i32, %arg2: memref<320000xi32, #tpu.memory_space<hbm>>, %arg3: memref<320000xf32, #tpu.memory_space<hbm>>, %arg4: memref<64x10240xi32, #tpu.memory_space<hbm>>, %arg5: memref<128x10240xf32, #tpu.memory_space<hbm>>, %arg6: memref<2x10240xi32, #tpu.memory_space<vmem>>, %arg7: memref<4x10240xf32, #tpu.memory_space<vmem>>, %arg8: memref<8000xi32, #tpu.memory_space<vmem>>, %arg9: memref<8000xi32, #tpu.memory_space<vmem>>, %arg10: memref<8000xf32, #tpu.memory_space<vmem>>, %arg11: memref<8000xf32, #tpu.memory_space<vmem>>, %arg12: memref<!tpu.dma_semaphore, #tpu.memory_space<semaphore_mem>>, %arg13: memref<!tpu.dma_semaphore, #tpu.memory_space<semaphore_mem>>) attributes {dimension_semantics = [#tpu.dimension_semantics<core_parallel>, #tpu.dimension_semantics<subcore_parallel>], iteration_bounds = array<i64: 2, 16>, scalar_prefetch = 0 : i64, scratch_operands = 8 : i64, tpu.core_type = #tpu.core_type<sc_vector_subcore>, window_params = [{transform_indices = #map}, {transform_indices = #map}, {transform_indices = #map1}, {transform_indices = #map1}]} {
    %mul3A = arith.constant 2 : i32
    %mul3A_0 = arith.muli %arg1, %mul3A : i32
    %add3A = arith.addi %mul3A_0, %arg0 : i32
    %mul3A_1 = arith.constant 2 : i32
    %mul3A_2 = arith.muli %add3A, %mul3A_1 : i32
    %dma_start3A = arith.constant 0 : i32
    %dma_start3A_3 = tpu.memref_slice %arg2[%dma_start3A] : memref<320000xi32, #tpu.memory_space<hbm>> -> memref<8000xi32, #tpu.memory_space<hbm>>
    %dma_start3A_4 = arith.constant 0 : i32
    %dma_start3A_5 = tpu.memref_slice %arg2[%dma_start3A_4] : memref<320000xi32, #tpu.memory_space<hbm>> -> memref<8000xi32, #tpu.memory_space<hbm>>
    tpu.enqueue_dma source(%dma_start3A_5 : memref<8000xi32, #tpu.memory_space<hbm>>) target(%arg8 : memref<8000xi32, #tpu.memory_space<vmem>>) target_semaphore(%arg12 : memref<!tpu.dma_semaphore, #tpu.memory_space<semaphore_mem>>)
    %dma_start3A_6 = arith.constant 0 : i32
    %dma_start3A_7 = tpu.memref_slice %arg3[%dma_start3A_6] : memref<320000xf32, #tpu.memory_space<hbm>> -> memref<8000xf32, #tpu.memory_space<hbm>>
    %dma_start3A_8 = arith.constant 0 : i32
    %dma_start3A_9 = tpu.memref_slice %arg3[%dma_start3A_8] : memref<320000xf32, #tpu.memory_space<hbm>> -> memref<8000xf32, #tpu.memory_space<hbm>>
    tpu.enqueue_dma source(%dma_start3A_9 : memref<8000xf32, #tpu.memory_space<hbm>>) target(%arg10 : memref<8000xf32, #tpu.memory_space<vmem>>) target_semaphore(%arg12 : memref<!tpu.dma_semaphore, #tpu.memory_space<semaphore_mem>>)
    "tpu.region"() ({
      %run_scoped3A = tpu.sem_alloc : memref<!tpu.dma_semaphore, #tpu.memory_space<semaphore_mem>>
      %dma_start3A_20 = arith.constant 0 : i32
      %dma_start3A_21 = tpu.memref_slice %arg4[%mul3A_2, %dma_start3A_20] : memref<64x10240xi32, #tpu.memory_space<hbm>> -> memref<2x10240xi32, #tpu.memory_space<hbm>>
      %dma_start3A_22 = arith.constant 0 : i32
      %dma_start3A_23 = tpu.memref_slice %arg4[%mul3A_2, %dma_start3A_22] : memref<64x10240xi32, #tpu.memory_space<hbm>> -> memref<2x10240xi32, #tpu.memory_space<hbm>>
      tpu.enqueue_dma source(%dma_start3A_23 : memref<2x10240xi32, #tpu.memory_space<hbm>>) target(%arg6 : memref<2x10240xi32, #tpu.memory_space<vmem>>) target_semaphore(%run_scoped3A : memref<!tpu.dma_semaphore, #tpu.memory_space<semaphore_mem>>)
      %dma_wait3A = arith.constant 0 : i32
      %dma_wait3A_24 = tpu.memref_slice %arg4[%mul3A_2, %dma_wait3A] : memref<64x10240xi32, #tpu.memory_space<hbm>> -> memref<2x10240xi32, #tpu.memory_space<hbm>>
      %dma_wait3A_25 = arith.constant 0 : i32
      %dma_wait3A_26 = tpu.memref_slice %arg4[%mul3A_2, %dma_wait3A_25] : memref<64x10240xi32, #tpu.memory_space<hbm>> -> memref<2x10240xi32, #tpu.memory_space<hbm>>
      tpu.wait_dma2 semaphore(%run_scoped3A : memref<!tpu.dma_semaphore, #tpu.memory_space<semaphore_mem>>) src(%dma_wait3A_26 : memref<2x10240xi32, #tpu.memory_space<hbm>>) dst(%arg6 : memref<2x10240xi32, #tpu.memory_space<vmem>>)
      tpu.yield
    }) : () -> ()
    %parallel_loop3A = arith.constant 0 : i32
    %parallel_loop3A_10 = arith.constant 640 : i32
    %parallel_loop3A_11 = arith.constant 1 : i32
    scf.for %parallel_loop3A_20 = %parallel_loop3A to %parallel_loop3A_10 step %parallel_loop3A_11  : i32 {
      %parallel_loop3A_21 = arith.constant 0.000000e+00 : f32
      %parallel_loop3A_22 = vector.broadcast %parallel_loop3A_21 : f32 to vector<16xf32>
      %parallel_loop3A_23 = arith.constant 16 : i32
      %parallel_loop3A_24 = arith.muli %parallel_loop3A_20, %parallel_loop3A_23 : i32
      %parallel_loop3A_25 = arith.constant 0 : i32
      %parallel_loop3A_26 = arith.index_cast %parallel_loop3A_25 : i32 to index
      %parallel_loop3A_27 = arith.index_cast %parallel_loop3A_24 : i32 to index
      %parallel_loop3A_28 = tpu.vector_load %arg7[%parallel_loop3A_26, %parallel_loop3A_27] {strides = array<i32>} : memref<4x10240xf32, #tpu.memory_space<vmem>>, vector<16xf32>,
      tpu.vector_store %arg7[%parallel_loop3A_26, %parallel_loop3A_27], %parallel_loop3A_22 {strides = array<i32>} : memref<4x10240xf32, #tpu.memory_space<vmem>>, vector<16xf32>,
      %parallel_loop3A_29 = arith.constant 16 : i32
      %parallel_loop3A_30 = arith.muli %parallel_loop3A_20, %parallel_loop3A_29 : i32
      %parallel_loop3A_31 = arith.constant 1 : i32
      %parallel_loop3A_32 = arith.index_cast %parallel_loop3A_31 : i32 to index
      %parallel_loop3A_33 = arith.index_cast %parallel_loop3A_30 : i32 to index
      %parallel_loop3A_34 = tpu.vector_load %arg7[%parallel_loop3A_32, %parallel_loop3A_33] {strides = array<i32>} : memref<4x10240xf32, #tpu.memory_space<vmem>>, vector<16xf32>,
      tpu.vector_store %arg7[%parallel_loop3A_32, %parallel_loop3A_33], %parallel_loop3A_22 {strides = array<i32>} : memref<4x10240xf32, #tpu.memory_space<vmem>>, vector<16xf32>,
      %parallel_loop3A_35 = arith.constant 16 : i32
      %parallel_loop3A_36 = arith.muli %parallel_loop3A_20, %parallel_loop3A_35 : i32
      %parallel_loop3A_37 = arith.constant 2 : i32
      %parallel_loop3A_38 = arith.index_cast %parallel_loop3A_37 : i32 to index
      %parallel_loop3A_39 = arith.index_cast %parallel_loop3A_36 : i32 to index
      %parallel_loop3A_40 = tpu.vector_load %arg7[%parallel_loop3A_38, %parallel_loop3A_39] {strides = array<i32>} : memref<4x10240xf32, #tpu.memory_space<vmem>>, vector<16xf32>,
      tpu.vector_store %arg7[%parallel_loop3A_38, %parallel_loop3A_39], %parallel_loop3A_22 {strides = array<i32>} : memref<4x10240xf32, #tpu.memory_space<vmem>>, vector<16xf32>,
      %parallel_loop3A_41 = arith.constant 16 : i32
      %parallel_loop3A_42 = arith.muli %parallel_loop3A_20, %parallel_loop3A_41 : i32
      %parallel_loop3A_43 = arith.constant 3 : i32
      %parallel_loop3A_44 = arith.index_cast %parallel_loop3A_43 : i32 to index
      %parallel_loop3A_45 = arith.index_cast %parallel_loop3A_42 : i32 to index
      %parallel_loop3A_46 = tpu.vector_load %arg7[%parallel_loop3A_44, %parallel_loop3A_45] {strides = array<i32>} : memref<4x10240xf32, #tpu.memory_space<vmem>>, vector<16xf32>,
      tpu.vector_store %arg7[%parallel_loop3A_44, %parallel_loop3A_45], %parallel_loop3A_22 {strides = array<i32>} : memref<4x10240xf32, #tpu.memory_space<vmem>>, vector<16xf32>,
    } {sc.loop_unroll_factor = 8 : i64, sc.parallel_access}
    %scan3A = arith.constant 0 : i32
    %scan3A_12 = arith.constant 0 : i32
    %scan3A_13 = arith.constant 20 : i32
    %scan3A_14 = arith.addi %scan3A_12, %scan3A_13 : i32
    %scan3A_15 = arith.constant 1 : i32
    %scan3A_16 = scf.for %scan3A_20 = %scan3A_12 to %scan3A_14 step %scan3A_15 iter_args(%scan3A_21 = %scan3A) -> (i32)  : i32 {
      %mul3A_22 = arith.constant 2 : i32
      %mul3A_23 = arith.muli %scan3A_20, %mul3A_22 : i32
      %add3A_24 = arith.constant 0 : i32
      %add3A_25 = arith.addi %mul3A_23, %add3A_24 : i32
      %add3A_26 = arith.constant 1 : i32
      %add3A_27 = arith.addi %add3A_25, %add3A_26 : i32
      %lt3A = arith.constant 40 : i32
      %lt3A_28 = arith.cmpi slt, %add3A_27, %lt3A : i32
      %convert_element_type3A = arith.extui %lt3A_28 : i1 to i32
      %cond3A = arith.constant 0 : i32
      %cond3A_29 = arith.cmpi ne, %convert_element_type3A, %cond3A : i32
      scf.if %cond3A_29 {
        %add3A_63 = arith.constant 1 : i32
        %add3A_64 = arith.addi %add3A_25, %add3A_63 : i32
        %mul3A_65 = arith.constant 8000 : i32
        %mul3A_66 = arith.muli %add3A_64, %mul3A_65 : i32
        %dma_start3A_67 = tpu.memref_slice %arg2[%mul3A_66] : memref<320000xi32, #tpu.memory_space<hbm>> -> memref<8000xi32, #tpu.memory_space<hbm>>
        %dma_start3A_68 = tpu.memref_slice %arg2[%mul3A_66] : memref<320000xi32, #tpu.memory_space<hbm>> -> memref<8000xi32, #tpu.memory_space<hbm>>
        tpu.enqueue_dma source(%dma_start3A_68 : memref<8000xi32, #tpu.memory_space<hbm>>) target(%arg9 : memref<8000xi32, #tpu.memory_space<vmem>>) target_semaphore(%arg13 : memref<!tpu.dma_semaphore, #tpu.memory_space<semaphore_mem>>)
        %dma_start3A_69 = tpu.memref_slice %arg3[%mul3A_66] : memref<320000xf32, #tpu.memory_space<hbm>> -> memref<8000xf32, #tpu.memory_space<hbm>>
        %dma_start3A_70 = tpu.memref_slice %arg3[%mul3A_66] : memref<320000xf32, #tpu.memory_space<hbm>> -> memref<8000xf32, #tpu.memory_space<hbm>>
        tpu.enqueue_dma source(%dma_start3A_70 : memref<8000xf32, #tpu.memory_space<hbm>>) target(%arg11 : memref<8000xf32, #tpu.memory_space<vmem>>) target_semaphore(%arg13 : memref<!tpu.dma_semaphore, #tpu.memory_space<semaphore_mem>>)
      } else {
      }
      %dma_wait3A = arith.constant 0 : i32
      %dma_wait3A_30 = tpu.memref_slice %arg2[%dma_wait3A] : memref<320000xi32, #tpu.memory_space<hbm>> -> memref<8000xi32, #tpu.memory_space<hbm>>
      %dma_wait3A_31 = arith.constant 0 : i32
      %dma_wait3A_32 = tpu.memref_slice %arg2[%dma_wait3A_31] : memref<320000xi32, #tpu.memory_space<hbm>> -> memref<8000xi32, #tpu.memory_space<hbm>>
      tpu.wait_dma2 semaphore(%arg12 : memref<!tpu.dma_semaphore, #tpu.memory_space<semaphore_mem>>) src(%dma_wait3A_32 : memref<8000xi32, #tpu.memory_space<hbm>>) dst(%arg8 : memref<8000xi32, #tpu.memory_space<vmem>>)
      %dma_wait3A_33 = arith.constant 0 : i32
      %dma_wait3A_34 = tpu.memref_slice %arg3[%dma_wait3A_33] : memref<320000xf32, #tpu.memory_space<hbm>> -> memref<8000xf32, #tpu.memory_space<hbm>>
      %dma_wait3A_35 = arith.constant 0 : i32
      %dma_wait3A_36 = tpu.memref_slice %arg3[%dma_wait3A_35] : memref<320000xf32, #tpu.memory_space<hbm>> -> memref<8000xf32, #tpu.memory_space<hbm>>
      tpu.wait_dma2 semaphore(%arg12 : memref<!tpu.dma_semaphore, #tpu.memory_space<semaphore_mem>>) src(%dma_wait3A_36 : memref<8000xf32, #tpu.memory_space<hbm>>) dst(%arg10 : memref<8000xf32, #tpu.memory_space<vmem>>)
      %parallel_loop3A_37 = arith.constant 0 : i32
      %parallel_loop3A_38 = arith.constant 500 : i32
      %parallel_loop3A_39 = arith.constant 1 : i32
      scf.for %parallel_loop3A_63 = %parallel_loop3A_37 to %parallel_loop3A_38 step %parallel_loop3A_39  : i32 {
        %parallel_loop3A_64 = arith.constant 16 : i32
        %parallel_loop3A_65 = arith.muli %parallel_loop3A_63, %parallel_loop3A_64 : i32
        %parallel_loop3A_66 = arith.index_cast %parallel_loop3A_65 : i32 to index
        %parallel_loop3A_67 = tpu.vector_load %arg8[%parallel_loop3A_66] {strides = array<i32>} : memref<8000xi32, #tpu.memory_space<vmem>>, vector<16xi32>,
        %parallel_loop3A_68 = arith.constant 16 : i32
        %parallel_loop3A_69 = arith.muli %parallel_loop3A_63, %parallel_loop3A_68 : i32
        %parallel_loop3A_70 = arith.index_cast %parallel_loop3A_69 : i32 to index
        %parallel_loop3A_71 = tpu.vector_load %arg10[%parallel_loop3A_70] {strides = array<i32>} : memref<8000xf32, #tpu.memory_space<vmem>>, vector<16xf32>,
        %parallel_loop3A_72 = arith.constant 16383 : i32
        %parallel_loop3A_73 = vector.broadcast %parallel_loop3A_72 : i32 to vector<16xi32>
        %parallel_loop3A_74 = arith.andi %parallel_loop3A_67, %parallel_loop3A_73 : vector<16xi32>
        %parallel_loop3A_75 = arith.constant 14 : i32
        %parallel_loop3A_76 = vector.broadcast %parallel_loop3A_75 : i32 to vector<16xi32>
        %parallel_loop3A_77 = arith.shrui %parallel_loop3A_67, %parallel_loop3A_76 : vector<16xi32>
        %parallel_loop3A_78 = arith.constant 0 : i32
        %parallel_loop3A_79 = vector.broadcast %parallel_loop3A_78 : i32 to vector<16xi32>
        %parallel_loop3A_80 = tpu.vector_load_idx %arg6[%parallel_loop3A_79, %parallel_loop3A_74] : memref<2x10240xi32, #tpu.memory_space<vmem>>[vector<16xi32>, vector<16xi32>], vector<16xi32>,
        %parallel_loop3A_81 = arith.constant 16 : i32
        %parallel_loop3A_82 = vector.broadcast %parallel_loop3A_81 : i32 to vector<16xi32>
        %parallel_loop3A_83 = arith.shli %parallel_loop3A_80, %parallel_loop3A_82 : vector<16xi32>
        %parallel_loop3A_84 = vector.bitcast %parallel_loop3A_83 : vector<16xi32> to vector<16xf32>
        %parallel_loop3A_85 = arith.constant -65536 : i32
        %parallel_loop3A_86 = vector.broadcast %parallel_loop3A_85 : i32 to vector<16xi32>
        %parallel_loop3A_87 = arith.andi %parallel_loop3A_80, %parallel_loop3A_86 : vector<16xi32>
        %parallel_loop3A_88 = vector.bitcast %parallel_loop3A_87 : vector<16xi32> to vector<16xf32>
        %parallel_loop3A_89 = arith.constant 0 : i32
        %parallel_loop3A_90 = vector.broadcast %parallel_loop3A_89 : i32 to vector<16xi32>
        %parallel_loop3A_91 = arith.constant 1 : i32
        %parallel_loop3A_92 = vector.broadcast %parallel_loop3A_91 : i32 to vector<16xi32>
        %parallel_loop3A_93 = arith.mulf %parallel_loop3A_84, %parallel_loop3A_71 : vector<16xf32>
        tpu.vector_store_idx %arg7[%parallel_loop3A_90, %parallel_loop3A_77], %parallel_loop3A_93 {add = true} : memref<4x10240xf32, #tpu.memory_space<vmem>>[vector<16xi32>, vector<16xi32>], vector<16xf32>,
        %parallel_loop3A_94 = arith.mulf %parallel_loop3A_88, %parallel_loop3A_71 : vector<16xf32>
        tpu.vector_store_idx %arg7[%parallel_loop3A_92, %parallel_loop3A_77], %parallel_loop3A_94 {add = true} : memref<4x10240xf32, #tpu.memory_space<vmem>>[vector<16xi32>, vector<16xi32>], vector<16xf32>,
        %parallel_loop3A_95 = arith.constant 1 : i32
        %parallel_loop3A_96 = vector.broadcast %parallel_loop3A_95 : i32 to vector<16xi32>
        %parallel_loop3A_97 = tpu.vector_load_idx %arg6[%parallel_loop3A_96, %parallel_loop3A_74] : memref<2x10240xi32, #tpu.memory_space<vmem>>[vector<16xi32>, vector<16xi32>], vector<16xi32>,
        %parallel_loop3A_98 = arith.constant 16 : i32
        %parallel_loop3A_99 = vector.broadcast %parallel_loop3A_98 : i32 to vector<16xi32>
        %parallel_loop3A_100 = arith.shli %parallel_loop3A_97, %parallel_loop3A_99 : vector<16xi32>
        %parallel_loop3A_101 = vector.bitcast %parallel_loop3A_100 : vector<16xi32> to vector<16xf32>
        %parallel_loop3A_102 = arith.constant -65536 : i32
        %parallel_loop3A_103 = vector.broadcast %parallel_loop3A_102 : i32 to vector<16xi32>
        %parallel_loop3A_104 = arith.andi %parallel_loop3A_97, %parallel_loop3A_103 : vector<16xi32>
        %parallel_loop3A_105 = vector.bitcast %parallel_loop3A_104 : vector<16xi32> to vector<16xf32>
        %parallel_loop3A_106 = arith.constant 2 : i32
        %parallel_loop3A_107 = vector.broadcast %parallel_loop3A_106 : i32 to vector<16xi32>
        %parallel_loop3A_108 = arith.constant 3 : i32
        %parallel_loop3A_109 = vector.broadcast %parallel_loop3A_108 : i32 to vector<16xi32>
        %parallel_loop3A_110 = arith.mulf %parallel_loop3A_101, %parallel_loop3A_71 : vector<16xf32>
        tpu.vector_store_idx %arg7[%parallel_loop3A_107, %parallel_loop3A_77], %parallel_loop3A_110 {add = true} : memref<4x10240xf32, #tpu.memory_space<vmem>>[vector<16xi32>, vector<16xi32>], vector<16xf32>,
        %parallel_loop3A_111 = arith.mulf %parallel_loop3A_105, %parallel_loop3A_71 : vector<16xf32>
        tpu.vector_store_idx %arg7[%parallel_loop3A_109, %parallel_loop3A_77], %parallel_loop3A_111 {add = true} : memref<4x10240xf32, #tpu.memory_space<vmem>>[vector<16xi32>, vector<16xi32>], vector<16xf32>,
      } {sc.loop_unroll_factor = 20 : i64, sc.parallel_access}
      %mul3A_40 = arith.constant 2 : i32
      %mul3A_41 = arith.muli %scan3A_20, %mul3A_40 : i32
      %add3A_42 = arith.constant 1 : i32
      %add3A_43 = arith.addi %mul3A_41, %add3A_42 : i32
      %add3A_44 = arith.constant 1 : i32
      %add3A_45 = arith.addi %add3A_43, %add3A_44 : i32
      %lt3A_46 = arith.constant 40 : i32
      %lt3A_47 = arith.cmpi slt, %add3A_45, %lt3A_46 : i32
      %convert_element_type3A_48 = arith.extui %lt3A_47 : i1 to i32
      %cond3A_49 = arith.constant 0 : i32
      %cond3A_50 = arith.cmpi ne, %convert_element_type3A_48, %cond3A_49 : i32
      scf.if %cond3A_50 {
        %add3A_63 = arith.constant 1 : i32
        %add3A_64 = arith.addi %add3A_43, %add3A_63 : i32
        %mul3A_65 = arith.constant 8000 : i32
        %mul3A_66 = arith.muli %add3A_64, %mul3A_65 : i32
        %dma_start3A_67 = tpu.memref_slice %arg2[%mul3A_66] : memref<320000xi32, #tpu.memory_space<hbm>> -> memref<8000xi32, #tpu.memory_space<hbm>>
        %dma_start3A_68 = tpu.memref_slice %arg2[%mul3A_66] : memref<320000xi32, #tpu.memory_space<hbm>> -> memref<8000xi32, #tpu.memory_space<hbm>>
        tpu.enqueue_dma source(%dma_start3A_68 : memref<8000xi32, #tpu.memory_space<hbm>>) target(%arg8 : memref<8000xi32, #tpu.memory_space<vmem>>) target_semaphore(%arg12 : memref<!tpu.dma_semaphore, #tpu.memory_space<semaphore_mem>>)
        %dma_start3A_69 = tpu.memref_slice %arg3[%mul3A_66] : memref<320000xf32, #tpu.memory_space<hbm>> -> memref<8000xf32, #tpu.memory_space<hbm>>
        %dma_start3A_70 = tpu.memref_slice %arg3[%mul3A_66] : memref<320000xf32, #tpu.memory_space<hbm>> -> memref<8000xf32, #tpu.memory_space<hbm>>
        tpu.enqueue_dma source(%dma_start3A_70 : memref<8000xf32, #tpu.memory_space<hbm>>) target(%arg10 : memref<8000xf32, #tpu.memory_space<vmem>>) target_semaphore(%arg12 : memref<!tpu.dma_semaphore, #tpu.memory_space<semaphore_mem>>)
      } else {
      }
      %dma_wait3A_51 = arith.constant 0 : i32
      %dma_wait3A_52 = tpu.memref_slice %arg2[%dma_wait3A_51] : memref<320000xi32, #tpu.memory_space<hbm>> -> memref<8000xi32, #tpu.memory_space<hbm>>
      %dma_wait3A_53 = arith.constant 0 : i32
      %dma_wait3A_54 = tpu.memref_slice %arg2[%dma_wait3A_53] : memref<320000xi32, #tpu.memory_space<hbm>> -> memref<8000xi32, #tpu.memory_space<hbm>>
      tpu.wait_dma2 semaphore(%arg13 : memref<!tpu.dma_semaphore, #tpu.memory_space<semaphore_mem>>) src(%dma_wait3A_54 : memref<8000xi32, #tpu.memory_space<hbm>>) dst(%arg9 : memref<8000xi32, #tpu.memory_space<vmem>>)
      %dma_wait3A_55 = arith.constant 0 : i32
      %dma_wait3A_56 = tpu.memref_slice %arg3[%dma_wait3A_55] : memref<320000xf32, #tpu.memory_space<hbm>> -> memref<8000xf32, #tpu.memory_space<hbm>>
      %dma_wait3A_57 = arith.constant 0 : i32
      %dma_wait3A_58 = tpu.memref_slice %arg3[%dma_wait3A_57] : memref<320000xf32, #tpu.memory_space<hbm>> -> memref<8000xf32, #tpu.memory_space<hbm>>
      tpu.wait_dma2 semaphore(%arg13 : memref<!tpu.dma_semaphore, #tpu.memory_space<semaphore_mem>>) src(%dma_wait3A_58 : memref<8000xf32, #tpu.memory_space<hbm>>) dst(%arg11 : memref<8000xf32, #tpu.memory_space<vmem>>)
      %parallel_loop3A_59 = arith.constant 0 : i32
      %parallel_loop3A_60 = arith.constant 500 : i32
      %parallel_loop3A_61 = arith.constant 1 : i32
      scf.for %parallel_loop3A_63 = %parallel_loop3A_59 to %parallel_loop3A_60 step %parallel_loop3A_61  : i32 {
        %parallel_loop3A_64 = arith.constant 16 : i32
        %parallel_loop3A_65 = arith.muli %parallel_loop3A_63, %parallel_loop3A_64 : i32
        %parallel_loop3A_66 = arith.index_cast %parallel_loop3A_65 : i32 to index
        %parallel_loop3A_67 = tpu.vector_load %arg9[%parallel_loop3A_66] {strides = array<i32>} : memref<8000xi32, #tpu.memory_space<vmem>>, vector<16xi32>,
        %parallel_loop3A_68 = arith.constant 16 : i32
        %parallel_loop3A_69 = arith.muli %parallel_loop3A_63, %parallel_loop3A_68 : i32
        %parallel_loop3A_70 = arith.index_cast %parallel_loop3A_69 : i32 to index
        %parallel_loop3A_71 = tpu.vector_load %arg11[%parallel_loop3A_70] {strides = array<i32>} : memref<8000xf32, #tpu.memory_space<vmem>>, vector<16xf32>,
        %parallel_loop3A_72 = arith.constant 16383 : i32
        %parallel_loop3A_73 = vector.broadcast %parallel_loop3A_72 : i32 to vector<16xi32>
        %parallel_loop3A_74 = arith.andi %parallel_loop3A_67, %parallel_loop3A_73 : vector<16xi32>
        %parallel_loop3A_75 = arith.constant 14 : i32
        %parallel_loop3A_76 = vector.broadcast %parallel_loop3A_75 : i32 to vector<16xi32>
        %parallel_loop3A_77 = arith.shrui %parallel_loop3A_67, %parallel_loop3A_76 : vector<16xi32>
        %parallel_loop3A_78 = arith.constant 0 : i32
        %parallel_loop3A_79 = vector.broadcast %parallel_loop3A_78 : i32 to vector<16xi32>
        %parallel_loop3A_80 = tpu.vector_load_idx %arg6[%parallel_loop3A_79, %parallel_loop3A_74] : memref<2x10240xi32, #tpu.memory_space<vmem>>[vector<16xi32>, vector<16xi32>], vector<16xi32>,
        %parallel_loop3A_81 = arith.constant 16 : i32
        %parallel_loop3A_82 = vector.broadcast %parallel_loop3A_81 : i32 to vector<16xi32>
        %parallel_loop3A_83 = arith.shli %parallel_loop3A_80, %parallel_loop3A_82 : vector<16xi32>
        %parallel_loop3A_84 = vector.bitcast %parallel_loop3A_83 : vector<16xi32> to vector<16xf32>
        %parallel_loop3A_85 = arith.constant -65536 : i32
        %parallel_loop3A_86 = vector.broadcast %parallel_loop3A_85 : i32 to vector<16xi32>
        %parallel_loop3A_87 = arith.andi %parallel_loop3A_80, %parallel_loop3A_86 : vector<16xi32>
        %parallel_loop3A_88 = vector.bitcast %parallel_loop3A_87 : vector<16xi32> to vector<16xf32>
        %parallel_loop3A_89 = arith.constant 0 : i32
        %parallel_loop3A_90 = vector.broadcast %parallel_loop3A_89 : i32 to vector<16xi32>
        %parallel_loop3A_91 = arith.constant 1 : i32
        %parallel_loop3A_92 = vector.broadcast %parallel_loop3A_91 : i32 to vector<16xi32>
        %parallel_loop3A_93 = arith.mulf %parallel_loop3A_84, %parallel_loop3A_71 : vector<16xf32>
        tpu.vector_store_idx %arg7[%parallel_loop3A_90, %parallel_loop3A_77], %parallel_loop3A_93 {add = true} : memref<4x10240xf32, #tpu.memory_space<vmem>>[vector<16xi32>, vector<16xi32>], vector<16xf32>,
        %parallel_loop3A_94 = arith.mulf %parallel_loop3A_88, %parallel_loop3A_71 : vector<16xf32>
        tpu.vector_store_idx %arg7[%parallel_loop3A_92, %parallel_loop3A_77], %parallel_loop3A_94 {add = true} : memref<4x10240xf32, #tpu.memory_space<vmem>>[vector<16xi32>, vector<16xi32>], vector<16xf32>,
        %parallel_loop3A_95 = arith.constant 1 : i32
        %parallel_loop3A_96 = vector.broadcast %parallel_loop3A_95 : i32 to vector<16xi32>
        %parallel_loop3A_97 = tpu.vector_load_idx %arg6[%parallel_loop3A_96, %parallel_loop3A_74] : memref<2x10240xi32, #tpu.memory_space<vmem>>[vector<16xi32>, vector<16xi32>], vector<16xi32>,
        %parallel_loop3A_98 = arith.constant 16 : i32
        %parallel_loop3A_99 = vector.broadcast %parallel_loop3A_98 : i32 to vector<16xi32>
        %parallel_loop3A_100 = arith.shli %parallel_loop3A_97, %parallel_loop3A_99 : vector<16xi32>
        %parallel_loop3A_101 = vector.bitcast %parallel_loop3A_100 : vector<16xi32> to vector<16xf32>
        %parallel_loop3A_102 = arith.constant -65536 : i32
        %parallel_loop3A_103 = vector.broadcast %parallel_loop3A_102 : i32 to vector<16xi32>
        %parallel_loop3A_104 = arith.andi %parallel_loop3A_97, %parallel_loop3A_103 : vector<16xi32>
        %parallel_loop3A_105 = vector.bitcast %parallel_loop3A_104 : vector<16xi32> to vector<16xf32>
        %parallel_loop3A_106 = arith.constant 2 : i32
        %parallel_loop3A_107 = vector.broadcast %parallel_loop3A_106 : i32 to vector<16xi32>
        %parallel_loop3A_108 = arith.constant 3 : i32
        %parallel_loop3A_109 = vector.broadcast %parallel_loop3A_108 : i32 to vector<16xi32>
        %parallel_loop3A_110 = arith.mulf %parallel_loop3A_101, %parallel_loop3A_71 : vector<16xf32>
        tpu.vector_store_idx %arg7[%parallel_loop3A_107, %parallel_loop3A_77], %parallel_loop3A_110 {add = true} : memref<4x10240xf32, #tpu.memory_space<vmem>>[vector<16xi32>, vector<16xi32>], vector<16xf32>,
        %parallel_loop3A_111 = arith.mulf %parallel_loop3A_105, %parallel_loop3A_71 : vector<16xf32>
        tpu.vector_store_idx %arg7[%parallel_loop3A_109, %parallel_loop3A_77], %parallel_loop3A_111 {add = true} : memref<4x10240xf32, #tpu.memory_space<vmem>>[vector<16xi32>, vector<16xi32>], vector<16xf32>,
      } {sc.loop_unroll_factor = 20 : i64, sc.parallel_access}
      %scan3A_62 = arith.constant 0 : i32
      scf.yield %scan3A_62 : i32
    }
    %scan3A_17 = arith.constant 20 : i32
    %mul3A_18 = arith.constant 2 : i32
    %mul3A_19 = arith.muli %mul3A_18, %mul3A_2 : i32
    "tpu.region"() ({
      %run_scoped3A = tpu.sem_alloc : memref<!tpu.dma_semaphore, #tpu.memory_space<semaphore_mem>>
      %dma_start3A_20 = arith.constant 0 : i32
      %dma_start3A_21 = tpu.memref_slice %arg5[%mul3A_19, %dma_start3A_20] : memref<128x10240xf32, #tpu.memory_space<hbm>> -> memref<4x10240xf32, #tpu.memory_space<hbm>>
      %dma_start3A_22 = arith.constant 0 : i32
      %dma_start3A_23 = tpu.memref_slice %arg5[%mul3A_19, %dma_start3A_22] : memref<128x10240xf32, #tpu.memory_space<hbm>> -> memref<4x10240xf32, #tpu.memory_space<hbm>>
      tpu.enqueue_dma source(%arg7 : memref<4x10240xf32, #tpu.memory_space<vmem>>) target(%dma_start3A_23 : memref<4x10240xf32, #tpu.memory_space<hbm>>) target_semaphore(%run_scoped3A : memref<!tpu.dma_semaphore, #tpu.memory_space<semaphore_mem>>)
      %dma_wait3A = arith.constant 0 : i32
      %dma_wait3A_24 = tpu.memref_slice %arg5[%mul3A_19, %dma_wait3A] : memref<128x10240xf32, #tpu.memory_space<hbm>> -> memref<4x10240xf32, #tpu.memory_space<hbm>>
      %dma_wait3A_25 = arith.constant 0 : i32
      %dma_wait3A_26 = tpu.memref_slice %arg5[%mul3A_19, %dma_wait3A_25] : memref<128x10240xf32, #tpu.memory_space<hbm>> -> memref<4x10240xf32, #tpu.memory_space<hbm>>
      tpu.wait_dma2 semaphore(%run_scoped3A : memref<!tpu.dma_semaphore, #tpu.memory_space<semaphore_mem>>) src(%arg7 : memref<4x10240xf32, #tpu.memory_space<vmem>>) dst(%dma_wait3A_26 : memref<4x10240xf32, #tpu.memory_space<hbm>>)
      tpu.yield
    }) : () -> ()
    return
  }
}

#map = affine_map<(d0, d1) -> (0)>
#map1 = affine_map<(d0, d1) -> (0, 0)>
module attributes {stable_mosaic.version = 14 : i64} {
  func.func @spmm_kernel(%arg0: i32, %arg1: i32, %arg2: memref<320000xi32, #tpu.memory_space<hbm>>, %arg3: memref<320000xf32, #tpu.memory_space<hbm>>, %arg4: memref<64x10240xi32, #tpu.memory_space<hbm>>, %arg5: memref<128x10240xf32, #tpu.memory_space<hbm>>, %arg6: memref<2x10240xi32, #tpu.memory_space<vmem>>, %arg7: memref<4x10240xf32, #tpu.memory_space<vmem>>, %arg8: memref<8000xi32, #tpu.memory_space<vmem>>, %arg9: memref<8000xi32, #tpu.memory_space<vmem>>, %arg10: memref<8000xf32, #tpu.memory_space<vmem>>, %arg11: memref<8000xf32, #tpu.memory_space<vmem>>, %arg12: memref<!tpu.dma_semaphore, #tpu.memory_space<semaphore_mem>>, %arg13: memref<!tpu.dma_semaphore, #tpu.memory_space<semaphore_mem>>) attributes {dimension_semantics = [#tpu.dimension_semantics<core_parallel>, #tpu.dimension_semantics<subcore_parallel>], iteration_bounds = array<i64: 2, 16>, scalar_prefetch = 0 : i64, scratch_operands = 8 : i64, tpu.core_type = #tpu.core_type<sc_vector_subcore>, window_params = [{transform_indices = #map}, {transform_indices = #map}, {transform_indices = #map1}, {transform_indices = #map1}]} {
    %mul3A = arith.constant 2 : i32
    %mul3A_0 = arith.muli %arg1, %mul3A : i32
    %add3A = arith.addi %mul3A_0, %arg0 : i32
    %mul3A_1 = arith.constant 2 : i32
    %mul3A_2 = arith.muli %add3A, %mul3A_1 : i32
    %dma_start3A = arith.constant 0 : i32
    %dma_start3A_3 = tpu.memref_slice %arg2[%dma_start3A] : memref<320000xi32, #tpu.memory_space<hbm>> -> memref<8000xi32, #tpu.memory_space<hbm>>
    %dma_start3A_4 = arith.constant 0 : i32
    %dma_start3A_5 = tpu.memref_slice %arg2[%dma_start3A_4] : memref<320000xi32, #tpu.memory_space<hbm>> -> memref<8000xi32, #tpu.memory_space<hbm>>
    tpu.enqueue_dma source(%dma_start3A_5 : memref<8000xi32, #tpu.memory_space<hbm>>) target(%arg8 : memref<8000xi32, #tpu.memory_space<vmem>>) target_semaphore(%arg12 : memref<!tpu.dma_semaphore, #tpu.memory_space<semaphore_mem>>)
    %dma_start3A_6 = arith.constant 0 : i32
    %dma_start3A_7 = tpu.memref_slice %arg3[%dma_start3A_6] : memref<320000xf32, #tpu.memory_space<hbm>> -> memref<8000xf32, #tpu.memory_space<hbm>>
    %dma_start3A_8 = arith.constant 0 : i32
    %dma_start3A_9 = tpu.memref_slice %arg3[%dma_start3A_8] : memref<320000xf32, #tpu.memory_space<hbm>> -> memref<8000xf32, #tpu.memory_space<hbm>>
    tpu.enqueue_dma source(%dma_start3A_9 : memref<8000xf32, #tpu.memory_space<hbm>>) target(%arg10 : memref<8000xf32, #tpu.memory_space<vmem>>) target_semaphore(%arg12 : memref<!tpu.dma_semaphore, #tpu.memory_space<semaphore_mem>>)
    "tpu.region"() ({
      %run_scoped3A = tpu.sem_alloc : memref<!tpu.dma_semaphore, #tpu.memory_space<semaphore_mem>>
      %dma_start3A_20 = arith.constant 0 : i32
      %dma_start3A_21 = tpu.memref_slice %arg4[%mul3A_2, %dma_start3A_20] : memref<64x10240xi32, #tpu.memory_space<hbm>> -> memref<2x10240xi32, #tpu.memory_space<hbm>>
      %dma_start3A_22 = arith.constant 0 : i32
      %dma_start3A_23 = tpu.memref_slice %arg4[%mul3A_2, %dma_start3A_22] : memref<64x10240xi32, #tpu.memory_space<hbm>> -> memref<2x10240xi32, #tpu.memory_space<hbm>>
      tpu.enqueue_dma source(%dma_start3A_23 : memref<2x10240xi32, #tpu.memory_space<hbm>>) target(%arg6 : memref<2x10240xi32, #tpu.memory_space<vmem>>) target_semaphore(%run_scoped3A : memref<!tpu.dma_semaphore, #tpu.memory_space<semaphore_mem>>)
      %dma_wait3A = arith.constant 0 : i32
      %dma_wait3A_24 = tpu.memref_slice %arg4[%mul3A_2, %dma_wait3A] : memref<64x10240xi32, #tpu.memory_space<hbm>> -> memref<2x10240xi32, #tpu.memory_space<hbm>>
      %dma_wait3A_25 = arith.constant 0 : i32
      %dma_wait3A_26 = tpu.memref_slice %arg4[%mul3A_2, %dma_wait3A_25] : memref<64x10240xi32, #tpu.memory_space<hbm>> -> memref<2x10240xi32, #tpu.memory_space<hbm>>
      tpu.wait_dma2 semaphore(%run_scoped3A : memref<!tpu.dma_semaphore, #tpu.memory_space<semaphore_mem>>) src(%dma_wait3A_26 : memref<2x10240xi32, #tpu.memory_space<hbm>>) dst(%arg6 : memref<2x10240xi32, #tpu.memory_space<vmem>>)
      tpu.yield
    }) : () -> ()
    %parallel_loop3A = arith.constant 0 : i32
    %parallel_loop3A_10 = arith.constant 640 : i32
    %parallel_loop3A_11 = arith.constant 1 : i32
    scf.for %parallel_loop3A_20 = %parallel_loop3A to %parallel_loop3A_10 step %parallel_loop3A_11  : i32 {
      %parallel_loop3A_21 = arith.constant 0.000000e+00 : f32
      %parallel_loop3A_22 = vector.broadcast %parallel_loop3A_21 : f32 to vector<16xf32>
      %parallel_loop3A_23 = arith.constant 16 : i32
      %parallel_loop3A_24 = arith.muli %parallel_loop3A_20, %parallel_loop3A_23 : i32
      %parallel_loop3A_25 = arith.constant 0 : i32
      %parallel_loop3A_26 = arith.index_cast %parallel_loop3A_25 : i32 to index
      %parallel_loop3A_27 = arith.index_cast %parallel_loop3A_24 : i32 to index
      %parallel_loop3A_28 = tpu.vector_load %arg7[%parallel_loop3A_26, %parallel_loop3A_27] {strides = array<i32>} : memref<4x10240xf32, #tpu.memory_space<vmem>>, vector<16xf32>,
      tpu.vector_store %arg7[%parallel_loop3A_26, %parallel_loop3A_27], %parallel_loop3A_22 {strides = array<i32>} : memref<4x10240xf32, #tpu.memory_space<vmem>>, vector<16xf32>,
      %parallel_loop3A_29 = arith.constant 16 : i32
      %parallel_loop3A_30 = arith.muli %parallel_loop3A_20, %parallel_loop3A_29 : i32
      %parallel_loop3A_31 = arith.constant 1 : i32
      %parallel_loop3A_32 = arith.index_cast %parallel_loop3A_31 : i32 to index
      %parallel_loop3A_33 = arith.index_cast %parallel_loop3A_30 : i32 to index
      %parallel_loop3A_34 = tpu.vector_load %arg7[%parallel_loop3A_32, %parallel_loop3A_33] {strides = array<i32>} : memref<4x10240xf32, #tpu.memory_space<vmem>>, vector<16xf32>,
      tpu.vector_store %arg7[%parallel_loop3A_32, %parallel_loop3A_33], %parallel_loop3A_22 {strides = array<i32>} : memref<4x10240xf32, #tpu.memory_space<vmem>>, vector<16xf32>,
      %parallel_loop3A_35 = arith.constant 16 : i32
      %parallel_loop3A_36 = arith.muli %parallel_loop3A_20, %parallel_loop3A_35 : i32
      %parallel_loop3A_37 = arith.constant 2 : i32
      %parallel_loop3A_38 = arith.index_cast %parallel_loop3A_37 : i32 to index
      %parallel_loop3A_39 = arith.index_cast %parallel_loop3A_36 : i32 to index
      %parallel_loop3A_40 = tpu.vector_load %arg7[%parallel_loop3A_38, %parallel_loop3A_39] {strides = array<i32>} : memref<4x10240xf32, #tpu.memory_space<vmem>>, vector<16xf32>,
      tpu.vector_store %arg7[%parallel_loop3A_38, %parallel_loop3A_39], %parallel_loop3A_22 {strides = array<i32>} : memref<4x10240xf32, #tpu.memory_space<vmem>>, vector<16xf32>,
      %parallel_loop3A_41 = arith.constant 16 : i32
      %parallel_loop3A_42 = arith.muli %parallel_loop3A_20, %parallel_loop3A_41 : i32
      %parallel_loop3A_43 = arith.constant 3 : i32
      %parallel_loop3A_44 = arith.index_cast %parallel_loop3A_43 : i32 to index
      %parallel_loop3A_45 = arith.index_cast %parallel_loop3A_42 : i32 to index
      %parallel_loop3A_46 = tpu.vector_load %arg7[%parallel_loop3A_44, %parallel_loop3A_45] {strides = array<i32>} : memref<4x10240xf32, #tpu.memory_space<vmem>>, vector<16xf32>,
      tpu.vector_store %arg7[%parallel_loop3A_44, %parallel_loop3A_45], %parallel_loop3A_22 {strides = array<i32>} : memref<4x10240xf32, #tpu.memory_space<vmem>>, vector<16xf32>,
    } {sc.loop_unroll_factor = 8 : i64, sc.parallel_access}
    %scan3A = arith.constant 0 : i32
    %scan3A_12 = arith.constant 0 : i32
    %scan3A_13 = arith.constant 20 : i32
    %scan3A_14 = arith.addi %scan3A_12, %scan3A_13 : i32
    %scan3A_15 = arith.constant 1 : i32
    %scan3A_16 = scf.for %scan3A_20 = %scan3A_12 to %scan3A_14 step %scan3A_15 iter_args(%scan3A_21 = %scan3A) -> (i32)  : i32 {
      %mul3A_22 = arith.constant 2 : i32
      %mul3A_23 = arith.muli %scan3A_20, %mul3A_22 : i32
      %add3A_24 = arith.constant 0 : i32
      %add3A_25 = arith.addi %mul3A_23, %add3A_24 : i32
      %add3A_26 = arith.constant 1 : i32
      %add3A_27 = arith.addi %add3A_25, %add3A_26 : i32
      %lt3A = arith.constant 40 : i32
      %lt3A_28 = arith.cmpi slt, %add3A_27, %lt3A : i32
      %convert_element_type3A = arith.extui %lt3A_28 : i1 to i32
      %cond3A = arith.constant 0 : i32
      %cond3A_29 = arith.cmpi ne, %convert_element_type3A, %cond3A : i32
      scf.if %cond3A_29 {
        %add3A_63 = arith.constant 1 : i32
        %add3A_64 = arith.addi %add3A_25, %add3A_63 : i32
        %mul3A_65 = arith.constant 8000 : i32
        %mul3A_66 = arith.muli %add3A_64, %mul3A_65 : i32
        %dma_start3A_67 = tpu.memref_slice %arg2[%mul3A_66] : memref<320000xi32, #tpu.memory_space<hbm>> -> memref<8000xi32, #tpu.memory_space<hbm>>
        %dma_start3A_68 = tpu.memref_slice %arg2[%mul3A_66] : memref<320000xi32, #tpu.memory_space<hbm>> -> memref<8000xi32, #tpu.memory_space<hbm>>
        tpu.enqueue_dma source(%dma_start3A_68 : memref<8000xi32, #tpu.memory_space<hbm>>) target(%arg9 : memref<8000xi32, #tpu.memory_space<vmem>>) target_semaphore(%arg13 : memref<!tpu.dma_semaphore, #tpu.memory_space<semaphore_mem>>)
        %dma_start3A_69 = tpu.memref_slice %arg3[%mul3A_66] : memref<320000xf32, #tpu.memory_space<hbm>> -> memref<8000xf32, #tpu.memory_space<hbm>>
        %dma_start3A_70 = tpu.memref_slice %arg3[%mul3A_66] : memref<320000xf32, #tpu.memory_space<hbm>> -> memref<8000xf32, #tpu.memory_space<hbm>>
        tpu.enqueue_dma source(%dma_start3A_70 : memref<8000xf32, #tpu.memory_space<hbm>>) target(%arg11 : memref<8000xf32, #tpu.memory_space<vmem>>) target_semaphore(%arg13 : memref<!tpu.dma_semaphore, #tpu.memory_space<semaphore_mem>>)
      } else {
      }
      %dma_wait3A = arith.constant 0 : i32
      %dma_wait3A_30 = tpu.memref_slice %arg2[%dma_wait3A] : memref<320000xi32, #tpu.memory_space<hbm>> -> memref<8000xi32, #tpu.memory_space<hbm>>
      %dma_wait3A_31 = arith.constant 0 : i32
      %dma_wait3A_32 = tpu.memref_slice %arg2[%dma_wait3A_31] : memref<320000xi32, #tpu.memory_space<hbm>> -> memref<8000xi32, #tpu.memory_space<hbm>>
      tpu.wait_dma2 semaphore(%arg12 : memref<!tpu.dma_semaphore, #tpu.memory_space<semaphore_mem>>) src(%dma_wait3A_32 : memref<8000xi32, #tpu.memory_space<hbm>>) dst(%arg8 : memref<8000xi32, #tpu.memory_space<vmem>>)
      %dma_wait3A_33 = arith.constant 0 : i32
      %dma_wait3A_34 = tpu.memref_slice %arg3[%dma_wait3A_33] : memref<320000xf32, #tpu.memory_space<hbm>> -> memref<8000xf32, #tpu.memory_space<hbm>>
      %dma_wait3A_35 = arith.constant 0 : i32
      %dma_wait3A_36 = tpu.memref_slice %arg3[%dma_wait3A_35] : memref<320000xf32, #tpu.memory_space<hbm>> -> memref<8000xf32, #tpu.memory_space<hbm>>
      tpu.wait_dma2 semaphore(%arg12 : memref<!tpu.dma_semaphore, #tpu.memory_space<semaphore_mem>>) src(%dma_wait3A_36 : memref<8000xf32, #tpu.memory_space<hbm>>) dst(%arg10 : memref<8000xf32, #tpu.memory_space<vmem>>)
      %parallel_loop3A_37 = arith.constant 0 : i32
      %parallel_loop3A_38 = arith.constant 500 : i32
      %parallel_loop3A_39 = arith.constant 1 : i32
      scf.for %parallel_loop3A_63 = %parallel_loop3A_37 to %parallel_loop3A_38 step %parallel_loop3A_39  : i32 {
        %parallel_loop3A_64 = arith.constant 16 : i32
        %parallel_loop3A_65 = arith.muli %parallel_loop3A_63, %parallel_loop3A_64 : i32
        %parallel_loop3A_66 = arith.index_cast %parallel_loop3A_65 : i32 to index
        %parallel_loop3A_67 = tpu.vector_load %arg8[%parallel_loop3A_66] {strides = array<i32>} : memref<8000xi32, #tpu.memory_space<vmem>>, vector<16xi32>,
        %parallel_loop3A_68 = arith.constant 16 : i32
        %parallel_loop3A_69 = arith.muli %parallel_loop3A_63, %parallel_loop3A_68 : i32
        %parallel_loop3A_70 = arith.index_cast %parallel_loop3A_69 : i32 to index
        %parallel_loop3A_71 = tpu.vector_load %arg10[%parallel_loop3A_70] {strides = array<i32>} : memref<8000xf32, #tpu.memory_space<vmem>>, vector<16xf32>,
        %parallel_loop3A_72 = arith.constant 16383 : i32
        %parallel_loop3A_73 = vector.broadcast %parallel_loop3A_72 : i32 to vector<16xi32>
        %parallel_loop3A_74 = arith.andi %parallel_loop3A_67, %parallel_loop3A_73 : vector<16xi32>
        %parallel_loop3A_75 = arith.constant 14 : i32
        %parallel_loop3A_76 = vector.broadcast %parallel_loop3A_75 : i32 to vector<16xi32>
        %parallel_loop3A_77 = arith.shrui %parallel_loop3A_67, %parallel_loop3A_76 : vector<16xi32>
        %parallel_loop3A_78 = arith.constant 0 : i32
        %parallel_loop3A_79 = vector.broadcast %parallel_loop3A_78 : i32 to vector<16xi32>
        %parallel_loop3A_80 = tpu.vector_load_idx %arg6[%parallel_loop3A_79, %parallel_loop3A_74] : memref<2x10240xi32, #tpu.memory_space<vmem>>[vector<16xi32>, vector<16xi32>], vector<16xi32>,
        %parallel_loop3A_81 = arith.constant 16 : i32
        %parallel_loop3A_82 = vector.broadcast %parallel_loop3A_81 : i32 to vector<16xi32>
        %parallel_loop3A_83 = arith.shli %parallel_loop3A_80, %parallel_loop3A_82 : vector<16xi32>
        %parallel_loop3A_84 = vector.bitcast %parallel_loop3A_83 : vector<16xi32> to vector<16xf32>
        %parallel_loop3A_85 = arith.constant -65536 : i32
        %parallel_loop3A_86 = vector.broadcast %parallel_loop3A_85 : i32 to vector<16xi32>
        %parallel_loop3A_87 = arith.andi %parallel_loop3A_80, %parallel_loop3A_86 : vector<16xi32>
        %parallel_loop3A_88 = vector.bitcast %parallel_loop3A_87 : vector<16xi32> to vector<16xf32>
        %parallel_loop3A_89 = arith.constant 0 : i32
        %parallel_loop3A_90 = vector.broadcast %parallel_loop3A_89 : i32 to vector<16xi32>
        %parallel_loop3A_91 = arith.constant 1 : i32
        %parallel_loop3A_92 = vector.broadcast %parallel_loop3A_91 : i32 to vector<16xi32>
        %parallel_loop3A_93 = arith.mulf %parallel_loop3A_84, %parallel_loop3A_71 : vector<16xf32>
        tpu.vector_store_idx %arg7[%parallel_loop3A_90, %parallel_loop3A_77], %parallel_loop3A_93 {add = true} : memref<4x10240xf32, #tpu.memory_space<vmem>>[vector<16xi32>, vector<16xi32>], vector<16xf32>,
        %parallel_loop3A_94 = arith.mulf %parallel_loop3A_88, %parallel_loop3A_71 : vector<16xf32>
        tpu.vector_store_idx %arg7[%parallel_loop3A_92, %parallel_loop3A_77], %parallel_loop3A_94 {add = true} : memref<4x10240xf32, #tpu.memory_space<vmem>>[vector<16xi32>, vector<16xi32>], vector<16xf32>,
        %parallel_loop3A_95 = arith.constant 1 : i32
        %parallel_loop3A_96 = vector.broadcast %parallel_loop3A_95 : i32 to vector<16xi32>
        %parallel_loop3A_97 = tpu.vector_load_idx %arg6[%parallel_loop3A_96, %parallel_loop3A_74] : memref<2x10240xi32, #tpu.memory_space<vmem>>[vector<16xi32>, vector<16xi32>], vector<16xi32>,
        %parallel_loop3A_98 = arith.constant 16 : i32
        %parallel_loop3A_99 = vector.broadcast %parallel_loop3A_98 : i32 to vector<16xi32>
        %parallel_loop3A_100 = arith.shli %parallel_loop3A_97, %parallel_loop3A_99 : vector<16xi32>
        %parallel_loop3A_101 = vector.bitcast %parallel_loop3A_100 : vector<16xi32> to vector<16xf32>
        %parallel_loop3A_102 = arith.constant -65536 : i32
        %parallel_loop3A_103 = vector.broadcast %parallel_loop3A_102 : i32 to vector<16xi32>
        %parallel_loop3A_104 = arith.andi %parallel_loop3A_97, %parallel_loop3A_103 : vector<16xi32>
        %parallel_loop3A_105 = vector.bitcast %parallel_loop3A_104 : vector<16xi32> to vector<16xf32>
        %parallel_loop3A_106 = arith.constant 2 : i32
        %parallel_loop3A_107 = vector.broadcast %parallel_loop3A_106 : i32 to vector<16xi32>
        %parallel_loop3A_108 = arith.constant 3 : i32
        %parallel_loop3A_109 = vector.broadcast %parallel_loop3A_108 : i32 to vector<16xi32>
        %parallel_loop3A_110 = arith.mulf %parallel_loop3A_101, %parallel_loop3A_71 : vector<16xf32>
        tpu.vector_store_idx %arg7[%parallel_loop3A_107, %parallel_loop3A_77], %parallel_loop3A_110 {add = true} : memref<4x10240xf32, #tpu.memory_space<vmem>>[vector<16xi32>, vector<16xi32>], vector<16xf32>,
        %parallel_loop3A_111 = arith.mulf %parallel_loop3A_105, %parallel_loop3A_71 : vector<16xf32>
        tpu.vector_store_idx %arg7[%parallel_loop3A_109, %parallel_loop3A_77], %parallel_loop3A_111 {add = true} : memref<4x10240xf32, #tpu.memory_space<vmem>>[vector<16xi32>, vector<16xi32>], vector<16xf32>,
      } {sc.loop_unroll_factor = 20 : i64, sc.parallel_access}
      %mul3A_40 = arith.constant 2 : i32
      %mul3A_41 = arith.muli %scan3A_20, %mul3A_40 : i32
      %add3A_42 = arith.constant 1 : i32
      %add3A_43 = arith.addi %mul3A_41, %add3A_42 : i32
      %add3A_44 = arith.constant 1 : i32
      %add3A_45 = arith.addi %add3A_43, %add3A_44 : i32
      %lt3A_46 = arith.constant 40 : i32
      %lt3A_47 = arith.cmpi slt, %add3A_45, %lt3A_46 : i32
      %convert_element_type3A_48 = arith.extui %lt3A_47 : i1 to i32
      %cond3A_49 = arith.constant 0 : i32
      %cond3A_50 = arith.cmpi ne, %convert_element_type3A_48, %cond3A_49 : i32
      scf.if %cond3A_50 {
        %add3A_63 = arith.constant 1 : i32
        %add3A_64 = arith.addi %add3A_43, %add3A_63 : i32
        %mul3A_65 = arith.constant 8000 : i32
        %mul3A_66 = arith.muli %add3A_64, %mul3A_65 : i32
        %dma_start3A_67 = tpu.memref_slice %arg2[%mul3A_66] : memref<320000xi32, #tpu.memory_space<hbm>> -> memref<8000xi32, #tpu.memory_space<hbm>>
        %dma_start3A_68 = tpu.memref_slice %arg2[%mul3A_66] : memref<320000xi32, #tpu.memory_space<hbm>> -> memref<8000xi32, #tpu.memory_space<hbm>>
        tpu.enqueue_dma source(%dma_start3A_68 : memref<8000xi32, #tpu.memory_space<hbm>>) target(%arg8 : memref<8000xi32, #tpu.memory_space<vmem>>) target_semaphore(%arg12 : memref<!tpu.dma_semaphore, #tpu.memory_space<semaphore_mem>>)
        %dma_start3A_69 = tpu.memref_slice %arg3[%mul3A_66] : memref<320000xf32, #tpu.memory_space<hbm>> -> memref<8000xf32, #tpu.memory_space<hbm>>
        %dma_start3A_70 = tpu.memref_slice %arg3[%mul3A_66] : memref<320000xf32, #tpu.memory_space<hbm>> -> memref<8000xf32, #tpu.memory_space<hbm>>
        tpu.enqueue_dma source(%dma_start3A_70 : memref<8000xf32, #tpu.memory_space<hbm>>) target(%arg10 : memref<8000xf32, #tpu.memory_space<vmem>>) target_semaphore(%arg12 : memref<!tpu.dma_semaphore, #tpu.memory_space<semaphore_mem>>)
      } else {
      }
      %dma_wait3A_51 = arith.constant 0 : i32
      %dma_wait3A_52 = tpu.memref_slice %arg2[%dma_wait3A_51] : memref<320000xi32, #tpu.memory_space<hbm>> -> memref<8000xi32, #tpu.memory_space<hbm>>
      %dma_wait3A_53 = arith.constant 0 : i32
      %dma_wait3A_54 = tpu.memref_slice %arg2[%dma_wait3A_53] : memref<320000xi32, #tpu.memory_space<hbm>> -> memref<8000xi32, #tpu.memory_space<hbm>>
      tpu.wait_dma2 semaphore(%arg13 : memref<!tpu.dma_semaphore, #tpu.memory_space<semaphore_mem>>) src(%dma_wait3A_54 : memref<8000xi32, #tpu.memory_space<hbm>>) dst(%arg9 : memref<8000xi32, #tpu.memory_space<vmem>>)
      %dma_wait3A_55 = arith.constant 0 : i32
      %dma_wait3A_56 = tpu.memref_slice %arg3[%dma_wait3A_55] : memref<320000xf32, #tpu.memory_space<hbm>> -> memref<8000xf32, #tpu.memory_space<hbm>>
      %dma_wait3A_57 = arith.constant 0 : i32
      %dma_wait3A_58 = tpu.memref_slice %arg3[%dma_wait3A_57] : memref<320000xf32, #tpu.memory_space<hbm>> -> memref<8000xf32, #tpu.memory_space<hbm>>
      tpu.wait_dma2 semaphore(%arg13 : memref<!tpu.dma_semaphore, #tpu.memory_space<semaphore_mem>>) src(%dma_wait3A_58 : memref<8000xf32, #tpu.memory_space<hbm>>) dst(%arg11 : memref<8000xf32, #tpu.memory_space<vmem>>)
      %parallel_loop3A_59 = arith.constant 0 : i32
      %parallel_loop3A_60 = arith.constant 500 : i32
      %parallel_loop3A_61 = arith.constant 1 : i32
      scf.for %parallel_loop3A_63 = %parallel_loop3A_59 to %parallel_loop3A_60 step %parallel_loop3A_61  : i32 {
        %parallel_loop3A_64 = arith.constant 16 : i32
        %parallel_loop3A_65 = arith.muli %parallel_loop3A_63, %parallel_loop3A_64 : i32
        %parallel_loop3A_66 = arith.index_cast %parallel_loop3A_65 : i32 to index
        %parallel_loop3A_67 = tpu.vector_load %arg9[%parallel_loop3A_66] {strides = array<i32>} : memref<8000xi32, #tpu.memory_space<vmem>>, vector<16xi32>,
        %parallel_loop3A_68 = arith.constant 16 : i32
        %parallel_loop3A_69 = arith.muli %parallel_loop3A_63, %parallel_loop3A_68 : i32
        %parallel_loop3A_70 = arith.index_cast %parallel_loop3A_69 : i32 to index
        %parallel_loop3A_71 = tpu.vector_load %arg11[%parallel_loop3A_70] {strides = array<i32>} : memref<8000xf32, #tpu.memory_space<vmem>>, vector<16xf32>,
        %parallel_loop3A_72 = arith.constant 16383 : i32
        %parallel_loop3A_73 = vector.broadcast %parallel_loop3A_72 : i32 to vector<16xi32>
        %parallel_loop3A_74 = arith.andi %parallel_loop3A_67, %parallel_loop3A_73 : vector<16xi32>
        %parallel_loop3A_75 = arith.constant 14 : i32
        %parallel_loop3A_76 = vector.broadcast %parallel_loop3A_75 : i32 to vector<16xi32>
        %parallel_loop3A_77 = arith.shrui %parallel_loop3A_67, %parallel_loop3A_76 : vector<16xi32>
        %parallel_loop3A_78 = arith.constant 0 : i32
        %parallel_loop3A_79 = vector.broadcast %parallel_loop3A_78 : i32 to vector<16xi32>
        %parallel_loop3A_80 = tpu.vector_load_idx %arg6[%parallel_loop3A_79, %parallel_loop3A_74] : memref<2x10240xi32, #tpu.memory_space<vmem>>[vector<16xi32>, vector<16xi32>], vector<16xi32>,
        %parallel_loop3A_81 = arith.constant 16 : i32
        %parallel_loop3A_82 = vector.broadcast %parallel_loop3A_81 : i32 to vector<16xi32>
        %parallel_loop3A_83 = arith.shli %parallel_loop3A_80, %parallel_loop3A_82 : vector<16xi32>
        %parallel_loop3A_84 = vector.bitcast %parallel_loop3A_83 : vector<16xi32> to vector<16xf32>
        %parallel_loop3A_85 = arith.constant -65536 : i32
        %parallel_loop3A_86 = vector.broadcast %parallel_loop3A_85 : i32 to vector<16xi32>
        %parallel_loop3A_87 = arith.andi %parallel_loop3A_80, %parallel_loop3A_86 : vector<16xi32>
        %parallel_loop3A_88 = vector.bitcast %parallel_loop3A_87 : vector<16xi32> to vector<16xf32>
        %parallel_loop3A_89 = arith.constant 0 : i32
        %parallel_loop3A_90 = vector.broadcast %parallel_loop3A_89 : i32 to vector<16xi32>
        %parallel_loop3A_91 = arith.constant 1 : i32
        %parallel_loop3A_92 = vector.broadcast %parallel_loop3A_91 : i32 to vector<16xi32>
        %parallel_loop3A_93 = arith.mulf %parallel_loop3A_84, %parallel_loop3A_71 : vector<16xf32>
        tpu.vector_store_idx %arg7[%parallel_loop3A_90, %parallel_loop3A_77], %parallel_loop3A_93 {add = true} : memref<4x10240xf32, #tpu.memory_space<vmem>>[vector<16xi32>, vector<16xi32>], vector<16xf32>,
        %parallel_loop3A_94 = arith.mulf %parallel_loop3A_88, %parallel_loop3A_71 : vector<16xf32>
        tpu.vector_store_idx %arg7[%parallel_loop3A_92, %parallel_loop3A_77], %parallel_loop3A_94 {add = true} : memref<4x10240xf32, #tpu.memory_space<vmem>>[vector<16xi32>, vector<16xi32>], vector<16xf32>,
        %parallel_loop3A_95 = arith.constant 1 : i32
        %parallel_loop3A_96 = vector.broadcast %parallel_loop3A_95 : i32 to vector<16xi32>
        %parallel_loop3A_97 = tpu.vector_load_idx %arg6[%parallel_loop3A_96, %parallel_loop3A_74] : memref<2x10240xi32, #tpu.memory_space<vmem>>[vector<16xi32>, vector<16xi32>], vector<16xi32>,
        %parallel_loop3A_98 = arith.constant 16 : i32
        %parallel_loop3A_99 = vector.broadcast %parallel_loop3A_98 : i32 to vector<16xi32>
        %parallel_loop3A_100 = arith.shli %parallel_loop3A_97, %parallel_loop3A_99 : vector<16xi32>
        %parallel_loop3A_101 = vector.bitcast %parallel_loop3A_100 : vector<16xi32> to vector<16xf32>
        %parallel_loop3A_102 = arith.constant -65536 : i32
        %parallel_loop3A_103 = vector.broadcast %parallel_loop3A_102 : i32 to vector<16xi32>
        %parallel_loop3A_104 = arith.andi %parallel_loop3A_97, %parallel_loop3A_103 : vector<16xi32>
        %parallel_loop3A_105 = vector.bitcast %parallel_loop3A_104 : vector<16xi32> to vector<16xf32>
        %parallel_loop3A_106 = arith.constant 2 : i32
        %parallel_loop3A_107 = vector.broadcast %parallel_loop3A_106 : i32 to vector<16xi32>
        %parallel_loop3A_108 = arith.constant 3 : i32
        %parallel_loop3A_109 = vector.broadcast %parallel_loop3A_108 : i32 to vector<16xi32>
        %parallel_loop3A_110 = arith.mulf %parallel_loop3A_101, %parallel_loop3A_71 : vector<16xf32>
        tpu.vector_store_idx %arg7[%parallel_loop3A_107, %parallel_loop3A_77], %parallel_loop3A_110 {add = true} : memref<4x10240xf32, #tpu.memory_space<vmem>>[vector<16xi32>, vector<16xi32>], vector<16xf32>,
        %parallel_loop3A_111 = arith.mulf %parallel_loop3A_105, %parallel_loop3A_71 : vector<16xf32>
        tpu.vector_store_idx %arg7[%parallel_loop3A_109, %parallel_loop3A_77], %parallel_loop3A_111 {add = true} : memref<4x10240xf32, #tpu.memory_space<vmem>>[vector<16xi32>, vector<16xi32>], vector<16xf32>,
      } {sc.loop_unroll_factor = 20 : i64, sc.parallel_access}
      %scan3A_62 = arith.constant 0 : i32
      scf.yield %scan3A_62 : i32
    }
    %scan3A_17 = arith.constant 20 : i32
    %mul3A_18 = arith.constant 2 : i32
    %mul3A_19 = arith.muli %mul3A_18, %mul3A_2 : i32
    "tpu.region"() ({
      %run_scoped3A = tpu.sem_alloc : memref<!tpu.dma_semaphore, #tpu.memory_space<semaphore_mem>>
      %dma_start3A_20 = arith.constant 0 : i32
      %dma_start3A_21 = tpu.memref_slice %arg5[%mul3A_19, %dma_start3A_20] : memref<128x10240xf32, #tpu.memory_space<hbm>> -> memref<4x10240xf32, #tpu.memory_space<hbm>>
      %dma_start3A_22 = arith.constant 0 : i32
      %dma_start3A_23 = tpu.memref_slice %arg5[%mul3A_19, %dma_start3A_22] : memref<128x10240xf32, #tpu.memory_space<hbm>> -> memref<4x10240xf32, #tpu.memory_space<hbm>>
      tpu.enqueue_dma source(%arg7 : memref<4x10240xf32, #tpu.memory_space<vmem>>) target(%dma_start3A_23 : memref<4x10240xf32, #tpu.memory_space<hbm>>) target_semaphore(%run_scoped3A : memref<!tpu.dma_semaphore, #tpu.memory_space<semaphore_mem>>)
      %dma_wait3A = arith.constant 0 : i32
      %dma_wait3A_24 = tpu.memref_slice %arg5[%mul3A_19, %dma_wait3A] : memref<128x10240xf32, #tpu.memory_space<hbm>> -> memref<4x10240xf32, #tpu.memory_space<hbm>>
      %dma_wait3A_25 = arith.constant 0 : i32
      %dma_wait3A_26 = tpu.memref_slice %arg5[%mul3A_19, %dma_wait3A_25] : memref<128x10240xf32, #tpu.memory_space<hbm>> -> memref<4x10240xf32, #tpu.memory_space<hbm>>
      tpu.wait_dma2 semaphore(%run_scoped3A : memref<!tpu.dma_semaphore, #tpu.memory_space<semaphore_mem>>) src(%arg7 : memref<4x10240xf32, #tpu.memory_space<vmem>>) dst(%dma_wait3A_26 : memref<4x10240xf32, #tpu.memory_space<hbm>>)
      tpu.yield
    }) : () -> ()
    return
  }
}

module attributes {stable_mosaic.version = 14 : i64} {
  func.func @body(%arg0: i32, %arg1: memref<2048x32xf32, #tpu.memory_space<vmem>>, %arg2: memref<2048x128xf32, #tpu.memory_space<vmem>>, %arg3: memref<2048x128xf32, #tpu.memory_space<vmem>>, %arg4: memref<128x128xf32, #tpu.memory_space<vmem>>, %arg5: memref<128x128xf32, #tpu.memory_space<vmem>>, %arg6: memref<128x128xf32, #tpu.memory_space<vmem>>, %arg7: memref<128x128xf32, #tpu.memory_space<vmem>>, %arg8: memref<1x128xf32, #tpu.memory_space<vmem>>, %arg9: memref<1x128xf32, #tpu.memory_space<vmem>>, %arg10: memref<2048x1xf32, #tpu.memory_space<vmem>>, %arg11: memref<2048x128xf32, #tpu.memory_space<vmem>>, %arg12: memref<2048x128xf32, #tpu.memory_space<vmem>>, %arg13: memref<2048x64xi32, #tpu.memory_space<vmem>>, %arg14: memref<2048x64xi32, #tpu.memory_space<vmem>>) attributes {dimension_semantics = [#tpu.dimension_semantics<arbitrary>], iteration_bounds = array<i64: 5>, scalar_prefetch = 0 : i64, scratch_operands = 0 : i64, tpu.core_type = #tpu.core_type<tc>, window_params = [{transform_indices = @transform_0, window_bounds = array<i64: 2048, 32>}, {transform_indices = @transform_1, window_bounds = array<i64: 2048, 128>}, {transform_indices = @transform_2, window_bounds = array<i64: 2048, 128>}, {pipeline_mode = #tpu.pipeline_mode<synchronous>, transform_indices = @transform_3, window_bounds = array<i64: 128, 128>}, {pipeline_mode = #tpu.pipeline_mode<synchronous>, transform_indices = @transform_4, window_bounds = array<i64: 128, 128>}, {pipeline_mode = #tpu.pipeline_mode<synchronous>, transform_indices = @transform_5, window_bounds = array<i64: 128, 128>}, {pipeline_mode = #tpu.pipeline_mode<synchronous>, transform_indices = @transform_6, window_bounds = array<i64: 128, 128>}, {pipeline_mode = #tpu.pipeline_mode<synchronous>, transform_indices = @transform_7, window_bounds = array<i64: 1, 128>}, {pipeline_mode = #tpu.pipeline_mode<synchronous>, transform_indices = @transform_8, window_bounds = array<i64: 1, 128>}, {transform_indices = @transform_9, window_bounds = array<i64: 2048, 1>}, {transform_indices = @transform_10, window_bounds = array<i64: 2048, 128>}, {transform_indices = @transform_11, window_bounds = array<i64: 2048, 128>}, {transform_indices = @transform_12, window_bounds = array<i64: 2048, 64>}, {transform_indices = @transform_13, window_bounds = array<i64: 2048, 64>}]} {
    %get3A = arith.constant 0 : index
    %get3A_0 = arith.constant 0 : index
    %get3A_1 = vector.load %arg1[%get3A, %get3A_0] : memref<2048x32xf32, #tpu.memory_space<vmem>>, vector<2048x32xf32>
    %reduce_sum3A = arith.constant dense<0.000000e+00> : vector<2048xf32>
    %reduce_sum3A_2 = vector.multi_reduction <add>, %get3A_1, %reduce_sum3A [1] : vector<2048x32xf32> to vector<2048xf32>
    %gt3A = arith.constant 0.000000e+00 : f32
    %gt3A_3 = vector.broadcast %gt3A : f32 to vector<2048xf32>
    %gt3A_4 = arith.cmpf ogt, %reduce_sum3A_2, %gt3A_3 : vector<2048xf32>
    %gt3A_5 = arith.constant 0.000000e+00 : f32
    %gt3A_6 = vector.broadcast %gt3A_5 : f32 to vector<2048xf32>
    %gt3A_7 = arith.cmpf ogt, %reduce_sum3A_2, %gt3A_6 : vector<2048xf32>
    %jit3A = arith.constant 1.000000e+00 : f32
    %broadcast_in_dim3A = vector.broadcast %jit3A : f32 to vector<2048xf32>
    %select_n3A = arith.select %gt3A_7, %reduce_sum3A_2, %broadcast_in_dim3A : vector<2048xi1>, vector<2048xf32>
    %rsqrt3A = math.rsqrt %select_n3A : vector<2048xf32>
    %jit3A_8 = arith.constant 0.000000e+00 : f32
    %broadcast_in_dim3A_9 = vector.broadcast %jit3A_8 : f32 to vector<2048xf32>
    %select_n3A_10 = arith.select %gt3A_4, %rsqrt3A, %broadcast_in_dim3A_9 : vector<2048xi1>, vector<2048xf32>
    %broadcast_in_dim3A_11 = vector.shape_cast %select_n3A_10 : vector<2048xf32> to vector<2048x1xf32>
    %swap3A = arith.constant 0 : index
    %swap3A_12 = arith.constant 0 : index
    %swap3A_13 = vector.load %arg10[%swap3A, %swap3A_12] : memref<2048x1xf32, #tpu.memory_space<vmem>>, vector<2048x1xf32>
    tpu.vector_store %arg10[%swap3A, %swap3A_12], %broadcast_in_dim3A_11 {strides = array<i32>} : memref<2048x1xf32, #tpu.memory_space<vmem>>, vector<2048x1xf32>,
    %get3A_14 = arith.constant 0 : index
    %get3A_15 = arith.constant 0 : index
    %get3A_16 = vector.load %arg2[%get3A_14, %get3A_15] : memref<2048x128xf32, #tpu.memory_space<vmem>>, vector<2048x128xf32>
    %get3A_17 = arith.constant 0 : index
    %get3A_18 = arith.constant 0 : index
    %get3A_19 = vector.load %arg3[%get3A_17, %get3A_18] : memref<2048x128xf32, #tpu.memory_space<vmem>>, vector<2048x128xf32>
    %mul3A = vector.broadcast %broadcast_in_dim3A_11 : vector<2048x1xf32> to vector<2048x128xf32>
    %mul3A_20 = arith.mulf %mul3A, %get3A_16 : vector<2048x128xf32>
    %slice3A = vector.extract_strided_slice %mul3A_20 {offsets = [0, 0], sizes = [2048, 64], strides = [1, 1]} : vector<2048x128xf32> to vector<2048x64xf32>
    %convert_element_type3A = arith.truncf %slice3A : vector<2048x64xf32> to vector<2048x64xbf16>
    %bitcast_convert_type3A = tpu.bitcast %convert_element_type3A : vector<2048x64xbf16> -> vector<2048x64xi16>
    %slice3A_21 = vector.extract_strided_slice %mul3A_20 {offsets = [0, 64], sizes = [2048, 64], strides = [1, 1]} : vector<2048x128xf32> to vector<2048x64xf32>
    %convert_element_type3A_22 = arith.truncf %slice3A_21 : vector<2048x64xf32> to vector<2048x64xbf16>
    %bitcast_convert_type3A_23 = tpu.bitcast %convert_element_type3A_22 : vector<2048x64xbf16> -> vector<2048x64xi16>
    %convert_element_type3A_24 = arith.extui %bitcast_convert_type3A : vector<2048x64xi16> to vector<2048x64xi32>
    %convert_element_type3A_25 = arith.extui %bitcast_convert_type3A_23 : vector<2048x64xi16> to vector<2048x64xi32>
    %shift_left3A = arith.constant 16 : i32
    %shift_left3A_26 = vector.broadcast %shift_left3A : i32 to vector<2048x64xi32>
    %shift_left3A_27 = arith.shli %convert_element_type3A_25, %shift_left3A_26 : vector<2048x64xi32>
    %or3A = arith.ori %convert_element_type3A_24, %shift_left3A_27 : vector<2048x64xi32>
    %swap3A_28 = arith.constant 0 : index
    %swap3A_29 = arith.constant 0 : index
    %swap3A_30 = vector.load %arg13[%swap3A_28, %swap3A_29] : memref<2048x64xi32, #tpu.memory_space<vmem>>, vector<2048x64xi32>
    tpu.vector_store %arg13[%swap3A_28, %swap3A_29], %or3A {strides = array<i32>} : memref<2048x64xi32, #tpu.memory_space<vmem>>, vector<2048x64xi32>,
    %mul3A_31 = vector.broadcast %broadcast_in_dim3A_11 : vector<2048x1xf32> to vector<2048x128xf32>
    %mul3A_32 = arith.mulf %mul3A_31, %get3A_19 : vector<2048x128xf32>
    %slice3A_33 = vector.extract_strided_slice %mul3A_32 {offsets = [0, 0], sizes = [2048, 64], strides = [1, 1]} : vector<2048x128xf32> to vector<2048x64xf32>
    %convert_element_type3A_34 = arith.truncf %slice3A_33 : vector<2048x64xf32> to vector<2048x64xbf16>
    %bitcast_convert_type3A_35 = tpu.bitcast %convert_element_type3A_34 : vector<2048x64xbf16> -> vector<2048x64xi16>
    %slice3A_36 = vector.extract_strided_slice %mul3A_32 {offsets = [0, 64], sizes = [2048, 64], strides = [1, 1]} : vector<2048x128xf32> to vector<2048x64xf32>
    %convert_element_type3A_37 = arith.truncf %slice3A_36 : vector<2048x64xf32> to vector<2048x64xbf16>
    %bitcast_convert_type3A_38 = tpu.bitcast %convert_element_type3A_37 : vector<2048x64xbf16> -> vector<2048x64xi16>
    %convert_element_type3A_39 = arith.extui %bitcast_convert_type3A_35 : vector<2048x64xi16> to vector<2048x64xi32>
    %convert_element_type3A_40 = arith.extui %bitcast_convert_type3A_38 : vector<2048x64xi16> to vector<2048x64xi32>
    %shift_left3A_41 = arith.constant 16 : i32
    %shift_left3A_42 = vector.broadcast %shift_left3A_41 : i32 to vector<2048x64xi32>
    %shift_left3A_43 = arith.shli %convert_element_type3A_40, %shift_left3A_42 : vector<2048x64xi32>
    %or3A_44 = arith.ori %convert_element_type3A_39, %shift_left3A_43 : vector<2048x64xi32>
    %swap3A_45 = arith.constant 0 : index
    %swap3A_46 = arith.constant 0 : index
    %swap3A_47 = vector.load %arg14[%swap3A_45, %swap3A_46] : memref<2048x64xi32, #tpu.memory_space<vmem>>, vector<2048x64xi32>
    tpu.vector_store %arg14[%swap3A_45, %swap3A_46], %or3A_44 {strides = array<i32>} : memref<2048x64xi32, #tpu.memory_space<vmem>>, vector<2048x64xi32>,
    %get3A_48 = arith.constant 0 : index
    %get3A_49 = arith.constant 0 : index
    %get3A_50 = vector.load %arg4[%get3A_48, %get3A_49] : memref<128x128xf32, #tpu.memory_space<vmem>>, vector<128x128xf32>
    %dot_general3A = arith.constant dense<0.000000e+00> : vector<2048x128xf32>
    %dot_general3A_51 = tpu.matmul %get3A_16, %get3A_50, %dot_general3A {dimension_numbers = #tpu.dot_dimension_numbers<[1], [0], [0], [1], [0, 0, 1, 1], [], []>, precision = #tpu.contract_precision<fp32>, transpose_lhs_hint = false} : vector<2048x128xf32>, vector<128x128xf32>, vector<2048x128xf32> -> vector<2048x128xf32>
    %get3A_52 = arith.constant 0 : index
    %get3A_53 = arith.constant 0 : index
    %get3A_54 = vector.load %arg5[%get3A_52, %get3A_53] : memref<128x128xf32, #tpu.memory_space<vmem>>, vector<128x128xf32>
    %dot_general3A_55 = arith.constant dense<0.000000e+00> : vector<2048x128xf32>
    %dot_general3A_56 = tpu.matmul %get3A_19, %get3A_54, %dot_general3A_55 {dimension_numbers = #tpu.dot_dimension_numbers<[1], [0], [0], [1], [0, 0, 1, 1], [], []>, precision = #tpu.contract_precision<fp32>, transpose_lhs_hint = false} : vector<2048x128xf32>, vector<128x128xf32>, vector<2048x128xf32> -> vector<2048x128xf32>
    %add3A = arith.addf %dot_general3A_51, %dot_general3A_56 : vector<2048x128xf32>
    %get3A_57 = arith.constant 0 : index
    %get3A_58 = arith.constant 0 : index
    %get3A_59 = vector.load %arg8[%get3A_57, %get3A_58] : memref<1x128xf32, #tpu.memory_space<vmem>>, vector<1x128xf32>
    %add3A_60 = vector.broadcast %get3A_59 : vector<1x128xf32> to vector<2048x128xf32>
    %add3A_61 = arith.addf %add3A, %add3A_60 : vector<2048x128xf32>
    %swap3A_62 = arith.constant 0 : index
    %swap3A_63 = arith.constant 0 : index
    %swap3A_64 = vector.load %arg11[%swap3A_62, %swap3A_63] : memref<2048x128xf32, #tpu.memory_space<vmem>>, vector<2048x128xf32>
    tpu.vector_store %arg11[%swap3A_62, %swap3A_63], %add3A_61 {strides = array<i32>} : memref<2048x128xf32, #tpu.memory_space<vmem>>, vector<2048x128xf32>,
    %get3A_65 = arith.constant 0 : index
    %get3A_66 = arith.constant 0 : index
    %get3A_67 = vector.load %arg6[%get3A_65, %get3A_66] : memref<128x128xf32, #tpu.memory_space<vmem>>, vector<128x128xf32>
    %dot_general3A_68 = arith.constant dense<0.000000e+00> : vector<2048x128xf32>
    %dot_general3A_69 = tpu.matmul %get3A_16, %get3A_67, %dot_general3A_68 {dimension_numbers = #tpu.dot_dimension_numbers<[1], [0], [0], [1], [0, 0, 1, 1], [], []>, precision = #tpu.contract_precision<fp32>, transpose_lhs_hint = false} : vector<2048x128xf32>, vector<128x128xf32>, vector<2048x128xf32> -> vector<2048x128xf32>
    %get3A_70 = arith.constant 0 : index
    %get3A_71 = arith.constant 0 : index
    %get3A_72 = vector.load %arg7[%get3A_70, %get3A_71] : memref<128x128xf32, #tpu.memory_space<vmem>>, vector<128x128xf32>
    %dot_general3A_73 = arith.constant dense<0.000000e+00> : vector<2048x128xf32>
    %dot_general3A_74 = tpu.matmul %get3A_19, %get3A_72, %dot_general3A_73 {dimension_numbers = #tpu.dot_dimension_numbers<[1], [0], [0], [1], [0, 0, 1, 1], [], []>, precision = #tpu.contract_precision<fp32>, transpose_lhs_hint = false} : vector<2048x128xf32>, vector<128x128xf32>, vector<2048x128xf32> -> vector<2048x128xf32>
    %add3A_75 = arith.addf %dot_general3A_69, %dot_general3A_74 : vector<2048x128xf32>
    %get3A_76 = arith.constant 0 : index
    %get3A_77 = arith.constant 0 : index
    %get3A_78 = vector.load %arg9[%get3A_76, %get3A_77] : memref<1x128xf32, #tpu.memory_space<vmem>>, vector<1x128xf32>
    %add3A_79 = vector.broadcast %get3A_78 : vector<1x128xf32> to vector<2048x128xf32>
    %add3A_80 = arith.addf %add3A_75, %add3A_79 : vector<2048x128xf32>
    %swap3A_81 = arith.constant 0 : index
    %swap3A_82 = arith.constant 0 : index
    %swap3A_83 = vector.load %arg12[%swap3A_81, %swap3A_82] : memref<2048x128xf32, #tpu.memory_space<vmem>>, vector<2048x128xf32>
    tpu.vector_store %arg12[%swap3A_81, %swap3A_82], %add3A_80 {strides = array<i32>} : memref<2048x128xf32, #tpu.memory_space<vmem>>, vector<2048x128xf32>,
    return
  }
  func.func @transform_0(%arg0: i32) -> (i32, i32) {
    %c0_i32 = arith.constant 0 : i32
    %c0_i32_0 = arith.constant 0 : i32
    return %arg0, %c0_i32 : i32, i32
  }
  func.func @transform_1(%arg0: i32) -> (i32, i32) {
    %c0_i32 = arith.constant 0 : i32
    %c0_i32_0 = arith.constant 0 : i32
    return %arg0, %c0_i32 : i32, i32
  }
  func.func @transform_2(%arg0: i32) -> (i32, i32) {
    %c0_i32 = arith.constant 0 : i32
    %c0_i32_0 = arith.constant 0 : i32
    return %arg0, %c0_i32 : i32, i32
  }
  func.func @transform_3(%arg0: i32) -> (i32, i32) {
    %c0_i32 = arith.constant 0 : i32
    %c0_i32_0 = arith.constant 0 : i32
    %c0_i32_1 = arith.constant 0 : i32
    return %c0_i32, %c0_i32_0 : i32, i32
  }
  func.func @transform_4(%arg0: i32) -> (i32, i32) {
    %c0_i32 = arith.constant 0 : i32
    %c0_i32_0 = arith.constant 0 : i32
    %c0_i32_1 = arith.constant 0 : i32
    return %c0_i32, %c0_i32_0 : i32, i32
  }
  func.func @transform_5(%arg0: i32) -> (i32, i32) {
    %c0_i32 = arith.constant 0 : i32
    %c0_i32_0 = arith.constant 0 : i32
    %c0_i32_1 = arith.constant 0 : i32
    return %c0_i32, %c0_i32_0 : i32, i32
  }
  func.func @transform_6(%arg0: i32) -> (i32, i32) {
    %c0_i32 = arith.constant 0 : i32
    %c0_i32_0 = arith.constant 0 : i32
    %c0_i32_1 = arith.constant 0 : i32
    return %c0_i32, %c0_i32_0 : i32, i32
  }
  func.func @transform_7(%arg0: i32) -> (i32, i32) {
    %c0_i32 = arith.constant 0 : i32
    %c0_i32_0 = arith.constant 0 : i32
    %c0_i32_1 = arith.constant 0 : i32
    return %c0_i32, %c0_i32_0 : i32, i32
  }
  func.func @transform_8(%arg0: i32) -> (i32, i32) {
    %c0_i32 = arith.constant 0 : i32
    %c0_i32_0 = arith.constant 0 : i32
    %c0_i32_1 = arith.constant 0 : i32
    return %c0_i32, %c0_i32_0 : i32, i32
  }
  func.func @transform_9(%arg0: i32) -> (i32, i32) {
    %c0_i32 = arith.constant 0 : i32
    %c0_i32_0 = arith.constant 0 : i32
    return %arg0, %c0_i32 : i32, i32
  }
  func.func @transform_10(%arg0: i32) -> (i32, i32) {
    %c0_i32 = arith.constant 0 : i32
    %c0_i32_0 = arith.constant 0 : i32
    return %arg0, %c0_i32 : i32, i32
  }
  func.func @transform_11(%arg0: i32) -> (i32, i32) {
    %c0_i32 = arith.constant 0 : i32
    %c0_i32_0 = arith.constant 0 : i32
    return %arg0, %c0_i32 : i32, i32
  }
  func.func @transform_12(%arg0: i32) -> (i32, i32) {
    %c0_i32 = arith.constant 0 : i32
    %c0_i32_0 = arith.constant 0 : i32
    return %arg0, %c0_i32 : i32, i32
  }
  func.func @transform_13(%arg0: i32) -> (i32, i32) {
    %c0_i32 = arith.constant 0 : i32
    %c0_i32_0 = arith.constant 0 : i32
    return %arg0, %c0_i32 : i32, i32
  }
}

module attributes {stable_mosaic.version = 14 : i64} {
  func.func @body(%arg0: i32, %arg1: memref<2048x128xf32, #tpu.memory_space<vmem>>, %arg2: memref<2048x128xf32, #tpu.memory_space<vmem>>, %arg3: memref<2048x128xf32, #tpu.memory_space<vmem>>, %arg4: memref<128x2048xf32, #tpu.memory_space<vmem>>, %arg5: memref<128x2048xf32, #tpu.memory_space<vmem>>, %arg6: memref<2048x1xf32, #tpu.memory_space<vmem>>, %arg7: memref<2048x128xf32, #tpu.memory_space<vmem>>, %arg8: memref<128x128xf32, #tpu.memory_space<vmem>>, %arg9: memref<128x128xf32, #tpu.memory_space<vmem>>, %arg10: memref<128x128xf32, #tpu.memory_space<vmem>>, %arg11: memref<128x128xf32, #tpu.memory_space<vmem>>, %arg12: memref<128x128xf32, #tpu.memory_space<vmem>>, %arg13: memref<128x128xf32, #tpu.memory_space<vmem>>, %arg14: memref<1x128xf32, #tpu.memory_space<vmem>>, %arg15: memref<2048x128xf32, #tpu.memory_space<vmem>>, %arg16: memref<2048x64xi32, #tpu.memory_space<vmem>>, %arg17: memref<2048x128xf32, #tpu.memory_space<vmem>>) attributes {dimension_semantics = [#tpu.dimension_semantics<arbitrary>], iteration_bounds = array<i64: 5>, scalar_prefetch = 0 : i64, scratch_operands = 0 : i64, tpu.core_type = #tpu.core_type<tc>, window_params = [{transform_indices = @transform_0, window_bounds = array<i64: 2048, 128>}, {transform_indices = @transform_1, window_bounds = array<i64: 2048, 128>}, {transform_indices = @transform_2, window_bounds = array<i64: 2048, 128>}, {transform_indices = @transform_3, window_bounds = array<i64: 128, 2048>}, {transform_indices = @transform_4, window_bounds = array<i64: 128, 2048>}, {transform_indices = @transform_5, window_bounds = array<i64: 2048, 1>}, {transform_indices = @transform_6, window_bounds = array<i64: 2048, 128>}, {pipeline_mode = #tpu.pipeline_mode<synchronous>, transform_indices = @transform_7, window_bounds = array<i64: 128, 128>}, {pipeline_mode = #tpu.pipeline_mode<synchronous>, transform_indices = @transform_8, window_bounds = array<i64: 128, 128>}, {pipeline_mode = #tpu.pipeline_mode<synchronous>, transform_indices = @transform_9, window_bounds = array<i64: 128, 128>}, {pipeline_mode = #tpu.pipeline_mode<synchronous>, transform_indices = @transform_10, window_bounds = array<i64: 128, 128>}, {pipeline_mode = #tpu.pipeline_mode<synchronous>, transform_indices = @transform_11, window_bounds = array<i64: 128, 128>}, {pipeline_mode = #tpu.pipeline_mode<synchronous>, transform_indices = @transform_12, window_bounds = array<i64: 128, 128>}, {pipeline_mode = #tpu.pipeline_mode<synchronous>, transform_indices = @transform_13, window_bounds = array<i64: 1, 128>}, {transform_indices = @transform_14, window_bounds = array<i64: 2048, 128>}, {transform_indices = @transform_15, window_bounds = array<i64: 2048, 64>}, {transform_indices = @transform_16, window_bounds = array<i64: 2048, 128>}]} {
    %get3A = arith.constant 0 : index
    %get3A_0 = arith.constant 0 : index
    %get3A_1 = vector.load %arg6[%get3A, %get3A_0] : memref<2048x1xf32, #tpu.memory_space<vmem>>, vector<2048x1xf32>
    %get3A_2 = arith.constant 0 : index
    %get3A_3 = arith.constant 0 : index
    %get3A_4 = vector.load %arg4[%get3A_2, %get3A_3] : memref<128x2048xf32, #tpu.memory_space<vmem>>, vector<128x2048xf32>
    %get3A_5 = arith.constant 0 : index
    %get3A_6 = arith.constant 0 : index
    %get3A_7 = vector.load %arg5[%get3A_5, %get3A_6] : memref<128x2048xf32, #tpu.memory_space<vmem>>, vector<128x2048xf32>
    %get3A_8 = arith.constant 0 : index
    %get3A_9 = arith.constant 0 : index
    %get3A_10 = vector.load %arg1[%get3A_8, %get3A_9] : memref<2048x128xf32, #tpu.memory_space<vmem>>, vector<2048x128xf32>
    %get3A_11 = arith.constant 0 : index
    %get3A_12 = arith.constant 0 : index
    %get3A_13 = vector.load %arg8[%get3A_11, %get3A_12] : memref<128x128xf32, #tpu.memory_space<vmem>>, vector<128x128xf32>
    %dot_general3A = arith.constant dense<0.000000e+00> : vector<2048x128xf32>
    %dot_general3A_14 = tpu.matmul %get3A_4, %get3A_13, %dot_general3A {dimension_numbers = #tpu.dot_dimension_numbers<[0], [0], [1], [1], [0, 1, 1, 1], [], []>, precision = #tpu.contract_precision<fp32>, transpose_lhs_hint = false} : vector<128x2048xf32>, vector<128x128xf32>, vector<2048x128xf32> -> vector<2048x128xf32>
    %get3A_15 = arith.constant 0 : index
    %get3A_16 = arith.constant 0 : index
    %get3A_17 = vector.load %arg9[%get3A_15, %get3A_16] : memref<128x128xf32, #tpu.memory_space<vmem>>, vector<128x128xf32>
    %dot_general3A_18 = arith.constant dense<0.000000e+00> : vector<2048x128xf32>
    %dot_general3A_19 = tpu.matmul %get3A_7, %get3A_17, %dot_general3A_18 {dimension_numbers = #tpu.dot_dimension_numbers<[0], [0], [1], [1], [0, 1, 1, 1], [], []>, precision = #tpu.contract_precision<fp32>, transpose_lhs_hint = false} : vector<128x2048xf32>, vector<128x128xf32>, vector<2048x128xf32> -> vector<2048x128xf32>
    %add3A = arith.addf %dot_general3A_14, %dot_general3A_19 : vector<2048x128xf32>
    %mul3A = vector.broadcast %get3A_1 : vector<2048x1xf32> to vector<2048x128xf32>
    %mul3A_20 = arith.mulf %mul3A, %add3A : vector<2048x128xf32>
    %sub3A = arith.subf %get3A_10, %mul3A_20 : vector<2048x128xf32>
    %neg3A = arith.constant 0.000000e+00 : f32
    %neg3A_21 = vector.broadcast %neg3A : f32 to vector<2048x128xf32>
    %neg3A_22 = arith.subf %neg3A_21, %sub3A : vector<2048x128xf32>
    %exp3A = math.exp %neg3A_22 : vector<2048x128xf32>
    %add3A_23 = arith.constant 1.000000e+00 : f32
    %add3A_24 = vector.broadcast %add3A_23 : f32 to vector<2048x128xf32>
    %add3A_25 = arith.addf %add3A_24, %exp3A : vector<2048x128xf32>
    %div3A = arith.constant 1.000000e+00 : f32
    %div3A_26 = vector.broadcast %div3A : f32 to vector<2048x128xf32>
    %div3A_27 = arith.divf %div3A_26, %add3A_25 : vector<2048x128xf32>
    %get3A_28 = arith.constant 0 : index
    %get3A_29 = arith.constant 0 : index
    %get3A_30 = vector.load %arg2[%get3A_28, %get3A_29] : memref<2048x128xf32, #tpu.memory_space<vmem>>, vector<2048x128xf32>
    %get3A_31 = arith.constant 0 : index
    %get3A_32 = arith.constant 0 : index
    %get3A_33 = vector.load %arg10[%get3A_31, %get3A_32] : memref<128x128xf32, #tpu.memory_space<vmem>>, vector<128x128xf32>
    %dot_general3A_34 = arith.constant dense<0.000000e+00> : vector<2048x128xf32>
    %dot_general3A_35 = tpu.matmul %get3A_4, %get3A_33, %dot_general3A_34 {dimension_numbers = #tpu.dot_dimension_numbers<[0], [0], [1], [1], [0, 1, 1, 1], [], []>, precision = #tpu.contract_precision<fp32>, transpose_lhs_hint = false} : vector<128x2048xf32>, vector<128x128xf32>, vector<2048x128xf32> -> vector<2048x128xf32>
    %get3A_36 = arith.constant 0 : index
    %get3A_37 = arith.constant 0 : index
    %get3A_38 = vector.load %arg11[%get3A_36, %get3A_37] : memref<128x128xf32, #tpu.memory_space<vmem>>, vector<128x128xf32>
    %dot_general3A_39 = arith.constant dense<0.000000e+00> : vector<2048x128xf32>
    %dot_general3A_40 = tpu.matmul %get3A_7, %get3A_38, %dot_general3A_39 {dimension_numbers = #tpu.dot_dimension_numbers<[0], [0], [1], [1], [0, 1, 1, 1], [], []>, precision = #tpu.contract_precision<fp32>, transpose_lhs_hint = false} : vector<128x2048xf32>, vector<128x128xf32>, vector<2048x128xf32> -> vector<2048x128xf32>
    %add3A_41 = arith.addf %dot_general3A_35, %dot_general3A_40 : vector<2048x128xf32>
    %mul3A_42 = vector.broadcast %get3A_1 : vector<2048x1xf32> to vector<2048x128xf32>
    %mul3A_43 = arith.mulf %mul3A_42, %add3A_41 : vector<2048x128xf32>
    %sub3A_44 = arith.subf %get3A_30, %mul3A_43 : vector<2048x128xf32>
    %neg3A_45 = arith.constant 0.000000e+00 : f32
    %neg3A_46 = vector.broadcast %neg3A_45 : f32 to vector<2048x128xf32>
    %neg3A_47 = arith.subf %neg3A_46, %sub3A_44 : vector<2048x128xf32>
    %exp3A_48 = math.exp %neg3A_47 : vector<2048x128xf32>
    %add3A_49 = arith.constant 1.000000e+00 : f32
    %add3A_50 = vector.broadcast %add3A_49 : f32 to vector<2048x128xf32>
    %add3A_51 = arith.addf %add3A_50, %exp3A_48 : vector<2048x128xf32>
    %div3A_52 = arith.constant 1.000000e+00 : f32
    %div3A_53 = vector.broadcast %div3A_52 : f32 to vector<2048x128xf32>
    %div3A_54 = arith.divf %div3A_53, %add3A_51 : vector<2048x128xf32>
    %get3A_55 = arith.constant 0 : index
    %get3A_56 = arith.constant 0 : index
    %get3A_57 = vector.load %arg7[%get3A_55, %get3A_56] : memref<2048x128xf32, #tpu.memory_space<vmem>>, vector<2048x128xf32>
    %mul3A_58 = arith.mulf %get3A_57, %div3A_54 : vector<2048x128xf32>
    %swap3A = arith.constant 0 : index
    %swap3A_59 = arith.constant 0 : index
    %swap3A_60 = vector.load %arg15[%swap3A, %swap3A_59] : memref<2048x128xf32, #tpu.memory_space<vmem>>, vector<2048x128xf32>
    tpu.vector_store %arg15[%swap3A, %swap3A_59], %div3A_27 {strides = array<i32>} : memref<2048x128xf32, #tpu.memory_space<vmem>>, vector<2048x128xf32>,
    %mul3A_61 = vector.broadcast %get3A_1 : vector<2048x1xf32> to vector<2048x128xf32>
    %mul3A_62 = arith.mulf %mul3A_61, %mul3A_58 : vector<2048x128xf32>
    %slice3A = vector.extract_strided_slice %mul3A_62 {offsets = [0, 0], sizes = [2048, 64], strides = [1, 1]} : vector<2048x128xf32> to vector<2048x64xf32>
    %convert_element_type3A = arith.truncf %slice3A : vector<2048x64xf32> to vector<2048x64xbf16>
    %bitcast_convert_type3A = tpu.bitcast %convert_element_type3A : vector<2048x64xbf16> -> vector<2048x64xi16>
    %slice3A_63 = vector.extract_strided_slice %mul3A_62 {offsets = [0, 64], sizes = [2048, 64], strides = [1, 1]} : vector<2048x128xf32> to vector<2048x64xf32>
    %convert_element_type3A_64 = arith.truncf %slice3A_63 : vector<2048x64xf32> to vector<2048x64xbf16>
    %bitcast_convert_type3A_65 = tpu.bitcast %convert_element_type3A_64 : vector<2048x64xbf16> -> vector<2048x64xi16>
    %convert_element_type3A_66 = arith.extui %bitcast_convert_type3A : vector<2048x64xi16> to vector<2048x64xi32>
    %convert_element_type3A_67 = arith.extui %bitcast_convert_type3A_65 : vector<2048x64xi16> to vector<2048x64xi32>
    %shift_left3A = arith.constant 16 : i32
    %shift_left3A_68 = vector.broadcast %shift_left3A : i32 to vector<2048x64xi32>
    %shift_left3A_69 = arith.shli %convert_element_type3A_67, %shift_left3A_68 : vector<2048x64xi32>
    %or3A = arith.ori %convert_element_type3A_66, %shift_left3A_69 : vector<2048x64xi32>
    %swap3A_70 = arith.constant 0 : index
    %swap3A_71 = arith.constant 0 : index
    %swap3A_72 = vector.load %arg16[%swap3A_70, %swap3A_71] : memref<2048x64xi32, #tpu.memory_space<vmem>>, vector<2048x64xi32>
    tpu.vector_store %arg16[%swap3A_70, %swap3A_71], %or3A {strides = array<i32>} : memref<2048x64xi32, #tpu.memory_space<vmem>>, vector<2048x64xi32>,
    %get3A_73 = arith.constant 0 : index
    %get3A_74 = arith.constant 0 : index
    %get3A_75 = vector.load %arg3[%get3A_73, %get3A_74] : memref<2048x128xf32, #tpu.memory_space<vmem>>, vector<2048x128xf32>
    %get3A_76 = arith.constant 0 : index
    %get3A_77 = arith.constant 0 : index
    %get3A_78 = vector.load %arg12[%get3A_76, %get3A_77] : memref<128x128xf32, #tpu.memory_space<vmem>>, vector<128x128xf32>
    %dot_general3A_79 = arith.constant dense<0.000000e+00> : vector<2048x128xf32>
    %dot_general3A_80 = tpu.matmul %get3A_75, %get3A_78, %dot_general3A_79 {dimension_numbers = #tpu.dot_dimension_numbers<[1], [0], [0], [1], [0, 0, 1, 1], [], []>, precision = #tpu.contract_precision<fp32>, transpose_lhs_hint = false} : vector<2048x128xf32>, vector<128x128xf32>, vector<2048x128xf32> -> vector<2048x128xf32>
    %get3A_81 = arith.constant 0 : index
    %get3A_82 = arith.constant 0 : index
    %get3A_83 = vector.load %arg14[%get3A_81, %get3A_82] : memref<1x128xf32, #tpu.memory_space<vmem>>, vector<1x128xf32>
    %add3A_84 = vector.broadcast %get3A_83 : vector<1x128xf32> to vector<2048x128xf32>
    %add3A_85 = arith.addf %dot_general3A_80, %add3A_84 : vector<2048x128xf32>
    %get3A_86 = arith.constant 0 : index
    %get3A_87 = arith.constant 0 : index
    %get3A_88 = vector.load %arg13[%get3A_86, %get3A_87] : memref<128x128xf32, #tpu.memory_space<vmem>>, vector<128x128xf32>
    %dot_general3A_89 = arith.constant dense<0.000000e+00> : vector<2048x128xf32>
    %dot_general3A_90 = tpu.matmul %mul3A_58, %get3A_88, %dot_general3A_89 {dimension_numbers = #tpu.dot_dimension_numbers<[1], [0], [0], [1], [0, 0, 1, 1], [], []>, precision = #tpu.contract_precision<fp32>, transpose_lhs_hint = false} : vector<2048x128xf32>, vector<128x128xf32>, vector<2048x128xf32> -> vector<2048x128xf32>
    %add3A_91 = arith.addf %add3A_85, %dot_general3A_90 : vector<2048x128xf32>
    %swap3A_92 = arith.constant 0 : index
    %swap3A_93 = arith.constant 0 : index
    %swap3A_94 = vector.load %arg17[%swap3A_92, %swap3A_93] : memref<2048x128xf32, #tpu.memory_space<vmem>>, vector<2048x128xf32>
    tpu.vector_store %arg17[%swap3A_92, %swap3A_93], %add3A_91 {strides = array<i32>} : memref<2048x128xf32, #tpu.memory_space<vmem>>, vector<2048x128xf32>,
    return
  }
  func.func @transform_0(%arg0: i32) -> (i32, i32) {
    %c0_i32 = arith.constant 0 : i32
    %c0_i32_0 = arith.constant 0 : i32
    return %arg0, %c0_i32 : i32, i32
  }
  func.func @transform_1(%arg0: i32) -> (i32, i32) {
    %c0_i32 = arith.constant 0 : i32
    %c0_i32_0 = arith.constant 0 : i32
    return %arg0, %c0_i32 : i32, i32
  }
  func.func @transform_2(%arg0: i32) -> (i32, i32) {
    %c0_i32 = arith.constant 0 : i32
    %c0_i32_0 = arith.constant 0 : i32
    return %arg0, %c0_i32 : i32, i32
  }
  func.func @transform_3(%arg0: i32) -> (i32, i32) {
    %c0_i32 = arith.constant 0 : i32
    %c0_i32_0 = arith.constant 0 : i32
    return %c0_i32, %arg0 : i32, i32
  }
  func.func @transform_4(%arg0: i32) -> (i32, i32) {
    %c0_i32 = arith.constant 0 : i32
    %c0_i32_0 = arith.constant 0 : i32
    return %c0_i32, %arg0 : i32, i32
  }
  func.func @transform_5(%arg0: i32) -> (i32, i32) {
    %c0_i32 = arith.constant 0 : i32
    %c0_i32_0 = arith.constant 0 : i32
    return %arg0, %c0_i32 : i32, i32
  }
  func.func @transform_6(%arg0: i32) -> (i32, i32) {
    %c0_i32 = arith.constant 0 : i32
    %c0_i32_0 = arith.constant 0 : i32
    return %arg0, %c0_i32 : i32, i32
  }
  func.func @transform_7(%arg0: i32) -> (i32, i32) {
    %c0_i32 = arith.constant 0 : i32
    %c0_i32_0 = arith.constant 0 : i32
    %c0_i32_1 = arith.constant 0 : i32
    return %c0_i32, %c0_i32_0 : i32, i32
  }
  func.func @transform_8(%arg0: i32) -> (i32, i32) {
    %c0_i32 = arith.constant 0 : i32
    %c0_i32_0 = arith.constant 0 : i32
    %c0_i32_1 = arith.constant 0 : i32
    return %c0_i32, %c0_i32_0 : i32, i32
  }
  func.func @transform_9(%arg0: i32) -> (i32, i32) {
    %c0_i32 = arith.constant 0 : i32
    %c0_i32_0 = arith.constant 0 : i32
    %c0_i32_1 = arith.constant 0 : i32
    return %c0_i32, %c0_i32_0 : i32, i32
  }
  func.func @transform_10(%arg0: i32) -> (i32, i32) {
    %c0_i32 = arith.constant 0 : i32
    %c0_i32_0 = arith.constant 0 : i32
    %c0_i32_1 = arith.constant 0 : i32
    return %c0_i32, %c0_i32_0 : i32, i32
  }
  func.func @transform_11(%arg0: i32) -> (i32, i32) {
    %c0_i32 = arith.constant 0 : i32
    %c0_i32_0 = arith.constant 0 : i32
    %c0_i32_1 = arith.constant 0 : i32
    return %c0_i32, %c0_i32_0 : i32, i32
  }
  func.func @transform_12(%arg0: i32) -> (i32, i32) {
    %c0_i32 = arith.constant 0 : i32
    %c0_i32_0 = arith.constant 0 : i32
    %c0_i32_1 = arith.constant 0 : i32
    return %c0_i32, %c0_i32_0 : i32, i32
  }
  func.func @transform_13(%arg0: i32) -> (i32, i32) {
    %c0_i32 = arith.constant 0 : i32
    %c0_i32_0 = arith.constant 0 : i32
    %c0_i32_1 = arith.constant 0 : i32
    return %c0_i32, %c0_i32_0 : i32, i32
  }
  func.func @transform_14(%arg0: i32) -> (i32, i32) {
    %c0_i32 = arith.constant 0 : i32
    %c0_i32_0 = arith.constant 0 : i32
    return %arg0, %c0_i32 : i32, i32
  }
  func.func @transform_15(%arg0: i32) -> (i32, i32) {
    %c0_i32 = arith.constant 0 : i32
    %c0_i32_0 = arith.constant 0 : i32
    return %arg0, %c0_i32 : i32, i32
  }
  func.func @transform_16(%arg0: i32) -> (i32, i32) {
    %c0_i32 = arith.constant 0 : i32
    %c0_i32_0 = arith.constant 0 : i32
    return %arg0, %c0_i32 : i32, i32
  }
}

module attributes {stable_mosaic.version = 14 : i64} {
  func.func @body(%arg0: i32, %arg1: memref<2048x128xf32, #tpu.memory_space<vmem>>, %arg2: memref<128x2048xf32, #tpu.memory_space<vmem>>, %arg3: memref<128x2048xf32, #tpu.memory_space<vmem>>, %arg4: memref<2048x1xf32, #tpu.memory_space<vmem>>, %arg5: memref<2048x128xf32, #tpu.memory_space<vmem>>, %arg6: memref<2048x128xf32, #tpu.memory_space<vmem>>, %arg7: memref<128x128xf32, #tpu.memory_space<vmem>>, %arg8: memref<128x128xf32, #tpu.memory_space<vmem>>, %arg9: memref<128x1xf32, #tpu.memory_space<vmem>>, %arg10: memref<1x1xf32, #tpu.memory_space<vmem>>, %arg11: memref<2048x1xf32, #tpu.memory_space<vmem>>, %arg12: memref<2048x128xf32, #tpu.memory_space<vmem>>) attributes {dimension_semantics = [#tpu.dimension_semantics<arbitrary>], iteration_bounds = array<i64: 5>, scalar_prefetch = 0 : i64, scratch_operands = 0 : i64, tpu.core_type = #tpu.core_type<tc>, window_params = [{transform_indices = @transform_0, window_bounds = array<i64: 2048, 128>}, {transform_indices = @transform_1, window_bounds = array<i64: 128, 2048>}, {transform_indices = @transform_2, window_bounds = array<i64: 128, 2048>}, {transform_indices = @transform_3, window_bounds = array<i64: 2048, 1>}, {transform_indices = @transform_4, window_bounds = array<i64: 2048, 128>}, {transform_indices = @transform_5, window_bounds = array<i64: 2048, 128>}, {pipeline_mode = #tpu.pipeline_mode<synchronous>, transform_indices = @transform_6, window_bounds = array<i64: 128, 128>}, {pipeline_mode = #tpu.pipeline_mode<synchronous>, transform_indices = @transform_7, window_bounds = array<i64: 128, 128>}, {pipeline_mode = #tpu.pipeline_mode<synchronous>, transform_indices = @transform_8, window_bounds = array<i64: 128, 1>}, {pipeline_mode = #tpu.pipeline_mode<synchronous>, transform_indices = @transform_9, window_bounds = array<i64: 1, 1>}, {transform_indices = @transform_10, window_bounds = array<i64: 2048, 1>}, {transform_indices = @transform_11, window_bounds = array<i64: 2048, 128>}]} {
    %get3A = arith.constant 0 : index
    %get3A_0 = arith.constant 0 : index
    %get3A_1 = vector.load %arg4[%get3A, %get3A_0] : memref<2048x1xf32, #tpu.memory_space<vmem>>, vector<2048x1xf32>
    %get3A_2 = arith.constant 0 : index
    %get3A_3 = arith.constant 0 : index
    %get3A_4 = vector.load %arg1[%get3A_2, %get3A_3] : memref<2048x128xf32, #tpu.memory_space<vmem>>, vector<2048x128xf32>
    %get3A_5 = arith.constant 0 : index
    %get3A_6 = arith.constant 0 : index
    %get3A_7 = vector.load %arg2[%get3A_5, %get3A_6] : memref<128x2048xf32, #tpu.memory_space<vmem>>, vector<128x2048xf32>
    %get3A_8 = arith.constant 0 : index
    %get3A_9 = arith.constant 0 : index
    %get3A_10 = vector.load %arg7[%get3A_8, %get3A_9] : memref<128x128xf32, #tpu.memory_space<vmem>>, vector<128x128xf32>
    %dot_general3A = arith.constant dense<0.000000e+00> : vector<2048x128xf32>
    %dot_general3A_11 = tpu.matmul %get3A_7, %get3A_10, %dot_general3A {dimension_numbers = #tpu.dot_dimension_numbers<[0], [0], [1], [1], [0, 1, 1, 1], [], []>, precision = #tpu.contract_precision<fp32>, transpose_lhs_hint = false} : vector<128x2048xf32>, vector<128x128xf32>, vector<2048x128xf32> -> vector<2048x128xf32>
    %get3A_12 = arith.constant 0 : index
    %get3A_13 = arith.constant 0 : index
    %get3A_14 = vector.load %arg3[%get3A_12, %get3A_13] : memref<128x2048xf32, #tpu.memory_space<vmem>>, vector<128x2048xf32>
    %get3A_15 = arith.constant 0 : index
    %get3A_16 = arith.constant 0 : index
    %get3A_17 = vector.load %arg8[%get3A_15, %get3A_16] : memref<128x128xf32, #tpu.memory_space<vmem>>, vector<128x128xf32>
    %dot_general3A_18 = arith.constant dense<0.000000e+00> : vector<2048x128xf32>
    %dot_general3A_19 = tpu.matmul %get3A_14, %get3A_17, %dot_general3A_18 {dimension_numbers = #tpu.dot_dimension_numbers<[0], [0], [1], [1], [0, 1, 1, 1], [], []>, precision = #tpu.contract_precision<fp32>, transpose_lhs_hint = false} : vector<128x2048xf32>, vector<128x128xf32>, vector<2048x128xf32> -> vector<2048x128xf32>
    %add3A = arith.addf %dot_general3A_11, %dot_general3A_19 : vector<2048x128xf32>
    %mul3A = vector.broadcast %get3A_1 : vector<2048x1xf32> to vector<2048x128xf32>
    %mul3A_20 = arith.mulf %mul3A, %add3A : vector<2048x128xf32>
    %sub3A = arith.subf %get3A_4, %mul3A_20 : vector<2048x128xf32>
    %tanh3A = math.tanh %sub3A : vector<2048x128xf32>
    %get3A_21 = arith.constant 0 : index
    %get3A_22 = arith.constant 0 : index
    %get3A_23 = vector.load %arg5[%get3A_21, %get3A_22] : memref<2048x128xf32, #tpu.memory_space<vmem>>, vector<2048x128xf32>
    %get3A_24 = arith.constant 0 : index
    %get3A_25 = arith.constant 0 : index
    %get3A_26 = vector.load %arg6[%get3A_24, %get3A_25] : memref<2048x128xf32, #tpu.memory_space<vmem>>, vector<2048x128xf32>
    %mul3A_27 = arith.mulf %get3A_23, %get3A_26 : vector<2048x128xf32>
    %sub3A_28 = arith.constant 1.000000e+00 : f32
    %sub3A_29 = vector.broadcast %sub3A_28 : f32 to vector<2048x128xf32>
    %sub3A_30 = arith.subf %sub3A_29, %get3A_23 : vector<2048x128xf32>
    %mul3A_31 = arith.mulf %sub3A_30, %tanh3A : vector<2048x128xf32>
    %add3A_32 = arith.addf %mul3A_27, %mul3A_31 : vector<2048x128xf32>
    %swap3A = arith.constant 0 : index
    %swap3A_33 = arith.constant 0 : index
    %swap3A_34 = vector.load %arg12[%swap3A, %swap3A_33] : memref<2048x128xf32, #tpu.memory_space<vmem>>, vector<2048x128xf32>
    tpu.vector_store %arg12[%swap3A, %swap3A_33], %add3A_32 {strides = array<i32>} : memref<2048x128xf32, #tpu.memory_space<vmem>>, vector<2048x128xf32>,
    %max3A = arith.constant 0.000000e+00 : f32
    %max3A_35 = vector.broadcast %max3A : f32 to vector<2048x128xf32>
    %max3A_36 = arith.maximumf %add3A_32, %max3A_35 : vector<2048x128xf32>
    %get3A_37 = arith.constant 0 : index
    %get3A_38 = arith.constant 0 : index
    %get3A_39 = vector.load %arg9[%get3A_37, %get3A_38] : memref<128x1xf32, #tpu.memory_space<vmem>>, vector<128x1xf32>
    %dot_general3A_40 = arith.constant dense<0.000000e+00> : vector<2048x1xf32>
    %dot_general3A_41 = tpu.matmul %max3A_36, %get3A_39, %dot_general3A_40 {dimension_numbers = #tpu.dot_dimension_numbers<[1], [0], [0], [1], [0, 0, 1, 1], [], []>, precision = #tpu.contract_precision<fp32>, transpose_lhs_hint = false} : vector<2048x128xf32>, vector<128x1xf32>, vector<2048x1xf32> -> vector<2048x1xf32>
    %get3A_42 = arith.constant 0 : index
    %get3A_43 = arith.constant 0 : index
    %get3A_44 = vector.load %arg10[%get3A_42, %get3A_43] : memref<1x1xf32, #tpu.memory_space<vmem>>, vector<1x1xf32>
    %add3A_45 = vector.broadcast %get3A_44 : vector<1x1xf32> to vector<2048x1xf32>
    %add3A_46 = arith.addf %dot_general3A_41, %add3A_45 : vector<2048x1xf32>
    %max3A_47 = arith.constant 0.000000e+00 : f32
    %max3A_48 = vector.broadcast %max3A_47 : f32 to vector<2048x1xf32>
    %max3A_49 = arith.maximumf %add3A_46, %max3A_48 : vector<2048x1xf32>
    %abs3A = math.absf %add3A_46 : vector<2048x1xf32>
    %neg3A = arith.constant 0.000000e+00 : f32
    %neg3A_50 = vector.broadcast %neg3A : f32 to vector<2048x1xf32>
    %neg3A_51 = arith.subf %neg3A_50, %abs3A : vector<2048x1xf32>
    %exp3A = math.exp %neg3A_51 : vector<2048x1xf32>
    %log1p3A = math.log1p %exp3A : vector<2048x1xf32>
    %add3A_52 = arith.addf %max3A_49, %log1p3A : vector<2048x1xf32>
    %swap3A_53 = arith.constant 0 : index
    %swap3A_54 = arith.constant 0 : index
    %swap3A_55 = vector.load %arg11[%swap3A_53, %swap3A_54] : memref<2048x1xf32, #tpu.memory_space<vmem>>, vector<2048x1xf32>
    tpu.vector_store %arg11[%swap3A_53, %swap3A_54], %add3A_52 {strides = array<i32>} : memref<2048x1xf32, #tpu.memory_space<vmem>>, vector<2048x1xf32>,
    return
  }
  func.func @transform_0(%arg0: i32) -> (i32, i32) {
    %c0_i32 = arith.constant 0 : i32
    %c0_i32_0 = arith.constant 0 : i32
    return %arg0, %c0_i32 : i32, i32
  }
  func.func @transform_1(%arg0: i32) -> (i32, i32) {
    %c0_i32 = arith.constant 0 : i32
    %c0_i32_0 = arith.constant 0 : i32
    return %c0_i32, %arg0 : i32, i32
  }
  func.func @transform_2(%arg0: i32) -> (i32, i32) {
    %c0_i32 = arith.constant 0 : i32
    %c0_i32_0 = arith.constant 0 : i32
    return %c0_i32, %arg0 : i32, i32
  }
  func.func @transform_3(%arg0: i32) -> (i32, i32) {
    %c0_i32 = arith.constant 0 : i32
    %c0_i32_0 = arith.constant 0 : i32
    return %arg0, %c0_i32 : i32, i32
  }
  func.func @transform_4(%arg0: i32) -> (i32, i32) {
    %c0_i32 = arith.constant 0 : i32
    %c0_i32_0 = arith.constant 0 : i32
    return %arg0, %c0_i32 : i32, i32
  }
  func.func @transform_5(%arg0: i32) -> (i32, i32) {
    %c0_i32 = arith.constant 0 : i32
    %c0_i32_0 = arith.constant 0 : i32
    return %arg0, %c0_i32 : i32, i32
  }
  func.func @transform_6(%arg0: i32) -> (i32, i32) {
    %c0_i32 = arith.constant 0 : i32
    %c0_i32_0 = arith.constant 0 : i32
    %c0_i32_1 = arith.constant 0 : i32
    return %c0_i32, %c0_i32_0 : i32, i32
  }
  func.func @transform_7(%arg0: i32) -> (i32, i32) {
    %c0_i32 = arith.constant 0 : i32
    %c0_i32_0 = arith.constant 0 : i32
    %c0_i32_1 = arith.constant 0 : i32
    return %c0_i32, %c0_i32_0 : i32, i32
  }
  func.func @transform_8(%arg0: i32) -> (i32, i32) {
    %c0_i32 = arith.constant 0 : i32
    %c0_i32_0 = arith.constant 0 : i32
    %c0_i32_1 = arith.constant 0 : i32
    return %c0_i32, %c0_i32_0 : i32, i32
  }
  func.func @transform_9(%arg0: i32) -> (i32, i32) {
    %c0_i32 = arith.constant 0 : i32
    %c0_i32_0 = arith.constant 0 : i32
    %c0_i32_1 = arith.constant 0 : i32
    return %c0_i32, %c0_i32_0 : i32, i32
  }
  func.func @transform_10(%arg0: i32) -> (i32, i32) {
    %c0_i32 = arith.constant 0 : i32
    %c0_i32_0 = arith.constant 0 : i32
    return %arg0, %c0_i32 : i32, i32
  }
  func.func @transform_11(%arg0: i32) -> (i32, i32) {
    %c0_i32 = arith.constant 0 : i32
    %c0_i32_0 = arith.constant 0 : i32
    return %arg0, %c0_i32 : i32, i32
  }
}

</mosaic_0001>

<sc_bundles>
// kernel: kernel.12.cloned.1.call-start
scs
__scs_entry_jumppad:
0x0: {  	(pc) =	sbr.rel $0x88, $3  }
0x1: {  	(tag) =	ssettag $0x0;
	lr =	simm.s32 $0x1  }
0x2: {  	[smem:$0x3F8F] =	sst lr;
	_ =	strace $0xD0000000  }
0x3: {  	_ = 	snop  }
0x4: {  	_ = 	snop  }
0x5: {  	_ = 	snop  }
0x6: {  	_ = 	snop  }
0x7: {  	_ = 	snop  }
__scs_overlays_trampoline_lowered:
0x8: {  	[smem:$0x3F9E] =	sst s0  }
0x9: {  	[smem:$0x3F9F] =	sst s1  }
0xa: {  	[smem:$0x3FA0] =	sst s2  }
0xb: {  	[smem:$0x3FA1] =	sst s3  }
0xc: {  	[smem:$0x3FA2] =	sst s4  }
0xd: {  	[smem:$0x3FA3] =	sst s5  }
0xe: {  	[smem:$0x3FA4] =	sst s6  }
0xf: {  	[smem:$0x3FA5] =	sst s7  }
0x10: {  	[smem:$0x3FA6] =	sst s8  }
0x11: {  	[smem:$0x3FA7] =	sst s9;
	s0 =	simm.s32 @!p0 $0x0  }
0x12: {  	s1 =	sld [smem:$0x3F8D];
	s0 =	simm.s32 @p0 $0x1  }
0x13: {  	[smem:$0x3FA8] =	sst s0;
	s0 =	simm.s32 @!p1 $0x0  }
0x14: {  	s2 =	sld [smem:$0x3F8C];
	s0 =	simm.s32 @p1 $0x1  }
0x15: {  	[smem:$0x3FA9] =	sst s0;
	s0 =	simm.s32 @!p2 $0x0  }
0x16: {  	s3 =	sld [smem:$0x3FDB];
	s0 =	simm.s32 @p2 $0x1  }
0x17: {  	s4 =	simm.s32 $0x1BF5;
	[smem:$0x3FAB] =	sst s0  }
0x18: {  	s0 =	sld [smem:$0x3F8E];
	_ =	swait.ge [sflag:s4], $0x0  }
0x19: {  	s7 =	sld [smem:$0x3F8F]  }
0x1a: {  	s8 =	sadd.s32 $0xFFFFE003, lr  }
0x1b: {  	s9 =	sadd.s32 $0xFFFFFEF7, lr;
	s5 =	simm.s32 $0xFFFFFFFF;
	p2 =	slt.u32 s8, $0xFFFFF086  }
0x1c: {  	p1 =	slt.u32 s9, $0xF7A;
	s5 =	simm.s32 @!p2 $0x0  }
0x1d: {  	s5 =	simm.s32 @p1 $0x1;
	p0 =	seq.s32 s7, s2  }
0x1e: {  	s7 =	smul.u32 @!p0 $0xF7A, s2;
	p2 =	seq.s32 @!p0 s5, $0x0  }
0x1f: {  	s9 =	smul.u32 $0xF7A, s1;
	s8 =	simm.s32 @!p0 $0x1BF5;
	p2 =	por !p2, p0  }
0x20: {  	[sflag:s8] =	ssyncset.s32 @!p0 $0xFFFFF086;
	s6 =	sadd.s32 @!p0 s3, s7;
	s7 =	simm.s32 @!p0 $0x108  }
0x21: {  	s3 =	sadd.s32 s3, s9;
	s6 =	sadd.s32 @!p0 $0x88, s6;
	s7 =	simm.s32 @p2 $0x1082  }
0x22: {  	[simem:s7], [sflag:s8] =	dma.local @!p0 [hbm:s6], $0xF7A  }
0x23: {  	s9 =	sor.u32 $0xD0000000, s2;
	s6 =	simm.s32 $0x108;
	_ =	swait.ge @!p0 [sflag:s8], $0x0  }
0x24: {  	s3 =	sadd.s32 $0x88, s3;
	s6 =	simm.s32 @!p1 $0x1082;
	[sflag:s4] =	ssyncset.s32 $0xFFFFF086  }
0x25: {  	[simem:s6], [sflag:s4] =	dma.local [hbm:s3], $0xF7A  }
0x26: {  	[smem:$0x3F8F] =	sst s1;
	(tag) =	ssettag s2;
	_ =	strace s9  }
0x27: {  	s1 =	sld [smem:$0x3F9F]  }
0x28: {  	s2 =	sld [smem:$0x3FA0]  }
0x29: {  	s4 =	sld [smem:$0x3FA2]  }
0x2a: {  	p0 =	seq.s32 s5, $0x0;
	s5 =	sld [smem:$0x3FA3]  }
0x2b: {  	s6 =	sld [smem:$0x3FA4]  }
0x2c: {  	s7 =	sld [smem:$0x3FA5]  }
0x2d: {  	s3 =	simm.s32 $0x108;
	s8 =	sld [smem:$0x3FA6]  }
0x2e: {  	s3 =	simm.s32 @!p0 $0x1082;
	s9 =	sld [smem:$0x3FA7]  }
0x2f: {  	lr =	sadd.s32 s0, s3;
	s0 =	sld [smem:$0x3F9E]  }
0x30: {  	s3 =	sld [smem:$0x3FA1]  }
0x31: {  	[smem:$0x3FAA] =	sst s10  }
0x32: {  	s10 =	sld [smem:$0x3FA8];
	_ =	sdelay $0x3  }
0x33: {  	p0 =	seq.s32 s10, $0x1;
	s10 =	sld [smem:$0x3FAA];
	_ =	sdelay $0x3  }
0x34: {  	[smem:$0x3FAA] =	sst s10  }
0x35: {  	s10 =	sld [smem:$0x3FA9];
	_ =	sdelay $0x3  }
0x36: {  	p1 =	seq.s32 s10, $0x1;
	s10 =	sld [smem:$0x3FAA];
	_ =	sdelay $0x3  }
0x37: {  	[smem:$0x3FAA] =	sst s10  }
0x38: {  	s10 =	sld [smem:$0x3FAB]  }
0x39: {  	_ = 	snop;
	(pc) =	sbr.ind lr, $3  }
0x3a: {  	_ = 	snop  }
0x3b: {  	_ = 	snop  }
0x3c: {  	p2 =	seq.s32 s10, $0x1;
	s10 =	sld [smem:$0x3FAA]  }
0x3d: {  	_ =	shalt  }
0x3e: {  	_ =	shalt  }
0x3f: {  	_ =	shalt  }
0x40: {  	_ =	shalt  }
0x41: {  	_ =	shalt  }
0x42: {  	_ =	shalt  }
0x43: {  	_ =	shalt  }
0x44: {  	_ =	shalt  }
0x45: {  	_ =	shalt  }
0x46: {  	_ =	shalt  }
0x47: {  	_ =	shalt  }
0x48: {  	_ =	shalt  }
0x49: {  	_ =	shalt  }
0x4a: {  	_ =	shalt  }
0x4b: {  	_ =	shalt  }
0x4c: {  	_ =	shalt  }
0x4d: {  	_ =	shalt  }
0x4e: {  	_ =	shalt  }
0x4f: {  	_ =	shalt  }
0x50: {  	_ =	shalt  }
0x51: {  	_ =	shalt  }
0x52: {  	_ =	shalt  }
0x53: {  	_ =	shalt  }
0x54: {  	_ =	shalt  }
0x55: {  	_ =	shalt  }
0x56: {  	_ =	shalt  }
0x57: {  	_ =	shalt  }
0x58: {  	_ =	shalt  }
0x59: {  	_ =	shalt  }
0x5a: {  	_ =	shalt  }
0x5b: {  	_ =	shalt  }
0x5c: {  	_ =	shalt  }
0x5d: {  	_ =	shalt  }
0x5e: {  	_ =	shalt  }
0x5f: {  	_ =	shalt  }
0x60: {  	_ =	shalt  }
0x61: {  	_ =	shalt  }
0x62: {  	_ =	shalt  }
0x63: {  	_ =	shalt  }
0x64: {  	_ =	shalt  }
0x65: {  	_ =	shalt  }
0x66: {  	_ =	shalt  }
0x67: {  	_ =	shalt  }
0x68: {  	_ =	shalt  }
0x69: {  	_ =	shalt  }
0x6a: {  	_ =	shalt  }
0x6b: {  	_ =	shalt  }
0x6c: {  	_ =	shalt  }
0x6d: {  	_ =	shalt  }
0x6e: {  	_ =	shalt  }
0x6f: {  	_ =	shalt  }
0x70: {  	_ =	shalt  }
0x71: {  	_ =	shalt  }
0x72: {  	_ =	shalt  }
0x73: {  	_ =	shalt  }
0x74: {  	_ =	shalt  }
0x75: {  	_ =	shalt  }
0x76: {  	_ =	shalt  }
0x77: {  	_ =	shalt  }
0x78: {  	_ =	shalt  }
0x79: {  	_ =	shalt  }
0x7a: {  	_ =	shalt  }
0x7b: {  	_ =	shalt  }
0x7c: {  	_ =	shalt  }
0x7d: {  	_ =	shalt  }
0x7e: {  	_ =	shalt  }
0x7f: {  	_ =	shalt  }
0x80: {  	_ =	shalt  }
0x81: {  	_ =	shalt  }
0x82: {  	_ =	shalt  }
0x83: {  	_ =	shalt  }
0x84: {  	_ =	shalt  }
0x85: {  	_ =	shalt  }
0x86: {  	_ =	shalt  }
0x87: {  	_ =	shalt  }
.Lfunc_end0:
.L_simem_size_0:
called_computation.1_lowered:
.L_overlay_start_0:
0x88: {  	s2 =	sld [smem:$0x3FD9]  }
0x89: {  	s3 =	sld [smem:$0x3FFE];
	_ =	sdelay $0x1  }
0x8a: {  	s1 =	srdreg.scid  }
0x8b: {  	s0 =	sand.u32 $0x1, s1  }
0x8c: {  	s14 =	sshll.u32 s0, $0xA;
	s2 =	sadd.s32 s3, s2  }
0x8d: {  	s2 =	sadd.s32 s2, s14  }
0x8e: {  	[smem:$0x3FB6] =	sst s2  }
0x8f: {  	_ = 	snop  }
0x90: {  	s2 =	sld [smem:$0x3FD0];
	_ =	sdelay $0x2  }
0x91: {  	s4 =	simm.s32 $0xB;
	s5 =	simm.s32 $0x10;
	s15 =	sld [smem:$0x3FC7]  }
0x92: {  	[smem:s5], [sflag:s4] =	dma.local [hbm:s2], $0x1  }
0x93: {  	_ =	swait.eq [sflag:s4], $0x1  }
0x94: {  	[sflag:s4] =	ssyncset.done $0x0  }
0x95: {  	[sflag:s4] =	ssyncadd.s32 $0xFFFFFFFF  }
0x96: {  	s16 =	sld [smem:$0x11];
	(tm) =	ssettm $0x1  }
0x97: {  	s17 =	sld [smem:$0x3FFB];
	_ =	sdelay $0x3  }
0x98: {  	_ =	strace s17  }
0x99: {  	s4 =	sld [smem:$0x3FFC];
	_ =	sdelay $0x3  }
0x9a: {  	_ =	strace s4  }
0x9b: {  	s4 =	sld [smem:$0x3FFD];
	_ =	sdelay $0x3  }
0x9c: {  	_ =	strace s4  }
0x9d: {  	_ =	strace $0x8FFFFFFF  }
0x9e: {  	s18 =	sld [smem:$0x3FDB];
	_ =	sdelay $0x1  }
0x9f: {  	s19 =	simm.s32 $_scs_section_size  }
0xa0: {  	s6 =	simm.s32 $_size__tile_overlayer_lowered;
	s7 =	simm.s32 $_tile_overlayer_lowered  }
0xa1: {  	s22 =	simm.s32 $0x1BFF;
	s21 =	sshll.u32 s7, $0x1;
	s4 =	sadd.s32 s19, s18  }
0xa2: {  	s8 =	simm.s32 $0x0;
	s20 =	sshll.u32 s6, $0x1;
	s6 =	sadd.s32 s21, s4  }
0xa3: {  	[timem:s8], [sflag:s22] =	dma.local [hbm:s6], s20  }
0xa4: {  	_ =	swait.ge [sflag:s22], s20  }
0xa5: {  	s5 =	ssub.s32 $0x0, s20;
	[sflag:s22] =	ssyncset.done $0x0  }
0xa6: {  	[sflag:s22] =	ssyncadd.s32 s5;
	_ =	sdelay $0x1  }
0xa7: {  	s23 =	simm.s32 $0x1B8B  }
0xa8: {  	_ =	swait.ge [sflag:s23], $0x1  }
0xa9: {  	[sflag:s23] =	ssyncset.done $0x0  }
0xaa: {  	s25 =	simm.s32 $0x1B8E;
	s24 =	sld [smem:$0x3FFE];
	[sflag:s23] =	ssyncadd.s32 $0xFFFFFFFF  }
0xab: {  	s26 =	simm.s32 $execute0_lowered;
	[smem:$0x3FD2] =	sst s25  }
0xac: {  	s6 =	sshll.u32 s26, $0x1;
	_ =	strace $0x80000049;
	[dreg:$0x1] =	wrdreg $0xFFFFFFFF  }
0xad: {  	s28 =	simm.s32 $_size_execute0_lowered;
	s4 =	sadd.s32 s4, s6;
	[dreg:$0x0] =	wrdreg $0x0  }
0xae: {  	s6 =	sshll.u32 s28, $0x1;
	[dreg:$0x2] =	wrdreg s4  }
0xaf: {  	[dreg:$0x3] =	wrdreg s6  }
0xb0: {  	[dreg:$0x4] =	wrdreg $0xC0  }
0xb1: {  	_ =	task [dreg:s8], $0x5FFFF  }
0xb2: {  	[dreg:$0x1] =	wrdreg $0xFFFFFFFF  }
0xb3: {  	[dreg:$0x0] =	wrdreg $0x60  }
0xb4: {  	[dreg:$0x2] =	wrdreg s24  }
0xb5: {  	[dreg:$0x3] =	wrdreg s15  }
0xb6: {  	[dreg:$0x4] =	wrdreg s16  }
0xb7: {  	[dreg:$0x5] =	wrdreg $0x9  }
0xb8: {  	_ =	task.clear_ibuf [dreg:s8], $0x6FFFF;
	_ =	strace $0x90000049  }
0xb9: {  	s29 =	simm.s32 $0x9;
	_ =	strace $0x8000004B  }
0xba: {  	_ =	swait.ge [sflag:s29], $0x1  }
0xbb: {  	[sflag:s29] =	ssyncadd.s32 $0xFFFFFFFF  }
0xbc: {  	_ =	strace $0x9000004B  }
0xbd: {  	_ =	sfence  }
0xbe: {  	s30 =	sld [smem:$0x0];
	_ =	sdelay $0x2  }
0xbf: {  	s31 =	sshll.u32 s1, $0xD;
	s1 =	sshrl.u32 s1, $0x2  }
0xc0: {  	s3 =	sand.u32 $0x4000, s31;
	s1 =	sadd.s32 s1, s30  }
0xc1: {  	s0 =	sor.u32 s3, s0;
	s1 =	sshll.u32 s1, $0x11  }
0xc2: {  	s0 =	sor.u32 s1, s0  }
0xc3: {  	s0 =	sadd.s32 $0x8F2B, s0  }
0xc4: {  	[sflag:s0] =	ssyncadd.remote.s32 $0x1  }
0xc5: {  	_ =	sfence.sel $0xFFFF  }
0xc6: {  	[dreg:$0x0] =	wrdreg $0xFFFFFFFF;
	(pc) =	sbr.abs _section_cstart, $3  }
0xc7: {  	[dreg:$0x1] =	wrdreg $0xFFFFFFFF  }
0xc8: {  	_ =	task.clear_ibuf [dreg:s8], $0x2FFFF;
	_ =	strace $0x9FFFFFFF  }
0xc9: {  	(tm) =	ssettm $0x7FFFFFFF  }
tec
execute0_lowered:
.L_overlay_start_1:
0x0: {  	(tag) =	ssettag $0x1  }
0x1: {  	s5 =	rddreg [dreg:$0x0]  }
0x2: {  	s1 =	rddreg [dreg:$0x1]  }
0x3: {  	s6 =	rddreg [dreg:$0x2]  }
0x4: {  	s0 =	rddreg [dreg:$0x3];
	s3 =	simm.s32 $0x0;
	s7 =	srdreg.scid  }
0x5: {  	s2 =	stileid.u32;
	s13 =	simm.s32 $0x10F80;
	s14 =	simm.s32 $0x14E80  }
0x6: {  	s15 =	simm.s32 $0x1;
	s16 =	simm.s32 $0x5000;
	s17 =	simm.s32 $0x2  }
0x7: {  	s18 =	simm.s32 $0x200;
	s19 =	simm.s32 $0x0;
	[smem:$0x7FF] =	sst s3  }
0x8: {  	s4 =	sadd.s32 $0x19800, s5;
	s7 =	sand.u32 $0x1, s7;
	s8 =	smul.u32 $0x14000, s2  }
0x9: {  	s10 =	sshrl.u32 s2, $0x1;
	s11 =	sshll.u32 s2, $0x9;
	_ =	strace $0x8000004A  }
0xa: {  	s9 =	sshll.u32 s7, $0x9;
	s10 =	smul.u32 $0x14000, s10;
	s12 =	sshll.u32 s7, $0x8  }
0xb: {  	s11 =	sand.u32 $0x200, s11;
	s7 =	ssub.s32 $0x2, s7;
	s8 =	sor.u32 s9, s8  }
0xc: {  	s29 =	sor.u32 s12, s11;
	s30 =	sshrl.u32 s7, $0x1;
	s11 =	simm.s32 $0x400  }
0xd: {  	s12 =	simm.s32 $0x3;
	s8 =	sshrl.u32 s8, $0x3;
	s9 =	sor.u32 s10, s29  }
0xe: {  	s7 =	ssub.s32 s7, s30;
	s10 =	simm.s32 $0x100;
	s8 =	sadd.s32 s8, s5  }
0xf: {  	s31 =	sshrl.u32 s9, $0x3;
	s7 =	smax.u32 s7, $0x1;
	s9 =	simm.s32 $0x12F00  }
0x10: {  	v0 =	vimm.f32 $0.0e+00;
	s5 =	sadd.s32 s6, s31;
	s6 =	sadd.s32 $0xEB600, s8;
	s8 =	simm.s32 $0xF000  }
.LBB2_1:
0x11: {  	[tilespmem:s8], [sflag:$0x1] =	stream.linear.gather [hbm4b:s4+s3], $0x1F40, $0x38;
	[tilespmem:$0x16E00] =	vst v63  }
0x12: {  	_ = 	snop  }
0x13: {  	[tilespmem:s9], [sflag:$0x1] =	stream.linear.gather [hbm4b:s1+s3], $0x1F40, $0x38;
	[tilespmem:$0x16E00] =	vst v63  }
0x14: {  	_ = 	snop  }
0x15: {  	[tilespmem:s3], [sflag:$0x3] =	stream.strided.gather [hbm4b:s5+s10], $0x5000, s11, s10, $0x38;
	[tilespmem:$0x16E00] =	vst v63  }
0x16: {  	_ =	swait.ge [sflag:s12], $0x5000  }
0x17: {  	[sflag:s12] =	ssyncset.done $0x0  }
0x18: {  	s20 =	simm.s32 $0x5100;
	[sflag:s12] =	ssyncadd.s32 $0xFFFFB000  }
0x19: {  	[tilespmem:s20+$0xFFFFFF00] =	vst v0  }
0x1a: {  	[tilespmem:s20+$0xF0] =	vst v0  }
0x1b: {  	[tilespmem:s20+$0x70] =	vst v0  }
0x1c: {  	[tilespmem:s20+$0xFFFFFFF0] =	vst v0  }
0x1d: {  	[tilespmem:s20+$0xFFFFFF70] =	vst v0  }
0x1e: {  	[tilespmem:s20+$0xE0] =	vst v0  }
0x1f: {  	[tilespmem:s20+$0x60] =	vst v0  }
0x20: {  	[tilespmem:s20+$0xFFFFFFE0] =	vst v0  }
0x21: {  	[tilespmem:s20+$0xFFFFFF60] =	vst v0  }
0x22: {  	[tilespmem:s20+$0xD0] =	vst v0  }
0x23: {  	[tilespmem:s20+$0x50] =	vst v0  }
0x24: {  	[tilespmem:s20+$0xFFFFFFD0] =	vst v0  }
0x25: {  	[tilespmem:s20+$0xFFFFFF50] =	vst v0  }
0x26: {  	[tilespmem:s20+$0xC0] =	vst v0  }
0x27: {  	[tilespmem:s20+$0x40] =	vst v0  }
0x28: {  	[tilespmem:s20+$0xFFFFFFC0] =	vst v0  }
0x29: {  	[tilespmem:s20+$0xFFFFFF40] =	vst v0  }
0x2a: {  	[tilespmem:s20+$0xB0] =	vst v0  }
0x2b: {  	[tilespmem:s20+$0x30] =	vst v0  }
0x2c: {  	[tilespmem:s20+$0xFFFFFFB0] =	vst v0  }
0x2d: {  	[tilespmem:s20+$0xFFFFFF30] =	vst v0  }
0x2e: {  	[tilespmem:s20+$0xA0] =	vst v0  }
0x2f: {  	[tilespmem:s20+$0x20] =	vst v0  }
0x30: {  	[tilespmem:s20+$0xFFFFFFA0] =	vst v0  }
0x31: {  	[tilespmem:s20+$0xFFFFFF20] =	vst v0  }
0x32: {  	[tilespmem:s20+$0x90] =	vst v0  }
0x33: {  	[tilespmem:s20+$0x10] =	vst v0  }
0x34: {  	[tilespmem:s20+$0xFFFFFF90] =	vst v0  }
0x35: {  	[tilespmem:s20+$0xFFFFFF10] =	vst v0  }
0x36: {  	[tilespmem:s20+$0x80] =	vst v0  }
0x37: {  	s21 =	simm.s32 $0x0;
	[tilespmem:s20+$0x0] =	vst v0  }
.LBB2_2:
0x38: {  	s21 =	sadd.s32 $0x8, s21;
	[tilespmem:s20+$0xFFFFFF80] =	vst v0;
	s20 =	sadd.s32 $0x200, s20  }
0x39: {  	[tilespmem:s20+$0xFFFFFF00] =	vst v0;
	p0 =	slt.u32 s21, $0x278  }
0x3a: {  	[tilespmem:s20+$0xF0] =	vst v0  }
0x3b: {  	[tilespmem:s20+$0x70] =	vst v0  }
0x3c: {  	[tilespmem:s20+$0xFFFFFFF0] =	vst v0  }
0x3d: {  	[tilespmem:s20+$0xFFFFFF70] =	vst v0  }
0x3e: {  	[tilespmem:s20+$0xE0] =	vst v0  }
0x3f: {  	[tilespmem:s20+$0x60] =	vst v0  }
0x40: {  	[tilespmem:s20+$0xFFFFFFE0] =	vst v0  }
0x41: {  	[tilespmem:s20+$0xFFFFFF60] =	vst v0  }
0x42: {  	[tilespmem:s20+$0xD0] =	vst v0  }
0x43: {  	[tilespmem:s20+$0x50] =	vst v0  }
0x44: {  	[tilespmem:s20+$0xFFFFFFD0] =	vst v0  }
0x45: {  	[tilespmem:s20+$0xFFFFFF50] =	vst v0  }
0x46: {  	[tilespmem:s20+$0xC0] =	vst v0  }
0x47: {  	[tilespmem:s20+$0x40] =	vst v0  }
0x48: {  	[tilespmem:s20+$0xFFFFFFC0] =	vst v0  }
0x49: {  	[tilespmem:s20+$0xFFFFFF40] =	vst v0  }
0x4a: {  	[tilespmem:s20+$0xB0] =	vst v0  }
0x4b: {  	[tilespmem:s20+$0x30] =	vst v0  }
0x4c: {  	[tilespmem:s20+$0xFFFFFFB0] =	vst v0  }
0x4d: {  	[tilespmem:s20+$0xFFFFFF30] =	vst v0  }
0x4e: {  	[tilespmem:s20+$0xA0] =	vst v0  }
0x4f: {  	[tilespmem:s20+$0x20] =	vst v0  }
0x50: {  	[tilespmem:s20+$0xFFFFFFA0] =	vst v0  }
0x51: {  	[tilespmem:s20+$0xFFFFFF20] =	vst v0  }
0x52: {  	[tilespmem:s20+$0x90] =	vst v0  }
.Ltmp0:
0x53: {  	[tilespmem:s20+$0x10] =	vst v0;
	(pc) =	sbr.rel @p0 .LBB2_2-.Ltmp0, $4  }
0x54: {  	[tilespmem:s20+$0xFFFFFF90] =	vst v0  }
0x55: {  	[tilespmem:s20+$0xFFFFFF10] =	vst v0  }
0x56: {  	[tilespmem:s20+$0x80] =	vst v0  }
0x57: {  	[tilespmem:s20+$0x0] =	vst v0  }
0x58: {  	[tilespmem:s20+$0xFFFFFF80] =	vst v0;
	s20 =	simm.s32 $0x0;
	s21 =	simm.s32 $0x0  }
.LBB2_4:
0x59: {  	s22 =	smul.u32 $0x3E80, s21;
	_ =	sdelay $0x1  }
0x5a: {  	s23 =	sshrl.u32 s22, $0x3  }
0x5b: {  	s23 =	sadd.s32 $0x3E8, s23  }
0x5c: {  	s24 =	sadd.s32 s4, s23  }
0x5d: {  	[tilespmem:s13], [sflag:$0x2] =	stream.linear.gather [hbm4b:s24+s20], $0x1F40, $0x38;
	[tilespmem:$0x16E00] =	vst v63  }
0x5e: {  	s23 =	sadd.s32 s1, s23  }
0x5f: {  	[tilespmem:s14], [sflag:$0x2] =	stream.linear.gather [hbm4b:s23+s20], $0x1F40, $0x38;
	[tilespmem:$0x16E00] =	vst v63  }
0x60: {  	_ =	swait.ge [sflag:s15], $0x1F40  }
0x61: {  	[sflag:s15] =	ssyncset.done $0x0  }
0x62: {  	[sflag:s15] =	ssyncadd.s32 $0xFFFFE0C0  }
0x63: {  	_ =	swait.ge [sflag:s15], $0x1F40  }
0x64: {  	s25 =	simm.s32 $0xF0A0;
	s26 =	simm.s32 $0x0;
	[sflag:s15] =	ssyncset.done $0x0  }
0x65: {  	s24 =	simm.s32 $0x12FA0;
	s23 =	simm.s32 $0xFFFFFFEC;
	[sflag:s15] =	ssyncadd.s32 $0xFFFFE0C0  }
.LBB2_5:
0x66: {  	v1 =	vld [tilespmem:s25+$0xFFFFFF60];
	_ =	sdelay $0x4  }
0x67: {  	v2 =	vshll.u32 v1, $0x1  }
0x68: {  	v3 =	vand.u32 $0x7F, v1;
	v2 =	vand.u32 $0x7F00, v2  }
0x69: {  	v2 =	vor.u32 v3, v2;
	_ =	sdelay $0x3  }
0x6a: {  	v63 =	vld [tilespmem:s25+$0xFFFFFF80]  }
0x6b: {  	v3 =	vld.idx.msk [tilespmem:v2+s3+$0x0], $0xffff  }
0x6c: {  	v4 =	vld [tilespmem:s24+$0xFFFFFF60];
	v5 =	vshrl.u32 v1, $0xE;
	v1 =	vshrl.u32 v1, $0xC  }
0x6d: {  	v5 =	vand.u32 $0x7F, v5;
	v1 =	vand.u32 $0xFFE00, v1  }
0x6e: {  	v60 =	vld [tilespmem:s25+$0xFFFFFF70];
	v1 =	vor.u32 v5, v1  }
0x6f: {  	v6 =	vor.u32 $0x80, v1  }
0x70: {  	v10 =	vld [tilespmem:s25+$0xFFFFFF90];
	v9 =	vshll.u32 v63, $0x1;
	v7 =	vshll.u32 v3, $0x10  }
0x71: {  	v13 =	vld [tilespmem:s24+$0xFFFFFF70];
	v2 =	vor.u32 $0x80, v2;
	v3 =	vand.u32 $0xFFFF0000, v3;
	v7 =	vmul.f32 v7, v4  }
0x72: {  	v14 =	vld [tilespmem:s25+$0xFFFFFFA0];
	v12 =	vand.u32 $0x7F, v63;
	v9 =	vand.u32 $0x7F00, v9;
	v3 =	vmul.f32 v3, v4  }
0x73: {  	v61 =	vshll.u32 v60, $0x1;
	v9 =	vor.u32 v12, v9;
	[tilespmem:v1+s16+$0x0] =	vst.idx.add.f32.msk $0xffff, v7  }
0x74: {  	v62 =	vand.u32 $0x7F00, v61;
	[tilespmem:v6+s16+$0x0] =	vst.idx.add.f32.msk $0xffff, v3;
	v3 =	vand.u32 $0x7F, v60  }
0x75: {  	v23 =	vld [tilespmem:s24+$0xFFFFFF80];
	v3 =	vor.u32 v3, v62  }
0x76: {  	v2 =	vld.idx.msk [tilespmem:v2+s3+$0x0], $0xffff  }
0x77: {  	v31 =	vld [tilespmem:s24+$0xFFFFFF90]  }
0x78: {  	v15 =	vld.idx.msk [tilespmem:v9+s3+$0x0], $0xffff  }
0x79: {  	v37 =	vld [tilespmem:s24+$0xFFFFFFA0];
	v18 =	vshrl.u32 v60, $0xE;
	v20 =	vshll.u32 v10, $0x1;
	v5 =	vshrl.u32 v60, $0xC  }
0x7a: {  	v22 =	vand.u32 $0x7F, v10;
	v11 =	vor.u32 $0x100, v1;
	v5 =	vand.u32 $0xFFE00, v5;
	v17 =	vld.idx.msk [tilespmem:v3+s3+$0x0], $0xffff  }
0x7b: {  	v38 =	vld [tilespmem:s25+$0xFFFFFFB0];
	v1 =	vor.u32 $0x180, v1;
	v8 =	vshll.u32 v2, $0x10;
	v2 =	vand.u32 $0xFFFF0000, v2  }
0x7c: {  	v49 =	vld [tilespmem:s25+$0xFFFFFFD0];
	v8 =	vmul.f32 v8, v4;
	v2 =	vmul.f32 v2, v4;
	v4 =	vand.u32 $0x7F, v18  }
0x7d: {  	v55 =	vld [tilespmem:s24+$0xFFFFFFB0];
	v16 =	vshrl.u32 v63, $0xE;
	v26 =	vshll.u32 v15, $0x10;
	v4 =	vor.u32 v4, v5  }
0x7e: {  	v29 =	vmul.f32 v26, v23;
	v26 =	vld [tilespmem:s24+$0xFFFFFFD0];
	v6 =	vshrl.u32 v63, $0xC;
	v21 =	vor.u32 $0x80, v4  }
0x7f: {  	v63 =	vld [tilespmem:s24+$0xFFFFFFC0];
	v3 =	vor.u32 $0x80, v3;
	v5 =	vand.u32 $0x7F00, v20;
	v19 =	vshll.u32 v17, $0x10  }
0x80: {  	[tilespmem:v11+s16+$0x0] =	vst.idx.add.f32.msk $0xffff, v8;
	v5 =	vor.u32 v22, v5;
	v7 =	vand.u32 $0xFFFF0000, v17;
	v12 =	vmul.f32 v19, v13  }
0x81: {  	v6 =	vand.u32 $0xFFE00, v6;
	[tilespmem:v1+s16+$0x0] =	vst.idx.add.f32.msk $0xffff, v2;
	v2 =	vand.u32 $0x7F, v16;
	v1 =	vmul.f32 v7, v13  }
0x82: {  	v24 =	vshll.u32 v14, $0x1;
	v2 =	vor.u32 v2, v6;
	[tilespmem:v4+s16+$0x0] =	vst.idx.add.f32.msk $0xffff, v12  }
0x83: {  	v25 =	vand.u32 $0x7F, v14;
	v6 =	vand.u32 $0x7F00, v24;
	[tilespmem:v21+s16+$0x0] =	vst.idx.add.f32.msk $0xffff, v1;
	v1 =	vor.u32 $0x80, v2  }
0x84: {  	v6 =	vor.u32 v25, v6;
	v3 =	vld.idx.msk [tilespmem:v3+s3+$0x0], $0xffff  }
0x85: {  	v32 =	vshrl.u32 v10, $0xE;
	v10 =	vshrl.u32 v10, $0xC;
	v27 =	vand.u32 $0xFFFF0000, v15;
	v28 =	vld.idx.msk [tilespmem:v5+s3+$0x0], $0xffff  }
0x86: {  	v33 =	vand.u32 $0x7F, v32;
	v9 =	vor.u32 $0x80, v9;
	v30 =	vmul.f32 v27, v23;
	v19 =	vld [tilespmem:s25+$0xFFFFFFC0]  }
0x87: {  	v10 =	vand.u32 $0xFFE00, v10;
	v41 =	vor.u32 $0x100, v4;
	v17 =	vshrl.u32 v14, $0xE;
	[tilespmem:v2+s16+$0x0] =	vst.idx.add.f32.msk $0xffff, v29  }
0x88: {  	v14 =	vshrl.u32 v14, $0xC;
	v17 =	vand.u32 $0x7F, v17;
	[tilespmem:v1+s16+$0x0] =	vst.idx.add.f32.msk $0xffff, v30;
	v1 =	vor.u32 v33, v10  }
0x89: {  	s28 =	sand.u32 $0x1FC0, s26;
	v14 =	vand.u32 $0xFFE00, v14;
	v4 =	vor.u32 $0x180, v4;
	v36 =	vld.idx.msk [tilespmem:v6+s3+$0x0], $0xffff;
	v18 =	vshll.u32 v3, $0x10  }
0x8a: {  	v34 =	vshll.u32 v28, $0x10;
	v30 =	vld [tilespmem:s28+$0xF080];
	v10 =	vor.u32 $0x80, v1;
	v18 =	vmul.f32 v18, v13  }
0x8b: {  	v5 =	vor.u32 $0x80, v5;
	v7 =	vmul.f32 v34, v31;
	v9 =	vld.idx.msk [tilespmem:v9+s3+$0x0], $0xffff;
	v3 =	vand.u32 $0xFFFF0000, v3  }
0x8c: {  	v14 =	vor.u32 v17, v14;
	v35 =	vand.u32 $0xFFFF0000, v28;
	v3 =	vmul.f32 v3, v13;
	[tilespmem:v41+s16+$0x0] =	vst.idx.add.f32.msk $0xffff, v18  }
0x8d: {  	v39 =	vor.u32 $0x80, v14;
	v8 =	vmul.f32 v35, v31;
	[tilespmem:v1+s16+$0x0] =	vst.idx.add.f32.msk $0xffff, v7  }
0x8e: {  	v43 =	vor.u32 $0x100, v2;
	v2 =	vor.u32 $0x180, v2;
	v40 =	vshll.u32 v36, $0x10;
	[tilespmem:v4+s16+$0x0] =	vst.idx.add.f32.msk $0xffff, v3  }
0x8f: {  	v6 =	vor.u32 $0x80, v6;
	v15 =	vand.u32 $0xFFFF0000, v36;
	[tilespmem:v10+s16+$0x0] =	vst.idx.add.f32.msk $0xffff, v8;
	v8 =	vmul.f32 v40, v37  }
0x90: {  	v48 =	vshll.u32 v19, $0x1;
	v15 =	vmul.f32 v15, v37;
	v45 =	vshll.u32 v9, $0x10;
	v5 =	vld.idx.msk [tilespmem:v5+s3+$0x0], $0xffff  }
0x91: {  	v50 =	vand.u32 $0x7F, v19;
	v11 =	vand.u32 $0x7F00, v48;
	v46 =	vmul.f32 v45, v23;
	[tilespmem:v14+s16+$0x0] =	vst.idx.add.f32.msk $0xffff, v8  }
0x92: {  	v42 =	vshll.u32 v38, $0x1;
	v4 =	vor.u32 v50, v11;
	[tilespmem:v39+s16+$0x0] =	vst.idx.add.f32.msk $0xffff, v15  }
0x93: {  	v44 =	vand.u32 $0x7F, v38;
	v9 =	vand.u32 $0xFFFF0000, v9;
	v8 =	vand.u32 $0x7F00, v42;
	[tilespmem:v43+s16+$0x0] =	vst.idx.add.f32.msk $0xffff, v46  }
0x94: {  	v9 =	vmul.f32 v9, v23;
	v7 =	vor.u32 v44, v8;
	v44 =	vld [tilespmem:s25+$0x0]  }
0x95: {  	v3 =	vor.u32 $0x100, v1;
	v6 =	vld.idx.msk [tilespmem:v6+s3+$0x0], $0xffff  }
0x96: {  	v1 =	vor.u32 $0x180, v1;
	[tilespmem:v2+s16+$0x0] =	vst.idx.add.f32.msk $0xffff, v9  }
0x97: {  	v56 =	vshrl.u32 v38, $0xE;
	v58 =	vshll.u32 v49, $0x1;
	v61 =	vld.idx.msk [tilespmem:v4+s3+$0x0], $0xffff;
	v47 =	vshll.u32 v5, $0x10  }
0x98: {  	v2 =	vand.u32 $0x7F, v56;
	v56 =	vld [tilespmem:s25+$0x10];
	v5 =	vand.u32 $0xFFFF0000, v5;
	v51 =	vmul.f32 v47, v31  }
0x99: {  	v17 =	vshrl.u32 v38, $0xC;
	v54 =	vor.u32 $0x100, v14;
	v5 =	vmul.f32 v5, v31;
	v53 =	vld.idx.msk [tilespmem:v7+s3+$0x0], $0xffff  }
0x9a: {  	v59 =	vand.u32 $0x7F00, v58;
	v57 =	vand.u32 $0xFFE00, v17;
	v34 =	vor.u32 $0x180, v14;
	[tilespmem:v3+s16+$0x0] =	vst.idx.add.f32.msk $0xffff, v51  }
0x9b: {  	v52 =	vshll.u32 v6, $0x10;
	v3 =	vand.u32 $0x7F, v49;
	v6 =	vand.u32 $0xFFFF0000, v6;
	[tilespmem:v1+s16+$0x0] =	vst.idx.add.f32.msk $0xffff, v5  }
0x9c: {  	v60 =	vmul.f32 v52, v37;
	v3 =	vor.u32 v3, v59;
	v6 =	vmul.f32 v6, v37;
	v37 =	vld [tilespmem:s25+$0xFFFFFFF0]  }
0x9d: {  	v21 =	vshrl.u32 v19, $0xC;
	v2 =	vor.u32 v2, v57;
	v52 =	vld [tilespmem:s28+$0x12F80]  }
0x9e: {  	v27 =	vshrl.u32 v49, $0xE;
	v20 =	vshrl.u32 v19, $0xE;
	v22 =	vand.u32 $0xFFE00, v21;
	[tilespmem:v54+s16+$0x0] =	vst.idx.add.f32.msk $0xffff, v60  }
0x9f: {  	v28 =	vand.u32 $0x7F, v27;
	v62 =	vor.u32 $0x80, v2;
	v1 =	vshll.u32 v53, $0x10;
	[tilespmem:v34+s16+$0x0] =	vst.idx.add.f32.msk $0xffff, v6  }
0xa0: {  	v15 =	vshrl.u32 v49, $0xC;
	v4 =	vor.u32 $0x80, v4;
	v34 =	vld [tilespmem:s24+$0x10];
	v1 =	vmul.f32 v1, v55  }
0xa1: {  	v29 =	vand.u32 $0xFFE00, v15;
	v7 =	vor.u32 $0x80, v7;
	v11 =	vand.u32 $0xFFFF0000, v53;
	v24 =	vld.idx.msk [tilespmem:v3+s3+$0x0], $0xffff  }
0xa2: {  	v54 =	vshll.u32 v44, $0x1;
	v11 =	vmul.f32 v11, v55;
	[tilespmem:v2+s16+$0x0] =	vst.idx.add.f32.msk $0xffff, v1;
	v1 =	vand.u32 $0x7F, v20  }
0xa3: {  	v23 =	vshll.u32 v61, $0x10;
	v13 =	vand.u32 $0x7F00, v54;
	v54 =	vld [tilespmem:s25+$0x40];
	v1 =	vor.u32 v1, v22  }
0xa4: {  	v10 =	vand.u32 $0xFFFF0000, v61;
	[tilespmem:v62+s16+$0x0] =	vst.idx.add.f32.msk $0xffff, v11;
	v22 =	vshll.u32 v56, $0x1;
	v25 =	vor.u32 $0x80, v1  }
0xa5: {  	v12 =	vmul.f32 v23, v63;
	v5 =	vor.u32 v28, v29;
	v62 =	vld [tilespmem:s24+$0xFFFFFFF0];
	v8 =	vand.u32 $0x7F00, v22  }
0xa6: {  	v7 =	vld.idx.msk [tilespmem:v7+s3+$0x0], $0xffff;
	v31 =	vshll.u32 v24, $0x10;
	v9 =	vand.u32 $0xFFFF0000, v24;
	v24 =	vand.u32 $0x7F, v56  }
0xa7: {  	v10 =	vmul.f32 v10, v63;
	v32 =	vor.u32 $0x80, v5;
	v8 =	vor.u32 v24, v8;
	v24 =	vld [tilespmem:s24+$0x30]  }
0xa8: {  	v3 =	vor.u32 $0x80, v3;
	v33 =	vmul.f32 v31, v26;
	[tilespmem:v1+s16+$0x0] =	vst.idx.add.f32.msk $0xffff, v12  }
0xa9: {  	v36 =	vshll.u32 v30, $0x1;
	v38 =	vand.u32 $0x7F, v30;
	[tilespmem:v25+s16+$0x0] =	vst.idx.add.f32.msk $0xffff, v10  }
0xaa: {  	v14 =	vand.u32 $0x7F00, v36;
	v35 =	vor.u32 $0x100, v2;
	v9 =	vmul.f32 v9, v26;
	[tilespmem:v5+s16+$0x0] =	vst.idx.add.f32.msk $0xffff, v33  }
0xab: {  	v53 =	vshrl.u32 v30, $0xE;
	v2 =	vor.u32 $0x180, v2;
	v11 =	vshrl.u32 v30, $0xC;
	v4 =	vld.idx.msk [tilespmem:v4+s3+$0x0], $0xffff  }
0xac: {  	v30 =	vshrl.u32 v44, $0xC;
	v39 =	vshll.u32 v7, $0x10;
	v40 =	vand.u32 $0xFFFF0000, v7;
	[tilespmem:v32+s16+$0x0] =	vst.idx.add.f32.msk $0xffff, v9  }
0xad: {  	v41 =	vmul.f32 v39, v55;
	v6 =	vmul.f32 v40, v55;
	v55 =	vand.u32 $0x7F, v44;
	v3 =	vld.idx.msk [tilespmem:v3+s3+$0x0], $0xffff  }
0xae: {  	v9 =	vor.u32 v38, v14;
	v58 =	vor.u32 v55, v13;
	v13 =	vand.u32 $0xFFE00, v30;
	v30 =	vld [tilespmem:s24+$0x40]  }
0xaf: {  	[tilespmem:v35+s16+$0x0] =	vst.idx.add.f32.msk $0xffff, v41  }
0xb0: {  	v32 =	vld.idx.msk [tilespmem:v8+s3+$0x0], $0xffff  }
0xb1: {  	v17 =	vshrl.u32 v56, $0xC;
	v29 =	vshrl.u32 v44, $0xE;
	v43 =	vor.u32 $0x100, v1;
	v41 =	vld [tilespmem:s25+$0x20]  }
0xb2: {  	v51 =	vor.u32 $0x100, v5;
	v46 =	vshll.u32 v37, $0x1;
	v1 =	vor.u32 $0x180, v1;
	[tilespmem:v2+s16+$0x0] =	vst.idx.add.f32.msk $0xffff, v6  }
0xb3: {  	v47 =	vand.u32 $0x7F00, v46;
	v2 =	vand.u32 $0x7F, v37;
	v42 =	vshll.u32 v4, $0x10;
	v49 =	vld.idx.msk [tilespmem:v9+s3+$0x0], $0xffff  }
0xb4: {  	v2 =	vor.u32 v2, v47;
	v4 =	vand.u32 $0xFFFF0000, v4;
	v45 =	vmul.f32 v42, v63;
	v23 =	vld.idx.msk [tilespmem:v58+s3+$0x0], $0xffff  }
0xb5: {  	v19 =	vshrl.u32 v37, $0xE;
	v36 =	vor.u32 $0x80, v58;
	v4 =	vmul.f32 v4, v63;
	v58 =	vld [tilespmem:s24+$0x20]  }
0xb6: {  	v20 =	vshrl.u32 v37, $0xC;
	v57 =	vand.u32 $0xFFE00, v11;
	v5 =	vor.u32 $0x180, v5;
	[tilespmem:v43+s16+$0x0] =	vst.idx.add.f32.msk $0xffff, v45  }
0xb7: {  	v48 =	vshll.u32 v3, $0x10;
	v3 =	vand.u32 $0xFFFF0000, v3;
	[tilespmem:v1+s16+$0x0] =	vst.idx.add.f32.msk $0xffff, v4;
	v1 =	vand.u32 $0x7F, v53  }
0xb8: {  	v50 =	vmul.f32 v48, v26;
	v3 =	vmul.f32 v3, v26;
	v26 =	vld [tilespmem:s24+$0x0];
	v1 =	vor.u32 v1, v57  }
0xb9: {  	v21 =	vand.u32 $0xFFE00, v20;
	v38 =	vand.u32 $0xFFE00, v17;
	v60 =	vld.idx.msk [tilespmem:v2+s3+$0x0], $0xffff;
	v61 =	vor.u32 $0x80, v1  }
0xba: {  	v35 =	vshrl.u32 v56, $0xE;
	v63 =	vor.u32 $0x80, v9;
	[tilespmem:v51+s16+$0x0] =	vst.idx.add.f32.msk $0xffff, v50;
	v59 =	vshll.u32 v49, $0x10  }
0xbb: {  	v10 =	vand.u32 $0xFFFF0000, v49;
	[tilespmem:v5+s16+$0x0] =	vst.idx.add.f32.msk $0xffff, v3;
	v3 =	vand.u32 $0x7F, v19;
	v11 =	vmul.f32 v59, v52  }
0xbc: {  	v37 =	vand.u32 $0x7F, v35;
	v51 =	vld [tilespmem:s25+$0x30];
	v3 =	vor.u32 v3, v21;
	v10 =	vmul.f32 v10, v52  }
0xbd: {  	v7 =	vor.u32 v37, v38;
	v40 =	vshll.u32 v32, $0x10;
	v28 =	vor.u32 $0x80, v3;
	[tilespmem:v1+s16+$0x0] =	vst.idx.add.f32.msk $0xffff, v11  }
0xbe: {  	v2 =	vor.u32 $0x80, v2;
	v25 =	vshll.u32 v60, $0x10;
	v4 =	vand.u32 $0xFFFF0000, v60;
	[tilespmem:v61+s16+$0x0] =	vst.idx.add.f32.msk $0xffff, v10  }
0xbf: {  	v27 =	vmul.f32 v25, v62;
	v11 =	vand.u32 $0x7F, v29;
	v10 =	vmul.f32 v40, v34;
	v40 =	vld [tilespmem:s28+$0xF100]  }
0xc0: {  	v4 =	vmul.f32 v4, v62;
	v11 =	vor.u32 v11, v13;
	v6 =	vld.idx.msk [tilespmem:v63+s3+$0x0], $0xffff  }
0xc1: {  	[tilespmem:v3+s16+$0x0] =	vst.idx.add.f32.msk $0xffff, v27;
	v33 =	vor.u32 $0x80, v11  }
0xc2: {  	v31 =	vshll.u32 v23, $0x10;
	[tilespmem:v28+s16+$0x0] =	vst.idx.add.f32.msk $0xffff, v4  }
0xc3: {  	v39 =	vor.u32 $0x80, v7;
	v5 =	vand.u32 $0xFFFF0000, v23;
	v9 =	vmul.f32 v31, v26;
	[tilespmem:v7+s16+$0x0] =	vst.idx.add.f32.msk $0xffff, v10  }
0xc4: {  	v17 =	vand.u32 $0x7F, v54;
	v8 =	vor.u32 $0x80, v8;
	v5 =	vmul.f32 v5, v26;
	v2 =	vld.idx.msk [tilespmem:v2+s3+$0x0], $0xffff  }
0xc5: {  	v42 =	vand.u32 $0xFFFF0000, v32;
	v50 =	vand.u32 $0x7F, v41;
	v43 =	vor.u32 $0x100, v1;
	[tilespmem:v11+s16+$0x0] =	vst.idx.add.f32.msk $0xffff, v9  }
0xc6: {  	v49 =	vshll.u32 v41, $0x1;
	v1 =	vor.u32 $0x180, v1;
	[tilespmem:v33+s16+$0x0] =	vst.idx.add.f32.msk $0xffff, v5;
	v5 =	vmul.f32 v42, v34  }
0xc7: {  	v46 =	vor.u32 $0x100, v3;
	v9 =	vand.u32 $0x7F00, v49;
	v44 =	vshll.u32 v6, $0x10;
	v4 =	vld.idx.msk [tilespmem:v36+s3+$0x0], $0xffff  }
0xc8: {  	v6 =	vand.u32 $0xFFFF0000, v6;
	v9 =	vor.u32 v50, v9;
	v45 =	vmul.f32 v44, v52;
	[tilespmem:v39+s16+$0x0] =	vst.idx.add.f32.msk $0xffff, v5  }
0xc9: {  	v3 =	vor.u32 $0x180, v3;
	v47 =	vmul.f32 v6, v52;
	v48 =	vshll.u32 v2, $0x10;
	v8 =	vld.idx.msk [tilespmem:v8+s3+$0x0], $0xffff  }
0xca: {  	v56 =	vor.u32 $0x100, v7;
	v59 =	vshrl.u32 v41, $0xE;
	[tilespmem:v43+s16+$0x0] =	vst.idx.add.f32.msk $0xffff, v45;
	v6 =	vmul.f32 v48, v62  }
0xcb: {  	v55 =	vshll.u32 v51, $0x1;
	v52 =	vor.u32 $0x100, v11;
	v2 =	vand.u32 $0xFFFF0000, v2;
	[tilespmem:v1+s16+$0x0] =	vst.idx.add.f32.msk $0xffff, v47  }
0xcc: {  	v57 =	vand.u32 $0x7F, v51;
	v1 =	vmul.f32 v2, v62;
	[tilespmem:v46+s16+$0x0] =	vst.idx.add.f32.msk $0xffff, v6;
	v2 =	vshll.u32 v4, $0x10  }
0xcd: {  	v60 =	vshrl.u32 v41, $0xC;
	v53 =	vor.u32 $0x180, v11;
	v12 =	vld.idx.msk [tilespmem:v9+s3+$0x0], $0xffff;
	v2 =	vmul.f32 v2, v26  }
0xce: {  	[tilespmem:v3+s16+$0x0] =	vst.idx.add.f32.msk $0xffff, v1;
	v1 =	vshll.u32 v8, $0x10;
	v3 =	vand.u32 $0xFFFF0000, v8;
	v8 =	vand.u32 $0x7F00, v55  }
0xcf: {  	v5 =	vand.u32 $0x7F, v59;
	v62 =	vld [tilespmem:s25+$0x50];
	v4 =	vand.u32 $0xFFFF0000, v4;
	v8 =	vor.u32 v57, v8  }
0xd0: {  	v4 =	vmul.f32 v4, v26;
	[tilespmem:v52+s16+$0x0] =	vst.idx.add.f32.msk $0xffff, v2;
	v2 =	vor.u32 $0x180, v7;
	v7 =	vand.u32 $0xFFE00, v60  }
0xd1: {  	v61 =	vshll.u32 v54, $0x1;
	v48 =	vld [tilespmem:s25+$0x70];
	v1 =	vmul.f32 v1, v34;
	v63 =	vor.u32 v5, v7  }
0xd2: {  	v25 =	vshrl.u32 v51, $0xE;
	v18 =	vand.u32 $0x7F00, v61;
	v9 =	vor.u32 $0x80, v9;
	[tilespmem:v53+s16+$0x0] =	vst.idx.add.f32.msk $0xffff, v4  }
0xd3: {  	v3 =	vmul.f32 v3, v34;
	v5 =	vor.u32 v17, v18;
	[tilespmem:v56+s16+$0x0] =	vst.idx.add.f32.msk $0xffff, v1;
	v1 =	vshll.u32 v12, $0x10  }
0xd4: {  	v26 =	vshrl.u32 v51, $0xC;
	v27 =	vshll.u32 v62, $0x1;
	v1 =	vmul.f32 v1, v58;
	v23 =	vld.idx.msk [tilespmem:v8+s3+$0x0], $0xffff  }
0xd5: {  	v22 =	vor.u32 $0x80, v63;
	[tilespmem:v2+s16+$0x0] =	vst.idx.add.f32.msk $0xffff, v3;
	v2 =	vand.u32 $0x7F, v25;
	v3 =	vand.u32 $0xFFE00, v26  }
0xd6: {  	[tilespmem:v63+s16+$0x0] =	vst.idx.add.f32.msk $0xffff, v1;
	v2 =	vor.u32 v2, v3;
	v1 =	vand.u32 $0x7F, v62;
	v3 =	vand.u32 $0x7F00, v27  }
0xd7: {  	v31 =	vshrl.u32 v54, $0xE;
	v20 =	vand.u32 $0xFFFF0000, v12;
	v56 =	vld [tilespmem:s25+$0x80];
	v3 =	vor.u32 v1, v3  }
0xd8: {  	v10 =	vshrl.u32 v54, $0xC;
	v55 =	vshll.u32 v48, $0x1;
	v21 =	vmul.f32 v20, v58;
	v28 =	vld.idx.msk [tilespmem:v5+s3+$0x0], $0xffff  }
0xd9: {  	v59 =	vand.u32 $0x7F, v48;
	v35 =	vshrl.u32 v62, $0xE;
	v15 =	vshrl.u32 v62, $0xC;
	v62 =	vld [tilespmem:s25+$0x90]  }
0xda: {  	v12 =	vand.u32 $0x7F00, v55;
	[tilespmem:v22+s16+$0x0] =	vst.idx.add.f32.msk $0xffff, v21;
	v29 =	vor.u32 $0x80, v2;
	v1 =	vshll.u32 v23, $0x10  }
0xdb: {  	v10 =	vand.u32 $0xFFE00, v10;
	v12 =	vor.u32 v59, v12;
	v6 =	vld.idx.msk [tilespmem:v9+s3+$0x0], $0xffff;
	v1 =	vmul.f32 v1, v24  }
0xdc: {  	v49 =	vand.u32 $0x7F, v40;
	v47 =	vshll.u32 v40, $0x1;
	v11 =	vand.u32 $0xFFFF0000, v23;
	v33 =	vld.idx.msk [tilespmem:v3+s3+$0x0], $0xffff  }
0xdd: {  	v8 =	vor.u32 $0x80, v8;
	v11 =	vmul.f32 v11, v24;
	[tilespmem:v2+s16+$0x0] =	vst.idx.add.f32.msk $0xffff, v1;
	v1 =	vand.u32 $0x7F, v31  }
0xde: {  	v50 =	vand.u32 $0x7F00, v47;
	v32 =	vshll.u32 v28, $0x10;
	v10 =	vor.u32 v1, v10;
	v1 =	vld [tilespmem:s24+$0x50]  }
0xdf: {  	v36 =	vand.u32 $0x7F, v35;
	v38 =	vmul.f32 v32, v30;
	v32 =	vshll.u32 v62, $0x1;
	[tilespmem:v29+s16+$0x0] =	vst.idx.add.f32.msk $0xffff, v11  }
0xe0: {  	v35 =	vand.u32 $0x7F, v62;
	v9 =	vand.u32 $0x7F00, v32;
	v11 =	vor.u32 v49, v50;
	v29 =	vld.idx.msk [tilespmem:v12+s3+$0x0], $0xffff  }
0xe1: {  	v37 =	vand.u32 $0xFFE00, v15;
	v9 =	vor.u32 v35, v9;
	v50 =	vld [tilespmem:s24+$0x90]  }
0xe2: {  	v46 =	vshll.u32 v6, $0x10;
	v6 =	vand.u32 $0xFFFF0000, v6;
	v34 =	vor.u32 $0x80, v10;
	v8 =	vld.idx.msk [tilespmem:v8+s3+$0x0], $0xffff  }
0xe3: {  	v5 =	vor.u32 $0x80, v5;
	v6 =	vmul.f32 v6, v58;
	v17 =	vand.u32 $0xFFFF0000, v33;
	[tilespmem:v10+s16+$0x0] =	vst.idx.add.f32.msk $0xffff, v38  }
0xe4: {  	v13 =	vand.u32 $0xFFFF0000, v28;
	v45 =	vmul.f32 v17, v1;
	v17 =	vmul.f32 v46, v58;
	v58 =	vld [tilespmem:s28+$0x13000]  }
0xe5: {  	v7 =	vor.u32 v36, v37;
	v39 =	vmul.f32 v13, v30;
	v21 =	vld.idx.msk [tilespmem:v11+s3+$0x0], $0xffff  }
0xe6: {  	v44 =	vor.u32 $0x100, v63;
	v36 =	vshrl.u32 v48, $0xE;
	v37 =	vshrl.u32 v48, $0xC;
	v48 =	vld.idx.msk [tilespmem:v9+s3+$0x0], $0xffff  }
0xe7: {  	v4 =	vor.u32 $0x180, v63;
	v42 =	vor.u32 $0x80, v7;
	v41 =	vshll.u32 v33, $0x10;
	[tilespmem:v34+s16+$0x0] =	vst.idx.add.f32.msk $0xffff, v39  }
0xe8: {  	v63 =	vor.u32 $0x100, v7;
	v52 =	vor.u32 $0x100, v2;
	v43 =	vmul.f32 v41, v1;
	v34 =	vld [tilespmem:s24+$0x70]  }
0xe9: {  	v22 =	vshrl.u32 v40, $0xE;
	v25 =	vand.u32 $0x7F, v56;
	v3 =	vor.u32 $0x80, v3;
	v5 =	vld.idx.msk [tilespmem:v5+s3+$0x0], $0xffff  }
0xea: {  	v2 =	vor.u32 $0x180, v2;
	v51 =	vshll.u32 v8, $0x10;
	v8 =	vand.u32 $0xFFFF0000, v8;
	[tilespmem:v7+s16+$0x0] =	vst.idx.add.f32.msk $0xffff, v43  }
0xeb: {  	[tilespmem:v44+s16+$0x0] =	vst.idx.add.f32.msk $0xffff, v17;
	v14 =	vmul.f32 v51, v24;
	v53 =	vmul.f32 v8, v24;
	v24 =	vshll.u32 v56, $0x1  }
0xec: {  	v57 =	vor.u32 $0x100, v10;
	v60 =	vor.u32 $0x180, v10;
	[tilespmem:v42+s16+$0x0] =	vst.idx.add.f32.msk $0xffff, v45;
	v26 =	vand.u32 $0x7F00, v24  }
0xed: {  	v10 =	vand.u32 $0xFFE00, v37;
	[tilespmem:v4+s16+$0x0] =	vst.idx.add.f32.msk $0xffff, v6;
	v4 =	vand.u32 $0x7F, v36;
	v6 =	vor.u32 v25, v26  }
0xee: {  	v18 =	vshrl.u32 v62, $0xC;
	v13 =	vshrl.u32 v40, $0xC;
	v42 =	vld [tilespmem:s24+$0x80];
	v4 =	vor.u32 v4, v10  }
0xef: {  	v15 =	vshrl.u32 v56, $0xC;
	v18 =	vand.u32 $0xFFE00, v18;
	v23 =	vand.u32 $0xFFE00, v13;
	v3 =	vld.idx.msk [tilespmem:v3+s3+$0x0], $0xffff  }
0xf0: {  	v12 =	vor.u32 $0x80, v12;
	v39 =	vshll.u32 v29, $0x10;
	[tilespmem:v52+s16+$0x0] =	vst.idx.add.f32.msk $0xffff, v14;
	v41 =	vor.u32 $0x80, v4  }
0xf1: {  	[tilespmem:v2+s16+$0x0] =	vst.idx.add.f32.msk $0xffff, v53;
	v2 =	vand.u32 $0x7F, v22;
	v44 =	vmul.f32 v39, v34;
	v54 =	vshll.u32 v5, $0x10  }
0xf2: {  	v16 =	vand.u32 $0xFFFF0000, v29;
	v2 =	vor.u32 v2, v23;
	v8 =	vmul.f32 v54, v30;
	v40 =	vld.idx.msk [tilespmem:v6+s3+$0x0], $0xffff  }
0xf3: {  	v46 =	vand.u32 $0xFFE00, v15;
	v47 =	vmul.f32 v16, v34;
	v5 =	vand.u32 $0xFFFF0000, v5;
	[tilespmem:v4+s16+$0x0] =	vst.idx.add.f32.msk $0xffff, v44  }
0xf4: {  	v43 =	vshrl.u32 v56, $0xE;
	v27 =	vshll.u32 v21, $0x10;
	v5 =	vmul.f32 v5, v30;
	[tilespmem:v57+s16+$0x0] =	vst.idx.add.f32.msk $0xffff, v8  }
0xf5: {  	v45 =	vand.u32 $0x7F, v43;
	v33 =	vor.u32 $0x80, v2;
	v30 =	vmul.f32 v27, v58;
	[tilespmem:v41+s16+$0x0] =	vst.idx.add.f32.msk $0xffff, v47  }
0xf6: {  	v38 =	vor.u32 $0x80, v11;
	v11 =	vor.u32 v45, v46;
	v20 =	vshll.u32 v3, $0x10;
	[tilespmem:v60+s16+$0x0] =	vst.idx.add.f32.msk $0xffff, v5  }
0xf7: {  	v28 =	vand.u32 $0xFFFF0000, v21;
	v22 =	vshrl.u32 v62, $0xE;
	v61 =	vmul.f32 v20, v1;
	[tilespmem:v2+s16+$0x0] =	vst.idx.add.f32.msk $0xffff, v30  }
0xf8: {  	v49 =	vor.u32 $0x80, v11;
	v31 =	vmul.f32 v28, v58;
	v22 =	vand.u32 $0x7F, v22;
	v54 =	vld.idx.msk [tilespmem:v12+s3+$0x0], $0xffff  }
0xf9: {  	v52 =	vor.u32 v22, v18;
	[tilespmem:v63+s16+$0x0] =	vst.idx.add.f32.msk $0xffff, v61;
	v51 =	vshll.u32 v40, $0x10  }
0xfa: {  	v6 =	vor.u32 $0x80, v6;
	[tilespmem:v33+s16+$0x0] =	vst.idx.add.f32.msk $0xffff, v31;
	v10 =	vand.u32 $0xFFFF0000, v40;
	v8 =	vmul.f32 v51, v42  }
0xfb: {  	v53 =	vshll.u32 v48, $0x10;
	v18 =	vor.u32 $0x80, v52;
	v5 =	vld.idx.msk [tilespmem:v38+s3+$0x0], $0xffff;
	v10 =	vmul.f32 v10, v42  }
0xfc: {  	v9 =	vor.u32 $0x80, v9;
	[tilespmem:v11+s16+$0x0] =	vst.idx.add.f32.msk $0xffff, v8;
	v8 =	vmul.f32 v53, v50  }
0xfd: {  	v7 =	vor.u32 $0x180, v7;
	v55 =	vand.u32 $0xFFFF0000, v48;
	[tilespmem:v49+s16+$0x0] =	vst.idx.add.f32.msk $0xffff, v10  }
0xfe: {  	v56 =	vor.u32 $0x100, v2;
	v12 =	vmul.f32 v55, v50;
	[tilespmem:v52+s16+$0x0] =	vst.idx.add.f32.msk $0xffff, v8  }
0xff: {  	v3 =	vand.u32 $0xFFFF0000, v3;
	v2 =	vor.u32 $0x180, v2;
	v6 =	vld.idx.msk [tilespmem:v6+s3+$0x0], $0xffff  }
0x100: {  	v1 =	vmul.f32 v3, v1;
	v57 =	vor.u32 $0x100, v4;
	v3 =	vshll.u32 v5, $0x10;
	[tilespmem:v18+s16+$0x0] =	vst.idx.add.f32.msk $0xffff, v12  }
0x101: {  	v4 =	vor.u32 $0x180, v4;
	v5 =	vand.u32 $0xFFFF0000, v5;
	v3 =	vmul.f32 v3, v58;
	v9 =	vld.idx.msk [tilespmem:v9+s3+$0x0], $0xffff  }
0x102: {  	v59 =	vor.u32 $0x100, v11;
	[tilespmem:v7+s16+$0x0] =	vst.idx.add.f32.msk $0xffff, v1;
	v1 =	vmul.f32 v5, v58;
	v58 =	vshll.u32 v54, $0x10  }
0x103: {  	v60 =	vor.u32 $0x180, v11;
	v5 =	vmul.f32 v58, v34;
	[tilespmem:v56+s16+$0x0] =	vst.idx.add.f32.msk $0xffff, v3;
	v3 =	vand.u32 $0xFFFF0000, v54  }
0x104: {  	s23 =	sadd.s32 $0x14, s23;
	[tilespmem:v2+s16+$0x0] =	vst.idx.add.f32.msk $0xffff, v1;
	v1 =	vmul.f32 v3, v34;
	v3 =	vor.u32 $0x100, v52;
	v2 =	vshll.u32 v6, $0x10  }
0x105: {  	p0 =	slt.u32 s23, $0x1E0;
	v62 =	vor.u32 $0x180, v52;
	[tilespmem:v57+s16+$0x0] =	vst.idx.add.f32.msk $0xffff, v5;
	v61 =	vand.u32 $0xFFFF0000, v6;
	v2 =	vmul.f32 v2, v42  }
.Ltmp1:
0x106: {  	[tilespmem:v4+s16+$0x0] =	vst.idx.add.f32.msk $0xffff, v1;
	v1 =	vmul.f32 v61, v42;
	v63 =	vshll.u32 v9, $0x10;
	(pc) =	sbr.rel @p0 .LBB2_5-.Ltmp1, $4  }
0x107: {  	[tilespmem:v59+s16+$0x0] =	vst.idx.add.f32.msk $0xffff, v2;
	v2 =	vand.u32 $0xFFFF0000, v9;
	v4 =	vmul.f32 v63, v50  }
0x108: {  	[tilespmem:v60+s16+$0x0] =	vst.idx.add.f32.msk $0xffff, v1;
	v1 =	vmul.f32 v2, v50  }
0x109: {  	[tilespmem:v3+s16+$0x0] =	vst.idx.add.f32.msk $0xffff, v4  }
0x10a: {  	s26 =	sadd.s32 $0x140, s26;
	s25 =	sadd.s32 $0x140, s25;
	s24 =	sadd.s32 $0x140, s24;
	[tilespmem:v62+s16+$0x0] =	vst.idx.add.f32.msk $0xffff, v1  }
0x10b: {  	p0 =	seq.s32 s21, $0x13  }
0x10c: {  	s22 =	sshrl.u32 @!p0 s22, $0x3  }
0x10d: {  	s22 =	sadd.s32 @!p0 $0x7D0, s22  }
0x10e: {  	s24 =	simm.s32 @!p0 $0x0;
	s25 =	simm.s32 @!p0 $0xF000;
	s23 =	sadd.s32 @!p0 s4, s22  }
0x10f: {  	[tilespmem:s25], [sflag:$0x1] =	stream.linear.gather @!p0 [hbm4b:s23+s24], $0x1F40, $0x38;
	[tilespmem:$0x16E00] =	vst v63  }
0x110: {  	s22 =	sadd.s32 @!p0 s1, s22;
	s23 =	simm.s32 @!p0 $0x12F00  }
0x111: {  	[tilespmem:s23], [sflag:$0x1] =	stream.linear.gather @!p0 [hbm4b:s22+s24], $0x1F40, $0x38;
	[tilespmem:$0x16E00] =	vst v63  }
0x112: {  	_ =	swait.ge [sflag:s17], $0x1F40  }
0x113: {  	[sflag:s17] =	ssyncset.done $0x0  }
0x114: {  	[sflag:s17] =	ssyncadd.s32 $0xFFFFE0C0  }
0x115: {  	_ =	swait.ge [sflag:s17], $0x1F40  }
0x116: {  	s25 =	simm.s32 $0x11020;
	s22 =	simm.s32 $0xFFFFFFEC;
	[sflag:s17] =	ssyncset.done $0x0  }
0x117: {  	s23 =	simm.s32 $0x0;
	s24 =	simm.s32 $0x14F20;
	[sflag:s17] =	ssyncadd.s32 $0xFFFFE0C0  }
.LBB2_7:
0x118: {  	v1 =	vld [tilespmem:s25+$0xFFFFFF60];
	_ =	sdelay $0x4  }
0x119: {  	v2 =	vshll.u32 v1, $0x1  }
0x11a: {  	v3 =	vand.u32 $0x7F, v1;
	v2 =	vand.u32 $0x7F00, v2  }
0x11b: {  	v2 =	vor.u32 v3, v2;
	_ =	sdelay $0x3  }
0x11c: {  	v63 =	vld [tilespmem:s25+$0xFFFFFF80]  }
0x11d: {  	v3 =	vld.idx.msk [tilespmem:v2+s3+$0x0], $0xffff  }
0x11e: {  	v4 =	vld [tilespmem:s24+$0xFFFFFF60];
	v5 =	vshrl.u32 v1, $0xE;
	v1 =	vshrl.u32 v1, $0xC  }
0x11f: {  	v5 =	vand.u32 $0x7F, v5;
	v1 =	vand.u32 $0xFFE00, v1  }
0x120: {  	v60 =	vld [tilespmem:s25+$0xFFFFFF70];
	v1 =	vor.u32 v5, v1  }
0x121: {  	v6 =	vor.u32 $0x80, v1  }
0x122: {  	v10 =	vld [tilespmem:s25+$0xFFFFFF90];
	v9 =	vshll.u32 v63, $0x1;
	v7 =	vshll.u32 v3, $0x10  }
0x123: {  	v13 =	vld [tilespmem:s24+$0xFFFFFF70];
	v2 =	vor.u32 $0x80, v2;
	v3 =	vand.u32 $0xFFFF0000, v3;
	v7 =	vmul.f32 v7, v4  }
0x124: {  	v14 =	vld [tilespmem:s25+$0xFFFFFFA0];
	v12 =	vand.u32 $0x7F, v63;
	v9 =	vand.u32 $0x7F00, v9;
	v3 =	vmul.f32 v3, v4  }
0x125: {  	v61 =	vshll.u32 v60, $0x1;
	v9 =	vor.u32 v12, v9;
	[tilespmem:v1+s16+$0x0] =	vst.idx.add.f32.msk $0xffff, v7  }
0x126: {  	v62 =	vand.u32 $0x7F00, v61;
	[tilespmem:v6+s16+$0x0] =	vst.idx.add.f32.msk $0xffff, v3;
	v3 =	vand.u32 $0x7F, v60  }
0x127: {  	v23 =	vld [tilespmem:s24+$0xFFFFFF80];
	v3 =	vor.u32 v3, v62  }
0x128: {  	v2 =	vld.idx.msk [tilespmem:v2+s3+$0x0], $0xffff  }
0x129: {  	v31 =	vld [tilespmem:s24+$0xFFFFFF90]  }
0x12a: {  	v15 =	vld.idx.msk [tilespmem:v9+s3+$0x0], $0xffff  }
0x12b: {  	v37 =	vld [tilespmem:s24+$0xFFFFFFA0];
	v18 =	vshrl.u32 v60, $0xE;
	v20 =	vshll.u32 v10, $0x1;
	v5 =	vshrl.u32 v60, $0xC  }
0x12c: {  	v22 =	vand.u32 $0x7F, v10;
	v11 =	vor.u32 $0x100, v1;
	v5 =	vand.u32 $0xFFE00, v5;
	v17 =	vld.idx.msk [tilespmem:v3+s3+$0x0], $0xffff  }
0x12d: {  	v38 =	vld [tilespmem:s25+$0xFFFFFFB0];
	v1 =	vor.u32 $0x180, v1;
	v8 =	vshll.u32 v2, $0x10;
	v2 =	vand.u32 $0xFFFF0000, v2  }
0x12e: {  	v49 =	vld [tilespmem:s25+$0xFFFFFFD0];
	v8 =	vmul.f32 v8, v4;
	v2 =	vmul.f32 v2, v4;
	v4 =	vand.u32 $0x7F, v18  }
0x12f: {  	v55 =	vld [tilespmem:s24+$0xFFFFFFB0];
	v16 =	vshrl.u32 v63, $0xE;
	v26 =	vshll.u32 v15, $0x10;
	v4 =	vor.u32 v4, v5  }
0x130: {  	v29 =	vmul.f32 v26, v23;
	v26 =	vld [tilespmem:s24+$0xFFFFFFD0];
	v6 =	vshrl.u32 v63, $0xC;
	v21 =	vor.u32 $0x80, v4  }
0x131: {  	v63 =	vld [tilespmem:s24+$0xFFFFFFC0];
	v3 =	vor.u32 $0x80, v3;
	v5 =	vand.u32 $0x7F00, v20;
	v19 =	vshll.u32 v17, $0x10  }
0x132: {  	[tilespmem:v11+s16+$0x0] =	vst.idx.add.f32.msk $0xffff, v8;
	v5 =	vor.u32 v22, v5;
	v7 =	vand.u32 $0xFFFF0000, v17;
	v12 =	vmul.f32 v19, v13  }
0x133: {  	v6 =	vand.u32 $0xFFE00, v6;
	[tilespmem:v1+s16+$0x0] =	vst.idx.add.f32.msk $0xffff, v2;
	v2 =	vand.u32 $0x7F, v16;
	v1 =	vmul.f32 v7, v13  }
0x134: {  	v24 =	vshll.u32 v14, $0x1;
	v2 =	vor.u32 v2, v6;
	[tilespmem:v4+s16+$0x0] =	vst.idx.add.f32.msk $0xffff, v12  }
0x135: {  	v25 =	vand.u32 $0x7F, v14;
	v6 =	vand.u32 $0x7F00, v24;
	[tilespmem:v21+s16+$0x0] =	vst.idx.add.f32.msk $0xffff, v1;
	v1 =	vor.u32 $0x80, v2  }
0x136: {  	v6 =	vor.u32 v25, v6;
	v3 =	vld.idx.msk [tilespmem:v3+s3+$0x0], $0xffff  }
0x137: {  	v32 =	vshrl.u32 v10, $0xE;
	v10 =	vshrl.u32 v10, $0xC;
	v27 =	vand.u32 $0xFFFF0000, v15;
	v28 =	vld.idx.msk [tilespmem:v5+s3+$0x0], $0xffff  }
0x138: {  	v33 =	vand.u32 $0x7F, v32;
	v9 =	vor.u32 $0x80, v9;
	v30 =	vmul.f32 v27, v23;
	v19 =	vld [tilespmem:s25+$0xFFFFFFC0]  }
0x139: {  	v10 =	vand.u32 $0xFFE00, v10;
	v41 =	vor.u32 $0x100, v4;
	v17 =	vshrl.u32 v14, $0xE;
	[tilespmem:v2+s16+$0x0] =	vst.idx.add.f32.msk $0xffff, v29  }
0x13a: {  	v14 =	vshrl.u32 v14, $0xC;
	v17 =	vand.u32 $0x7F, v17;
	[tilespmem:v1+s16+$0x0] =	vst.idx.add.f32.msk $0xffff, v30;
	v1 =	vor.u32 v33, v10  }
0x13b: {  	s26 =	sand.u32 $0x1FC0, s23;
	v14 =	vand.u32 $0xFFE00, v14;
	v4 =	vor.u32 $0x180, v4;
	v36 =	vld.idx.msk [tilespmem:v6+s3+$0x0], $0xffff;
	v18 =	vshll.u32 v3, $0x10  }
0x13c: {  	v34 =	vshll.u32 v28, $0x10;
	v30 =	vld [tilespmem:s26+$0x11000];
	v10 =	vor.u32 $0x80, v1;
	v18 =	vmul.f32 v18, v13  }
0x13d: {  	v5 =	vor.u32 $0x80, v5;
	v7 =	vmul.f32 v34, v31;
	v9 =	vld.idx.msk [tilespmem:v9+s3+$0x0], $0xffff;
	v3 =	vand.u32 $0xFFFF0000, v3  }
0x13e: {  	v14 =	vor.u32 v17, v14;
	v35 =	vand.u32 $0xFFFF0000, v28;
	v3 =	vmul.f32 v3, v13;
	[tilespmem:v41+s16+$0x0] =	vst.idx.add.f32.msk $0xffff, v18  }
0x13f: {  	v39 =	vor.u32 $0x80, v14;
	v8 =	vmul.f32 v35, v31;
	[tilespmem:v1+s16+$0x0] =	vst.idx.add.f32.msk $0xffff, v7  }
0x140: {  	v43 =	vor.u32 $0x100, v2;
	v2 =	vor.u32 $0x180, v2;
	v40 =	vshll.u32 v36, $0x10;
	[tilespmem:v4+s16+$0x0] =	vst.idx.add.f32.msk $0xffff, v3  }
0x141: {  	v6 =	vor.u32 $0x80, v6;
	v15 =	vand.u32 $0xFFFF0000, v36;
	[tilespmem:v10+s16+$0x0] =	vst.idx.add.f32.msk $0xffff, v8;
	v8 =	vmul.f32 v40, v37  }
0x142: {  	v48 =	vshll.u32 v19, $0x1;
	v15 =	vmul.f32 v15, v37;
	v45 =	vshll.u32 v9, $0x10;
	v5 =	vld.idx.msk [tilespmem:v5+s3+$0x0], $0xffff  }
0x143: {  	v50 =	vand.u32 $0x7F, v19;
	v11 =	vand.u32 $0x7F00, v48;
	v46 =	vmul.f32 v45, v23;
	[tilespmem:v14+s16+$0x0] =	vst.idx.add.f32.msk $0xffff, v8  }
0x144: {  	v42 =	vshll.u32 v38, $0x1;
	v4 =	vor.u32 v50, v11;
	[tilespmem:v39+s16+$0x0] =	vst.idx.add.f32.msk $0xffff, v15  }
0x145: {  	v44 =	vand.u32 $0x7F, v38;
	v9 =	vand.u32 $0xFFFF0000, v9;
	v8 =	vand.u32 $0x7F00, v42;
	[tilespmem:v43+s16+$0x0] =	vst.idx.add.f32.msk $0xffff, v46  }
0x146: {  	v9 =	vmul.f32 v9, v23;
	v7 =	vor.u32 v44, v8;
	v44 =	vld [tilespmem:s25+$0x0]  }
0x147: {  	v3 =	vor.u32 $0x100, v1;
	v6 =	vld.idx.msk [tilespmem:v6+s3+$0x0], $0xffff  }
0x148: {  	v1 =	vor.u32 $0x180, v1;
	[tilespmem:v2+s16+$0x0] =	vst.idx.add.f32.msk $0xffff, v9  }
0x149: {  	v56 =	vshrl.u32 v38, $0xE;
	v58 =	vshll.u32 v49, $0x1;
	v61 =	vld.idx.msk [tilespmem:v4+s3+$0x0], $0xffff;
	v47 =	vshll.u32 v5, $0x10  }
0x14a: {  	v2 =	vand.u32 $0x7F, v56;
	v56 =	vld [tilespmem:s25+$0x10];
	v5 =	vand.u32 $0xFFFF0000, v5;
	v51 =	vmul.f32 v47, v31  }
0x14b: {  	v17 =	vshrl.u32 v38, $0xC;
	v54 =	vor.u32 $0x100, v14;
	v5 =	vmul.f32 v5, v31;
	v53 =	vld.idx.msk [tilespmem:v7+s3+$0x0], $0xffff  }
0x14c: {  	v59 =	vand.u32 $0x7F00, v58;
	v57 =	vand.u32 $0xFFE00, v17;
	v34 =	vor.u32 $0x180, v14;
	[tilespmem:v3+s16+$0x0] =	vst.idx.add.f32.msk $0xffff, v51  }
0x14d: {  	v52 =	vshll.u32 v6, $0x10;
	v3 =	vand.u32 $0x7F, v49;
	v6 =	vand.u32 $0xFFFF0000, v6;
	[tilespmem:v1+s16+$0x0] =	vst.idx.add.f32.msk $0xffff, v5  }
0x14e: {  	v60 =	vmul.f32 v52, v37;
	v3 =	vor.u32 v3, v59;
	v6 =	vmul.f32 v6, v37;
	v37 =	vld [tilespmem:s25+$0xFFFFFFF0]  }
0x14f: {  	v21 =	vshrl.u32 v19, $0xC;
	v2 =	vor.u32 v2, v57;
	v52 =	vld [tilespmem:s26+$0x14F00]  }
0x150: {  	v27 =	vshrl.u32 v49, $0xE;
	v20 =	vshrl.u32 v19, $0xE;
	v22 =	vand.u32 $0xFFE00, v21;
	[tilespmem:v54+s16+$0x0] =	vst.idx.add.f32.msk $0xffff, v60  }
0x151: {  	v28 =	vand.u32 $0x7F, v27;
	v62 =	vor.u32 $0x80, v2;
	v1 =	vshll.u32 v53, $0x10;
	[tilespmem:v34+s16+$0x0] =	vst.idx.add.f32.msk $0xffff, v6  }
0x152: {  	v15 =	vshrl.u32 v49, $0xC;
	v4 =	vor.u32 $0x80, v4;
	v34 =	vld [tilespmem:s24+$0x10];
	v1 =	vmul.f32 v1, v55  }
0x153: {  	v29 =	vand.u32 $0xFFE00, v15;
	v7 =	vor.u32 $0x80, v7;
	v11 =	vand.u32 $0xFFFF0000, v53;
	v24 =	vld.idx.msk [tilespmem:v3+s3+$0x0], $0xffff  }
0x154: {  	v54 =	vshll.u32 v44, $0x1;
	v11 =	vmul.f32 v11, v55;
	[tilespmem:v2+s16+$0x0] =	vst.idx.add.f32.msk $0xffff, v1;
	v1 =	vand.u32 $0x7F, v20  }
0x155: {  	v23 =	vshll.u32 v61, $0x10;
	v13 =	vand.u32 $0x7F00, v54;
	v54 =	vld [tilespmem:s25+$0x40];
	v1 =	vor.u32 v1, v22  }
0x156: {  	v10 =	vand.u32 $0xFFFF0000, v61;
	[tilespmem:v62+s16+$0x0] =	vst.idx.add.f32.msk $0xffff, v11;
	v22 =	vshll.u32 v56, $0x1;
	v25 =	vor.u32 $0x80, v1  }
0x157: {  	v12 =	vmul.f32 v23, v63;
	v5 =	vor.u32 v28, v29;
	v62 =	vld [tilespmem:s24+$0xFFFFFFF0];
	v8 =	vand.u32 $0x7F00, v22  }
0x158: {  	v7 =	vld.idx.msk [tilespmem:v7+s3+$0x0], $0xffff;
	v31 =	vshll.u32 v24, $0x10;
	v9 =	vand.u32 $0xFFFF0000, v24;
	v24 =	vand.u32 $0x7F, v56  }
0x159: {  	v10 =	vmul.f32 v10, v63;
	v32 =	vor.u32 $0x80, v5;
	v8 =	vor.u32 v24, v8;
	v24 =	vld [tilespmem:s24+$0x30]  }
0x15a: {  	v3 =	vor.u32 $0x80, v3;
	v33 =	vmul.f32 v31, v26;
	[tilespmem:v1+s16+$0x0] =	vst.idx.add.f32.msk $0xffff, v12  }
0x15b: {  	v36 =	vshll.u32 v30, $0x1;
	v38 =	vand.u32 $0x7F, v30;
	[tilespmem:v25+s16+$0x0] =	vst.idx.add.f32.msk $0xffff, v10  }
0x15c: {  	v14 =	vand.u32 $0x7F00, v36;
	v35 =	vor.u32 $0x100, v2;
	v9 =	vmul.f32 v9, v26;
	[tilespmem:v5+s16+$0x0] =	vst.idx.add.f32.msk $0xffff, v33  }
0x15d: {  	v53 =	vshrl.u32 v30, $0xE;
	v2 =	vor.u32 $0x180, v2;
	v11 =	vshrl.u32 v30, $0xC;
	v4 =	vld.idx.msk [tilespmem:v4+s3+$0x0], $0xffff  }
0x15e: {  	v30 =	vshrl.u32 v44, $0xC;
	v39 =	vshll.u32 v7, $0x10;
	v40 =	vand.u32 $0xFFFF0000, v7;
	[tilespmem:v32+s16+$0x0] =	vst.idx.add.f32.msk $0xffff, v9  }
0x15f: {  	v41 =	vmul.f32 v39, v55;
	v6 =	vmul.f32 v40, v55;
	v55 =	vand.u32 $0x7F, v44;
	v3 =	vld.idx.msk [tilespmem:v3+s3+$0x0], $0xffff  }
0x160: {  	v9 =	vor.u32 v38, v14;
	v58 =	vor.u32 v55, v13;
	v13 =	vand.u32 $0xFFE00, v30;
	v30 =	vld [tilespmem:s24+$0x40]  }
0x161: {  	[tilespmem:v35+s16+$0x0] =	vst.idx.add.f32.msk $0xffff, v41  }
0x162: {  	v32 =	vld.idx.msk [tilespmem:v8+s3+$0x0], $0xffff  }
0x163: {  	v17 =	vshrl.u32 v56, $0xC;
	v29 =	vshrl.u32 v44, $0xE;
	v43 =	vor.u32 $0x100, v1;
	v41 =	vld [tilespmem:s25+$0x20]  }
0x164: {  	v51 =	vor.u32 $0x100, v5;
	v46 =	vshll.u32 v37, $0x1;
	v1 =	vor.u32 $0x180, v1;
	[tilespmem:v2+s16+$0x0] =	vst.idx.add.f32.msk $0xffff, v6  }
0x165: {  	v47 =	vand.u32 $0x7F00, v46;
	v2 =	vand.u32 $0x7F, v37;
	v42 =	vshll.u32 v4, $0x10;
	v49 =	vld.idx.msk [tilespmem:v9+s3+$0x0], $0xffff  }
0x166: {  	v2 =	vor.u32 v2, v47;
	v4 =	vand.u32 $0xFFFF0000, v4;
	v45 =	vmul.f32 v42, v63;
	v23 =	vld.idx.msk [tilespmem:v58+s3+$0x0], $0xffff  }
0x167: {  	v19 =	vshrl.u32 v37, $0xE;
	v36 =	vor.u32 $0x80, v58;
	v4 =	vmul.f32 v4, v63;
	v58 =	vld [tilespmem:s24+$0x20]  }
0x168: {  	v20 =	vshrl.u32 v37, $0xC;
	v57 =	vand.u32 $0xFFE00, v11;
	v5 =	vor.u32 $0x180, v5;
	[tilespmem:v43+s16+$0x0] =	vst.idx.add.f32.msk $0xffff, v45  }
0x169: {  	v48 =	vshll.u32 v3, $0x10;
	v3 =	vand.u32 $0xFFFF0000, v3;
	[tilespmem:v1+s16+$0x0] =	vst.idx.add.f32.msk $0xffff, v4;
	v1 =	vand.u32 $0x7F, v53  }
0x16a: {  	v50 =	vmul.f32 v48, v26;
	v3 =	vmul.f32 v3, v26;
	v26 =	vld [tilespmem:s24+$0x0];
	v1 =	vor.u32 v1, v57  }
0x16b: {  	v21 =	vand.u32 $0xFFE00, v20;
	v38 =	vand.u32 $0xFFE00, v17;
	v60 =	vld.idx.msk [tilespmem:v2+s3+$0x0], $0xffff;
	v61 =	vor.u32 $0x80, v1  }
0x16c: {  	v35 =	vshrl.u32 v56, $0xE;
	v63 =	vor.u32 $0x80, v9;
	[tilespmem:v51+s16+$0x0] =	vst.idx.add.f32.msk $0xffff, v50;
	v59 =	vshll.u32 v49, $0x10  }
0x16d: {  	v10 =	vand.u32 $0xFFFF0000, v49;
	[tilespmem:v5+s16+$0x0] =	vst.idx.add.f32.msk $0xffff, v3;
	v3 =	vand.u32 $0x7F, v19;
	v11 =	vmul.f32 v59, v52  }
0x16e: {  	v37 =	vand.u32 $0x7F, v35;
	v51 =	vld [tilespmem:s25+$0x30];
	v3 =	vor.u32 v3, v21;
	v10 =	vmul.f32 v10, v52  }
0x16f: {  	v7 =	vor.u32 v37, v38;
	v40 =	vshll.u32 v32, $0x10;
	v28 =	vor.u32 $0x80, v3;
	[tilespmem:v1+s16+$0x0] =	vst.idx.add.f32.msk $0xffff, v11  }
0x170: {  	v2 =	vor.u32 $0x80, v2;
	v25 =	vshll.u32 v60, $0x10;
	v4 =	vand.u32 $0xFFFF0000, v60;
	[tilespmem:v61+s16+$0x0] =	vst.idx.add.f32.msk $0xffff, v10  }
0x171: {  	v27 =	vmul.f32 v25, v62;
	v11 =	vand.u32 $0x7F, v29;
	v10 =	vmul.f32 v40, v34;
	v40 =	vld [tilespmem:s26+$0x11080]  }
0x172: {  	v4 =	vmul.f32 v4, v62;
	v11 =	vor.u32 v11, v13;
	v6 =	vld.idx.msk [tilespmem:v63+s3+$0x0], $0xffff  }
0x173: {  	[tilespmem:v3+s16+$0x0] =	vst.idx.add.f32.msk $0xffff, v27;
	v33 =	vor.u32 $0x80, v11  }
0x174: {  	v31 =	vshll.u32 v23, $0x10;
	[tilespmem:v28+s16+$0x0] =	vst.idx.add.f32.msk $0xffff, v4  }
0x175: {  	v39 =	vor.u32 $0x80, v7;
	v5 =	vand.u32 $0xFFFF0000, v23;
	v9 =	vmul.f32 v31, v26;
	[tilespmem:v7+s16+$0x0] =	vst.idx.add.f32.msk $0xffff, v10  }
0x176: {  	v17 =	vand.u32 $0x7F, v54;
	v8 =	vor.u32 $0x80, v8;
	v5 =	vmul.f32 v5, v26;
	v2 =	vld.idx.msk [tilespmem:v2+s3+$0x0], $0xffff  }
0x177: {  	v42 =	vand.u32 $0xFFFF0000, v32;
	v50 =	vand.u32 $0x7F, v41;
	v43 =	vor.u32 $0x100, v1;
	[tilespmem:v11+s16+$0x0] =	vst.idx.add.f32.msk $0xffff, v9  }
0x178: {  	v49 =	vshll.u32 v41, $0x1;
	v1 =	vor.u32 $0x180, v1;
	[tilespmem:v33+s16+$0x0] =	vst.idx.add.f32.msk $0xffff, v5;
	v5 =	vmul.f32 v42, v34  }
0x179: {  	v46 =	vor.u32 $0x100, v3;
	v9 =	vand.u32 $0x7F00, v49;
	v44 =	vshll.u32 v6, $0x10;
	v4 =	vld.idx.msk [tilespmem:v36+s3+$0x0], $0xffff  }
0x17a: {  	v6 =	vand.u32 $0xFFFF0000, v6;
	v9 =	vor.u32 v50, v9;
	v45 =	vmul.f32 v44, v52;
	[tilespmem:v39+s16+$0x0] =	vst.idx.add.f32.msk $0xffff, v5  }
0x17b: {  	v3 =	vor.u32 $0x180, v3;
	v47 =	vmul.f32 v6, v52;
	v48 =	vshll.u32 v2, $0x10;
	v8 =	vld.idx.msk [tilespmem:v8+s3+$0x0], $0xffff  }
0x17c: {  	v56 =	vor.u32 $0x100, v7;
	v59 =	vshrl.u32 v41, $0xE;
	[tilespmem:v43+s16+$0x0] =	vst.idx.add.f32.msk $0xffff, v45;
	v6 =	vmul.f32 v48, v62  }
0x17d: {  	v55 =	vshll.u32 v51, $0x1;
	v52 =	vor.u32 $0x100, v11;
	v2 =	vand.u32 $0xFFFF0000, v2;
	[tilespmem:v1+s16+$0x0] =	vst.idx.add.f32.msk $0xffff, v47  }
0x17e: {  	v57 =	vand.u32 $0x7F, v51;
	v1 =	vmul.f32 v2, v62;
	[tilespmem:v46+s16+$0x0] =	vst.idx.add.f32.msk $0xffff, v6;
	v2 =	vshll.u32 v4, $0x10  }
0x17f: {  	v60 =	vshrl.u32 v41, $0xC;
	v53 =	vor.u32 $0x180, v11;
	v12 =	vld.idx.msk [tilespmem:v9+s3+$0x0], $0xffff;
	v2 =	vmul.f32 v2, v26  }
0x180: {  	[tilespmem:v3+s16+$0x0] =	vst.idx.add.f32.msk $0xffff, v1;
	v1 =	vshll.u32 v8, $0x10;
	v3 =	vand.u32 $0xFFFF0000, v8;
	v8 =	vand.u32 $0x7F00, v55  }
0x181: {  	v5 =	vand.u32 $0x7F, v59;
	v62 =	vld [tilespmem:s25+$0x50];
	v4 =	vand.u32 $0xFFFF0000, v4;
	v8 =	vor.u32 v57, v8  }
0x182: {  	v4 =	vmul.f32 v4, v26;
	[tilespmem:v52+s16+$0x0] =	vst.idx.add.f32.msk $0xffff, v2;
	v2 =	vor.u32 $0x180, v7;
	v7 =	vand.u32 $0xFFE00, v60  }
0x183: {  	v61 =	vshll.u32 v54, $0x1;
	v48 =	vld [tilespmem:s25+$0x70];
	v1 =	vmul.f32 v1, v34;
	v63 =	vor.u32 v5, v7  }
0x184: {  	v25 =	vshrl.u32 v51, $0xE;
	v18 =	vand.u32 $0x7F00, v61;
	v9 =	vor.u32 $0x80, v9;
	[tilespmem:v53+s16+$0x0] =	vst.idx.add.f32.msk $0xffff, v4  }
0x185: {  	v3 =	vmul.f32 v3, v34;
	v5 =	vor.u32 v17, v18;
	[tilespmem:v56+s16+$0x0] =	vst.idx.add.f32.msk $0xffff, v1;
	v1 =	vshll.u32 v12, $0x10  }
0x186: {  	v26 =	vshrl.u32 v51, $0xC;
	v27 =	vshll.u32 v62, $0x1;
	v1 =	vmul.f32 v1, v58;
	v23 =	vld.idx.msk [tilespmem:v8+s3+$0x0], $0xffff  }
0x187: {  	v22 =	vor.u32 $0x80, v63;
	[tilespmem:v2+s16+$0x0] =	vst.idx.add.f32.msk $0xffff, v3;
	v2 =	vand.u32 $0x7F, v25;
	v3 =	vand.u32 $0xFFE00, v26  }
0x188: {  	[tilespmem:v63+s16+$0x0] =	vst.idx.add.f32.msk $0xffff, v1;
	v2 =	vor.u32 v2, v3;
	v1 =	vand.u32 $0x7F, v62;
	v3 =	vand.u32 $0x7F00, v27  }
0x189: {  	v31 =	vshrl.u32 v54, $0xE;
	v20 =	vand.u32 $0xFFFF0000, v12;
	v56 =	vld [tilespmem:s25+$0x80];
	v3 =	vor.u32 v1, v3  }
0x18a: {  	v10 =	vshrl.u32 v54, $0xC;
	v55 =	vshll.u32 v48, $0x1;
	v21 =	vmul.f32 v20, v58;
	v28 =	vld.idx.msk [tilespmem:v5+s3+$0x0], $0xffff  }
0x18b: {  	v59 =	vand.u32 $0x7F, v48;
	v35 =	vshrl.u32 v62, $0xE;
	v15 =	vshrl.u32 v62, $0xC;
	v62 =	vld [tilespmem:s25+$0x90]  }
0x18c: {  	v12 =	vand.u32 $0x7F00, v55;
	[tilespmem:v22+s16+$0x0] =	vst.idx.add.f32.msk $0xffff, v21;
	v29 =	vor.u32 $0x80, v2;
	v1 =	vshll.u32 v23, $0x10  }
0x18d: {  	v10 =	vand.u32 $0xFFE00, v10;
	v12 =	vor.u32 v59, v12;
	v6 =	vld.idx.msk [tilespmem:v9+s3+$0x0], $0xffff;
	v1 =	vmul.f32 v1, v24  }
0x18e: {  	v49 =	vand.u32 $0x7F, v40;
	v47 =	vshll.u32 v40, $0x1;
	v11 =	vand.u32 $0xFFFF0000, v23;
	v33 =	vld.idx.msk [tilespmem:v3+s3+$0x0], $0xffff  }
0x18f: {  	v8 =	vor.u32 $0x80, v8;
	v11 =	vmul.f32 v11, v24;
	[tilespmem:v2+s16+$0x0] =	vst.idx.add.f32.msk $0xffff, v1;
	v1 =	vand.u32 $0x7F, v31  }
0x190: {  	v50 =	vand.u32 $0x7F00, v47;
	v32 =	vshll.u32 v28, $0x10;
	v10 =	vor.u32 v1, v10;
	v1 =	vld [tilespmem:s24+$0x50]  }
0x191: {  	v36 =	vand.u32 $0x7F, v35;
	v38 =	vmul.f32 v32, v30;
	v32 =	vshll.u32 v62, $0x1;
	[tilespmem:v29+s16+$0x0] =	vst.idx.add.f32.msk $0xffff, v11  }
0x192: {  	v35 =	vand.u32 $0x7F, v62;
	v9 =	vand.u32 $0x7F00, v32;
	v11 =	vor.u32 v49, v50;
	v29 =	vld.idx.msk [tilespmem:v12+s3+$0x0], $0xffff  }
0x193: {  	v37 =	vand.u32 $0xFFE00, v15;
	v9 =	vor.u32 v35, v9;
	v50 =	vld [tilespmem:s24+$0x90]  }
0x194: {  	v46 =	vshll.u32 v6, $0x10;
	v6 =	vand.u32 $0xFFFF0000, v6;
	v34 =	vor.u32 $0x80, v10;
	v8 =	vld.idx.msk [tilespmem:v8+s3+$0x0], $0xffff  }
0x195: {  	v5 =	vor.u32 $0x80, v5;
	v6 =	vmul.f32 v6, v58;
	v17 =	vand.u32 $0xFFFF0000, v33;
	[tilespmem:v10+s16+$0x0] =	vst.idx.add.f32.msk $0xffff, v38  }
0x196: {  	v13 =	vand.u32 $0xFFFF0000, v28;
	v45 =	vmul.f32 v17, v1;
	v17 =	vmul.f32 v46, v58;
	v58 =	vld [tilespmem:s26+$0x14F80]  }
0x197: {  	v7 =	vor.u32 v36, v37;
	v39 =	vmul.f32 v13, v30;
	v21 =	vld.idx.msk [tilespmem:v11+s3+$0x0], $0xffff  }
0x198: {  	v44 =	vor.u32 $0x100, v63;
	v36 =	vshrl.u32 v48, $0xE;
	v37 =	vshrl.u32 v48, $0xC;
	v48 =	vld.idx.msk [tilespmem:v9+s3+$0x0], $0xffff  }
0x199: {  	v4 =	vor.u32 $0x180, v63;
	v42 =	vor.u32 $0x80, v7;
	v41 =	vshll.u32 v33, $0x10;
	[tilespmem:v34+s16+$0x0] =	vst.idx.add.f32.msk $0xffff, v39  }
0x19a: {  	v63 =	vor.u32 $0x100, v7;
	v52 =	vor.u32 $0x100, v2;
	v43 =	vmul.f32 v41, v1;
	v34 =	vld [tilespmem:s24+$0x70]  }
0x19b: {  	v22 =	vshrl.u32 v40, $0xE;
	v25 =	vand.u32 $0x7F, v56;
	v3 =	vor.u32 $0x80, v3;
	v5 =	vld.idx.msk [tilespmem:v5+s3+$0x0], $0xffff  }
0x19c: {  	v2 =	vor.u32 $0x180, v2;
	v51 =	vshll.u32 v8, $0x10;
	v8 =	vand.u32 $0xFFFF0000, v8;
	[tilespmem:v7+s16+$0x0] =	vst.idx.add.f32.msk $0xffff, v43  }
0x19d: {  	[tilespmem:v44+s16+$0x0] =	vst.idx.add.f32.msk $0xffff, v17;
	v14 =	vmul.f32 v51, v24;
	v53 =	vmul.f32 v8, v24;
	v24 =	vshll.u32 v56, $0x1  }
0x19e: {  	v57 =	vor.u32 $0x100, v10;
	v60 =	vor.u32 $0x180, v10;
	[tilespmem:v42+s16+$0x0] =	vst.idx.add.f32.msk $0xffff, v45;
	v26 =	vand.u32 $0x7F00, v24  }
0x19f: {  	v10 =	vand.u32 $0xFFE00, v37;
	[tilespmem:v4+s16+$0x0] =	vst.idx.add.f32.msk $0xffff, v6;
	v4 =	vand.u32 $0x7F, v36;
	v6 =	vor.u32 v25, v26  }
0x1a0: {  	v18 =	vshrl.u32 v62, $0xC;
	v13 =	vshrl.u32 v40, $0xC;
	v42 =	vld [tilespmem:s24+$0x80];
	v4 =	vor.u32 v4, v10  }
0x1a1: {  	v15 =	vshrl.u32 v56, $0xC;
	v18 =	vand.u32 $0xFFE00, v18;
	v23 =	vand.u32 $0xFFE00, v13;
	v3 =	vld.idx.msk [tilespmem:v3+s3+$0x0], $0xffff  }
0x1a2: {  	v12 =	vor.u32 $0x80, v12;
	v39 =	vshll.u32 v29, $0x10;
	[tilespmem:v52+s16+$0x0] =	vst.idx.add.f32.msk $0xffff, v14;
	v41 =	vor.u32 $0x80, v4  }
0x1a3: {  	[tilespmem:v2+s16+$0x0] =	vst.idx.add.f32.msk $0xffff, v53;
	v2 =	vand.u32 $0x7F, v22;
	v44 =	vmul.f32 v39, v34;
	v54 =	vshll.u32 v5, $0x10  }
0x1a4: {  	v16 =	vand.u32 $0xFFFF0000, v29;
	v2 =	vor.u32 v2, v23;
	v8 =	vmul.f32 v54, v30;
	v40 =	vld.idx.msk [tilespmem:v6+s3+$0x0], $0xffff  }
0x1a5: {  	v46 =	vand.u32 $0xFFE00, v15;
	v47 =	vmul.f32 v16, v34;
	v5 =	vand.u32 $0xFFFF0000, v5;
	[tilespmem:v4+s16+$0x0] =	vst.idx.add.f32.msk $0xffff, v44  }
0x1a6: {  	v43 =	vshrl.u32 v56, $0xE;
	v27 =	vshll.u32 v21, $0x10;
	v5 =	vmul.f32 v5, v30;
	[tilespmem:v57+s16+$0x0] =	vst.idx.add.f32.msk $0xffff, v8  }
0x1a7: {  	v45 =	vand.u32 $0x7F, v43;
	v33 =	vor.u32 $0x80, v2;
	v30 =	vmul.f32 v27, v58;
	[tilespmem:v41+s16+$0x0] =	vst.idx.add.f32.msk $0xffff, v47  }
0x1a8: {  	v38 =	vor.u32 $0x80, v11;
	v11 =	vor.u32 v45, v46;
	v20 =	vshll.u32 v3, $0x10;
	[tilespmem:v60+s16+$0x0] =	vst.idx.add.f32.msk $0xffff, v5  }
0x1a9: {  	v28 =	vand.u32 $0xFFFF0000, v21;
	v22 =	vshrl.u32 v62, $0xE;
	v61 =	vmul.f32 v20, v1;
	[tilespmem:v2+s16+$0x0] =	vst.idx.add.f32.msk $0xffff, v30  }
0x1aa: {  	v49 =	vor.u32 $0x80, v11;
	v31 =	vmul.f32 v28, v58;
	v22 =	vand.u32 $0x7F, v22;
	v54 =	vld.idx.msk [tilespmem:v12+s3+$0x0], $0xffff  }
0x1ab: {  	v52 =	vor.u32 v22, v18;
	[tilespmem:v63+s16+$0x0] =	vst.idx.add.f32.msk $0xffff, v61;
	v51 =	vshll.u32 v40, $0x10  }
0x1ac: {  	v6 =	vor.u32 $0x80, v6;
	[tilespmem:v33+s16+$0x0] =	vst.idx.add.f32.msk $0xffff, v31;
	v10 =	vand.u32 $0xFFFF0000, v40;
	v8 =	vmul.f32 v51, v42  }
0x1ad: {  	v53 =	vshll.u32 v48, $0x10;
	v18 =	vor.u32 $0x80, v52;
	v5 =	vld.idx.msk [tilespmem:v38+s3+$0x0], $0xffff;
	v10 =	vmul.f32 v10, v42  }
0x1ae: {  	v9 =	vor.u32 $0x80, v9;
	[tilespmem:v11+s16+$0x0] =	vst.idx.add.f32.msk $0xffff, v8;
	v8 =	vmul.f32 v53, v50  }
0x1af: {  	v7 =	vor.u32 $0x180, v7;
	v55 =	vand.u32 $0xFFFF0000, v48;
	[tilespmem:v49+s16+$0x0] =	vst.idx.add.f32.msk $0xffff, v10  }
0x1b0: {  	v56 =	vor.u32 $0x100, v2;
	v12 =	vmul.f32 v55, v50;
	[tilespmem:v52+s16+$0x0] =	vst.idx.add.f32.msk $0xffff, v8  }
0x1b1: {  	v3 =	vand.u32 $0xFFFF0000, v3;
	v2 =	vor.u32 $0x180, v2;
	v6 =	vld.idx.msk [tilespmem:v6+s3+$0x0], $0xffff  }
0x1b2: {  	v1 =	vmul.f32 v3, v1;
	v57 =	vor.u32 $0x100, v4;
	v3 =	vshll.u32 v5, $0x10;
	[tilespmem:v18+s16+$0x0] =	vst.idx.add.f32.msk $0xffff, v12  }
0x1b3: {  	v4 =	vor.u32 $0x180, v4;
	v5 =	vand.u32 $0xFFFF0000, v5;
	v3 =	vmul.f32 v3, v58;
	v9 =	vld.idx.msk [tilespmem:v9+s3+$0x0], $0xffff  }
0x1b4: {  	v59 =	vor.u32 $0x100, v11;
	[tilespmem:v7+s16+$0x0] =	vst.idx.add.f32.msk $0xffff, v1;
	v1 =	vmul.f32 v5, v58;
	v58 =	vshll.u32 v54, $0x10  }
0x1b5: {  	v60 =	vor.u32 $0x180, v11;
	v5 =	vmul.f32 v58, v34;
	[tilespmem:v56+s16+$0x0] =	vst.idx.add.f32.msk $0xffff, v3;
	v3 =	vand.u32 $0xFFFF0000, v54  }
0x1b6: {  	s22 =	sadd.s32 $0x14, s22;
	[tilespmem:v2+s16+$0x0] =	vst.idx.add.f32.msk $0xffff, v1;
	v1 =	vmul.f32 v3, v34;
	v3 =	vor.u32 $0x100, v52;
	v2 =	vshll.u32 v6, $0x10  }
0x1b7: {  	p0 =	slt.u32 s22, $0x1E0;
	v62 =	vor.u32 $0x180, v52;
	[tilespmem:v57+s16+$0x0] =	vst.idx.add.f32.msk $0xffff, v5;
	v61 =	vand.u32 $0xFFFF0000, v6;
	v2 =	vmul.f32 v2, v42  }
.Ltmp2:
0x1b8: {  	[tilespmem:v4+s16+$0x0] =	vst.idx.add.f32.msk $0xffff, v1;
	v1 =	vmul.f32 v61, v42;
	v63 =	vshll.u32 v9, $0x10;
	(pc) =	sbr.rel @p0 .LBB2_7-.Ltmp2, $4  }
0x1b9: {  	[tilespmem:v59+s16+$0x0] =	vst.idx.add.f32.msk $0xffff, v2;
	v2 =	vand.u32 $0xFFFF0000, v9;
	v4 =	vmul.f32 v63, v50  }
0x1ba: {  	[tilespmem:v60+s16+$0x0] =	vst.idx.add.f32.msk $0xffff, v1;
	v1 =	vmul.f32 v2, v50  }
0x1bb: {  	[tilespmem:v3+s16+$0x0] =	vst.idx.add.f32.msk $0xffff, v4  }
0x1bc: {  	s23 =	sadd.s32 $0x140, s23;
	s25 =	sadd.s32 $0x140, s25;
	s24 =	sadd.s32 $0x140, s24;
	[tilespmem:v62+s16+$0x0] =	vst.idx.add.f32.msk $0xffff, v1  }
0x1bd: {  	s21 =	sadd.s32 $0x1, s21  }
0x1be: {  	p0 =	sne.s32 s21, $0x14  }
.Ltmp3:
0x1bf: {  	_ = 	snop;
	(pc) =	sbr.rel @p0 .LBB2_4-.Ltmp3, $1  }
0x1c0: {  	_ =	sdelay $0x3  }
0x1c1: {  	s19 =	sadd.s32 $0x1, s19  }
0x1c2: {  	p0 =	sne.s32 s19, s7  }
.Ltmp4:
0x1c3: {  	_ = 	snop;
	(pc) =	sbr.rel @p0 .LBB2_1-.Ltmp4, $4  }
0x1c4: {  	[hbm4b:s6+s18] =	stream.strided.scatter [tilespmem:s16], [sflag:$0x3], $0xA000, s11, s18, $0x38;
	[tilespmem:$0x16E00] =	vst v63  }
0x1c5: {  	_ =	swait.ge [sflag:s12], $0xA000  }
0x1c6: {  	[sflag:s12] =	ssyncset.done $0x0  }
0x1c7: {  	[sflag:s12] =	ssyncadd.s32 $0xFFFF6000  }
0x1c8: {  	_ =	sfence.sel $0x180000  }
0x1c9: {  	[bflag:$0x0] =	sbarrier.arrive $0xFFFF  }
0x1ca: {  	p0 =	sne.s32 s2, $0x0;
	_ =	strace $0x9000004A  }
0x1cb: {  	s0 =	sadd.s32 @!p0 $0x100000, s0;
	[bflag:$0x2] =	sbarrier.arrive $0xFFFF  }
0x1cc: {  	[sflag:s0] =	ssyncadd.tile.s32 @!p0 $0x1;
	_ =	shalt  }
.Lfunc_end2:
_tile_overlayer_lowered:
.L_overlay_start_2:
0x1cd: {  	(tag) =	ssettag $0x2  }
0x1ce: {  	s0 =	rddreg [dreg:$0x0];
	s2 =	stileid.u32  }
0x1cf: {  	s1 =	rddreg [dreg:$0x1];
	p0 =	sne.s32 s2, $0x0  }
0x1d0: {  	s3 =	rddreg [dreg:$0x2];
	[bflag:$0x3] =	sbarrier.arrive $0xFFFF;
	s2 =	simm.s32 @!p0 $0x1C03  }
0x1d1: {  	[timem:s3], [sflag:s2] =	dma.local @!p0 [hbm:s0], s1  }
0x1d2: {  	s0 =	simm.s32 @!p0 $0x3  }
0x1d3: {  	_ =	swait.ge @!p0 [sflag:s0], s1  }
0x1d4: {  	s1 =	ssub.s32 @!p0 $0x0, s1;
	[sflag:s0] =	ssyncset.done @!p0 $0x0  }
0x1d5: {  	[sflag:s0] =	ssyncadd.s32 @!p0 s1  }
0x1d6: {  	[bflag:$0x3] =	sbarrier.arrive $0xFFFF  }
0x1d7: {  	_ =	shalt  }

// kernel: kernel.15.cloned.1.call-start
scs
__scs_entry_jumppad:
0x0: {  	(pc) =	sbr.rel $0x88, $3  }
0x1: {  	(tag) =	ssettag $0x0;
	lr =	simm.s32 $0x1  }
0x2: {  	[smem:$0x3F8F] =	sst lr;
	_ =	strace $0xD0000000  }
0x3: {  	_ = 	snop  }
0x4: {  	_ = 	snop  }
0x5: {  	_ = 	snop  }
0x6: {  	_ = 	snop  }
0x7: {  	_ = 	snop  }
__scs_overlays_trampoline_lowered:
0x8: {  	[smem:$0x3F9E] =	sst s0  }
0x9: {  	[smem:$0x3F9F] =	sst s1  }
0xa: {  	[smem:$0x3FA0] =	sst s2  }
0xb: {  	[smem:$0x3FA1] =	sst s3  }
0xc: {  	[smem:$0x3FA2] =	sst s4  }
0xd: {  	[smem:$0x3FA3] =	sst s5  }
0xe: {  	[smem:$0x3FA4] =	sst s6  }
0xf: {  	[smem:$0x3FA5] =	sst s7  }
0x10: {  	[smem:$0x3FA6] =	sst s8  }
0x11: {  	[smem:$0x3FA7] =	sst s9;
	s0 =	simm.s32 @!p0 $0x0  }
0x12: {  	s1 =	sld [smem:$0x3F8D];
	s0 =	simm.s32 @p0 $0x1  }
0x13: {  	[smem:$0x3FA8] =	sst s0;
	s0 =	simm.s32 @!p1 $0x0  }
0x14: {  	s2 =	sld [smem:$0x3F8C];
	s0 =	simm.s32 @p1 $0x1  }
0x15: {  	[smem:$0x3FA9] =	sst s0;
	s0 =	simm.s32 @!p2 $0x0  }
0x16: {  	s3 =	sld [smem:$0x3FDB];
	s0 =	simm.s32 @p2 $0x1  }
0x17: {  	s4 =	simm.s32 $0x1BF5;
	[smem:$0x3FAB] =	sst s0  }
0x18: {  	s0 =	sld [smem:$0x3F8E];
	_ =	swait.ge [sflag:s4], $0x0  }
0x19: {  	s7 =	sld [smem:$0x3F8F]  }
0x1a: {  	s8 =	sadd.s32 $0xFFFFE003, lr  }
0x1b: {  	s9 =	sadd.s32 $0xFFFFFEF7, lr;
	s5 =	simm.s32 $0xFFFFFFFF;
	p2 =	slt.u32 s8, $0xFFFFF086  }
0x1c: {  	p1 =	slt.u32 s9, $0xF7A;
	s5 =	simm.s32 @!p2 $0x0  }
0x1d: {  	s5 =	simm.s32 @p1 $0x1;
	p0 =	seq.s32 s7, s2  }
0x1e: {  	s7 =	smul.u32 @!p0 $0xF7A, s2;
	p2 =	seq.s32 @!p0 s5, $0x0  }
0x1f: {  	s9 =	smul.u32 $0xF7A, s1;
	s8 =	simm.s32 @!p0 $0x1BF5;
	p2 =	por !p2, p0  }
0x20: {  	[sflag:s8] =	ssyncset.s32 @!p0 $0xFFFFF086;
	s6 =	sadd.s32 @!p0 s3, s7;
	s7 =	simm.s32 @!p0 $0x108  }
0x21: {  	s3 =	sadd.s32 s3, s9;
	s6 =	sadd.s32 @!p0 $0x88, s6;
	s7 =	simm.s32 @p2 $0x1082  }
0x22: {  	[simem:s7], [sflag:s8] =	dma.local @!p0 [hbm:s6], $0xF7A  }
0x23: {  	s9 =	sor.u32 $0xD0000000, s2;
	s6 =	simm.s32 $0x108;
	_ =	swait.ge @!p0 [sflag:s8], $0x0  }
0x24: {  	s3 =	sadd.s32 $0x88, s3;
	s6 =	simm.s32 @!p1 $0x1082;
	[sflag:s4] =	ssyncset.s32 $0xFFFFF086  }
0x25: {  	[simem:s6], [sflag:s4] =	dma.local [hbm:s3], $0xF7A  }
0x26: {  	[smem:$0x3F8F] =	sst s1;
	(tag) =	ssettag s2;
	_ =	strace s9  }
0x27: {  	s1 =	sld [smem:$0x3F9F]  }
0x28: {  	s2 =	sld [smem:$0x3FA0]  }
0x29: {  	s4 =	sld [smem:$0x3FA2]  }
0x2a: {  	p0 =	seq.s32 s5, $0x0;
	s5 =	sld [smem:$0x3FA3]  }
0x2b: {  	s6 =	sld [smem:$0x3FA4]  }
0x2c: {  	s7 =	sld [smem:$0x3FA5]  }
0x2d: {  	s3 =	simm.s32 $0x108;
	s8 =	sld [smem:$0x3FA6]  }
0x2e: {  	s3 =	simm.s32 @!p0 $0x1082;
	s9 =	sld [smem:$0x3FA7]  }
0x2f: {  	lr =	sadd.s32 s0, s3;
	s0 =	sld [smem:$0x3F9E]  }
0x30: {  	s3 =	sld [smem:$0x3FA1]  }
0x31: {  	[smem:$0x3FAA] =	sst s10  }
0x32: {  	s10 =	sld [smem:$0x3FA8];
	_ =	sdelay $0x3  }
0x33: {  	p0 =	seq.s32 s10, $0x1;
	s10 =	sld [smem:$0x3FAA];
	_ =	sdelay $0x3  }
0x34: {  	[smem:$0x3FAA] =	sst s10  }
0x35: {  	s10 =	sld [smem:$0x3FA9];
	_ =	sdelay $0x3  }
0x36: {  	p1 =	seq.s32 s10, $0x1;
	s10 =	sld [smem:$0x3FAA];
	_ =	sdelay $0x3  }
0x37: {  	[smem:$0x3FAA] =	sst s10  }
0x38: {  	s10 =	sld [smem:$0x3FAB]  }
0x39: {  	_ = 	snop;
	(pc) =	sbr.ind lr, $3  }
0x3a: {  	_ = 	snop  }
0x3b: {  	_ = 	snop  }
0x3c: {  	p2 =	seq.s32 s10, $0x1;
	s10 =	sld [smem:$0x3FAA]  }
0x3d: {  	_ =	shalt  }
0x3e: {  	_ =	shalt  }
0x3f: {  	_ =	shalt  }
0x40: {  	_ =	shalt  }
0x41: {  	_ =	shalt  }
0x42: {  	_ =	shalt  }
0x43: {  	_ =	shalt  }
0x44: {  	_ =	shalt  }
0x45: {  	_ =	shalt  }
0x46: {  	_ =	shalt  }
0x47: {  	_ =	shalt  }
0x48: {  	_ =	shalt  }
0x49: {  	_ =	shalt  }
0x4a: {  	_ =	shalt  }
0x4b: {  	_ =	shalt  }
0x4c: {  	_ =	shalt  }
0x4d: {  	_ =	shalt  }
0x4e: {  	_ =	shalt  }
0x4f: {  	_ =	shalt  }
0x50: {  	_ =	shalt  }
0x51: {  	_ =	shalt  }
0x52: {  	_ =	shalt  }
0x53: {  	_ =	shalt  }
0x54: {  	_ =	shalt  }
0x55: {  	_ =	shalt  }
0x56: {  	_ =	shalt  }
0x57: {  	_ =	shalt  }
0x58: {  	_ =	shalt  }
0x59: {  	_ =	shalt  }
0x5a: {  	_ =	shalt  }
0x5b: {  	_ =	shalt  }
0x5c: {  	_ =	shalt  }
0x5d: {  	_ =	shalt  }
0x5e: {  	_ =	shalt  }
0x5f: {  	_ =	shalt  }
0x60: {  	_ =	shalt  }
0x61: {  	_ =	shalt  }
0x62: {  	_ =	shalt  }
0x63: {  	_ =	shalt  }
0x64: {  	_ =	shalt  }
0x65: {  	_ =	shalt  }
0x66: {  	_ =	shalt  }
0x67: {  	_ =	shalt  }
0x68: {  	_ =	shalt  }
0x69: {  	_ =	shalt  }
0x6a: {  	_ =	shalt  }
0x6b: {  	_ =	shalt  }
0x6c: {  	_ =	shalt  }
0x6d: {  	_ =	shalt  }
0x6e: {  	_ =	shalt  }
0x6f: {  	_ =	shalt  }
0x70: {  	_ =	shalt  }
0x71: {  	_ =	shalt  }
0x72: {  	_ =	shalt  }
0x73: {  	_ =	shalt  }
0x74: {  	_ =	shalt  }
0x75: {  	_ =	shalt  }
0x76: {  	_ =	shalt  }
0x77: {  	_ =	shalt  }
0x78: {  	_ =	shalt  }
0x79: {  	_ =	shalt  }
0x7a: {  	_ =	shalt  }
0x7b: {  	_ =	shalt  }
0x7c: {  	_ =	shalt  }
0x7d: {  	_ =	shalt  }
0x7e: {  	_ =	shalt  }
0x7f: {  	_ =	shalt  }
0x80: {  	_ =	shalt  }
0x81: {  	_ =	shalt  }
0x82: {  	_ =	shalt  }
0x83: {  	_ =	shalt  }
0x84: {  	_ =	shalt  }
0x85: {  	_ =	shalt  }
0x86: {  	_ =	shalt  }
0x87: {  	_ =	shalt  }
.Lfunc_end0:
.L_simem_size_0:
called_computation.2_lowered:
.L_overlay_start_0:
0x88: {  	s2 =	sld [smem:$0x3FD9]  }
0x89: {  	s3 =	sld [smem:$0x3FFE];
	_ =	sdelay $0x1  }
0x8a: {  	s1 =	srdreg.scid  }
0x8b: {  	s0 =	sand.u32 $0x1, s1  }
0x8c: {  	s17 =	sshll.u32 s0, $0xA;
	s2 =	sadd.s32 s3, s2  }
0x8d: {  	s2 =	sadd.s32 s2, s17  }
0x8e: {  	[smem:$0x3FB6] =	sst s2  }
0x8f: {  	_ = 	snop  }
0x90: {  	s18 =	sld [smem:$0x3FC7];
	(tm) =	ssettm $0x1  }
0x91: {  	s19 =	sld [smem:$0x3FFB];
	_ =	sdelay $0x3  }
0x92: {  	_ =	strace s19  }
0x93: {  	s2 =	sld [smem:$0x3FFC];
	_ =	sdelay $0x3  }
0x94: {  	_ =	strace s2  }
0x95: {  	s2 =	sld [smem:$0x3FFD];
	_ =	sdelay $0x3  }
0x96: {  	_ =	strace s2  }
0x97: {  	_ =	strace $0x8FFFFFFF  }
0x98: {  	s20 =	sld [smem:$0x3FDB];
	_ =	sdelay $0x1  }
0x99: {  	s4 =	simm.s32 $_scs_section_size  }
0x9a: {  	s5 =	simm.s32 $_size__tile_overlayer_lowered;
	s6 =	simm.s32 $_tile_overlayer_lowered  }
0x9b: {  	s7 =	simm.s32 $0x1BFF;
	s21 =	sshll.u32 s6, $0x1;
	s4 =	sadd.s32 s4, s20  }
0x9c: {  	s22 =	simm.s32 $0x0;
	s5 =	sshll.u32 s5, $0x1;
	s6 =	sadd.s32 s21, s4  }
0x9d: {  	[timem:s22], [sflag:s7] =	dma.local [hbm:s6], s5  }
0x9e: {  	_ =	swait.ge [sflag:s7], s5  }
0x9f: {  	s5 =	ssub.s32 $0x0, s5;
	[sflag:s7] =	ssyncset.done $0x0  }
0xa0: {  	[sflag:s7] =	ssyncadd.s32 s5;
	_ =	sdelay $0x1  }
0xa1: {  	s23 =	simm.s32 $0x1B8B  }
0xa2: {  	_ =	swait.ge [sflag:s23], $0x1  }
0xa3: {  	[sflag:s23] =	ssyncset.done $0x0  }
0xa4: {  	[sflag:s23] =	ssyncadd.s32 $0xFFFFFFFF  }
0xa5: {  	s5 =	sld [smem:$0x0]  }
0xa6: {  	s6 =	sand.u32 $0xFFFFFFFE, s1  }
0xa7: {  	p0 =	sne.s32 s1, s6  }
0xa8: {  	s6 =	sshll.u32 @p0 s6, $0xE  }
0xa9: {  	s6 =	sadd.s32 @p0 $0x11B8D, s6;
	s7 =	sshll.u32 @p0 s5, $0x11  }
0xaa: {  	s6 =	sor.u32 @p0 s7, s6  }
0xab: {  	[sflag:s6] =	ssyncadd.remote.s32 @p0 $0x1;
	_ =	sdelay $0x1  }
0xac: {  	s6 =	simm.s32 @p0 $0x1B8D  }
0xad: {  	_ =	swait.eq @p0 [sflag:s6], $0x1  }
0xae: {  	[sflag:s6] =	ssyncadd.s32 @p0 $0xFFFFFFFF  }
0xaf: {  	s7 =	sshll.u32 @!p0 s1, $0xE  }
0xb0: {  	s7 =	sor.u32 @!p0 $0x4000, s7;
	s6 =	simm.s32 @!p0 $0x1B8D  }
0xb1: {  	s5 =	sshll.u32 @!p0 s5, $0x11;
	s7 =	sadd.s32 @!p0 $0x11B8D, s7;
	_ =	swait.eq @!p0 [sflag:s6], $0x1  }
0xb2: {  	s5 =	sor.u32 @!p0 s5, s7;
	[sflag:s6] =	ssyncadd.s32 @!p0 $0xFFFFFFFF  }
0xb3: {  	s25 =	simm.s32 $0x1B8E;
	s24 =	sld [smem:$0x3FFE];
	[sflag:s5] =	ssyncadd.remote.s32 @!p0 $0x1  }
0xb4: {  	s26 =	simm.s32 $execute0_lowered;
	[smem:$0x3FD2] =	sst s25  }
0xb5: {  	s6 =	sshll.u32 s26, $0x1;
	_ =	strace $0x8000004C;
	[dreg:$0x1] =	wrdreg $0xFFFFFFFF  }
0xb6: {  	s28 =	simm.s32 $_size_execute0_lowered;
	s4 =	sadd.s32 s4, s6;
	[dreg:$0x0] =	wrdreg $0x0  }
0xb7: {  	s6 =	sshll.u32 s28, $0x1;
	[dreg:$0x2] =	wrdreg s4  }
0xb8: {  	[dreg:$0x3] =	wrdreg s6  }
0xb9: {  	[dreg:$0x4] =	wrdreg $0xC0  }
0xba: {  	_ =	task [dreg:s22], $0x5FFFF  }
0xbb: {  	[dreg:$0x1] =	wrdreg $0xFFFFFFFF  }
0xbc: {  	[dreg:$0x0] =	wrdreg $0x60  }
0xbd: {  	[dreg:$0x2] =	wrdreg s24  }
0xbe: {  	[dreg:$0x3] =	wrdreg s18  }
0xbf: {  	[dreg:$0x4] =	wrdreg $0xA  }
0xc0: {  	_ =	task.clear_ibuf [dreg:s22], $0x5FFFF;
	_ =	strace $0x9000004C  }
0xc1: {  	s29 =	simm.s32 $0xA;
	_ =	strace $0x8000004E  }
0xc2: {  	_ =	swait.ge [sflag:s29], $0x1  }
0xc3: {  	[sflag:s29] =	ssyncadd.s32 $0xFFFFFFFF  }
0xc4: {  	_ =	strace $0x9000004E  }
0xc5: {  	_ =	sfence  }
0xc6: {  	s30 =	sld [smem:$0x0];
	_ =	sdelay $0x2  }
0xc7: {  	s31 =	sshll.u32 s1, $0xD;
	s1 =	sshrl.u32 s1, $0x2  }
0xc8: {  	s4 =	sand.u32 $0x4000, s31;
	s1 =	sadd.s32 s1, s30  }
0xc9: {  	s0 =	sor.u32 s4, s0;
	s1 =	sshll.u32 s1, $0x11  }
0xca: {  	s0 =	sor.u32 s1, s0  }
0xcb: {  	s0 =	sadd.s32 $0x8F2B, s0  }
0xcc: {  	[sflag:s0] =	ssyncadd.remote.s32 $0x1  }
0xcd: {  	_ =	sfence.sel $0xFFFF  }
0xce: {  	[dreg:$0x0] =	wrdreg $0xFFFFFFFF;
	(pc) =	sbr.abs _section_cstart, $3  }
0xcf: {  	[dreg:$0x1] =	wrdreg $0xFFFFFFFF  }
0xd0: {  	_ =	task.clear_ibuf [dreg:s22], $0x2FFFF;
	_ =	strace $0x9FFFFFFF  }
0xd1: {  	(tm) =	ssettm $0x7FFFFFFF  }
tec
execute0_lowered:
.L_overlay_start_1:
0x0: {  	(tag) =	ssettag $0x1  }
0x1: {  	s5 =	rddreg [dreg:$0x0]  }
0x2: {  	s2 =	rddreg [dreg:$0x1]  }
0x3: {  	s0 =	rddreg [dreg:$0x2]  }
0x4: {  	s3 =	simm.s32 $0x0;
	s1 =	stileid.u32;
	s4 =	srdreg.scid  }
0x5: {  	s11 =	simm.s32 $0x400;
	s12 =	simm.s32 $0x3;
	s13 =	simm.s32 $0x10F80  }
0x6: {  	s14 =	simm.s32 $0x14E80;
	s15 =	simm.s32 $0x1;
	s16 =	simm.s32 $0x5000  }
0x7: {  	s17 =	simm.s32 $0x2;
	s18 =	simm.s32 $0x200;
	s19 =	simm.s32 $0x0  }
0x8: {  	[smem:$0x7FF] =	sst s3;
	s6 =	sshrl.u32 s1, $0x1;
	s7 =	sand.u32 $0x1, s4  }
0x9: {  	s28 =	sshll.u32 s1, $0x9;
	s10 =	smul.u32 $0x14000, s1;
	s4 =	sadd.s32 $0x19800, s5  }
0xa: {  	_ =	strace $0x8000004D;
	s6 =	smul.u32 $0x14000, s6;
	s8 =	sshll.u32 s7, $0x8  }
0xb: {  	s9 =	sand.u32 $0x200, s28;
	s29 =	sshll.u32 s7, $0x9;
	s7 =	ssub.s32 $0x2, s7  }
0xc: {  	s8 =	sor.u32 s8, s9;
	s30 =	sor.u32 s29, s10;
	s31 =	sshrl.u32 s7, $0x1  }
0xd: {  	s9 =	simm.s32 $0x12F00;
	s10 =	simm.s32 $0x100;
	s6 =	sor.u32 s6, s8  }
0xe: {  	s8 =	sshrl.u32 s30, $0x3;
	s7 =	ssub.s32 s7, s31;
	s6 =	sshrl.u32 s6, $0x3  }
0xf: {  	s8 =	sadd.s32 s8, s5;
	s7 =	smax.u32 s7, $0x1;
	s6 =	sadd.s32 s6, s5  }
0x10: {  	v0 =	vimm.f32 $0.0e+00;
	s5 =	sadd.s32 $0x9B600, s6;
	s6 =	sadd.s32 $0x113600, s8;
	s8 =	simm.s32 $0xF000  }
.LBB2_1:
0x11: {  	[tilespmem:s8], [sflag:$0x1] =	stream.linear.gather [hbm4b:s4+s3], $0x1F40, $0x38;
	[tilespmem:$0x16E00] =	vst v63  }
0x12: {  	_ = 	snop  }
0x13: {  	[tilespmem:s9], [sflag:$0x1] =	stream.linear.gather [hbm4b:s2+s3], $0x1F40, $0x38;
	[tilespmem:$0x16E00] =	vst v63  }
0x14: {  	_ = 	snop  }
0x15: {  	[tilespmem:s3], [sflag:$0x3] =	stream.strided.gather [hbm4b:s5+s10], $0x5000, s11, s10, $0x38;
	[tilespmem:$0x16E00] =	vst v63  }
0x16: {  	_ =	swait.ge [sflag:s12], $0x5000  }
0x17: {  	[sflag:s12] =	ssyncset.done $0x0  }
0x18: {  	s20 =	simm.s32 $0x5100;
	[sflag:s12] =	ssyncadd.s32 $0xFFFFB000  }
0x19: {  	[tilespmem:s20+$0xFFFFFF00] =	vst v0  }
0x1a: {  	[tilespmem:s20+$0xF0] =	vst v0  }
0x1b: {  	[tilespmem:s20+$0x70] =	vst v0  }
0x1c: {  	[tilespmem:s20+$0xFFFFFFF0] =	vst v0  }
0x1d: {  	[tilespmem:s20+$0xFFFFFF70] =	vst v0  }
0x1e: {  	[tilespmem:s20+$0xE0] =	vst v0  }
0x1f: {  	[tilespmem:s20+$0x60] =	vst v0  }
0x20: {  	[tilespmem:s20+$0xFFFFFFE0] =	vst v0  }
0x21: {  	[tilespmem:s20+$0xFFFFFF60] =	vst v0  }
0x22: {  	[tilespmem:s20+$0xD0] =	vst v0  }
0x23: {  	[tilespmem:s20+$0x50] =	vst v0  }
0x24: {  	[tilespmem:s20+$0xFFFFFFD0] =	vst v0  }
0x25: {  	[tilespmem:s20+$0xFFFFFF50] =	vst v0  }
0x26: {  	[tilespmem:s20+$0xC0] =	vst v0  }
0x27: {  	[tilespmem:s20+$0x40] =	vst v0  }
0x28: {  	[tilespmem:s20+$0xFFFFFFC0] =	vst v0  }
0x29: {  	[tilespmem:s20+$0xFFFFFF40] =	vst v0  }
0x2a: {  	[tilespmem:s20+$0xB0] =	vst v0  }
0x2b: {  	[tilespmem:s20+$0x30] =	vst v0  }
0x2c: {  	[tilespmem:s20+$0xFFFFFFB0] =	vst v0  }
0x2d: {  	[tilespmem:s20+$0xFFFFFF30] =	vst v0  }
0x2e: {  	[tilespmem:s20+$0xA0] =	vst v0  }
0x2f: {  	[tilespmem:s20+$0x20] =	vst v0  }
0x30: {  	[tilespmem:s20+$0xFFFFFFA0] =	vst v0  }
0x31: {  	[tilespmem:s20+$0xFFFFFF20] =	vst v0  }
0x32: {  	[tilespmem:s20+$0x90] =	vst v0  }
0x33: {  	[tilespmem:s20+$0x10] =	vst v0  }
0x34: {  	[tilespmem:s20+$0xFFFFFF90] =	vst v0  }
0x35: {  	[tilespmem:s20+$0xFFFFFF10] =	vst v0  }
0x36: {  	[tilespmem:s20+$0x80] =	vst v0  }
0x37: {  	s21 =	simm.s32 $0x0;
	[tilespmem:s20+$0x0] =	vst v0  }
.LBB2_2:
0x38: {  	s21 =	sadd.s32 $0x8, s21;
	[tilespmem:s20+$0xFFFFFF80] =	vst v0;
	s20 =	sadd.s32 $0x200, s20  }
0x39: {  	[tilespmem:s20+$0xFFFFFF00] =	vst v0;
	p0 =	slt.u32 s21, $0x278  }
0x3a: {  	[tilespmem:s20+$0xF0] =	vst v0  }
0x3b: {  	[tilespmem:s20+$0x70] =	vst v0  }
0x3c: {  	[tilespmem:s20+$0xFFFFFFF0] =	vst v0  }
0x3d: {  	[tilespmem:s20+$0xFFFFFF70] =	vst v0  }
0x3e: {  	[tilespmem:s20+$0xE0] =	vst v0  }
0x3f: {  	[tilespmem:s20+$0x60] =	vst v0  }
0x40: {  	[tilespmem:s20+$0xFFFFFFE0] =	vst v0  }
0x41: {  	[tilespmem:s20+$0xFFFFFF60] =	vst v0  }
0x42: {  	[tilespmem:s20+$0xD0] =	vst v0  }
0x43: {  	[tilespmem:s20+$0x50] =	vst v0  }
0x44: {  	[tilespmem:s20+$0xFFFFFFD0] =	vst v0  }
0x45: {  	[tilespmem:s20+$0xFFFFFF50] =	vst v0  }
0x46: {  	[tilespmem:s20+$0xC0] =	vst v0  }
0x47: {  	[tilespmem:s20+$0x40] =	vst v0  }
0x48: {  	[tilespmem:s20+$0xFFFFFFC0] =	vst v0  }
0x49: {  	[tilespmem:s20+$0xFFFFFF40] =	vst v0  }
0x4a: {  	[tilespmem:s20+$0xB0] =	vst v0  }
0x4b: {  	[tilespmem:s20+$0x30] =	vst v0  }
0x4c: {  	[tilespmem:s20+$0xFFFFFFB0] =	vst v0  }
0x4d: {  	[tilespmem:s20+$0xFFFFFF30] =	vst v0  }
0x4e: {  	[tilespmem:s20+$0xA0] =	vst v0  }
0x4f: {  	[tilespmem:s20+$0x20] =	vst v0  }
0x50: {  	[tilespmem:s20+$0xFFFFFFA0] =	vst v0  }
0x51: {  	[tilespmem:s20+$0xFFFFFF20] =	vst v0  }
0x52: {  	[tilespmem:s20+$0x90] =	vst v0  }
.Ltmp0:
0x53: {  	[tilespmem:s20+$0x10] =	vst v0;
	(pc) =	sbr.rel @p0 .LBB2_2-.Ltmp0, $4  }
0x54: {  	[tilespmem:s20+$0xFFFFFF90] =	vst v0  }
0x55: {  	[tilespmem:s20+$0xFFFFFF10] =	vst v0  }
0x56: {  	[tilespmem:s20+$0x80] =	vst v0  }
0x57: {  	[tilespmem:s20+$0x0] =	vst v0  }
0x58: {  	[tilespmem:s20+$0xFFFFFF80] =	vst v0;
	s20 =	simm.s32 $0x0;
	s21 =	simm.s32 $0x0  }
.LBB2_4:
0x59: {  	s22 =	smul.u32 $0x3E80, s21;
	_ =	sdelay $0x1  }
0x5a: {  	s23 =	sshrl.u32 s22, $0x3  }
0x5b: {  	s23 =	sadd.s32 $0x3E8, s23  }
0x5c: {  	s24 =	sadd.s32 s4, s23  }
0x5d: {  	[tilespmem:s13], [sflag:$0x2] =	stream.linear.gather [hbm4b:s24+s20], $0x1F40, $0x38;
	[tilespmem:$0x16E00] =	vst v63  }
0x5e: {  	s23 =	sadd.s32 s2, s23  }
0x5f: {  	[tilespmem:s14], [sflag:$0x2] =	stream.linear.gather [hbm4b:s23+s20], $0x1F40, $0x38;
	[tilespmem:$0x16E00] =	vst v63  }
0x60: {  	_ =	swait.ge [sflag:s15], $0x1F40  }
0x61: {  	[sflag:s15] =	ssyncset.done $0x0  }
0x62: {  	[sflag:s15] =	ssyncadd.s32 $0xFFFFE0C0  }
0x63: {  	_ =	swait.ge [sflag:s15], $0x1F40  }
0x64: {  	s25 =	simm.s32 $0xF0A0;
	s26 =	simm.s32 $0x0;
	[sflag:s15] =	ssyncset.done $0x0  }
0x65: {  	s24 =	simm.s32 $0x12FA0;
	s23 =	simm.s32 $0xFFFFFFEC;
	[sflag:s15] =	ssyncadd.s32 $0xFFFFE0C0  }
.LBB2_5:
0x66: {  	v1 =	vld [tilespmem:s25+$0xFFFFFF60];
	_ =	sdelay $0x4  }
0x67: {  	v2 =	vshll.u32 v1, $0x1  }
0x68: {  	v3 =	vand.u32 $0x7F, v1;
	v2 =	vand.u32 $0x7F00, v2  }
0x69: {  	v2 =	vor.u32 v3, v2;
	_ =	sdelay $0x3  }
0x6a: {  	v63 =	vld [tilespmem:s25+$0xFFFFFF80]  }
0x6b: {  	v3 =	vld.idx.msk [tilespmem:v2+s3+$0x0], $0xffff  }
0x6c: {  	v4 =	vld [tilespmem:s24+$0xFFFFFF60];
	v5 =	vshrl.u32 v1, $0xE;
	v1 =	vshrl.u32 v1, $0xC  }
0x6d: {  	v5 =	vand.u32 $0x7F, v5;
	v1 =	vand.u32 $0xFFE00, v1  }
0x6e: {  	v60 =	vld [tilespmem:s25+$0xFFFFFF70];
	v1 =	vor.u32 v5, v1  }
0x6f: {  	v6 =	vor.u32 $0x80, v1  }
0x70: {  	v10 =	vld [tilespmem:s25+$0xFFFFFF90];
	v9 =	vshll.u32 v63, $0x1;
	v7 =	vshll.u32 v3, $0x10  }
0x71: {  	v13 =	vld [tilespmem:s24+$0xFFFFFF70];
	v2 =	vor.u32 $0x80, v2;
	v3 =	vand.u32 $0xFFFF0000, v3;
	v7 =	vmul.f32 v7, v4  }
0x72: {  	v14 =	vld [tilespmem:s25+$0xFFFFFFA0];
	v12 =	vand.u32 $0x7F, v63;
	v9 =	vand.u32 $0x7F00, v9;
	v3 =	vmul.f32 v3, v4  }
0x73: {  	v61 =	vshll.u32 v60, $0x1;
	v9 =	vor.u32 v12, v9;
	[tilespmem:v1+s16+$0x0] =	vst.idx.add.f32.msk $0xffff, v7  }
0x74: {  	v62 =	vand.u32 $0x7F00, v61;
	[tilespmem:v6+s16+$0x0] =	vst.idx.add.f32.msk $0xffff, v3;
	v3 =	vand.u32 $0x7F, v60  }
0x75: {  	v23 =	vld [tilespmem:s24+$0xFFFFFF80];
	v3 =	vor.u32 v3, v62  }
0x76: {  	v2 =	vld.idx.msk [tilespmem:v2+s3+$0x0], $0xffff  }
0x77: {  	v31 =	vld [tilespmem:s24+$0xFFFFFF90]  }
0x78: {  	v15 =	vld.idx.msk [tilespmem:v9+s3+$0x0], $0xffff  }
0x79: {  	v37 =	vld [tilespmem:s24+$0xFFFFFFA0];
	v18 =	vshrl.u32 v60, $0xE;
	v20 =	vshll.u32 v10, $0x1;
	v5 =	vshrl.u32 v60, $0xC  }
0x7a: {  	v22 =	vand.u32 $0x7F, v10;
	v11 =	vor.u32 $0x100, v1;
	v5 =	vand.u32 $0xFFE00, v5;
	v17 =	vld.idx.msk [tilespmem:v3+s3+$0x0], $0xffff  }
0x7b: {  	v38 =	vld [tilespmem:s25+$0xFFFFFFB0];
	v1 =	vor.u32 $0x180, v1;
	v8 =	vshll.u32 v2, $0x10;
	v2 =	vand.u32 $0xFFFF0000, v2  }
0x7c: {  	v49 =	vld [tilespmem:s25+$0xFFFFFFD0];
	v8 =	vmul.f32 v8, v4;
	v2 =	vmul.f32 v2, v4;
	v4 =	vand.u32 $0x7F, v18  }
0x7d: {  	v55 =	vld [tilespmem:s24+$0xFFFFFFB0];
	v16 =	vshrl.u32 v63, $0xE;
	v26 =	vshll.u32 v15, $0x10;
	v4 =	vor.u32 v4, v5  }
0x7e: {  	v29 =	vmul.f32 v26, v23;
	v26 =	vld [tilespmem:s24+$0xFFFFFFD0];
	v6 =	vshrl.u32 v63, $0xC;
	v21 =	vor.u32 $0x80, v4  }
0x7f: {  	v63 =	vld [tilespmem:s24+$0xFFFFFFC0];
	v3 =	vor.u32 $0x80, v3;
	v5 =	vand.u32 $0x7F00, v20;
	v19 =	vshll.u32 v17, $0x10  }
0x80: {  	[tilespmem:v11+s16+$0x0] =	vst.idx.add.f32.msk $0xffff, v8;
	v5 =	vor.u32 v22, v5;
	v7 =	vand.u32 $0xFFFF0000, v17;
	v12 =	vmul.f32 v19, v13  }
0x81: {  	v6 =	vand.u32 $0xFFE00, v6;
	[tilespmem:v1+s16+$0x0] =	vst.idx.add.f32.msk $0xffff, v2;
	v2 =	vand.u32 $0x7F, v16;
	v1 =	vmul.f32 v7, v13  }
0x82: {  	v24 =	vshll.u32 v14, $0x1;
	v2 =	vor.u32 v2, v6;
	[tilespmem:v4+s16+$0x0] =	vst.idx.add.f32.msk $0xffff, v12  }
0x83: {  	v25 =	vand.u32 $0x7F, v14;
	v6 =	vand.u32 $0x7F00, v24;
	[tilespmem:v21+s16+$0x0] =	vst.idx.add.f32.msk $0xffff, v1;
	v1 =	vor.u32 $0x80, v2  }
0x84: {  	v6 =	vor.u32 v25, v6;
	v3 =	vld.idx.msk [tilespmem:v3+s3+$0x0], $0xffff  }
0x85: {  	v32 =	vshrl.u32 v10, $0xE;
	v10 =	vshrl.u32 v10, $0xC;
	v27 =	vand.u32 $0xFFFF0000, v15;
	v28 =	vld.idx.msk [tilespmem:v5+s3+$0x0], $0xffff  }
0x86: {  	v33 =	vand.u32 $0x7F, v32;
	v9 =	vor.u32 $0x80, v9;
	v30 =	vmul.f32 v27, v23;
	v19 =	vld [tilespmem:s25+$0xFFFFFFC0]  }
0x87: {  	v10 =	vand.u32 $0xFFE00, v10;
	v41 =	vor.u32 $0x100, v4;
	v17 =	vshrl.u32 v14, $0xE;
	[tilespmem:v2+s16+$0x0] =	vst.idx.add.f32.msk $0xffff, v29  }
0x88: {  	v14 =	vshrl.u32 v14, $0xC;
	v17 =	vand.u32 $0x7F, v17;
	[tilespmem:v1+s16+$0x0] =	vst.idx.add.f32.msk $0xffff, v30;
	v1 =	vor.u32 v33, v10  }
0x89: {  	s28 =	sand.u32 $0x1FC0, s26;
	v14 =	vand.u32 $0xFFE00, v14;
	v4 =	vor.u32 $0x180, v4;
	v36 =	vld.idx.msk [tilespmem:v6+s3+$0x0], $0xffff;
	v18 =	vshll.u32 v3, $0x10  }
0x8a: {  	v34 =	vshll.u32 v28, $0x10;
	v30 =	vld [tilespmem:s28+$0xF080];
	v10 =	vor.u32 $0x80, v1;
	v18 =	vmul.f32 v18, v13  }
0x8b: {  	v5 =	vor.u32 $0x80, v5;
	v7 =	vmul.f32 v34, v31;
	v9 =	vld.idx.msk [tilespmem:v9+s3+$0x0], $0xffff;
	v3 =	vand.u32 $0xFFFF0000, v3  }
0x8c: {  	v14 =	vor.u32 v17, v14;
	v35 =	vand.u32 $0xFFFF0000, v28;
	v3 =	vmul.f32 v3, v13;
	[tilespmem:v41+s16+$0x0] =	vst.idx.add.f32.msk $0xffff, v18  }
0x8d: {  	v39 =	vor.u32 $0x80, v14;
	v8 =	vmul.f32 v35, v31;
	[tilespmem:v1+s16+$0x0] =	vst.idx.add.f32.msk $0xffff, v7  }
0x8e: {  	v43 =	vor.u32 $0x100, v2;
	v2 =	vor.u32 $0x180, v2;
	v40 =	vshll.u32 v36, $0x10;
	[tilespmem:v4+s16+$0x0] =	vst.idx.add.f32.msk $0xffff, v3  }
0x8f: {  	v6 =	vor.u32 $0x80, v6;
	v15 =	vand.u32 $0xFFFF0000, v36;
	[tilespmem:v10+s16+$0x0] =	vst.idx.add.f32.msk $0xffff, v8;
	v8 =	vmul.f32 v40, v37  }
0x90: {  	v48 =	vshll.u32 v19, $0x1;
	v15 =	vmul.f32 v15, v37;
	v45 =	vshll.u32 v9, $0x10;
	v5 =	vld.idx.msk [tilespmem:v5+s3+$0x0], $0xffff  }
0x91: {  	v50 =	vand.u32 $0x7F, v19;
	v11 =	vand.u32 $0x7F00, v48;
	v46 =	vmul.f32 v45, v23;
	[tilespmem:v14+s16+$0x0] =	vst.idx.add.f32.msk $0xffff, v8  }
0x92: {  	v42 =	vshll.u32 v38, $0x1;
	v4 =	vor.u32 v50, v11;
	[tilespmem:v39+s16+$0x0] =	vst.idx.add.f32.msk $0xffff, v15  }
0x93: {  	v44 =	vand.u32 $0x7F, v38;
	v9 =	vand.u32 $0xFFFF0000, v9;
	v8 =	vand.u32 $0x7F00, v42;
	[tilespmem:v43+s16+$0x0] =	vst.idx.add.f32.msk $0xffff, v46  }
0x94: {  	v9 =	vmul.f32 v9, v23;
	v7 =	vor.u32 v44, v8;
	v44 =	vld [tilespmem:s25+$0x0]  }
0x95: {  	v3 =	vor.u32 $0x100, v1;
	v6 =	vld.idx.msk [tilespmem:v6+s3+$0x0], $0xffff  }
0x96: {  	v1 =	vor.u32 $0x180, v1;
	[tilespmem:v2+s16+$0x0] =	vst.idx.add.f32.msk $0xffff, v9  }
0x97: {  	v56 =	vshrl.u32 v38, $0xE;
	v58 =	vshll.u32 v49, $0x1;
	v61 =	vld.idx.msk [tilespmem:v4+s3+$0x0], $0xffff;
	v47 =	vshll.u32 v5, $0x10  }
0x98: {  	v2 =	vand.u32 $0x7F, v56;
	v56 =	vld [tilespmem:s25+$0x10];
	v5 =	vand.u32 $0xFFFF0000, v5;
	v51 =	vmul.f32 v47, v31  }
0x99: {  	v17 =	vshrl.u32 v38, $0xC;
	v54 =	vor.u32 $0x100, v14;
	v5 =	vmul.f32 v5, v31;
	v53 =	vld.idx.msk [tilespmem:v7+s3+$0x0], $0xffff  }
0x9a: {  	v59 =	vand.u32 $0x7F00, v58;
	v57 =	vand.u32 $0xFFE00, v17;
	v34 =	vor.u32 $0x180, v14;
	[tilespmem:v3+s16+$0x0] =	vst.idx.add.f32.msk $0xffff, v51  }
0x9b: {  	v52 =	vshll.u32 v6, $0x10;
	v3 =	vand.u32 $0x7F, v49;
	v6 =	vand.u32 $0xFFFF0000, v6;
	[tilespmem:v1+s16+$0x0] =	vst.idx.add.f32.msk $0xffff, v5  }
0x9c: {  	v60 =	vmul.f32 v52, v37;
	v3 =	vor.u32 v3, v59;
	v6 =	vmul.f32 v6, v37;
	v37 =	vld [tilespmem:s25+$0xFFFFFFF0]  }
0x9d: {  	v21 =	vshrl.u32 v19, $0xC;
	v2 =	vor.u32 v2, v57;
	v52 =	vld [tilespmem:s28+$0x12F80]  }
0x9e: {  	v27 =	vshrl.u32 v49, $0xE;
	v20 =	vshrl.u32 v19, $0xE;
	v22 =	vand.u32 $0xFFE00, v21;
	[tilespmem:v54+s16+$0x0] =	vst.idx.add.f32.msk $0xffff, v60  }
0x9f: {  	v28 =	vand.u32 $0x7F, v27;
	v62 =	vor.u32 $0x80, v2;
	v1 =	vshll.u32 v53, $0x10;
	[tilespmem:v34+s16+$0x0] =	vst.idx.add.f32.msk $0xffff, v6  }
0xa0: {  	v15 =	vshrl.u32 v49, $0xC;
	v4 =	vor.u32 $0x80, v4;
	v34 =	vld [tilespmem:s24+$0x10];
	v1 =	vmul.f32 v1, v55  }
0xa1: {  	v29 =	vand.u32 $0xFFE00, v15;
	v7 =	vor.u32 $0x80, v7;
	v11 =	vand.u32 $0xFFFF0000, v53;
	v24 =	vld.idx.msk [tilespmem:v3+s3+$0x0], $0xffff  }
0xa2: {  	v54 =	vshll.u32 v44, $0x1;
	v11 =	vmul.f32 v11, v55;
	[tilespmem:v2+s16+$0x0] =	vst.idx.add.f32.msk $0xffff, v1;
	v1 =	vand.u32 $0x7F, v20  }
0xa3: {  	v23 =	vshll.u32 v61, $0x10;
	v13 =	vand.u32 $0x7F00, v54;
	v54 =	vld [tilespmem:s25+$0x40];
	v1 =	vor.u32 v1, v22  }
0xa4: {  	v10 =	vand.u32 $0xFFFF0000, v61;
	[tilespmem:v62+s16+$0x0] =	vst.idx.add.f32.msk $0xffff, v11;
	v22 =	vshll.u32 v56, $0x1;
	v25 =	vor.u32 $0x80, v1  }
0xa5: {  	v12 =	vmul.f32 v23, v63;
	v5 =	vor.u32 v28, v29;
	v62 =	vld [tilespmem:s24+$0xFFFFFFF0];
	v8 =	vand.u32 $0x7F00, v22  }
0xa6: {  	v7 =	vld.idx.msk [tilespmem:v7+s3+$0x0], $0xffff;
	v31 =	vshll.u32 v24, $0x10;
	v9 =	vand.u32 $0xFFFF0000, v24;
	v24 =	vand.u32 $0x7F, v56  }
0xa7: {  	v10 =	vmul.f32 v10, v63;
	v32 =	vor.u32 $0x80, v5;
	v8 =	vor.u32 v24, v8;
	v24 =	vld [tilespmem:s24+$0x30]  }
0xa8: {  	v3 =	vor.u32 $0x80, v3;
	v33 =	vmul.f32 v31, v26;
	[tilespmem:v1+s16+$0x0] =	vst.idx.add.f32.msk $0xffff, v12  }
0xa9: {  	v36 =	vshll.u32 v30, $0x1;
	v38 =	vand.u32 $0x7F, v30;
	[tilespmem:v25+s16+$0x0] =	vst.idx.add.f32.msk $0xffff, v10  }
0xaa: {  	v14 =	vand.u32 $0x7F00, v36;
	v35 =	vor.u32 $0x100, v2;
	v9 =	vmul.f32 v9, v26;
	[tilespmem:v5+s16+$0x0] =	vst.idx.add.f32.msk $0xffff, v33  }
0xab: {  	v53 =	vshrl.u32 v30, $0xE;
	v2 =	vor.u32 $0x180, v2;
	v11 =	vshrl.u32 v30, $0xC;
	v4 =	vld.idx.msk [tilespmem:v4+s3+$0x0], $0xffff  }
0xac: {  	v30 =	vshrl.u32 v44, $0xC;
	v39 =	vshll.u32 v7, $0x10;
	v40 =	vand.u32 $0xFFFF0000, v7;
	[tilespmem:v32+s16+$0x0] =	vst.idx.add.f32.msk $0xffff, v9  }
0xad: {  	v41 =	vmul.f32 v39, v55;
	v6 =	vmul.f32 v40, v55;
	v55 =	vand.u32 $0x7F, v44;
	v3 =	vld.idx.msk [tilespmem:v3+s3+$0x0], $0xffff  }
0xae: {  	v9 =	vor.u32 v38, v14;
	v58 =	vor.u32 v55, v13;
	v13 =	vand.u32 $0xFFE00, v30;
	v30 =	vld [tilespmem:s24+$0x40]  }
0xaf: {  	[tilespmem:v35+s16+$0x0] =	vst.idx.add.f32.msk $0xffff, v41  }
0xb0: {  	v32 =	vld.idx.msk [tilespmem:v8+s3+$0x0], $0xffff  }
0xb1: {  	v17 =	vshrl.u32 v56, $0xC;
	v29 =	vshrl.u32 v44, $0xE;
	v43 =	vor.u32 $0x100, v1;
	v41 =	vld [tilespmem:s25+$0x20]  }
0xb2: {  	v51 =	vor.u32 $0x100, v5;
	v46 =	vshll.u32 v37, $0x1;
	v1 =	vor.u32 $0x180, v1;
	[tilespmem:v2+s16+$0x0] =	vst.idx.add.f32.msk $0xffff, v6  }
0xb3: {  	v47 =	vand.u32 $0x7F00, v46;
	v2 =	vand.u32 $0x7F, v37;
	v42 =	vshll.u32 v4, $0x10;
	v49 =	vld.idx.msk [tilespmem:v9+s3+$0x0], $0xffff  }
0xb4: {  	v2 =	vor.u32 v2, v47;
	v4 =	vand.u32 $0xFFFF0000, v4;
	v45 =	vmul.f32 v42, v63;
	v23 =	vld.idx.msk [tilespmem:v58+s3+$0x0], $0xffff  }
0xb5: {  	v19 =	vshrl.u32 v37, $0xE;
	v36 =	vor.u32 $0x80, v58;
	v4 =	vmul.f32 v4, v63;
	v58 =	vld [tilespmem:s24+$0x20]  }
0xb6: {  	v20 =	vshrl.u32 v37, $0xC;
	v57 =	vand.u32 $0xFFE00, v11;
	v5 =	vor.u32 $0x180, v5;
	[tilespmem:v43+s16+$0x0] =	vst.idx.add.f32.msk $0xffff, v45  }
0xb7: {  	v48 =	vshll.u32 v3, $0x10;
	v3 =	vand.u32 $0xFFFF0000, v3;
	[tilespmem:v1+s16+$0x0] =	vst.idx.add.f32.msk $0xffff, v4;
	v1 =	vand.u32 $0x7F, v53  }
0xb8: {  	v50 =	vmul.f32 v48, v26;
	v3 =	vmul.f32 v3, v26;
	v26 =	vld [tilespmem:s24+$0x0];
	v1 =	vor.u32 v1, v57  }
0xb9: {  	v21 =	vand.u32 $0xFFE00, v20;
	v38 =	vand.u32 $0xFFE00, v17;
	v60 =	vld.idx.msk [tilespmem:v2+s3+$0x0], $0xffff;
	v61 =	vor.u32 $0x80, v1  }
0xba: {  	v35 =	vshrl.u32 v56, $0xE;
	v63 =	vor.u32 $0x80, v9;
	[tilespmem:v51+s16+$0x0] =	vst.idx.add.f32.msk $0xffff, v50;
	v59 =	vshll.u32 v49, $0x10  }
0xbb: {  	v10 =	vand.u32 $0xFFFF0000, v49;
	[tilespmem:v5+s16+$0x0] =	vst.idx.add.f32.msk $0xffff, v3;
	v3 =	vand.u32 $0x7F, v19;
	v11 =	vmul.f32 v59, v52  }
0xbc: {  	v37 =	vand.u32 $0x7F, v35;
	v51 =	vld [tilespmem:s25+$0x30];
	v3 =	vor.u32 v3, v21;
	v10 =	vmul.f32 v10, v52  }
0xbd: {  	v7 =	vor.u32 v37, v38;
	v40 =	vshll.u32 v32, $0x10;
	v28 =	vor.u32 $0x80, v3;
	[tilespmem:v1+s16+$0x0] =	vst.idx.add.f32.msk $0xffff, v11  }
0xbe: {  	v2 =	vor.u32 $0x80, v2;
	v25 =	vshll.u32 v60, $0x10;
	v4 =	vand.u32 $0xFFFF0000, v60;
	[tilespmem:v61+s16+$0x0] =	vst.idx.add.f32.msk $0xffff, v10  }
0xbf: {  	v27 =	vmul.f32 v25, v62;
	v11 =	vand.u32 $0x7F, v29;
	v10 =	vmul.f32 v40, v34;
	v40 =	vld [tilespmem:s28+$0xF100]  }
0xc0: {  	v4 =	vmul.f32 v4, v62;
	v11 =	vor.u32 v11, v13;
	v6 =	vld.idx.msk [tilespmem:v63+s3+$0x0], $0xffff  }
0xc1: {  	[tilespmem:v3+s16+$0x0] =	vst.idx.add.f32.msk $0xffff, v27;
	v33 =	vor.u32 $0x80, v11  }
0xc2: {  	v31 =	vshll.u32 v23, $0x10;
	[tilespmem:v28+s16+$0x0] =	vst.idx.add.f32.msk $0xffff, v4  }
0xc3: {  	v39 =	vor.u32 $0x80, v7;
	v5 =	vand.u32 $0xFFFF0000, v23;
	v9 =	vmul.f32 v31, v26;
	[tilespmem:v7+s16+$0x0] =	vst.idx.add.f32.msk $0xffff, v10  }
0xc4: {  	v17 =	vand.u32 $0x7F, v54;
	v8 =	vor.u32 $0x80, v8;
	v5 =	vmul.f32 v5, v26;
	v2 =	vld.idx.msk [tilespmem:v2+s3+$0x0], $0xffff  }
0xc5: {  	v42 =	vand.u32 $0xFFFF0000, v32;
	v50 =	vand.u32 $0x7F, v41;
	v43 =	vor.u32 $0x100, v1;
	[tilespmem:v11+s16+$0x0] =	vst.idx.add.f32.msk $0xffff, v9  }
0xc6: {  	v49 =	vshll.u32 v41, $0x1;
	v1 =	vor.u32 $0x180, v1;
	[tilespmem:v33+s16+$0x0] =	vst.idx.add.f32.msk $0xffff, v5;
	v5 =	vmul.f32 v42, v34  }
0xc7: {  	v46 =	vor.u32 $0x100, v3;
	v9 =	vand.u32 $0x7F00, v49;
	v44 =	vshll.u32 v6, $0x10;
	v4 =	vld.idx.msk [tilespmem:v36+s3+$0x0], $0xffff  }
0xc8: {  	v6 =	vand.u32 $0xFFFF0000, v6;
	v9 =	vor.u32 v50, v9;
	v45 =	vmul.f32 v44, v52;
	[tilespmem:v39+s16+$0x0] =	vst.idx.add.f32.msk $0xffff, v5  }
0xc9: {  	v3 =	vor.u32 $0x180, v3;
	v47 =	vmul.f32 v6, v52;
	v48 =	vshll.u32 v2, $0x10;
	v8 =	vld.idx.msk [tilespmem:v8+s3+$0x0], $0xffff  }
0xca: {  	v56 =	vor.u32 $0x100, v7;
	v59 =	vshrl.u32 v41, $0xE;
	[tilespmem:v43+s16+$0x0] =	vst.idx.add.f32.msk $0xffff, v45;
	v6 =	vmul.f32 v48, v62  }
0xcb: {  	v55 =	vshll.u32 v51, $0x1;
	v52 =	vor.u32 $0x100, v11;
	v2 =	vand.u32 $0xFFFF0000, v2;
	[tilespmem:v1+s16+$0x0] =	vst.idx.add.f32.msk $0xffff, v47  }
0xcc: {  	v57 =	vand.u32 $0x7F, v51;
	v1 =	vmul.f32 v2, v62;
	[tilespmem:v46+s16+$0x0] =	vst.idx.add.f32.msk $0xffff, v6;
	v2 =	vshll.u32 v4, $0x10  }
0xcd: {  	v60 =	vshrl.u32 v41, $0xC;
	v53 =	vor.u32 $0x180, v11;
	v12 =	vld.idx.msk [tilespmem:v9+s3+$0x0], $0xffff;
	v2 =	vmul.f32 v2, v26  }
0xce: {  	[tilespmem:v3+s16+$0x0] =	vst.idx.add.f32.msk $0xffff, v1;
	v1 =	vshll.u32 v8, $0x10;
	v3 =	vand.u32 $0xFFFF0000, v8;
	v8 =	vand.u32 $0x7F00, v55  }
0xcf: {  	v5 =	vand.u32 $0x7F, v59;
	v62 =	vld [tilespmem:s25+$0x50];
	v4 =	vand.u32 $0xFFFF0000, v4;
	v8 =	vor.u32 v57, v8  }
0xd0: {  	v4 =	vmul.f32 v4, v26;
	[tilespmem:v52+s16+$0x0] =	vst.idx.add.f32.msk $0xffff, v2;
	v2 =	vor.u32 $0x180, v7;
	v7 =	vand.u32 $0xFFE00, v60  }
0xd1: {  	v61 =	vshll.u32 v54, $0x1;
	v48 =	vld [tilespmem:s25+$0x70];
	v1 =	vmul.f32 v1, v34;
	v63 =	vor.u32 v5, v7  }
0xd2: {  	v25 =	vshrl.u32 v51, $0xE;
	v18 =	vand.u32 $0x7F00, v61;
	v9 =	vor.u32 $0x80, v9;
	[tilespmem:v53+s16+$0x0] =	vst.idx.add.f32.msk $0xffff, v4  }
0xd3: {  	v3 =	vmul.f32 v3, v34;
	v5 =	vor.u32 v17, v18;
	[tilespmem:v56+s16+$0x0] =	vst.idx.add.f32.msk $0xffff, v1;
	v1 =	vshll.u32 v12, $0x10  }
0xd4: {  	v26 =	vshrl.u32 v51, $0xC;
	v27 =	vshll.u32 v62, $0x1;
	v1 =	vmul.f32 v1, v58;
	v23 =	vld.idx.msk [tilespmem:v8+s3+$0x0], $0xffff  }
0xd5: {  	v22 =	vor.u32 $0x80, v63;
	[tilespmem:v2+s16+$0x0] =	vst.idx.add.f32.msk $0xffff, v3;
	v2 =	vand.u32 $0x7F, v25;
	v3 =	vand.u32 $0xFFE00, v26  }
0xd6: {  	[tilespmem:v63+s16+$0x0] =	vst.idx.add.f32.msk $0xffff, v1;
	v2 =	vor.u32 v2, v3;
	v1 =	vand.u32 $0x7F, v62;
	v3 =	vand.u32 $0x7F00, v27  }
0xd7: {  	v31 =	vshrl.u32 v54, $0xE;
	v20 =	vand.u32 $0xFFFF0000, v12;
	v56 =	vld [tilespmem:s25+$0x80];
	v3 =	vor.u32 v1, v3  }
0xd8: {  	v10 =	vshrl.u32 v54, $0xC;
	v55 =	vshll.u32 v48, $0x1;
	v21 =	vmul.f32 v20, v58;
	v28 =	vld.idx.msk [tilespmem:v5+s3+$0x0], $0xffff  }
0xd9: {  	v59 =	vand.u32 $0x7F, v48;
	v35 =	vshrl.u32 v62, $0xE;
	v15 =	vshrl.u32 v62, $0xC;
	v62 =	vld [tilespmem:s25+$0x90]  }
0xda: {  	v12 =	vand.u32 $0x7F00, v55;
	[tilespmem:v22+s16+$0x0] =	vst.idx.add.f32.msk $0xffff, v21;
	v29 =	vor.u32 $0x80, v2;
	v1 =	vshll.u32 v23, $0x10  }
0xdb: {  	v10 =	vand.u32 $0xFFE00, v10;
	v12 =	vor.u32 v59, v12;
	v6 =	vld.idx.msk [tilespmem:v9+s3+$0x0], $0xffff;
	v1 =	vmul.f32 v1, v24  }
0xdc: {  	v49 =	vand.u32 $0x7F, v40;
	v47 =	vshll.u32 v40, $0x1;
	v11 =	vand.u32 $0xFFFF0000, v23;
	v33 =	vld.idx.msk [tilespmem:v3+s3+$0x0], $0xffff  }
0xdd: {  	v8 =	vor.u32 $0x80, v8;
	v11 =	vmul.f32 v11, v24;
	[tilespmem:v2+s16+$0x0] =	vst.idx.add.f32.msk $0xffff, v1;
	v1 =	vand.u32 $0x7F, v31  }
0xde: {  	v50 =	vand.u32 $0x7F00, v47;
	v32 =	vshll.u32 v28, $0x10;
	v10 =	vor.u32 v1, v10;
	v1 =	vld [tilespmem:s24+$0x50]  }
0xdf: {  	v36 =	vand.u32 $0x7F, v35;
	v38 =	vmul.f32 v32, v30;
	v32 =	vshll.u32 v62, $0x1;
	[tilespmem:v29+s16+$0x0] =	vst.idx.add.f32.msk $0xffff, v11  }
0xe0: {  	v35 =	vand.u32 $0x7F, v62;
	v9 =	vand.u32 $0x7F00, v32;
	v11 =	vor.u32 v49, v50;
	v29 =	vld.idx.msk [tilespmem:v12+s3+$0x0], $0xffff  }
0xe1: {  	v37 =	vand.u32 $0xFFE00, v15;
	v9 =	vor.u32 v35, v9;
	v50 =	vld [tilespmem:s24+$0x90]  }
0xe2: {  	v46 =	vshll.u32 v6, $0x10;
	v6 =	vand.u32 $0xFFFF0000, v6;
	v34 =	vor.u32 $0x80, v10;
	v8 =	vld.idx.msk [tilespmem:v8+s3+$0x0], $0xffff  }
0xe3: {  	v5 =	vor.u32 $0x80, v5;
	v6 =	vmul.f32 v6, v58;
	v17 =	vand.u32 $0xFFFF0000, v33;
	[tilespmem:v10+s16+$0x0] =	vst.idx.add.f32.msk $0xffff, v38  }
0xe4: {  	v13 =	vand.u32 $0xFFFF0000, v28;
	v45 =	vmul.f32 v17, v1;
	v17 =	vmul.f32 v46, v58;
	v58 =	vld [tilespmem:s28+$0x13000]  }
0xe5: {  	v7 =	vor.u32 v36, v37;
	v39 =	vmul.f32 v13, v30;
	v21 =	vld.idx.msk [tilespmem:v11+s3+$0x0], $0xffff  }
0xe6: {  	v44 =	vor.u32 $0x100, v63;
	v36 =	vshrl.u32 v48, $0xE;
	v37 =	vshrl.u32 v48, $0xC;
	v48 =	vld.idx.msk [tilespmem:v9+s3+$0x0], $0xffff  }
0xe7: {  	v4 =	vor.u32 $0x180, v63;
	v42 =	vor.u32 $0x80, v7;
	v41 =	vshll.u32 v33, $0x10;
	[tilespmem:v34+s16+$0x0] =	vst.idx.add.f32.msk $0xffff, v39  }
0xe8: {  	v63 =	vor.u32 $0x100, v7;
	v52 =	vor.u32 $0x100, v2;
	v43 =	vmul.f32 v41, v1;
	v34 =	vld [tilespmem:s24+$0x70]  }
0xe9: {  	v22 =	vshrl.u32 v40, $0xE;
	v25 =	vand.u32 $0x7F, v56;
	v3 =	vor.u32 $0x80, v3;
	v5 =	vld.idx.msk [tilespmem:v5+s3+$0x0], $0xffff  }
0xea: {  	v2 =	vor.u32 $0x180, v2;
	v51 =	vshll.u32 v8, $0x10;
	v8 =	vand.u32 $0xFFFF0000, v8;
	[tilespmem:v7+s16+$0x0] =	vst.idx.add.f32.msk $0xffff, v43  }
0xeb: {  	[tilespmem:v44+s16+$0x0] =	vst.idx.add.f32.msk $0xffff, v17;
	v14 =	vmul.f32 v51, v24;
	v53 =	vmul.f32 v8, v24;
	v24 =	vshll.u32 v56, $0x1  }
0xec: {  	v57 =	vor.u32 $0x100, v10;
	v60 =	vor.u32 $0x180, v10;
	[tilespmem:v42+s16+$0x0] =	vst.idx.add.f32.msk $0xffff, v45;
	v26 =	vand.u32 $0x7F00, v24  }
0xed: {  	v10 =	vand.u32 $0xFFE00, v37;
	[tilespmem:v4+s16+$0x0] =	vst.idx.add.f32.msk $0xffff, v6;
	v4 =	vand.u32 $0x7F, v36;
	v6 =	vor.u32 v25, v26  }
0xee: {  	v18 =	vshrl.u32 v62, $0xC;
	v13 =	vshrl.u32 v40, $0xC;
	v42 =	vld [tilespmem:s24+$0x80];
	v4 =	vor.u32 v4, v10  }
0xef: {  	v15 =	vshrl.u32 v56, $0xC;
	v18 =	vand.u32 $0xFFE00, v18;
	v23 =	vand.u32 $0xFFE00, v13;
	v3 =	vld.idx.msk [tilespmem:v3+s3+$0x0], $0xffff  }
0xf0: {  	v12 =	vor.u32 $0x80, v12;
	v39 =	vshll.u32 v29, $0x10;
	[tilespmem:v52+s16+$0x0] =	vst.idx.add.f32.msk $0xffff, v14;
	v41 =	vor.u32 $0x80, v4  }
0xf1: {  	[tilespmem:v2+s16+$0x0] =	vst.idx.add.f32.msk $0xffff, v53;
	v2 =	vand.u32 $0x7F, v22;
	v44 =	vmul.f32 v39, v34;
	v54 =	vshll.u32 v5, $0x10  }
0xf2: {  	v16 =	vand.u32 $0xFFFF0000, v29;
	v2 =	vor.u32 v2, v23;
	v8 =	vmul.f32 v54, v30;
	v40 =	vld.idx.msk [tilespmem:v6+s3+$0x0], $0xffff  }
0xf3: {  	v46 =	vand.u32 $0xFFE00, v15;
	v47 =	vmul.f32 v16, v34;
	v5 =	vand.u32 $0xFFFF0000, v5;
	[tilespmem:v4+s16+$0x0] =	vst.idx.add.f32.msk $0xffff, v44  }
0xf4: {  	v43 =	vshrl.u32 v56, $0xE;
	v27 =	vshll.u32 v21, $0x10;
	v5 =	vmul.f32 v5, v30;
	[tilespmem:v57+s16+$0x0] =	vst.idx.add.f32.msk $0xffff, v8  }
0xf5: {  	v45 =	vand.u32 $0x7F, v43;
	v33 =	vor.u32 $0x80, v2;
	v30 =	vmul.f32 v27, v58;
	[tilespmem:v41+s16+$0x0] =	vst.idx.add.f32.msk $0xffff, v47  }
0xf6: {  	v38 =	vor.u32 $0x80, v11;
	v11 =	vor.u32 v45, v46;
	v20 =	vshll.u32 v3, $0x10;
	[tilespmem:v60+s16+$0x0] =	vst.idx.add.f32.msk $0xffff, v5  }
0xf7: {  	v28 =	vand.u32 $0xFFFF0000, v21;
	v22 =	vshrl.u32 v62, $0xE;
	v61 =	vmul.f32 v20, v1;
	[tilespmem:v2+s16+$0x0] =	vst.idx.add.f32.msk $0xffff, v30  }
0xf8: {  	v49 =	vor.u32 $0x80, v11;
	v31 =	vmul.f32 v28, v58;
	v22 =	vand.u32 $0x7F, v22;
	v54 =	vld.idx.msk [tilespmem:v12+s3+$0x0], $0xffff  }
0xf9: {  	v52 =	vor.u32 v22, v18;
	[tilespmem:v63+s16+$0x0] =	vst.idx.add.f32.msk $0xffff, v61;
	v51 =	vshll.u32 v40, $0x10  }
0xfa: {  	v6 =	vor.u32 $0x80, v6;
	[tilespmem:v33+s16+$0x0] =	vst.idx.add.f32.msk $0xffff, v31;
	v10 =	vand.u32 $0xFFFF0000, v40;
	v8 =	vmul.f32 v51, v42  }
0xfb: {  	v53 =	vshll.u32 v48, $0x10;
	v18 =	vor.u32 $0x80, v52;
	v5 =	vld.idx.msk [tilespmem:v38+s3+$0x0], $0xffff;
	v10 =	vmul.f32 v10, v42  }
0xfc: {  	v9 =	vor.u32 $0x80, v9;
	[tilespmem:v11+s16+$0x0] =	vst.idx.add.f32.msk $0xffff, v8;
	v8 =	vmul.f32 v53, v50  }
0xfd: {  	v7 =	vor.u32 $0x180, v7;
	v55 =	vand.u32 $0xFFFF0000, v48;
	[tilespmem:v49+s16+$0x0] =	vst.idx.add.f32.msk $0xffff, v10  }
0xfe: {  	v56 =	vor.u32 $0x100, v2;
	v12 =	vmul.f32 v55, v50;
	[tilespmem:v52+s16+$0x0] =	vst.idx.add.f32.msk $0xffff, v8  }
0xff: {  	v3 =	vand.u32 $0xFFFF0000, v3;
	v2 =	vor.u32 $0x180, v2;
	v6 =	vld.idx.msk [tilespmem:v6+s3+$0x0], $0xffff  }
0x100: {  	v1 =	vmul.f32 v3, v1;
	v57 =	vor.u32 $0x100, v4;
	v3 =	vshll.u32 v5, $0x10;
	[tilespmem:v18+s16+$0x0] =	vst.idx.add.f32.msk $0xffff, v12  }
0x101: {  	v4 =	vor.u32 $0x180, v4;
	v5 =	vand.u32 $0xFFFF0000, v5;
	v3 =	vmul.f32 v3, v58;
	v9 =	vld.idx.msk [tilespmem:v9+s3+$0x0], $0xffff  }
0x102: {  	v59 =	vor.u32 $0x100, v11;
	[tilespmem:v7+s16+$0x0] =	vst.idx.add.f32.msk $0xffff, v1;
	v1 =	vmul.f32 v5, v58;
	v58 =	vshll.u32 v54, $0x10  }
0x103: {  	v60 =	vor.u32 $0x180, v11;
	v5 =	vmul.f32 v58, v34;
	[tilespmem:v56+s16+$0x0] =	vst.idx.add.f32.msk $0xffff, v3;
	v3 =	vand.u32 $0xFFFF0000, v54  }
0x104: {  	s23 =	sadd.s32 $0x14, s23;
	[tilespmem:v2+s16+$0x0] =	vst.idx.add.f32.msk $0xffff, v1;
	v1 =	vmul.f32 v3, v34;
	v3 =	vor.u32 $0x100, v52;
	v2 =	vshll.u32 v6, $0x10  }
0x105: {  	p0 =	slt.u32 s23, $0x1E0;
	v62 =	vor.u32 $0x180, v52;
	[tilespmem:v57+s16+$0x0] =	vst.idx.add.f32.msk $0xffff, v5;
	v61 =	vand.u32 $0xFFFF0000, v6;
	v2 =	vmul.f32 v2, v42  }
.Ltmp1:
0x106: {  	[tilespmem:v4+s16+$0x0] =	vst.idx.add.f32.msk $0xffff, v1;
	v1 =	vmul.f32 v61, v42;
	v63 =	vshll.u32 v9, $0x10;
	(pc) =	sbr.rel @p0 .LBB2_5-.Ltmp1, $4  }
0x107: {  	[tilespmem:v59+s16+$0x0] =	vst.idx.add.f32.msk $0xffff, v2;
	v2 =	vand.u32 $0xFFFF0000, v9;
	v4 =	vmul.f32 v63, v50  }
0x108: {  	[tilespmem:v60+s16+$0x0] =	vst.idx.add.f32.msk $0xffff, v1;
	v1 =	vmul.f32 v2, v50  }
0x109: {  	[tilespmem:v3+s16+$0x0] =	vst.idx.add.f32.msk $0xffff, v4  }
0x10a: {  	s26 =	sadd.s32 $0x140, s26;
	s25 =	sadd.s32 $0x140, s25;
	s24 =	sadd.s32 $0x140, s24;
	[tilespmem:v62+s16+$0x0] =	vst.idx.add.f32.msk $0xffff, v1  }
0x10b: {  	p0 =	seq.s32 s21, $0x13  }
0x10c: {  	s22 =	sshrl.u32 @!p0 s22, $0x3  }
0x10d: {  	s22 =	sadd.s32 @!p0 $0x7D0, s22  }
0x10e: {  	s24 =	simm.s32 @!p0 $0x0;
	s25 =	simm.s32 @!p0 $0xF000;
	s23 =	sadd.s32 @!p0 s4, s22  }
0x10f: {  	[tilespmem:s25], [sflag:$0x1] =	stream.linear.gather @!p0 [hbm4b:s23+s24], $0x1F40, $0x38;
	[tilespmem:$0x16E00] =	vst v63  }
0x110: {  	s22 =	sadd.s32 @!p0 s2, s22;
	s23 =	simm.s32 @!p0 $0x12F00  }
0x111: {  	[tilespmem:s23], [sflag:$0x1] =	stream.linear.gather @!p0 [hbm4b:s22+s24], $0x1F40, $0x38;
	[tilespmem:$0x16E00] =	vst v63  }
0x112: {  	_ =	swait.ge [sflag:s17], $0x1F40  }
0x113: {  	[sflag:s17] =	ssyncset.done $0x0  }
0x114: {  	[sflag:s17] =	ssyncadd.s32 $0xFFFFE0C0  }
0x115: {  	_ =	swait.ge [sflag:s17], $0x1F40  }
0x116: {  	s25 =	simm.s32 $0x11020;
	s22 =	simm.s32 $0xFFFFFFEC;
	[sflag:s17] =	ssyncset.done $0x0  }
0x117: {  	s23 =	simm.s32 $0x0;
	s24 =	simm.s32 $0x14F20;
	[sflag:s17] =	ssyncadd.s32 $0xFFFFE0C0  }
.LBB2_7:
0x118: {  	v1 =	vld [tilespmem:s25+$0xFFFFFF60];
	_ =	sdelay $0x4  }
0x119: {  	v2 =	vshll.u32 v1, $0x1  }
0x11a: {  	v3 =	vand.u32 $0x7F, v1;
	v2 =	vand.u32 $0x7F00, v2  }
0x11b: {  	v2 =	vor.u32 v3, v2;
	_ =	sdelay $0x3  }
0x11c: {  	v63 =	vld [tilespmem:s25+$0xFFFFFF80]  }
0x11d: {  	v3 =	vld.idx.msk [tilespmem:v2+s3+$0x0], $0xffff  }
0x11e: {  	v4 =	vld [tilespmem:s24+$0xFFFFFF60];
	v5 =	vshrl.u32 v1, $0xE;
	v1 =	vshrl.u32 v1, $0xC  }
0x11f: {  	v5 =	vand.u32 $0x7F, v5;
	v1 =	vand.u32 $0xFFE00, v1  }
0x120: {  	v60 =	vld [tilespmem:s25+$0xFFFFFF70];
	v1 =	vor.u32 v5, v1  }
0x121: {  	v6 =	vor.u32 $0x80, v1  }
0x122: {  	v10 =	vld [tilespmem:s25+$0xFFFFFF90];
	v9 =	vshll.u32 v63, $0x1;
	v7 =	vshll.u32 v3, $0x10  }
0x123: {  	v13 =	vld [tilespmem:s24+$0xFFFFFF70];
	v2 =	vor.u32 $0x80, v2;
	v3 =	vand.u32 $0xFFFF0000, v3;
	v7 =	vmul.f32 v7, v4  }
0x124: {  	v14 =	vld [tilespmem:s25+$0xFFFFFFA0];
	v12 =	vand.u32 $0x7F, v63;
	v9 =	vand.u32 $0x7F00, v9;
	v3 =	vmul.f32 v3, v4  }
0x125: {  	v61 =	vshll.u32 v60, $0x1;
	v9 =	vor.u32 v12, v9;
	[tilespmem:v1+s16+$0x0] =	vst.idx.add.f32.msk $0xffff, v7  }
0x126: {  	v62 =	vand.u32 $0x7F00, v61;
	[tilespmem:v6+s16+$0x0] =	vst.idx.add.f32.msk $0xffff, v3;
	v3 =	vand.u32 $0x7F, v60  }
0x127: {  	v23 =	vld [tilespmem:s24+$0xFFFFFF80];
	v3 =	vor.u32 v3, v62  }
0x128: {  	v2 =	vld.idx.msk [tilespmem:v2+s3+$0x0], $0xffff  }
0x129: {  	v31 =	vld [tilespmem:s24+$0xFFFFFF90]  }
0x12a: {  	v15 =	vld.idx.msk [tilespmem:v9+s3+$0x0], $0xffff  }
0x12b: {  	v37 =	vld [tilespmem:s24+$0xFFFFFFA0];
	v18 =	vshrl.u32 v60, $0xE;
	v20 =	vshll.u32 v10, $0x1;
	v5 =	vshrl.u32 v60, $0xC  }
0x12c: {  	v22 =	vand.u32 $0x7F, v10;
	v11 =	vor.u32 $0x100, v1;
	v5 =	vand.u32 $0xFFE00, v5;
	v17 =	vld.idx.msk [tilespmem:v3+s3+$0x0], $0xffff  }
0x12d: {  	v38 =	vld [tilespmem:s25+$0xFFFFFFB0];
	v1 =	vor.u32 $0x180, v1;
	v8 =	vshll.u32 v2, $0x10;
	v2 =	vand.u32 $0xFFFF0000, v2  }
0x12e: {  	v49 =	vld [tilespmem:s25+$0xFFFFFFD0];
	v8 =	vmul.f32 v8, v4;
	v2 =	vmul.f32 v2, v4;
	v4 =	vand.u32 $0x7F, v18  }
0x12f: {  	v55 =	vld [tilespmem:s24+$0xFFFFFFB0];
	v16 =	vshrl.u32 v63, $0xE;
	v26 =	vshll.u32 v15, $0x10;
	v4 =	vor.u32 v4, v5  }
0x130: {  	v29 =	vmul.f32 v26, v23;
	v26 =	vld [tilespmem:s24+$0xFFFFFFD0];
	v6 =	vshrl.u32 v63, $0xC;
	v21 =	vor.u32 $0x80, v4  }
0x131: {  	v63 =	vld [tilespmem:s24+$0xFFFFFFC0];
	v3 =	vor.u32 $0x80, v3;
	v5 =	vand.u32 $0x7F00, v20;
	v19 =	vshll.u32 v17, $0x10  }
0x132: {  	[tilespmem:v11+s16+$0x0] =	vst.idx.add.f32.msk $0xffff, v8;
	v5 =	vor.u32 v22, v5;
	v7 =	vand.u32 $0xFFFF0000, v17;
	v12 =	vmul.f32 v19, v13  }
0x133: {  	v6 =	vand.u32 $0xFFE00, v6;
	[tilespmem:v1+s16+$0x0] =	vst.idx.add.f32.msk $0xffff, v2;
	v2 =	vand.u32 $0x7F, v16;
	v1 =	vmul.f32 v7, v13  }
0x134: {  	v24 =	vshll.u32 v14, $0x1;
	v2 =	vor.u32 v2, v6;
	[tilespmem:v4+s16+$0x0] =	vst.idx.add.f32.msk $0xffff, v12  }
0x135: {  	v25 =	vand.u32 $0x7F, v14;
	v6 =	vand.u32 $0x7F00, v24;
	[tilespmem:v21+s16+$0x0] =	vst.idx.add.f32.msk $0xffff, v1;
	v1 =	vor.u32 $0x80, v2  }
0x136: {  	v6 =	vor.u32 v25, v6;
	v3 =	vld.idx.msk [tilespmem:v3+s3+$0x0], $0xffff  }
0x137: {  	v32 =	vshrl.u32 v10, $0xE;
	v10 =	vshrl.u32 v10, $0xC;
	v27 =	vand.u32 $0xFFFF0000, v15;
	v28 =	vld.idx.msk [tilespmem:v5+s3+$0x0], $0xffff  }
0x138: {  	v33 =	vand.u32 $0x7F, v32;
	v9 =	vor.u32 $0x80, v9;
	v30 =	vmul.f32 v27, v23;
	v19 =	vld [tilespmem:s25+$0xFFFFFFC0]  }
0x139: {  	v10 =	vand.u32 $0xFFE00, v10;
	v41 =	vor.u32 $0x100, v4;
	v17 =	vshrl.u32 v14, $0xE;
	[tilespmem:v2+s16+$0x0] =	vst.idx.add.f32.msk $0xffff, v29  }
0x13a: {  	v14 =	vshrl.u32 v14, $0xC;
	v17 =	vand.u32 $0x7F, v17;
	[tilespmem:v1+s16+$0x0] =	vst.idx.add.f32.msk $0xffff, v30;
	v1 =	vor.u32 v33, v10  }
0x13b: {  	s26 =	sand.u32 $0x1FC0, s23;
	v14 =	vand.u32 $0xFFE00, v14;
	v4 =	vor.u32 $0x180, v4;
	v36 =	vld.idx.msk [tilespmem:v6+s3+$0x0], $0xffff;
	v18 =	vshll.u32 v3, $0x10  }
0x13c: {  	v34 =	vshll.u32 v28, $0x10;
	v30 =	vld [tilespmem:s26+$0x11000];
	v10 =	vor.u32 $0x80, v1;
	v18 =	vmul.f32 v18, v13  }
0x13d: {  	v5 =	vor.u32 $0x80, v5;
	v7 =	vmul.f32 v34, v31;
	v9 =	vld.idx.msk [tilespmem:v9+s3+$0x0], $0xffff;
	v3 =	vand.u32 $0xFFFF0000, v3  }
0x13e: {  	v14 =	vor.u32 v17, v14;
	v35 =	vand.u32 $0xFFFF0000, v28;
	v3 =	vmul.f32 v3, v13;
	[tilespmem:v41+s16+$0x0] =	vst.idx.add.f32.msk $0xffff, v18  }
0x13f: {  	v39 =	vor.u32 $0x80, v14;
	v8 =	vmul.f32 v35, v31;
	[tilespmem:v1+s16+$0x0] =	vst.idx.add.f32.msk $0xffff, v7  }
0x140: {  	v43 =	vor.u32 $0x100, v2;
	v2 =	vor.u32 $0x180, v2;
	v40 =	vshll.u32 v36, $0x10;
	[tilespmem:v4+s16+$0x0] =	vst.idx.add.f32.msk $0xffff, v3  }
0x141: {  	v6 =	vor.u32 $0x80, v6;
	v15 =	vand.u32 $0xFFFF0000, v36;
	[tilespmem:v10+s16+$0x0] =	vst.idx.add.f32.msk $0xffff, v8;
	v8 =	vmul.f32 v40, v37  }
0x142: {  	v48 =	vshll.u32 v19, $0x1;
	v15 =	vmul.f32 v15, v37;
	v45 =	vshll.u32 v9, $0x10;
	v5 =	vld.idx.msk [tilespmem:v5+s3+$0x0], $0xffff  }
0x143: {  	v50 =	vand.u32 $0x7F, v19;
	v11 =	vand.u32 $0x7F00, v48;
	v46 =	vmul.f32 v45, v23;
	[tilespmem:v14+s16+$0x0] =	vst.idx.add.f32.msk $0xffff, v8  }
0x144: {  	v42 =	vshll.u32 v38, $0x1;
	v4 =	vor.u32 v50, v11;
	[tilespmem:v39+s16+$0x0] =	vst.idx.add.f32.msk $0xffff, v15  }
0x145: {  	v44 =	vand.u32 $0x7F, v38;
	v9 =	vand.u32 $0xFFFF0000, v9;
	v8 =	vand.u32 $0x7F00, v42;
	[tilespmem:v43+s16+$0x0] =	vst.idx.add.f32.msk $0xffff, v46  }
0x146: {  	v9 =	vmul.f32 v9, v23;
	v7 =	vor.u32 v44, v8;
	v44 =	vld [tilespmem:s25+$0x0]  }
0x147: {  	v3 =	vor.u32 $0x100, v1;
	v6 =	vld.idx.msk [tilespmem:v6+s3+$0x0], $0xffff  }
0x148: {  	v1 =	vor.u32 $0x180, v1;
	[tilespmem:v2+s16+$0x0] =	vst.idx.add.f32.msk $0xffff, v9  }
0x149: {  	v56 =	vshrl.u32 v38, $0xE;
	v58 =	vshll.u32 v49, $0x1;
	v61 =	vld.idx.msk [tilespmem:v4+s3+$0x0], $0xffff;
	v47 =	vshll.u32 v5, $0x10  }
0x14a: {  	v2 =	vand.u32 $0x7F, v56;
	v56 =	vld [tilespmem:s25+$0x10];
	v5 =	vand.u32 $0xFFFF0000, v5;
	v51 =	vmul.f32 v47, v31  }
0x14b: {  	v17 =	vshrl.u32 v38, $0xC;
	v54 =	vor.u32 $0x100, v14;
	v5 =	vmul.f32 v5, v31;
	v53 =	vld.idx.msk [tilespmem:v7+s3+$0x0], $0xffff  }
0x14c: {  	v59 =	vand.u32 $0x7F00, v58;
	v57 =	vand.u32 $0xFFE00, v17;
	v34 =	vor.u32 $0x180, v14;
	[tilespmem:v3+s16+$0x0] =	vst.idx.add.f32.msk $0xffff, v51  }
0x14d: {  	v52 =	vshll.u32 v6, $0x10;
	v3 =	vand.u32 $0x7F, v49;
	v6 =	vand.u32 $0xFFFF0000, v6;
	[tilespmem:v1+s16+$0x0] =	vst.idx.add.f32.msk $0xffff, v5  }
0x14e: {  	v60 =	vmul.f32 v52, v37;
	v3 =	vor.u32 v3, v59;
	v6 =	vmul.f32 v6, v37;
	v37 =	vld [tilespmem:s25+$0xFFFFFFF0]  }
0x14f: {  	v21 =	vshrl.u32 v19, $0xC;
	v2 =	vor.u32 v2, v57;
	v52 =	vld [tilespmem:s26+$0x14F00]  }
0x150: {  	v27 =	vshrl.u32 v49, $0xE;
	v20 =	vshrl.u32 v19, $0xE;
	v22 =	vand.u32 $0xFFE00, v21;
	[tilespmem:v54+s16+$0x0] =	vst.idx.add.f32.msk $0xffff, v60  }
0x151: {  	v28 =	vand.u32 $0x7F, v27;
	v62 =	vor.u32 $0x80, v2;
	v1 =	vshll.u32 v53, $0x10;
	[tilespmem:v34+s16+$0x0] =	vst.idx.add.f32.msk $0xffff, v6  }
0x152: {  	v15 =	vshrl.u32 v49, $0xC;
	v4 =	vor.u32 $0x80, v4;
	v34 =	vld [tilespmem:s24+$0x10];
	v1 =	vmul.f32 v1, v55  }
0x153: {  	v29 =	vand.u32 $0xFFE00, v15;
	v7 =	vor.u32 $0x80, v7;
	v11 =	vand.u32 $0xFFFF0000, v53;
	v24 =	vld.idx.msk [tilespmem:v3+s3+$0x0], $0xffff  }
0x154: {  	v54 =	vshll.u32 v44, $0x1;
	v11 =	vmul.f32 v11, v55;
	[tilespmem:v2+s16+$0x0] =	vst.idx.add.f32.msk $0xffff, v1;
	v1 =	vand.u32 $0x7F, v20  }
0x155: {  	v23 =	vshll.u32 v61, $0x10;
	v13 =	vand.u32 $0x7F00, v54;
	v54 =	vld [tilespmem:s25+$0x40];
	v1 =	vor.u32 v1, v22  }
0x156: {  	v10 =	vand.u32 $0xFFFF0000, v61;
	[tilespmem:v62+s16+$0x0] =	vst.idx.add.f32.msk $0xffff, v11;
	v22 =	vshll.u32 v56, $0x1;
	v25 =	vor.u32 $0x80, v1  }
0x157: {  	v12 =	vmul.f32 v23, v63;
	v5 =	vor.u32 v28, v29;
	v62 =	vld [tilespmem:s24+$0xFFFFFFF0];
	v8 =	vand.u32 $0x7F00, v22  }
0x158: {  	v7 =	vld.idx.msk [tilespmem:v7+s3+$0x0], $0xffff;
	v31 =	vshll.u32 v24, $0x10;
	v9 =	vand.u32 $0xFFFF0000, v24;
	v24 =	vand.u32 $0x7F, v56  }
0x159: {  	v10 =	vmul.f32 v10, v63;
	v32 =	vor.u32 $0x80, v5;
	v8 =	vor.u32 v24, v8;
	v24 =	vld [tilespmem:s24+$0x30]  }
0x15a: {  	v3 =	vor.u32 $0x80, v3;
	v33 =	vmul.f32 v31, v26;
	[tilespmem:v1+s16+$0x0] =	vst.idx.add.f32.msk $0xffff, v12  }
0x15b: {  	v36 =	vshll.u32 v30, $0x1;
	v38 =	vand.u32 $0x7F, v30;
	[tilespmem:v25+s16+$0x0] =	vst.idx.add.f32.msk $0xffff, v10  }
0x15c: {  	v14 =	vand.u32 $0x7F00, v36;
	v35 =	vor.u32 $0x100, v2;
	v9 =	vmul.f32 v9, v26;
	[tilespmem:v5+s16+$0x0] =	vst.idx.add.f32.msk $0xffff, v33  }
0x15d: {  	v53 =	vshrl.u32 v30, $0xE;
	v2 =	vor.u32 $0x180, v2;
	v11 =	vshrl.u32 v30, $0xC;
	v4 =	vld.idx.msk [tilespmem:v4+s3+$0x0], $0xffff  }
0x15e: {  	v30 =	vshrl.u32 v44, $0xC;
	v39 =	vshll.u32 v7, $0x10;
	v40 =	vand.u32 $0xFFFF0000, v7;
	[tilespmem:v32+s16+$0x0] =	vst.idx.add.f32.msk $0xffff, v9  }
0x15f: {  	v41 =	vmul.f32 v39, v55;
	v6 =	vmul.f32 v40, v55;
	v55 =	vand.u32 $0x7F, v44;
	v3 =	vld.idx.msk [tilespmem:v3+s3+$0x0], $0xffff  }
0x160: {  	v9 =	vor.u32 v38, v14;
	v58 =	vor.u32 v55, v13;
	v13 =	vand.u32 $0xFFE00, v30;
	v30 =	vld [tilespmem:s24+$0x40]  }
0x161: {  	[tilespmem:v35+s16+$0x0] =	vst.idx.add.f32.msk $0xffff, v41  }
0x162: {  	v32 =	vld.idx.msk [tilespmem:v8+s3+$0x0], $0xffff  }
0x163: {  	v17 =	vshrl.u32 v56, $0xC;
	v29 =	vshrl.u32 v44, $0xE;
	v43 =	vor.u32 $0x100, v1;
	v41 =	vld [tilespmem:s25+$0x20]  }
0x164: {  	v51 =	vor.u32 $0x100, v5;
	v46 =	vshll.u32 v37, $0x1;
	v1 =	vor.u32 $0x180, v1;
	[tilespmem:v2+s16+$0x0] =	vst.idx.add.f32.msk $0xffff, v6  }
0x165: {  	v47 =	vand.u32 $0x7F00, v46;
	v2 =	vand.u32 $0x7F, v37;
	v42 =	vshll.u32 v4, $0x10;
	v49 =	vld.idx.msk [tilespmem:v9+s3+$0x0], $0xffff  }
0x166: {  	v2 =	vor.u32 v2, v47;
	v4 =	vand.u32 $0xFFFF0000, v4;
	v45 =	vmul.f32 v42, v63;
	v23 =	vld.idx.msk [tilespmem:v58+s3+$0x0], $0xffff  }
0x167: {  	v19 =	vshrl.u32 v37, $0xE;
	v36 =	vor.u32 $0x80, v58;
	v4 =	vmul.f32 v4, v63;
	v58 =	vld [tilespmem:s24+$0x20]  }
0x168: {  	v20 =	vshrl.u32 v37, $0xC;
	v57 =	vand.u32 $0xFFE00, v11;
	v5 =	vor.u32 $0x180, v5;
	[tilespmem:v43+s16+$0x0] =	vst.idx.add.f32.msk $0xffff, v45  }
0x169: {  	v48 =	vshll.u32 v3, $0x10;
	v3 =	vand.u32 $0xFFFF0000, v3;
	[tilespmem:v1+s16+$0x0] =	vst.idx.add.f32.msk $0xffff, v4;
	v1 =	vand.u32 $0x7F, v53  }
0x16a: {  	v50 =	vmul.f32 v48, v26;
	v3 =	vmul.f32 v3, v26;
	v26 =	vld [tilespmem:s24+$0x0];
	v1 =	vor.u32 v1, v57  }
0x16b: {  	v21 =	vand.u32 $0xFFE00, v20;
	v38 =	vand.u32 $0xFFE00, v17;
	v60 =	vld.idx.msk [tilespmem:v2+s3+$0x0], $0xffff;
	v61 =	vor.u32 $0x80, v1  }
0x16c: {  	v35 =	vshrl.u32 v56, $0xE;
	v63 =	vor.u32 $0x80, v9;
	[tilespmem:v51+s16+$0x0] =	vst.idx.add.f32.msk $0xffff, v50;
	v59 =	vshll.u32 v49, $0x10  }
0x16d: {  	v10 =	vand.u32 $0xFFFF0000, v49;
	[tilespmem:v5+s16+$0x0] =	vst.idx.add.f32.msk $0xffff, v3;
	v3 =	vand.u32 $0x7F, v19;
	v11 =	vmul.f32 v59, v52  }
0x16e: {  	v37 =	vand.u32 $0x7F, v35;
	v51 =	vld [tilespmem:s25+$0x30];
	v3 =	vor.u32 v3, v21;
	v10 =	vmul.f32 v10, v52  }
0x16f: {  	v7 =	vor.u32 v37, v38;
	v40 =	vshll.u32 v32, $0x10;
	v28 =	vor.u32 $0x80, v3;
	[tilespmem:v1+s16+$0x0] =	vst.idx.add.f32.msk $0xffff, v11  }
0x170: {  	v2 =	vor.u32 $0x80, v2;
	v25 =	vshll.u32 v60, $0x10;
	v4 =	vand.u32 $0xFFFF0000, v60;
	[tilespmem:v61+s16+$0x0] =	vst.idx.add.f32.msk $0xffff, v10  }
0x171: {  	v27 =	vmul.f32 v25, v62;
	v11 =	vand.u32 $0x7F, v29;
	v10 =	vmul.f32 v40, v34;
	v40 =	vld [tilespmem:s26+$0x11080]  }
0x172: {  	v4 =	vmul.f32 v4, v62;
	v11 =	vor.u32 v11, v13;
	v6 =	vld.idx.msk [tilespmem:v63+s3+$0x0], $0xffff  }
0x173: {  	[tilespmem:v3+s16+$0x0] =	vst.idx.add.f32.msk $0xffff, v27;
	v33 =	vor.u32 $0x80, v11  }
0x174: {  	v31 =	vshll.u32 v23, $0x10;
	[tilespmem:v28+s16+$0x0] =	vst.idx.add.f32.msk $0xffff, v4  }
0x175: {  	v39 =	vor.u32 $0x80, v7;
	v5 =	vand.u32 $0xFFFF0000, v23;
	v9 =	vmul.f32 v31, v26;
	[tilespmem:v7+s16+$0x0] =	vst.idx.add.f32.msk $0xffff, v10  }
0x176: {  	v17 =	vand.u32 $0x7F, v54;
	v8 =	vor.u32 $0x80, v8;
	v5 =	vmul.f32 v5, v26;
	v2 =	vld.idx.msk [tilespmem:v2+s3+$0x0], $0xffff  }
0x177: {  	v42 =	vand.u32 $0xFFFF0000, v32;
	v50 =	vand.u32 $0x7F, v41;
	v43 =	vor.u32 $0x100, v1;
	[tilespmem:v11+s16+$0x0] =	vst.idx.add.f32.msk $0xffff, v9  }
0x178: {  	v49 =	vshll.u32 v41, $0x1;
	v1 =	vor.u32 $0x180, v1;
	[tilespmem:v33+s16+$0x0] =	vst.idx.add.f32.msk $0xffff, v5;
	v5 =	vmul.f32 v42, v34  }
0x179: {  	v46 =	vor.u32 $0x100, v3;
	v9 =	vand.u32 $0x7F00, v49;
	v44 =	vshll.u32 v6, $0x10;
	v4 =	vld.idx.msk [tilespmem:v36+s3+$0x0], $0xffff  }
0x17a: {  	v6 =	vand.u32 $0xFFFF0000, v6;
	v9 =	vor.u32 v50, v9;
	v45 =	vmul.f32 v44, v52;
	[tilespmem:v39+s16+$0x0] =	vst.idx.add.f32.msk $0xffff, v5  }
0x17b: {  	v3 =	vor.u32 $0x180, v3;
	v47 =	vmul.f32 v6, v52;
	v48 =	vshll.u32 v2, $0x10;
	v8 =	vld.idx.msk [tilespmem:v8+s3+$0x0], $0xffff  }
0x17c: {  	v56 =	vor.u32 $0x100, v7;
	v59 =	vshrl.u32 v41, $0xE;
	[tilespmem:v43+s16+$0x0] =	vst.idx.add.f32.msk $0xffff, v45;
	v6 =	vmul.f32 v48, v62  }
0x17d: {  	v55 =	vshll.u32 v51, $0x1;
	v52 =	vor.u32 $0x100, v11;
	v2 =	vand.u32 $0xFFFF0000, v2;
	[tilespmem:v1+s16+$0x0] =	vst.idx.add.f32.msk $0xffff, v47  }
0x17e: {  	v57 =	vand.u32 $0x7F, v51;
	v1 =	vmul.f32 v2, v62;
	[tilespmem:v46+s16+$0x0] =	vst.idx.add.f32.msk $0xffff, v6;
	v2 =	vshll.u32 v4, $0x10  }
0x17f: {  	v60 =	vshrl.u32 v41, $0xC;
	v53 =	vor.u32 $0x180, v11;
	v12 =	vld.idx.msk [tilespmem:v9+s3+$0x0], $0xffff;
	v2 =	vmul.f32 v2, v26  }
0x180: {  	[tilespmem:v3+s16+$0x0] =	vst.idx.add.f32.msk $0xffff, v1;
	v1 =	vshll.u32 v8, $0x10;
	v3 =	vand.u32 $0xFFFF0000, v8;
	v8 =	vand.u32 $0x7F00, v55  }
0x181: {  	v5 =	vand.u32 $0x7F, v59;
	v62 =	vld [tilespmem:s25+$0x50];
	v4 =	vand.u32 $0xFFFF0000, v4;
	v8 =	vor.u32 v57, v8  }
0x182: {  	v4 =	vmul.f32 v4, v26;
	[tilespmem:v52+s16+$0x0] =	vst.idx.add.f32.msk $0xffff, v2;
	v2 =	vor.u32 $0x180, v7;
	v7 =	vand.u32 $0xFFE00, v60  }
0x183: {  	v61 =	vshll.u32 v54, $0x1;
	v48 =	vld [tilespmem:s25+$0x70];
	v1 =	vmul.f32 v1, v34;
	v63 =	vor.u32 v5, v7  }
0x184: {  	v25 =	vshrl.u32 v51, $0xE;
	v18 =	vand.u32 $0x7F00, v61;
	v9 =	vor.u32 $0x80, v9;
	[tilespmem:v53+s16+$0x0] =	vst.idx.add.f32.msk $0xffff, v4  }
0x185: {  	v3 =	vmul.f32 v3, v34;
	v5 =	vor.u32 v17, v18;
	[tilespmem:v56+s16+$0x0] =	vst.idx.add.f32.msk $0xffff, v1;
	v1 =	vshll.u32 v12, $0x10  }
0x186: {  	v26 =	vshrl.u32 v51, $0xC;
	v27 =	vshll.u32 v62, $0x1;
	v1 =	vmul.f32 v1, v58;
	v23 =	vld.idx.msk [tilespmem:v8+s3+$0x0], $0xffff  }
0x187: {  	v22 =	vor.u32 $0x80, v63;
	[tilespmem:v2+s16+$0x0] =	vst.idx.add.f32.msk $0xffff, v3;
	v2 =	vand.u32 $0x7F, v25;
	v3 =	vand.u32 $0xFFE00, v26  }
0x188: {  	[tilespmem:v63+s16+$0x0] =	vst.idx.add.f32.msk $0xffff, v1;
	v2 =	vor.u32 v2, v3;
	v1 =	vand.u32 $0x7F, v62;
	v3 =	vand.u32 $0x7F00, v27  }
0x189: {  	v31 =	vshrl.u32 v54, $0xE;
	v20 =	vand.u32 $0xFFFF0000, v12;
	v56 =	vld [tilespmem:s25+$0x80];
	v3 =	vor.u32 v1, v3  }
0x18a: {  	v10 =	vshrl.u32 v54, $0xC;
	v55 =	vshll.u32 v48, $0x1;
	v21 =	vmul.f32 v20, v58;
	v28 =	vld.idx.msk [tilespmem:v5+s3+$0x0], $0xffff  }
0x18b: {  	v59 =	vand.u32 $0x7F, v48;
	v35 =	vshrl.u32 v62, $0xE;
	v15 =	vshrl.u32 v62, $0xC;
	v62 =	vld [tilespmem:s25+$0x90]  }
0x18c: {  	v12 =	vand.u32 $0x7F00, v55;
	[tilespmem:v22+s16+$0x0] =	vst.idx.add.f32.msk $0xffff, v21;
	v29 =	vor.u32 $0x80, v2;
	v1 =	vshll.u32 v23, $0x10  }
0x18d: {  	v10 =	vand.u32 $0xFFE00, v10;
	v12 =	vor.u32 v59, v12;
	v6 =	vld.idx.msk [tilespmem:v9+s3+$0x0], $0xffff;
	v1 =	vmul.f32 v1, v24  }
0x18e: {  	v49 =	vand.u32 $0x7F, v40;
	v47 =	vshll.u32 v40, $0x1;
	v11 =	vand.u32 $0xFFFF0000, v23;
	v33 =	vld.idx.msk [tilespmem:v3+s3+$0x0], $0xffff  }
0x18f: {  	v8 =	vor.u32 $0x80, v8;
	v11 =	vmul.f32 v11, v24;
	[tilespmem:v2+s16+$0x0] =	vst.idx.add.f32.msk $0xffff, v1;
	v1 =	vand.u32 $0x7F, v31  }
0x190: {  	v50 =	vand.u32 $0x7F00, v47;
	v32 =	vshll.u32 v28, $0x10;
	v10 =	vor.u32 v1, v10;
	v1 =	vld [tilespmem:s24+$0x50]  }
0x191: {  	v36 =	vand.u32 $0x7F, v35;
	v38 =	vmul.f32 v32, v30;
	v32 =	vshll.u32 v62, $0x1;
	[tilespmem:v29+s16+$0x0] =	vst.idx.add.f32.msk $0xffff, v11  }
0x192: {  	v35 =	vand.u32 $0x7F, v62;
	v9 =	vand.u32 $0x7F00, v32;
	v11 =	vor.u32 v49, v50;
	v29 =	vld.idx.msk [tilespmem:v12+s3+$0x0], $0xffff  }
0x193: {  	v37 =	vand.u32 $0xFFE00, v15;
	v9 =	vor.u32 v35, v9;
	v50 =	vld [tilespmem:s24+$0x90]  }
0x194: {  	v46 =	vshll.u32 v6, $0x10;
	v6 =	vand.u32 $0xFFFF0000, v6;
	v34 =	vor.u32 $0x80, v10;
	v8 =	vld.idx.msk [tilespmem:v8+s3+$0x0], $0xffff  }
0x195: {  	v5 =	vor.u32 $0x80, v5;
	v6 =	vmul.f32 v6, v58;
	v17 =	vand.u32 $0xFFFF0000, v33;
	[tilespmem:v10+s16+$0x0] =	vst.idx.add.f32.msk $0xffff, v38  }
0x196: {  	v13 =	vand.u32 $0xFFFF0000, v28;
	v45 =	vmul.f32 v17, v1;
	v17 =	vmul.f32 v46, v58;
	v58 =	vld [tilespmem:s26+$0x14F80]  }
0x197: {  	v7 =	vor.u32 v36, v37;
	v39 =	vmul.f32 v13, v30;
	v21 =	vld.idx.msk [tilespmem:v11+s3+$0x0], $0xffff  }
0x198: {  	v44 =	vor.u32 $0x100, v63;
	v36 =	vshrl.u32 v48, $0xE;
	v37 =	vshrl.u32 v48, $0xC;
	v48 =	vld.idx.msk [tilespmem:v9+s3+$0x0], $0xffff  }
0x199: {  	v4 =	vor.u32 $0x180, v63;
	v42 =	vor.u32 $0x80, v7;
	v41 =	vshll.u32 v33, $0x10;
	[tilespmem:v34+s16+$0x0] =	vst.idx.add.f32.msk $0xffff, v39  }
0x19a: {  	v63 =	vor.u32 $0x100, v7;
	v52 =	vor.u32 $0x100, v2;
	v43 =	vmul.f32 v41, v1;
	v34 =	vld [tilespmem:s24+$0x70]  }
0x19b: {  	v22 =	vshrl.u32 v40, $0xE;
	v25 =	vand.u32 $0x7F, v56;
	v3 =	vor.u32 $0x80, v3;
	v5 =	vld.idx.msk [tilespmem:v5+s3+$0x0], $0xffff  }
0x19c: {  	v2 =	vor.u32 $0x180, v2;
	v51 =	vshll.u32 v8, $0x10;
	v8 =	vand.u32 $0xFFFF0000, v8;
	[tilespmem:v7+s16+$0x0] =	vst.idx.add.f32.msk $0xffff, v43  }
0x19d: {  	[tilespmem:v44+s16+$0x0] =	vst.idx.add.f32.msk $0xffff, v17;
	v14 =	vmul.f32 v51, v24;
	v53 =	vmul.f32 v8, v24;
	v24 =	vshll.u32 v56, $0x1  }
0x19e: {  	v57 =	vor.u32 $0x100, v10;
	v60 =	vor.u32 $0x180, v10;
	[tilespmem:v42+s16+$0x0] =	vst.idx.add.f32.msk $0xffff, v45;
	v26 =	vand.u32 $0x7F00, v24  }
0x19f: {  	v10 =	vand.u32 $0xFFE00, v37;
	[tilespmem:v4+s16+$0x0] =	vst.idx.add.f32.msk $0xffff, v6;
	v4 =	vand.u32 $0x7F, v36;
	v6 =	vor.u32 v25, v26  }
0x1a0: {  	v18 =	vshrl.u32 v62, $0xC;
	v13 =	vshrl.u32 v40, $0xC;
	v42 =	vld [tilespmem:s24+$0x80];
	v4 =	vor.u32 v4, v10  }
0x1a1: {  	v15 =	vshrl.u32 v56, $0xC;
	v18 =	vand.u32 $0xFFE00, v18;
	v23 =	vand.u32 $0xFFE00, v13;
	v3 =	vld.idx.msk [tilespmem:v3+s3+$0x0], $0xffff  }
0x1a2: {  	v12 =	vor.u32 $0x80, v12;
	v39 =	vshll.u32 v29, $0x10;
	[tilespmem:v52+s16+$0x0] =	vst.idx.add.f32.msk $0xffff, v14;
	v41 =	vor.u32 $0x80, v4  }
0x1a3: {  	[tilespmem:v2+s16+$0x0] =	vst.idx.add.f32.msk $0xffff, v53;
	v2 =	vand.u32 $0x7F, v22;
	v44 =	vmul.f32 v39, v34;
	v54 =	vshll.u32 v5, $0x10  }
0x1a4: {  	v16 =	vand.u32 $0xFFFF0000, v29;
	v2 =	vor.u32 v2, v23;
	v8 =	vmul.f32 v54, v30;
	v40 =	vld.idx.msk [tilespmem:v6+s3+$0x0], $0xffff  }
0x1a5: {  	v46 =	vand.u32 $0xFFE00, v15;
	v47 =	vmul.f32 v16, v34;
	v5 =	vand.u32 $0xFFFF0000, v5;
	[tilespmem:v4+s16+$0x0] =	vst.idx.add.f32.msk $0xffff, v44  }
0x1a6: {  	v43 =	vshrl.u32 v56, $0xE;
	v27 =	vshll.u32 v21, $0x10;
	v5 =	vmul.f32 v5, v30;
	[tilespmem:v57+s16+$0x0] =	vst.idx.add.f32.msk $0xffff, v8  }
0x1a7: {  	v45 =	vand.u32 $0x7F, v43;
	v33 =	vor.u32 $0x80, v2;
	v30 =	vmul.f32 v27, v58;
	[tilespmem:v41+s16+$0x0] =	vst.idx.add.f32.msk $0xffff, v47  }
0x1a8: {  	v38 =	vor.u32 $0x80, v11;
	v11 =	vor.u32 v45, v46;
	v20 =	vshll.u32 v3, $0x10;
	[tilespmem:v60+s16+$0x0] =	vst.idx.add.f32.msk $0xffff, v5  }
0x1a9: {  	v28 =	vand.u32 $0xFFFF0000, v21;
	v22 =	vshrl.u32 v62, $0xE;
	v61 =	vmul.f32 v20, v1;
	[tilespmem:v2+s16+$0x0] =	vst.idx.add.f32.msk $0xffff, v30  }
0x1aa: {  	v49 =	vor.u32 $0x80, v11;
	v31 =	vmul.f32 v28, v58;
	v22 =	vand.u32 $0x7F, v22;
	v54 =	vld.idx.msk [tilespmem:v12+s3+$0x0], $0xffff  }
0x1ab: {  	v52 =	vor.u32 v22, v18;
	[tilespmem:v63+s16+$0x0] =	vst.idx.add.f32.msk $0xffff, v61;
	v51 =	vshll.u32 v40, $0x10  }
0x1ac: {  	v6 =	vor.u32 $0x80, v6;
	[tilespmem:v33+s16+$0x0] =	vst.idx.add.f32.msk $0xffff, v31;
	v10 =	vand.u32 $0xFFFF0000, v40;
	v8 =	vmul.f32 v51, v42  }
0x1ad: {  	v53 =	vshll.u32 v48, $0x10;
	v18 =	vor.u32 $0x80, v52;
	v5 =	vld.idx.msk [tilespmem:v38+s3+$0x0], $0xffff;
	v10 =	vmul.f32 v10, v42  }
0x1ae: {  	v9 =	vor.u32 $0x80, v9;
	[tilespmem:v11+s16+$0x0] =	vst.idx.add.f32.msk $0xffff, v8;
	v8 =	vmul.f32 v53, v50  }
0x1af: {  	v7 =	vor.u32 $0x180, v7;
	v55 =	vand.u32 $0xFFFF0000, v48;
	[tilespmem:v49+s16+$0x0] =	vst.idx.add.f32.msk $0xffff, v10  }
0x1b0: {  	v56 =	vor.u32 $0x100, v2;
	v12 =	vmul.f32 v55, v50;
	[tilespmem:v52+s16+$0x0] =	vst.idx.add.f32.msk $0xffff, v8  }
0x1b1: {  	v3 =	vand.u32 $0xFFFF0000, v3;
	v2 =	vor.u32 $0x180, v2;
	v6 =	vld.idx.msk [tilespmem:v6+s3+$0x0], $0xffff  }
0x1b2: {  	v1 =	vmul.f32 v3, v1;
	v57 =	vor.u32 $0x100, v4;
	v3 =	vshll.u32 v5, $0x10;
	[tilespmem:v18+s16+$0x0] =	vst.idx.add.f32.msk $0xffff, v12  }
0x1b3: {  	v4 =	vor.u32 $0x180, v4;
	v5 =	vand.u32 $0xFFFF0000, v5;
	v3 =	vmul.f32 v3, v58;
	v9 =	vld.idx.msk [tilespmem:v9+s3+$0x0], $0xffff  }
0x1b4: {  	v59 =	vor.u32 $0x100, v11;
	[tilespmem:v7+s16+$0x0] =	vst.idx.add.f32.msk $0xffff, v1;
	v1 =	vmul.f32 v5, v58;
	v58 =	vshll.u32 v54, $0x10  }
0x1b5: {  	v60 =	vor.u32 $0x180, v11;
	v5 =	vmul.f32 v58, v34;
	[tilespmem:v56+s16+$0x0] =	vst.idx.add.f32.msk $0xffff, v3;
	v3 =	vand.u32 $0xFFFF0000, v54  }
0x1b6: {  	s22 =	sadd.s32 $0x14, s22;
	[tilespmem:v2+s16+$0x0] =	vst.idx.add.f32.msk $0xffff, v1;
	v1 =	vmul.f32 v3, v34;
	v3 =	vor.u32 $0x100, v52;
	v2 =	vshll.u32 v6, $0x10  }
0x1b7: {  	p0 =	slt.u32 s22, $0x1E0;
	v62 =	vor.u32 $0x180, v52;
	[tilespmem:v57+s16+$0x0] =	vst.idx.add.f32.msk $0xffff, v5;
	v61 =	vand.u32 $0xFFFF0000, v6;
	v2 =	vmul.f32 v2, v42  }
.Ltmp2:
0x1b8: {  	[tilespmem:v4+s16+$0x0] =	vst.idx.add.f32.msk $0xffff, v1;
	v1 =	vmul.f32 v61, v42;
	v63 =	vshll.u32 v9, $0x10;
	(pc) =	sbr.rel @p0 .LBB2_7-.Ltmp2, $4  }
0x1b9: {  	[tilespmem:v59+s16+$0x0] =	vst.idx.add.f32.msk $0xffff, v2;
	v2 =	vand.u32 $0xFFFF0000, v9;
	v4 =	vmul.f32 v63, v50  }
0x1ba: {  	[tilespmem:v60+s16+$0x0] =	vst.idx.add.f32.msk $0xffff, v1;
	v1 =	vmul.f32 v2, v50  }
0x1bb: {  	[tilespmem:v3+s16+$0x0] =	vst.idx.add.f32.msk $0xffff, v4  }
0x1bc: {  	s23 =	sadd.s32 $0x140, s23;
	s25 =	sadd.s32 $0x140, s25;
	s24 =	sadd.s32 $0x140, s24;
	[tilespmem:v62+s16+$0x0] =	vst.idx.add.f32.msk $0xffff, v1  }
0x1bd: {  	s21 =	sadd.s32 $0x1, s21  }
0x1be: {  	p0 =	sne.s32 s21, $0x14  }
.Ltmp3:
0x1bf: {  	_ = 	snop;
	(pc) =	sbr.rel @p0 .LBB2_4-.Ltmp3, $1  }
0x1c0: {  	_ =	sdelay $0x3  }
0x1c1: {  	s19 =	sadd.s32 $0x1, s19  }
0x1c2: {  	p0 =	sne.s32 s19, s7  }
.Ltmp4:
0x1c3: {  	_ = 	snop;
	(pc) =	sbr.rel @p0 .LBB2_1-.Ltmp4, $4  }
0x1c4: {  	[hbm4b:s6+s18] =	stream.strided.scatter [tilespmem:s16], [sflag:$0x3], $0xA000, s11, s18, $0x38;
	[tilespmem:$0x16E00] =	vst v63  }
0x1c5: {  	_ =	swait.ge [sflag:s12], $0xA000  }
0x1c6: {  	[sflag:s12] =	ssyncset.done $0x0  }
0x1c7: {  	[sflag:s12] =	ssyncadd.s32 $0xFFFF6000  }
0x1c8: {  	_ =	sfence.sel $0x180000  }
0x1c9: {  	[bflag:$0x0] =	sbarrier.arrive $0xFFFF  }
0x1ca: {  	p0 =	sne.s32 s1, $0x0;
	_ =	strace $0x9000004D  }
0x1cb: {  	s0 =	sadd.s32 @!p0 $0x100000, s0;
	[bflag:$0x2] =	sbarrier.arrive $0xFFFF  }
0x1cc: {  	[sflag:s0] =	ssyncadd.tile.s32 @!p0 $0x1;
	_ =	shalt  }
.Lfunc_end2:
_tile_overlayer_lowered:
.L_overlay_start_2:
0x1cd: {  	(tag) =	ssettag $0x2  }
0x1ce: {  	s0 =	rddreg [dreg:$0x0];
	s2 =	stileid.u32  }
0x1cf: {  	s1 =	rddreg [dreg:$0x1];
	p0 =	sne.s32 s2, $0x0  }
0x1d0: {  	s3 =	rddreg [dreg:$0x2];
	[bflag:$0x3] =	sbarrier.arrive $0xFFFF;
	s2 =	simm.s32 @!p0 $0x1C03  }
0x1d1: {  	[timem:s3], [sflag:s2] =	dma.local @!p0 [hbm:s0], s1  }
0x1d2: {  	s0 =	simm.s32 @!p0 $0x3  }
0x1d3: {  	_ =	swait.ge @!p0 [sflag:s0], s1  }
0x1d4: {  	s1 =	ssub.s32 @!p0 $0x0, s1;
	[sflag:s0] =	ssyncset.done @!p0 $0x0  }
0x1d5: {  	[sflag:s0] =	ssyncadd.s32 @!p0 s1  }
0x1d6: {  	[bflag:$0x3] =	sbarrier.arrive $0xFFFF  }
0x1d7: {  	_ =	shalt  }

// kernel: kernel.18.cloned.1.call-start
scs
__scs_entry_jumppad:
0x0: {  	(pc) =	sbr.rel $0x88, $3  }
0x1: {  	(tag) =	ssettag $0x0;
	lr =	simm.s32 $0x1  }
0x2: {  	[smem:$0x3F8F] =	sst lr;
	_ =	strace $0xD0000000  }
0x3: {  	_ = 	snop  }
0x4: {  	_ = 	snop  }
0x5: {  	_ = 	snop  }
0x6: {  	_ = 	snop  }
0x7: {  	_ = 	snop  }
__scs_overlays_trampoline_lowered:
0x8: {  	[smem:$0x3F9E] =	sst s0  }
0x9: {  	[smem:$0x3F9F] =	sst s1  }
0xa: {  	[smem:$0x3FA0] =	sst s2  }
0xb: {  	[smem:$0x3FA1] =	sst s3  }
0xc: {  	[smem:$0x3FA2] =	sst s4  }
0xd: {  	[smem:$0x3FA3] =	sst s5  }
0xe: {  	[smem:$0x3FA4] =	sst s6  }
0xf: {  	[smem:$0x3FA5] =	sst s7  }
0x10: {  	[smem:$0x3FA6] =	sst s8  }
0x11: {  	[smem:$0x3FA7] =	sst s9;
	s0 =	simm.s32 @!p0 $0x0  }
0x12: {  	s1 =	sld [smem:$0x3F8D];
	s0 =	simm.s32 @p0 $0x1  }
0x13: {  	[smem:$0x3FA8] =	sst s0;
	s0 =	simm.s32 @!p1 $0x0  }
0x14: {  	s2 =	sld [smem:$0x3F8C];
	s0 =	simm.s32 @p1 $0x1  }
0x15: {  	[smem:$0x3FA9] =	sst s0;
	s0 =	simm.s32 @!p2 $0x0  }
0x16: {  	s3 =	sld [smem:$0x3FDB];
	s0 =	simm.s32 @p2 $0x1  }
0x17: {  	s4 =	simm.s32 $0x1BF5;
	[smem:$0x3FAB] =	sst s0  }
0x18: {  	s0 =	sld [smem:$0x3F8E];
	_ =	swait.ge [sflag:s4], $0x0  }
0x19: {  	s7 =	sld [smem:$0x3F8F]  }
0x1a: {  	s8 =	sadd.s32 $0xFFFFE003, lr  }
0x1b: {  	s9 =	sadd.s32 $0xFFFFFEF7, lr;
	s5 =	simm.s32 $0xFFFFFFFF;
	p2 =	slt.u32 s8, $0xFFFFF086  }
0x1c: {  	p1 =	slt.u32 s9, $0xF7A;
	s5 =	simm.s32 @!p2 $0x0  }
0x1d: {  	s5 =	simm.s32 @p1 $0x1;
	p0 =	seq.s32 s7, s2  }
0x1e: {  	s7 =	smul.u32 @!p0 $0xF7A, s2;
	p2 =	seq.s32 @!p0 s5, $0x0  }
0x1f: {  	s9 =	smul.u32 $0xF7A, s1;
	s8 =	simm.s32 @!p0 $0x1BF5;
	p2 =	por !p2, p0  }
0x20: {  	[sflag:s8] =	ssyncset.s32 @!p0 $0xFFFFF086;
	s6 =	sadd.s32 @!p0 s3, s7;
	s7 =	simm.s32 @!p0 $0x108  }
0x21: {  	s3 =	sadd.s32 s3, s9;
	s6 =	sadd.s32 @!p0 $0x88, s6;
	s7 =	simm.s32 @p2 $0x1082  }
0x22: {  	[simem:s7], [sflag:s8] =	dma.local @!p0 [hbm:s6], $0xF7A  }
0x23: {  	s9 =	sor.u32 $0xD0000000, s2;
	s6 =	simm.s32 $0x108;
	_ =	swait.ge @!p0 [sflag:s8], $0x0  }
0x24: {  	s3 =	sadd.s32 $0x88, s3;
	s6 =	simm.s32 @!p1 $0x1082;
	[sflag:s4] =	ssyncset.s32 $0xFFFFF086  }
0x25: {  	[simem:s6], [sflag:s4] =	dma.local [hbm:s3], $0xF7A  }
0x26: {  	[smem:$0x3F8F] =	sst s1;
	(tag) =	ssettag s2;
	_ =	strace s9  }
0x27: {  	s1 =	sld [smem:$0x3F9F]  }
0x28: {  	s2 =	sld [smem:$0x3FA0]  }
0x29: {  	s4 =	sld [smem:$0x3FA2]  }
0x2a: {  	p0 =	seq.s32 s5, $0x0;
	s5 =	sld [smem:$0x3FA3]  }
0x2b: {  	s6 =	sld [smem:$0x3FA4]  }
0x2c: {  	s7 =	sld [smem:$0x3FA5]  }
0x2d: {  	s3 =	simm.s32 $0x108;
	s8 =	sld [smem:$0x3FA6]  }
0x2e: {  	s3 =	simm.s32 @!p0 $0x1082;
	s9 =	sld [smem:$0x3FA7]  }
0x2f: {  	lr =	sadd.s32 s0, s3;
	s0 =	sld [smem:$0x3F9E]  }
0x30: {  	s3 =	sld [smem:$0x3FA1]  }
0x31: {  	[smem:$0x3FAA] =	sst s10  }
0x32: {  	s10 =	sld [smem:$0x3FA8];
	_ =	sdelay $0x3  }
0x33: {  	p0 =	seq.s32 s10, $0x1;
	s10 =	sld [smem:$0x3FAA];
	_ =	sdelay $0x3  }
0x34: {  	[smem:$0x3FAA] =	sst s10  }
0x35: {  	s10 =	sld [smem:$0x3FA9];
	_ =	sdelay $0x3  }
0x36: {  	p1 =	seq.s32 s10, $0x1;
	s10 =	sld [smem:$0x3FAA];
	_ =	sdelay $0x3  }
0x37: {  	[smem:$0x3FAA] =	sst s10  }
0x38: {  	s10 =	sld [smem:$0x3FAB]  }
0x39: {  	_ = 	snop;
	(pc) =	sbr.ind lr, $3  }
0x3a: {  	_ = 	snop  }
0x3b: {  	_ = 	snop  }
0x3c: {  	p2 =	seq.s32 s10, $0x1;
	s10 =	sld [smem:$0x3FAA]  }
0x3d: {  	_ =	shalt  }
0x3e: {  	_ =	shalt  }
0x3f: {  	_ =	shalt  }
0x40: {  	_ =	shalt  }
0x41: {  	_ =	shalt  }
0x42: {  	_ =	shalt  }
0x43: {  	_ =	shalt  }
0x44: {  	_ =	shalt  }
0x45: {  	_ =	shalt  }
0x46: {  	_ =	shalt  }
0x47: {  	_ =	shalt  }
0x48: {  	_ =	shalt  }
0x49: {  	_ =	shalt  }
0x4a: {  	_ =	shalt  }
0x4b: {  	_ =	shalt  }
0x4c: {  	_ =	shalt  }
0x4d: {  	_ =	shalt  }
0x4e: {  	_ =	shalt  }
0x4f: {  	_ =	shalt  }
0x50: {  	_ =	shalt  }
0x51: {  	_ =	shalt  }
0x52: {  	_ =	shalt  }
0x53: {  	_ =	shalt  }
0x54: {  	_ =	shalt  }
0x55: {  	_ =	shalt  }
0x56: {  	_ =	shalt  }
0x57: {  	_ =	shalt  }
0x58: {  	_ =	shalt  }
0x59: {  	_ =	shalt  }
0x5a: {  	_ =	shalt  }
0x5b: {  	_ =	shalt  }
0x5c: {  	_ =	shalt  }
0x5d: {  	_ =	shalt  }
0x5e: {  	_ =	shalt  }
0x5f: {  	_ =	shalt  }
0x60: {  	_ =	shalt  }
0x61: {  	_ =	shalt  }
0x62: {  	_ =	shalt  }
0x63: {  	_ =	shalt  }
0x64: {  	_ =	shalt  }
0x65: {  	_ =	shalt  }
0x66: {  	_ =	shalt  }
0x67: {  	_ =	shalt  }
0x68: {  	_ =	shalt  }
0x69: {  	_ =	shalt  }
0x6a: {  	_ =	shalt  }
0x6b: {  	_ =	shalt  }
0x6c: {  	_ =	shalt  }
0x6d: {  	_ =	shalt  }
0x6e: {  	_ =	shalt  }
0x6f: {  	_ =	shalt  }
0x70: {  	_ =	shalt  }
0x71: {  	_ =	shalt  }
0x72: {  	_ =	shalt  }
0x73: {  	_ =	shalt  }
0x74: {  	_ =	shalt  }
0x75: {  	_ =	shalt  }
0x76: {  	_ =	shalt  }
0x77: {  	_ =	shalt  }
0x78: {  	_ =	shalt  }
0x79: {  	_ =	shalt  }
0x7a: {  	_ =	shalt  }
0x7b: {  	_ =	shalt  }
0x7c: {  	_ =	shalt  }
0x7d: {  	_ =	shalt  }
0x7e: {  	_ =	shalt  }
0x7f: {  	_ =	shalt  }
0x80: {  	_ =	shalt  }
0x81: {  	_ =	shalt  }
0x82: {  	_ =	shalt  }
0x83: {  	_ =	shalt  }
0x84: {  	_ =	shalt  }
0x85: {  	_ =	shalt  }
0x86: {  	_ =	shalt  }
0x87: {  	_ =	shalt  }
.Lfunc_end0:
.L_simem_size_0:
called_computation.3_lowered:
.L_overlay_start_0:
0x88: {  	s2 =	sld [smem:$0x3FD9]  }
0x89: {  	s3 =	sld [smem:$0x3FFE];
	_ =	sdelay $0x1  }
0x8a: {  	s1 =	srdreg.scid  }
0x8b: {  	s0 =	sand.u32 $0x1, s1  }
0x8c: {  	s14 =	sshll.u32 s0, $0xA;
	s2 =	sadd.s32 s3, s2  }
0x8d: {  	s2 =	sadd.s32 s2, s14  }
0x8e: {  	[smem:$0x3FB6] =	sst s2  }
0x8f: {  	_ = 	snop  }
0x90: {  	s2 =	sld [smem:$0x3FD0];
	_ =	sdelay $0x2  }
0x91: {  	s4 =	simm.s32 $0xB;
	s5 =	simm.s32 $0x10;
	s15 =	sld [smem:$0x3FC7]  }
0x92: {  	[smem:s5], [sflag:s4] =	dma.local [hbm:s2], $0x1  }
0x93: {  	_ =	swait.eq [sflag:s4], $0x1  }
0x94: {  	[sflag:s4] =	ssyncset.done $0x0  }
0x95: {  	[sflag:s4] =	ssyncadd.s32 $0xFFFFFFFF  }
0x96: {  	s16 =	sld [smem:$0x11];
	(tm) =	ssettm $0x1  }
0x97: {  	s17 =	sld [smem:$0x3FFB];
	_ =	sdelay $0x3  }
0x98: {  	_ =	strace s17  }
0x99: {  	s4 =	sld [smem:$0x3FFC];
	_ =	sdelay $0x3  }
0x9a: {  	_ =	strace s4  }
0x9b: {  	s4 =	sld [smem:$0x3FFD];
	_ =	sdelay $0x3  }
0x9c: {  	_ =	strace s4  }
0x9d: {  	_ =	strace $0x8FFFFFFF  }
0x9e: {  	s18 =	sld [smem:$0x3FDB];
	_ =	sdelay $0x1  }
0x9f: {  	s19 =	simm.s32 $_scs_section_size  }
0xa0: {  	s6 =	simm.s32 $_size__tile_overlayer_lowered;
	s7 =	simm.s32 $_tile_overlayer_lowered  }
0xa1: {  	s22 =	simm.s32 $0x1BFF;
	s21 =	sshll.u32 s7, $0x1;
	s4 =	sadd.s32 s19, s18  }
0xa2: {  	s8 =	simm.s32 $0x0;
	s20 =	sshll.u32 s6, $0x1;
	s6 =	sadd.s32 s21, s4  }
0xa3: {  	[timem:s8], [sflag:s22] =	dma.local [hbm:s6], s20  }
0xa4: {  	_ =	swait.ge [sflag:s22], s20  }
0xa5: {  	s5 =	ssub.s32 $0x0, s20;
	[sflag:s22] =	ssyncset.done $0x0  }
0xa6: {  	[sflag:s22] =	ssyncadd.s32 s5;
	_ =	sdelay $0x1  }
0xa7: {  	s23 =	simm.s32 $0x1B8B  }
0xa8: {  	_ =	swait.ge [sflag:s23], $0x1  }
0xa9: {  	[sflag:s23] =	ssyncset.done $0x0  }
0xaa: {  	s25 =	simm.s32 $0x1B8E;
	s24 =	sld [smem:$0x3FFE];
	[sflag:s23] =	ssyncadd.s32 $0xFFFFFFFF  }
0xab: {  	s26 =	simm.s32 $execute0_lowered;
	[smem:$0x3FD2] =	sst s25  }
0xac: {  	s6 =	sshll.u32 s26, $0x1;
	_ =	strace $0x8000004F;
	[dreg:$0x1] =	wrdreg $0xFFFFFFFF  }
0xad: {  	s28 =	simm.s32 $_size_execute0_lowered;
	s4 =	sadd.s32 s4, s6;
	[dreg:$0x0] =	wrdreg $0x0  }
0xae: {  	s6 =	sshll.u32 s28, $0x1;
	[dreg:$0x2] =	wrdreg s4  }
0xaf: {  	[dreg:$0x3] =	wrdreg s6  }
0xb0: {  	[dreg:$0x4] =	wrdreg $0xC0  }
0xb1: {  	_ =	task [dreg:s8], $0x5FFFF  }
0xb2: {  	[dreg:$0x1] =	wrdreg $0xFFFFFFFF  }
0xb3: {  	[dreg:$0x0] =	wrdreg $0x60  }
0xb4: {  	[dreg:$0x2] =	wrdreg s24  }
0xb5: {  	[dreg:$0x3] =	wrdreg s15  }
0xb6: {  	[dreg:$0x4] =	wrdreg s16  }
0xb7: {  	[dreg:$0x5] =	wrdreg $0x9  }
0xb8: {  	_ =	task.clear_ibuf [dreg:s8], $0x6FFFF;
	_ =	strace $0x9000004F  }
0xb9: {  	s29 =	simm.s32 $0x9;
	_ =	strace $0x80000051  }
0xba: {  	_ =	swait.ge [sflag:s29], $0x1  }
0xbb: {  	[sflag:s29] =	ssyncadd.s32 $0xFFFFFFFF  }
0xbc: {  	_ =	strace $0x90000051  }
0xbd: {  	_ =	sfence  }
0xbe: {  	s30 =	sld [smem:$0x0];
	_ =	sdelay $0x2  }
0xbf: {  	s31 =	sshll.u32 s1, $0xD;
	s1 =	sshrl.u32 s1, $0x2  }
0xc0: {  	s3 =	sand.u32 $0x4000, s31;
	s1 =	sadd.s32 s1, s30  }
0xc1: {  	s0 =	sor.u32 s3, s0;
	s1 =	sshll.u32 s1, $0x11  }
0xc2: {  	s0 =	sor.u32 s1, s0  }
0xc3: {  	s0 =	sadd.s32 $0x8F2B, s0  }
0xc4: {  	[sflag:s0] =	ssyncadd.remote.s32 $0x1  }
0xc5: {  	_ =	sfence.sel $0xFFFF  }
0xc6: {  	[dreg:$0x0] =	wrdreg $0xFFFFFFFF;
	(pc) =	sbr.abs _section_cstart, $3  }
0xc7: {  	[dreg:$0x1] =	wrdreg $0xFFFFFFFF  }
0xc8: {  	_ =	task.clear_ibuf [dreg:s8], $0x2FFFF;
	_ =	strace $0x9FFFFFFF  }
0xc9: {  	(tm) =	ssettm $0x7FFFFFFF  }
tec
execute0_lowered:
.L_overlay_start_1:
0x0: {  	(tag) =	ssettag $0x1  }
0x1: {  	s5 =	rddreg [dreg:$0x0]  }
0x2: {  	s1 =	rddreg [dreg:$0x1]  }
0x3: {  	s6 =	rddreg [dreg:$0x2]  }
0x4: {  	s0 =	rddreg [dreg:$0x3];
	s3 =	simm.s32 $0x0;
	s7 =	srdreg.scid  }
0x5: {  	s2 =	stileid.u32;
	s13 =	simm.s32 $0x10F80;
	s14 =	simm.s32 $0x14E80  }
0x6: {  	s15 =	simm.s32 $0x1;
	s16 =	simm.s32 $0x5000;
	s17 =	simm.s32 $0x2  }
0x7: {  	s18 =	simm.s32 $0x200;
	s19 =	simm.s32 $0x0;
	[smem:$0x7FF] =	sst s3  }
0x8: {  	s4 =	sadd.s32 $0x19800, s5;
	s7 =	sand.u32 $0x1, s7;
	s8 =	smul.u32 $0x14000, s2  }
0x9: {  	s10 =	sshrl.u32 s2, $0x1;
	s11 =	sshll.u32 s2, $0x9;
	_ =	strace $0x80000050  }
0xa: {  	s9 =	sshll.u32 s7, $0x9;
	s10 =	smul.u32 $0x14000, s10;
	s12 =	sshll.u32 s7, $0x8  }
0xb: {  	s11 =	sand.u32 $0x200, s11;
	s7 =	ssub.s32 $0x2, s7;
	s8 =	sor.u32 s9, s8  }
0xc: {  	s29 =	sor.u32 s12, s11;
	s30 =	sshrl.u32 s7, $0x1;
	s11 =	simm.s32 $0x400  }
0xd: {  	s12 =	simm.s32 $0x3;
	s8 =	sshrl.u32 s8, $0x3;
	s9 =	sor.u32 s10, s29  }
0xe: {  	s7 =	ssub.s32 s7, s30;
	s10 =	simm.s32 $0x100;
	s8 =	sadd.s32 s8, s5  }
0xf: {  	s31 =	sshrl.u32 s9, $0x3;
	s7 =	smax.u32 s7, $0x1;
	s9 =	simm.s32 $0x12F00  }
0x10: {  	v0 =	vimm.f32 $0.0e+00;
	s5 =	sadd.s32 s6, s31;
	s6 =	sadd.s32 $0x9B600, s8;
	s8 =	simm.s32 $0xF000  }
.LBB2_1:
0x11: {  	[tilespmem:s8], [sflag:$0x1] =	stream.linear.gather [hbm4b:s4+s3], $0x1F40, $0x38;
	[tilespmem:$0x16E00] =	vst v63  }
0x12: {  	_ = 	snop  }
0x13: {  	[tilespmem:s9], [sflag:$0x1] =	stream.linear.gather [hbm4b:s1+s3], $0x1F40, $0x38;
	[tilespmem:$0x16E00] =	vst v63  }
0x14: {  	_ = 	snop  }
0x15: {  	[tilespmem:s3], [sflag:$0x3] =	stream.strided.gather [hbm4b:s5+s10], $0x5000, s11, s10, $0x38;
	[tilespmem:$0x16E00] =	vst v63  }
0x16: {  	_ =	swait.ge [sflag:s12], $0x5000  }
0x17: {  	[sflag:s12] =	ssyncset.done $0x0  }
0x18: {  	s20 =	simm.s32 $0x5100;
	[sflag:s12] =	ssyncadd.s32 $0xFFFFB000  }
0x19: {  	[tilespmem:s20+$0xFFFFFF00] =	vst v0  }
0x1a: {  	[tilespmem:s20+$0xF0] =	vst v0  }
0x1b: {  	[tilespmem:s20+$0x70] =	vst v0  }
0x1c: {  	[tilespmem:s20+$0xFFFFFFF0] =	vst v0  }
0x1d: {  	[tilespmem:s20+$0xFFFFFF70] =	vst v0  }
0x1e: {  	[tilespmem:s20+$0xE0] =	vst v0  }
0x1f: {  	[tilespmem:s20+$0x60] =	vst v0  }
0x20: {  	[tilespmem:s20+$0xFFFFFFE0] =	vst v0  }
0x21: {  	[tilespmem:s20+$0xFFFFFF60] =	vst v0  }
0x22: {  	[tilespmem:s20+$0xD0] =	vst v0  }
0x23: {  	[tilespmem:s20+$0x50] =	vst v0  }
0x24: {  	[tilespmem:s20+$0xFFFFFFD0] =	vst v0  }
0x25: {  	[tilespmem:s20+$0xFFFFFF50] =	vst v0  }
0x26: {  	[tilespmem:s20+$0xC0] =	vst v0  }
0x27: {  	[tilespmem:s20+$0x40] =	vst v0  }
0x28: {  	[tilespmem:s20+$0xFFFFFFC0] =	vst v0  }
0x29: {  	[tilespmem:s20+$0xFFFFFF40] =	vst v0  }
0x2a: {  	[tilespmem:s20+$0xB0] =	vst v0  }
0x2b: {  	[tilespmem:s20+$0x30] =	vst v0  }
0x2c: {  	[tilespmem:s20+$0xFFFFFFB0] =	vst v0  }
0x2d: {  	[tilespmem:s20+$0xFFFFFF30] =	vst v0  }
0x2e: {  	[tilespmem:s20+$0xA0] =	vst v0  }
0x2f: {  	[tilespmem:s20+$0x20] =	vst v0  }
0x30: {  	[tilespmem:s20+$0xFFFFFFA0] =	vst v0  }
0x31: {  	[tilespmem:s20+$0xFFFFFF20] =	vst v0  }
0x32: {  	[tilespmem:s20+$0x90] =	vst v0  }
0x33: {  	[tilespmem:s20+$0x10] =	vst v0  }
0x34: {  	[tilespmem:s20+$0xFFFFFF90] =	vst v0  }
0x35: {  	[tilespmem:s20+$0xFFFFFF10] =	vst v0  }
0x36: {  	[tilespmem:s20+$0x80] =	vst v0  }
0x37: {  	s21 =	simm.s32 $0x0;
	[tilespmem:s20+$0x0] =	vst v0  }
.LBB2_2:
0x38: {  	s21 =	sadd.s32 $0x8, s21;
	[tilespmem:s20+$0xFFFFFF80] =	vst v0;
	s20 =	sadd.s32 $0x200, s20  }
0x39: {  	[tilespmem:s20+$0xFFFFFF00] =	vst v0;
	p0 =	slt.u32 s21, $0x278  }
0x3a: {  	[tilespmem:s20+$0xF0] =	vst v0  }
0x3b: {  	[tilespmem:s20+$0x70] =	vst v0  }
0x3c: {  	[tilespmem:s20+$0xFFFFFFF0] =	vst v0  }
0x3d: {  	[tilespmem:s20+$0xFFFFFF70] =	vst v0  }
0x3e: {  	[tilespmem:s20+$0xE0] =	vst v0  }
0x3f: {  	[tilespmem:s20+$0x60] =	vst v0  }
0x40: {  	[tilespmem:s20+$0xFFFFFFE0] =	vst v0  }
0x41: {  	[tilespmem:s20+$0xFFFFFF60] =	vst v0  }
0x42: {  	[tilespmem:s20+$0xD0] =	vst v0  }
0x43: {  	[tilespmem:s20+$0x50] =	vst v0  }
0x44: {  	[tilespmem:s20+$0xFFFFFFD0] =	vst v0  }
0x45: {  	[tilespmem:s20+$0xFFFFFF50] =	vst v0  }
0x46: {  	[tilespmem:s20+$0xC0] =	vst v0  }
0x47: {  	[tilespmem:s20+$0x40] =	vst v0  }
0x48: {  	[tilespmem:s20+$0xFFFFFFC0] =	vst v0  }
0x49: {  	[tilespmem:s20+$0xFFFFFF40] =	vst v0  }
0x4a: {  	[tilespmem:s20+$0xB0] =	vst v0  }
0x4b: {  	[tilespmem:s20+$0x30] =	vst v0  }
0x4c: {  	[tilespmem:s20+$0xFFFFFFB0] =	vst v0  }
0x4d: {  	[tilespmem:s20+$0xFFFFFF30] =	vst v0  }
0x4e: {  	[tilespmem:s20+$0xA0] =	vst v0  }
0x4f: {  	[tilespmem:s20+$0x20] =	vst v0  }
0x50: {  	[tilespmem:s20+$0xFFFFFFA0] =	vst v0  }
0x51: {  	[tilespmem:s20+$0xFFFFFF20] =	vst v0  }
0x52: {  	[tilespmem:s20+$0x90] =	vst v0  }
.Ltmp0:
0x53: {  	[tilespmem:s20+$0x10] =	vst v0;
	(pc) =	sbr.rel @p0 .LBB2_2-.Ltmp0, $4  }
0x54: {  	[tilespmem:s20+$0xFFFFFF90] =	vst v0  }
0x55: {  	[tilespmem:s20+$0xFFFFFF10] =	vst v0  }
0x56: {  	[tilespmem:s20+$0x80] =	vst v0  }
0x57: {  	[tilespmem:s20+$0x0] =	vst v0  }
0x58: {  	[tilespmem:s20+$0xFFFFFF80] =	vst v0;
	s20 =	simm.s32 $0x0;
	s21 =	simm.s32 $0x0  }
.LBB2_4:
0x59: {  	s22 =	smul.u32 $0x3E80, s21;
	_ =	sdelay $0x1  }
0x5a: {  	s23 =	sshrl.u32 s22, $0x3  }
0x5b: {  	s23 =	sadd.s32 $0x3E8, s23  }
0x5c: {  	s24 =	sadd.s32 s4, s23  }
0x5d: {  	[tilespmem:s13], [sflag:$0x2] =	stream.linear.gather [hbm4b:s24+s20], $0x1F40, $0x38;
	[tilespmem:$0x16E00] =	vst v63  }
0x5e: {  	s23 =	sadd.s32 s1, s23  }
0x5f: {  	[tilespmem:s14], [sflag:$0x2] =	stream.linear.gather [hbm4b:s23+s20], $0x1F40, $0x38;
	[tilespmem:$0x16E00] =	vst v63  }
0x60: {  	_ =	swait.ge [sflag:s15], $0x1F40  }
0x61: {  	[sflag:s15] =	ssyncset.done $0x0  }
0x62: {  	[sflag:s15] =	ssyncadd.s32 $0xFFFFE0C0  }
0x63: {  	_ =	swait.ge [sflag:s15], $0x1F40  }
0x64: {  	s25 =	simm.s32 $0xF0A0;
	s26 =	simm.s32 $0x0;
	[sflag:s15] =	ssyncset.done $0x0  }
0x65: {  	s24 =	simm.s32 $0x12FA0;
	s23 =	simm.s32 $0xFFFFFFEC;
	[sflag:s15] =	ssyncadd.s32 $0xFFFFE0C0  }
.LBB2_5:
0x66: {  	v1 =	vld [tilespmem:s25+$0xFFFFFF60];
	_ =	sdelay $0x4  }
0x67: {  	v2 =	vshll.u32 v1, $0x1  }
0x68: {  	v3 =	vand.u32 $0x7F, v1;
	v2 =	vand.u32 $0x7F00, v2  }
0x69: {  	v2 =	vor.u32 v3, v2;
	_ =	sdelay $0x3  }
0x6a: {  	v63 =	vld [tilespmem:s25+$0xFFFFFF80]  }
0x6b: {  	v3 =	vld.idx.msk [tilespmem:v2+s3+$0x0], $0xffff  }
0x6c: {  	v4 =	vld [tilespmem:s24+$0xFFFFFF60];
	v5 =	vshrl.u32 v1, $0xE;
	v1 =	vshrl.u32 v1, $0xC  }
0x6d: {  	v5 =	vand.u32 $0x7F, v5;
	v1 =	vand.u32 $0xFFE00, v1  }
0x6e: {  	v60 =	vld [tilespmem:s25+$0xFFFFFF70];
	v1 =	vor.u32 v5, v1  }
0x6f: {  	v6 =	vor.u32 $0x80, v1  }
0x70: {  	v10 =	vld [tilespmem:s25+$0xFFFFFF90];
	v9 =	vshll.u32 v63, $0x1;
	v7 =	vshll.u32 v3, $0x10  }
0x71: {  	v13 =	vld [tilespmem:s24+$0xFFFFFF70];
	v2 =	vor.u32 $0x80, v2;
	v3 =	vand.u32 $0xFFFF0000, v3;
	v7 =	vmul.f32 v7, v4  }
0x72: {  	v14 =	vld [tilespmem:s25+$0xFFFFFFA0];
	v12 =	vand.u32 $0x7F, v63;
	v9 =	vand.u32 $0x7F00, v9;
	v3 =	vmul.f32 v3, v4  }
0x73: {  	v61 =	vshll.u32 v60, $0x1;
	v9 =	vor.u32 v12, v9;
	[tilespmem:v1+s16+$0x0] =	vst.idx.add.f32.msk $0xffff, v7  }
0x74: {  	v62 =	vand.u32 $0x7F00, v61;
	[tilespmem:v6+s16+$0x0] =	vst.idx.add.f32.msk $0xffff, v3;
	v3 =	vand.u32 $0x7F, v60  }
0x75: {  	v23 =	vld [tilespmem:s24+$0xFFFFFF80];
	v3 =	vor.u32 v3, v62  }
0x76: {  	v2 =	vld.idx.msk [tilespmem:v2+s3+$0x0], $0xffff  }
0x77: {  	v31 =	vld [tilespmem:s24+$0xFFFFFF90]  }
0x78: {  	v15 =	vld.idx.msk [tilespmem:v9+s3+$0x0], $0xffff  }
0x79: {  	v37 =	vld [tilespmem:s24+$0xFFFFFFA0];
	v18 =	vshrl.u32 v60, $0xE;
	v20 =	vshll.u32 v10, $0x1;
	v5 =	vshrl.u32 v60, $0xC  }
0x7a: {  	v22 =	vand.u32 $0x7F, v10;
	v11 =	vor.u32 $0x100, v1;
	v5 =	vand.u32 $0xFFE00, v5;
	v17 =	vld.idx.msk [tilespmem:v3+s3+$0x0], $0xffff  }
0x7b: {  	v38 =	vld [tilespmem:s25+$0xFFFFFFB0];
	v1 =	vor.u32 $0x180, v1;
	v8 =	vshll.u32 v2, $0x10;
	v2 =	vand.u32 $0xFFFF0000, v2  }
0x7c: {  	v49 =	vld [tilespmem:s25+$0xFFFFFFD0];
	v8 =	vmul.f32 v8, v4;
	v2 =	vmul.f32 v2, v4;
	v4 =	vand.u32 $0x7F, v18  }
0x7d: {  	v55 =	vld [tilespmem:s24+$0xFFFFFFB0];
	v16 =	vshrl.u32 v63, $0xE;
	v26 =	vshll.u32 v15, $0x10;
	v4 =	vor.u32 v4, v5  }
0x7e: {  	v29 =	vmul.f32 v26, v23;
	v26 =	vld [tilespmem:s24+$0xFFFFFFD0];
	v6 =	vshrl.u32 v63, $0xC;
	v21 =	vor.u32 $0x80, v4  }
0x7f: {  	v63 =	vld [tilespmem:s24+$0xFFFFFFC0];
	v3 =	vor.u32 $0x80, v3;
	v5 =	vand.u32 $0x7F00, v20;
	v19 =	vshll.u32 v17, $0x10  }
0x80: {  	[tilespmem:v11+s16+$0x0] =	vst.idx.add.f32.msk $0xffff, v8;
	v5 =	vor.u32 v22, v5;
	v7 =	vand.u32 $0xFFFF0000, v17;
	v12 =	vmul.f32 v19, v13  }
0x81: {  	v6 =	vand.u32 $0xFFE00, v6;
	[tilespmem:v1+s16+$0x0] =	vst.idx.add.f32.msk $0xffff, v2;
	v2 =	vand.u32 $0x7F, v16;
	v1 =	vmul.f32 v7, v13  }
0x82: {  	v24 =	vshll.u32 v14, $0x1;
	v2 =	vor.u32 v2, v6;
	[tilespmem:v4+s16+$0x0] =	vst.idx.add.f32.msk $0xffff, v12  }
0x83: {  	v25 =	vand.u32 $0x7F, v14;
	v6 =	vand.u32 $0x7F00, v24;
	[tilespmem:v21+s16+$0x0] =	vst.idx.add.f32.msk $0xffff, v1;
	v1 =	vor.u32 $0x80, v2  }
0x84: {  	v6 =	vor.u32 v25, v6;
	v3 =	vld.idx.msk [tilespmem:v3+s3+$0x0], $0xffff  }
0x85: {  	v32 =	vshrl.u32 v10, $0xE;
	v10 =	vshrl.u32 v10, $0xC;
	v27 =	vand.u32 $0xFFFF0000, v15;
	v28 =	vld.idx.msk [tilespmem:v5+s3+$0x0], $0xffff  }
0x86: {  	v33 =	vand.u32 $0x7F, v32;
	v9 =	vor.u32 $0x80, v9;
	v30 =	vmul.f32 v27, v23;
	v19 =	vld [tilespmem:s25+$0xFFFFFFC0]  }
0x87: {  	v10 =	vand.u32 $0xFFE00, v10;
	v41 =	vor.u32 $0x100, v4;
	v17 =	vshrl.u32 v14, $0xE;
	[tilespmem:v2+s16+$0x0] =	vst.idx.add.f32.msk $0xffff, v29  }
0x88: {  	v14 =	vshrl.u32 v14, $0xC;
	v17 =	vand.u32 $0x7F, v17;
	[tilespmem:v1+s16+$0x0] =	vst.idx.add.f32.msk $0xffff, v30;
	v1 =	vor.u32 v33, v10  }
0x89: {  	s28 =	sand.u32 $0x1FC0, s26;
	v14 =	vand.u32 $0xFFE00, v14;
	v4 =	vor.u32 $0x180, v4;
	v36 =	vld.idx.msk [tilespmem:v6+s3+$0x0], $0xffff;
	v18 =	vshll.u32 v3, $0x10  }
0x8a: {  	v34 =	vshll.u32 v28, $0x10;
	v30 =	vld [tilespmem:s28+$0xF080];
	v10 =	vor.u32 $0x80, v1;
	v18 =	vmul.f32 v18, v13  }
0x8b: {  	v5 =	vor.u32 $0x80, v5;
	v7 =	vmul.f32 v34, v31;
	v9 =	vld.idx.msk [tilespmem:v9+s3+$0x0], $0xffff;
	v3 =	vand.u32 $0xFFFF0000, v3  }
0x8c: {  	v14 =	vor.u32 v17, v14;
	v35 =	vand.u32 $0xFFFF0000, v28;
	v3 =	vmul.f32 v3, v13;
	[tilespmem:v41+s16+$0x0] =	vst.idx.add.f32.msk $0xffff, v18  }
0x8d: {  	v39 =	vor.u32 $0x80, v14;
	v8 =	vmul.f32 v35, v31;
	[tilespmem:v1+s16+$0x0] =	vst.idx.add.f32.msk $0xffff, v7  }
0x8e: {  	v43 =	vor.u32 $0x100, v2;
	v2 =	vor.u32 $0x180, v2;
	v40 =	vshll.u32 v36, $0x10;
	[tilespmem:v4+s16+$0x0] =	vst.idx.add.f32.msk $0xffff, v3  }
0x8f: {  	v6 =	vor.u32 $0x80, v6;
	v15 =	vand.u32 $0xFFFF0000, v36;
	[tilespmem:v10+s16+$0x0] =	vst.idx.add.f32.msk $0xffff, v8;
	v8 =	vmul.f32 v40, v37  }
0x90: {  	v48 =	vshll.u32 v19, $0x1;
	v15 =	vmul.f32 v15, v37;
	v45 =	vshll.u32 v9, $0x10;
	v5 =	vld.idx.msk [tilespmem:v5+s3+$0x0], $0xffff  }
0x91: {  	v50 =	vand.u32 $0x7F, v19;
	v11 =	vand.u32 $0x7F00, v48;
	v46 =	vmul.f32 v45, v23;
	[tilespmem:v14+s16+$0x0] =	vst.idx.add.f32.msk $0xffff, v8  }
0x92: {  	v42 =	vshll.u32 v38, $0x1;
	v4 =	vor.u32 v50, v11;
	[tilespmem:v39+s16+$0x0] =	vst.idx.add.f32.msk $0xffff, v15  }
0x93: {  	v44 =	vand.u32 $0x7F, v38;
	v9 =	vand.u32 $0xFFFF0000, v9;
	v8 =	vand.u32 $0x7F00, v42;
	[tilespmem:v43+s16+$0x0] =	vst.idx.add.f32.msk $0xffff, v46  }
0x94: {  	v9 =	vmul.f32 v9, v23;
	v7 =	vor.u32 v44, v8;
	v44 =	vld [tilespmem:s25+$0x0]  }
0x95: {  	v3 =	vor.u32 $0x100, v1;
	v6 =	vld.idx.msk [tilespmem:v6+s3+$0x0], $0xffff  }
0x96: {  	v1 =	vor.u32 $0x180, v1;
	[tilespmem:v2+s16+$0x0] =	vst.idx.add.f32.msk $0xffff, v9  }
0x97: {  	v56 =	vshrl.u32 v38, $0xE;
	v58 =	vshll.u32 v49, $0x1;
	v61 =	vld.idx.msk [tilespmem:v4+s3+$0x0], $0xffff;
	v47 =	vshll.u32 v5, $0x10  }
0x98: {  	v2 =	vand.u32 $0x7F, v56;
	v56 =	vld [tilespmem:s25+$0x10];
	v5 =	vand.u32 $0xFFFF0000, v5;
	v51 =	vmul.f32 v47, v31  }
0x99: {  	v17 =	vshrl.u32 v38, $0xC;
	v54 =	vor.u32 $0x100, v14;
	v5 =	vmul.f32 v5, v31;
	v53 =	vld.idx.msk [tilespmem:v7+s3+$0x0], $0xffff  }
0x9a: {  	v59 =	vand.u32 $0x7F00, v58;
	v57 =	vand.u32 $0xFFE00, v17;
	v34 =	vor.u32 $0x180, v14;
	[tilespmem:v3+s16+$0x0] =	vst.idx.add.f32.msk $0xffff, v51  }
0x9b: {  	v52 =	vshll.u32 v6, $0x10;
	v3 =	vand.u32 $0x7F, v49;
	v6 =	vand.u32 $0xFFFF0000, v6;
	[tilespmem:v1+s16+$0x0] =	vst.idx.add.f32.msk $0xffff, v5  }
0x9c: {  	v60 =	vmul.f32 v52, v37;
	v3 =	vor.u32 v3, v59;
	v6 =	vmul.f32 v6, v37;
	v37 =	vld [tilespmem:s25+$0xFFFFFFF0]  }
0x9d: {  	v21 =	vshrl.u32 v19, $0xC;
	v2 =	vor.u32 v2, v57;
	v52 =	vld [tilespmem:s28+$0x12F80]  }
0x9e: {  	v27 =	vshrl.u32 v49, $0xE;
	v20 =	vshrl.u32 v19, $0xE;
	v22 =	vand.u32 $0xFFE00, v21;
	[tilespmem:v54+s16+$0x0] =	vst.idx.add.f32.msk $0xffff, v60  }
0x9f: {  	v28 =	vand.u32 $0x7F, v27;
	v62 =	vor.u32 $0x80, v2;
	v1 =	vshll.u32 v53, $0x10;
	[tilespmem:v34+s16+$0x0] =	vst.idx.add.f32.msk $0xffff, v6  }
0xa0: {  	v15 =	vshrl.u32 v49, $0xC;
	v4 =	vor.u32 $0x80, v4;
	v34 =	vld [tilespmem:s24+$0x10];
	v1 =	vmul.f32 v1, v55  }
0xa1: {  	v29 =	vand.u32 $0xFFE00, v15;
	v7 =	vor.u32 $0x80, v7;
	v11 =	vand.u32 $0xFFFF0000, v53;
	v24 =	vld.idx.msk [tilespmem:v3+s3+$0x0], $0xffff  }
0xa2: {  	v54 =	vshll.u32 v44, $0x1;
	v11 =	vmul.f32 v11, v55;
	[tilespmem:v2+s16+$0x0] =	vst.idx.add.f32.msk $0xffff, v1;
	v1 =	vand.u32 $0x7F, v20  }
0xa3: {  	v23 =	vshll.u32 v61, $0x10;
	v13 =	vand.u32 $0x7F00, v54;
	v54 =	vld [tilespmem:s25+$0x40];
	v1 =	vor.u32 v1, v22  }
0xa4: {  	v10 =	vand.u32 $0xFFFF0000, v61;
	[tilespmem:v62+s16+$0x0] =	vst.idx.add.f32.msk $0xffff, v11;
	v22 =	vshll.u32 v56, $0x1;
	v25 =	vor.u32 $0x80, v1  }
0xa5: {  	v12 =	vmul.f32 v23, v63;
	v5 =	vor.u32 v28, v29;
	v62 =	vld [tilespmem:s24+$0xFFFFFFF0];
	v8 =	vand.u32 $0x7F00, v22  }
0xa6: {  	v7 =	vld.idx.msk [tilespmem:v7+s3+$0x0], $0xffff;
	v31 =	vshll.u32 v24, $0x10;
	v9 =	vand.u32 $0xFFFF0000, v24;
	v24 =	vand.u32 $0x7F, v56  }
0xa7: {  	v10 =	vmul.f32 v10, v63;
	v32 =	vor.u32 $0x80, v5;
	v8 =	vor.u32 v24, v8;
	v24 =	vld [tilespmem:s24+$0x30]  }
0xa8: {  	v3 =	vor.u32 $0x80, v3;
	v33 =	vmul.f32 v31, v26;
	[tilespmem:v1+s16+$0x0] =	vst.idx.add.f32.msk $0xffff, v12  }
0xa9: {  	v36 =	vshll.u32 v30, $0x1;
	v38 =	vand.u32 $0x7F, v30;
	[tilespmem:v25+s16+$0x0] =	vst.idx.add.f32.msk $0xffff, v10  }
0xaa: {  	v14 =	vand.u32 $0x7F00, v36;
	v35 =	vor.u32 $0x100, v2;
	v9 =	vmul.f32 v9, v26;
	[tilespmem:v5+s16+$0x0] =	vst.idx.add.f32.msk $0xffff, v33  }
0xab: {  	v53 =	vshrl.u32 v30, $0xE;
	v2 =	vor.u32 $0x180, v2;
	v11 =	vshrl.u32 v30, $0xC;
	v4 =	vld.idx.msk [tilespmem:v4+s3+$0x0], $0xffff  }
0xac: {  	v30 =	vshrl.u32 v44, $0xC;
	v39 =	vshll.u32 v7, $0x10;
	v40 =	vand.u32 $0xFFFF0000, v7;
	[tilespmem:v32+s16+$0x0] =	vst.idx.add.f32.msk $0xffff, v9  }
0xad: {  	v41 =	vmul.f32 v39, v55;
	v6 =	vmul.f32 v40, v55;
	v55 =	vand.u32 $0x7F, v44;
	v3 =	vld.idx.msk [tilespmem:v3+s3+$0x0], $0xffff  }
0xae: {  	v9 =	vor.u32 v38, v14;
	v58 =	vor.u32 v55, v13;
	v13 =	vand.u32 $0xFFE00, v30;
	v30 =	vld [tilespmem:s24+$0x40]  }
0xaf: {  	[tilespmem:v35+s16+$0x0] =	vst.idx.add.f32.msk $0xffff, v41  }
0xb0: {  	v32 =	vld.idx.msk [tilespmem:v8+s3+$0x0], $0xffff  }
0xb1: {  	v17 =	vshrl.u32 v56, $0xC;
	v29 =	vshrl.u32 v44, $0xE;
	v43 =	vor.u32 $0x100, v1;
	v41 =	vld [tilespmem:s25+$0x20]  }
0xb2: {  	v51 =	vor.u32 $0x100, v5;
	v46 =	vshll.u32 v37, $0x1;
	v1 =	vor.u32 $0x180, v1;
	[tilespmem:v2+s16+$0x0] =	vst.idx.add.f32.msk $0xffff, v6  }
0xb3: {  	v47 =	vand.u32 $0x7F00, v46;
	v2 =	vand.u32 $0x7F, v37;
	v42 =	vshll.u32 v4, $0x10;
	v49 =	vld.idx.msk [tilespmem:v9+s3+$0x0], $0xffff  }
0xb4: {  	v2 =	vor.u32 v2, v47;
	v4 =	vand.u32 $0xFFFF0000, v4;
	v45 =	vmul.f32 v42, v63;
	v23 =	vld.idx.msk [tilespmem:v58+s3+$0x0], $0xffff  }
0xb5: {  	v19 =	vshrl.u32 v37, $0xE;
	v36 =	vor.u32 $0x80, v58;
	v4 =	vmul.f32 v4, v63;
	v58 =	vld [tilespmem:s24+$0x20]  }
0xb6: {  	v20 =	vshrl.u32 v37, $0xC;
	v57 =	vand.u32 $0xFFE00, v11;
	v5 =	vor.u32 $0x180, v5;
	[tilespmem:v43+s16+$0x0] =	vst.idx.add.f32.msk $0xffff, v45  }
0xb7: {  	v48 =	vshll.u32 v3, $0x10;
	v3 =	vand.u32 $0xFFFF0000, v3;
	[tilespmem:v1+s16+$0x0] =	vst.idx.add.f32.msk $0xffff, v4;
	v1 =	vand.u32 $0x7F, v53  }
0xb8: {  	v50 =	vmul.f32 v48, v26;
	v3 =	vmul.f32 v3, v26;
	v26 =	vld [tilespmem:s24+$0x0];
	v1 =	vor.u32 v1, v57  }
0xb9: {  	v21 =	vand.u32 $0xFFE00, v20;
	v38 =	vand.u32 $0xFFE00, v17;
	v60 =	vld.idx.msk [tilespmem:v2+s3+$0x0], $0xffff;
	v61 =	vor.u32 $0x80, v1  }
0xba: {  	v35 =	vshrl.u32 v56, $0xE;
	v63 =	vor.u32 $0x80, v9;
	[tilespmem:v51+s16+$0x0] =	vst.idx.add.f32.msk $0xffff, v50;
	v59 =	vshll.u32 v49, $0x10  }
0xbb: {  	v10 =	vand.u32 $0xFFFF0000, v49;
	[tilespmem:v5+s16+$0x0] =	vst.idx.add.f32.msk $0xffff, v3;
	v3 =	vand.u32 $0x7F, v19;
	v11 =	vmul.f32 v59, v52  }
0xbc: {  	v37 =	vand.u32 $0x7F, v35;
	v51 =	vld [tilespmem:s25+$0x30];
	v3 =	vor.u32 v3, v21;
	v10 =	vmul.f32 v10, v52  }
0xbd: {  	v7 =	vor.u32 v37, v38;
	v40 =	vshll.u32 v32, $0x10;
	v28 =	vor.u32 $0x80, v3;
	[tilespmem:v1+s16+$0x0] =	vst.idx.add.f32.msk $0xffff, v11  }
0xbe: {  	v2 =	vor.u32 $0x80, v2;
	v25 =	vshll.u32 v60, $0x10;
	v4 =	vand.u32 $0xFFFF0000, v60;
	[tilespmem:v61+s16+$0x0] =	vst.idx.add.f32.msk $0xffff, v10  }
0xbf: {  	v27 =	vmul.f32 v25, v62;
	v11 =	vand.u32 $0x7F, v29;
	v10 =	vmul.f32 v40, v34;
	v40 =	vld [tilespmem:s28+$0xF100]  }
0xc0: {  	v4 =	vmul.f32 v4, v62;
	v11 =	vor.u32 v11, v13;
	v6 =	vld.idx.msk [tilespmem:v63+s3+$0x0], $0xffff  }
0xc1: {  	[tilespmem:v3+s16+$0x0] =	vst.idx.add.f32.msk $0xffff, v27;
	v33 =	vor.u32 $0x80, v11  }
0xc2: {  	v31 =	vshll.u32 v23, $0x10;
	[tilespmem:v28+s16+$0x0] =	vst.idx.add.f32.msk $0xffff, v4  }
0xc3: {  	v39 =	vor.u32 $0x80, v7;
	v5 =	vand.u32 $0xFFFF0000, v23;
	v9 =	vmul.f32 v31, v26;
	[tilespmem:v7+s16+$0x0] =	vst.idx.add.f32.msk $0xffff, v10  }
0xc4: {  	v17 =	vand.u32 $0x7F, v54;
	v8 =	vor.u32 $0x80, v8;
	v5 =	vmul.f32 v5, v26;
	v2 =	vld.idx.msk [tilespmem:v2+s3+$0x0], $0xffff  }
0xc5: {  	v42 =	vand.u32 $0xFFFF0000, v32;
	v50 =	vand.u32 $0x7F, v41;
	v43 =	vor.u32 $0x100, v1;
	[tilespmem:v11+s16+$0x0] =	vst.idx.add.f32.msk $0xffff, v9  }
0xc6: {  	v49 =	vshll.u32 v41, $0x1;
	v1 =	vor.u32 $0x180, v1;
	[tilespmem:v33+s16+$0x0] =	vst.idx.add.f32.msk $0xffff, v5;
	v5 =	vmul.f32 v42, v34  }
0xc7: {  	v46 =	vor.u32 $0x100, v3;
	v9 =	vand.u32 $0x7F00, v49;
	v44 =	vshll.u32 v6, $0x10;
	v4 =	vld.idx.msk [tilespmem:v36+s3+$0x0], $0xffff  }
0xc8: {  	v6 =	vand.u32 $0xFFFF0000, v6;
	v9 =	vor.u32 v50, v9;
	v45 =	vmul.f32 v44, v52;
	[tilespmem:v39+s16+$0x0] =	vst.idx.add.f32.msk $0xffff, v5  }
0xc9: {  	v3 =	vor.u32 $0x180, v3;
	v47 =	vmul.f32 v6, v52;
	v48 =	vshll.u32 v2, $0x10;
	v8 =	vld.idx.msk [tilespmem:v8+s3+$0x0], $0xffff  }
0xca: {  	v56 =	vor.u32 $0x100, v7;
	v59 =	vshrl.u32 v41, $0xE;
	[tilespmem:v43+s16+$0x0] =	vst.idx.add.f32.msk $0xffff, v45;
	v6 =	vmul.f32 v48, v62  }
0xcb: {  	v55 =	vshll.u32 v51, $0x1;
	v52 =	vor.u32 $0x100, v11;
	v2 =	vand.u32 $0xFFFF0000, v2;
	[tilespmem:v1+s16+$0x0] =	vst.idx.add.f32.msk $0xffff, v47  }
0xcc: {  	v57 =	vand.u32 $0x7F, v51;
	v1 =	vmul.f32 v2, v62;
	[tilespmem:v46+s16+$0x0] =	vst.idx.add.f32.msk $0xffff, v6;
	v2 =	vshll.u32 v4, $0x10  }
0xcd: {  	v60 =	vshrl.u32 v41, $0xC;
	v53 =	vor.u32 $0x180, v11;
	v12 =	vld.idx.msk [tilespmem:v9+s3+$0x0], $0xffff;
	v2 =	vmul.f32 v2, v26  }
0xce: {  	[tilespmem:v3+s16+$0x0] =	vst.idx.add.f32.msk $0xffff, v1;
	v1 =	vshll.u32 v8, $0x10;
	v3 =	vand.u32 $0xFFFF0000, v8;
	v8 =	vand.u32 $0x7F00, v55  }
0xcf: {  	v5 =	vand.u32 $0x7F, v59;
	v62 =	vld [tilespmem:s25+$0x50];
	v4 =	vand.u32 $0xFFFF0000, v4;
	v8 =	vor.u32 v57, v8  }
0xd0: {  	v4 =	vmul.f32 v4, v26;
	[tilespmem:v52+s16+$0x0] =	vst.idx.add.f32.msk $0xffff, v2;
	v2 =	vor.u32 $0x180, v7;
	v7 =	vand.u32 $0xFFE00, v60  }
0xd1: {  	v61 =	vshll.u32 v54, $0x1;
	v48 =	vld [tilespmem:s25+$0x70];
	v1 =	vmul.f32 v1, v34;
	v63 =	vor.u32 v5, v7  }
0xd2: {  	v25 =	vshrl.u32 v51, $0xE;
	v18 =	vand.u32 $0x7F00, v61;
	v9 =	vor.u32 $0x80, v9;
	[tilespmem:v53+s16+$0x0] =	vst.idx.add.f32.msk $0xffff, v4  }
0xd3: {  	v3 =	vmul.f32 v3, v34;
	v5 =	vor.u32 v17, v18;
	[tilespmem:v56+s16+$0x0] =	vst.idx.add.f32.msk $0xffff, v1;
	v1 =	vshll.u32 v12, $0x10  }
0xd4: {  	v26 =	vshrl.u32 v51, $0xC;
	v27 =	vshll.u32 v62, $0x1;
	v1 =	vmul.f32 v1, v58;
	v23 =	vld.idx.msk [tilespmem:v8+s3+$0x0], $0xffff  }
0xd5: {  	v22 =	vor.u32 $0x80, v63;
	[tilespmem:v2+s16+$0x0] =	vst.idx.add.f32.msk $0xffff, v3;
	v2 =	vand.u32 $0x7F, v25;
	v3 =	vand.u32 $0xFFE00, v26  }
0xd6: {  	[tilespmem:v63+s16+$0x0] =	vst.idx.add.f32.msk $0xffff, v1;
	v2 =	vor.u32 v2, v3;
	v1 =	vand.u32 $0x7F, v62;
	v3 =	vand.u32 $0x7F00, v27  }
0xd7: {  	v31 =	vshrl.u32 v54, $0xE;
	v20 =	vand.u32 $0xFFFF0000, v12;
	v56 =	vld [tilespmem:s25+$0x80];
	v3 =	vor.u32 v1, v3  }
0xd8: {  	v10 =	vshrl.u32 v54, $0xC;
	v55 =	vshll.u32 v48, $0x1;
	v21 =	vmul.f32 v20, v58;
	v28 =	vld.idx.msk [tilespmem:v5+s3+$0x0], $0xffff  }
0xd9: {  	v59 =	vand.u32 $0x7F, v48;
	v35 =	vshrl.u32 v62, $0xE;
	v15 =	vshrl.u32 v62, $0xC;
	v62 =	vld [tilespmem:s25+$0x90]  }
0xda: {  	v12 =	vand.u32 $0x7F00, v55;
	[tilespmem:v22+s16+$0x0] =	vst.idx.add.f32.msk $0xffff, v21;
	v29 =	vor.u32 $0x80, v2;
	v1 =	vshll.u32 v23, $0x10  }
0xdb: {  	v10 =	vand.u32 $0xFFE00, v10;
	v12 =	vor.u32 v59, v12;
	v6 =	vld.idx.msk [tilespmem:v9+s3+$0x0], $0xffff;
	v1 =	vmul.f32 v1, v24  }
0xdc: {  	v49 =	vand.u32 $0x7F, v40;
	v47 =	vshll.u32 v40, $0x1;
	v11 =	vand.u32 $0xFFFF0000, v23;
	v33 =	vld.idx.msk [tilespmem:v3+s3+$0x0], $0xffff  }
0xdd: {  	v8 =	vor.u32 $0x80, v8;
	v11 =	vmul.f32 v11, v24;
	[tilespmem:v2+s16+$0x0] =	vst.idx.add.f32.msk $0xffff, v1;
	v1 =	vand.u32 $0x7F, v31  }
0xde: {  	v50 =	vand.u32 $0x7F00, v47;
	v32 =	vshll.u32 v28, $0x10;
	v10 =	vor.u32 v1, v10;
	v1 =	vld [tilespmem:s24+$0x50]  }
0xdf: {  	v36 =	vand.u32 $0x7F, v35;
	v38 =	vmul.f32 v32, v30;
	v32 =	vshll.u32 v62, $0x1;
	[tilespmem:v29+s16+$0x0] =	vst.idx.add.f32.msk $0xffff, v11  }
0xe0: {  	v35 =	vand.u32 $0x7F, v62;
	v9 =	vand.u32 $0x7F00, v32;
	v11 =	vor.u32 v49, v50;
	v29 =	vld.idx.msk [tilespmem:v12+s3+$0x0], $0xffff  }
0xe1: {  	v37 =	vand.u32 $0xFFE00, v15;
	v9 =	vor.u32 v35, v9;
	v50 =	vld [tilespmem:s24+$0x90]  }
0xe2: {  	v46 =	vshll.u32 v6, $0x10;
	v6 =	vand.u32 $0xFFFF0000, v6;
	v34 =	vor.u32 $0x80, v10;
	v8 =	vld.idx.msk [tilespmem:v8+s3+$0x0], $0xffff  }
0xe3: {  	v5 =	vor.u32 $0x80, v5;
	v6 =	vmul.f32 v6, v58;
	v17 =	vand.u32 $0xFFFF0000, v33;
	[tilespmem:v10+s16+$0x0] =	vst.idx.add.f32.msk $0xffff, v38  }
0xe4: {  	v13 =	vand.u32 $0xFFFF0000, v28;
	v45 =	vmul.f32 v17, v1;
	v17 =	vmul.f32 v46, v58;
	v58 =	vld [tilespmem:s28+$0x13000]  }
0xe5: {  	v7 =	vor.u32 v36, v37;
	v39 =	vmul.f32 v13, v30;
	v21 =	vld.idx.msk [tilespmem:v11+s3+$0x0], $0xffff  }
0xe6: {  	v44 =	vor.u32 $0x100, v63;
	v36 =	vshrl.u32 v48, $0xE;
	v37 =	vshrl.u32 v48, $0xC;
	v48 =	vld.idx.msk [tilespmem:v9+s3+$0x0], $0xffff  }
0xe7: {  	v4 =	vor.u32 $0x180, v63;
	v42 =	vor.u32 $0x80, v7;
	v41 =	vshll.u32 v33, $0x10;
	[tilespmem:v34+s16+$0x0] =	vst.idx.add.f32.msk $0xffff, v39  }
0xe8: {  	v63 =	vor.u32 $0x100, v7;
	v52 =	vor.u32 $0x100, v2;
	v43 =	vmul.f32 v41, v1;
	v34 =	vld [tilespmem:s24+$0x70]  }
0xe9: {  	v22 =	vshrl.u32 v40, $0xE;
	v25 =	vand.u32 $0x7F, v56;
	v3 =	vor.u32 $0x80, v3;
	v5 =	vld.idx.msk [tilespmem:v5+s3+$0x0], $0xffff  }
0xea: {  	v2 =	vor.u32 $0x180, v2;
	v51 =	vshll.u32 v8, $0x10;
	v8 =	vand.u32 $0xFFFF0000, v8;
	[tilespmem:v7+s16+$0x0] =	vst.idx.add.f32.msk $0xffff, v43  }
0xeb: {  	[tilespmem:v44+s16+$0x0] =	vst.idx.add.f32.msk $0xffff, v17;
	v14 =	vmul.f32 v51, v24;
	v53 =	vmul.f32 v8, v24;
	v24 =	vshll.u32 v56, $0x1  }
0xec: {  	v57 =	vor.u32 $0x100, v10;
	v60 =	vor.u32 $0x180, v10;
	[tilespmem:v42+s16+$0x0] =	vst.idx.add.f32.msk $0xffff, v45;
	v26 =	vand.u32 $0x7F00, v24  }
0xed: {  	v10 =	vand.u32 $0xFFE00, v37;
	[tilespmem:v4+s16+$0x0] =	vst.idx.add.f32.msk $0xffff, v6;
	v4 =	vand.u32 $0x7F, v36;
	v6 =	vor.u32 v25, v26  }
0xee: {  	v18 =	vshrl.u32 v62, $0xC;
	v13 =	vshrl.u32 v40, $0xC;
	v42 =	vld [tilespmem:s24+$0x80];
	v4 =	vor.u32 v4, v10  }
0xef: {  	v15 =	vshrl.u32 v56, $0xC;
	v18 =	vand.u32 $0xFFE00, v18;
	v23 =	vand.u32 $0xFFE00, v13;
	v3 =	vld.idx.msk [tilespmem:v3+s3+$0x0], $0xffff  }
0xf0: {  	v12 =	vor.u32 $0x80, v12;
	v39 =	vshll.u32 v29, $0x10;
	[tilespmem:v52+s16+$0x0] =	vst.idx.add.f32.msk $0xffff, v14;
	v41 =	vor.u32 $0x80, v4  }
0xf1: {  	[tilespmem:v2+s16+$0x0] =	vst.idx.add.f32.msk $0xffff, v53;
	v2 =	vand.u32 $0x7F, v22;
	v44 =	vmul.f32 v39, v34;
	v54 =	vshll.u32 v5, $0x10  }
0xf2: {  	v16 =	vand.u32 $0xFFFF0000, v29;
	v2 =	vor.u32 v2, v23;
	v8 =	vmul.f32 v54, v30;
	v40 =	vld.idx.msk [tilespmem:v6+s3+$0x0], $0xffff  }
0xf3: {  	v46 =	vand.u32 $0xFFE00, v15;
	v47 =	vmul.f32 v16, v34;
	v5 =	vand.u32 $0xFFFF0000, v5;
	[tilespmem:v4+s16+$0x0] =	vst.idx.add.f32.msk $0xffff, v44  }
0xf4: {  	v43 =	vshrl.u32 v56, $0xE;
	v27 =	vshll.u32 v21, $0x10;
	v5 =	vmul.f32 v5, v30;
	[tilespmem:v57+s16+$0x0] =	vst.idx.add.f32.msk $0xffff, v8  }
0xf5: {  	v45 =	vand.u32 $0x7F, v43;
	v33 =	vor.u32 $0x80, v2;
	v30 =	vmul.f32 v27, v58;
	[tilespmem:v41+s16+$0x0] =	vst.idx.add.f32.msk $0xffff, v47  }
0xf6: {  	v38 =	vor.u32 $0x80, v11;
	v11 =	vor.u32 v45, v46;
	v20 =	vshll.u32 v3, $0x10;
	[tilespmem:v60+s16+$0x0] =	vst.idx.add.f32.msk $0xffff, v5  }
0xf7: {  	v28 =	vand.u32 $0xFFFF0000, v21;
	v22 =	vshrl.u32 v62, $0xE;
	v61 =	vmul.f32 v20, v1;
	[tilespmem:v2+s16+$0x0] =	vst.idx.add.f32.msk $0xffff, v30  }
0xf8: {  	v49 =	vor.u32 $0x80, v11;
	v31 =	vmul.f32 v28, v58;
	v22 =	vand.u32 $0x7F, v22;
	v54 =	vld.idx.msk [tilespmem:v12+s3+$0x0], $0xffff  }
0xf9: {  	v52 =	vor.u32 v22, v18;
	[tilespmem:v63+s16+$0x0] =	vst.idx.add.f32.msk $0xffff, v61;
	v51 =	vshll.u32 v40, $0x10  }
0xfa: {  	v6 =	vor.u32 $0x80, v6;
	[tilespmem:v33+s16+$0x0] =	vst.idx.add.f32.msk $0xffff, v31;
	v10 =	vand.u32 $0xFFFF0000, v40;
	v8 =	vmul.f32 v51, v42  }
0xfb: {  	v53 =	vshll.u32 v48, $0x10;
	v18 =	vor.u32 $0x80, v52;
	v5 =	vld.idx.msk [tilespmem:v38+s3+$0x0], $0xffff;
	v10 =	vmul.f32 v10, v42  }
0xfc: {  	v9 =	vor.u32 $0x80, v9;
	[tilespmem:v11+s16+$0x0] =	vst.idx.add.f32.msk $0xffff, v8;
	v8 =	vmul.f32 v53, v50  }
0xfd: {  	v7 =	vor.u32 $0x180, v7;
	v55 =	vand.u32 $0xFFFF0000, v48;
	[tilespmem:v49+s16+$0x0] =	vst.idx.add.f32.msk $0xffff, v10  }
0xfe: {  	v56 =	vor.u32 $0x100, v2;
	v12 =	vmul.f32 v55, v50;
	[tilespmem:v52+s16+$0x0] =	vst.idx.add.f32.msk $0xffff, v8  }
0xff: {  	v3 =	vand.u32 $0xFFFF0000, v3;
	v2 =	vor.u32 $0x180, v2;
	v6 =	vld.idx.msk [tilespmem:v6+s3+$0x0], $0xffff  }
0x100: {  	v1 =	vmul.f32 v3, v1;
	v57 =	vor.u32 $0x100, v4;
	v3 =	vshll.u32 v5, $0x10;
	[tilespmem:v18+s16+$0x0] =	vst.idx.add.f32.msk $0xffff, v12  }
0x101: {  	v4 =	vor.u32 $0x180, v4;
	v5 =	vand.u32 $0xFFFF0000, v5;
	v3 =	vmul.f32 v3, v58;
	v9 =	vld.idx.msk [tilespmem:v9+s3+$0x0], $0xffff  }
0x102: {  	v59 =	vor.u32 $0x100, v11;
	[tilespmem:v7+s16+$0x0] =	vst.idx.add.f32.msk $0xffff, v1;
	v1 =	vmul.f32 v5, v58;
	v58 =	vshll.u32 v54, $0x10  }
0x103: {  	v60 =	vor.u32 $0x180, v11;
	v5 =	vmul.f32 v58, v34;
	[tilespmem:v56+s16+$0x0] =	vst.idx.add.f32.msk $0xffff, v3;
	v3 =	vand.u32 $0xFFFF0000, v54  }
0x104: {  	s23 =	sadd.s32 $0x14, s23;
	[tilespmem:v2+s16+$0x0] =	vst.idx.add.f32.msk $0xffff, v1;
	v1 =	vmul.f32 v3, v34;
	v3 =	vor.u32 $0x100, v52;
	v2 =	vshll.u32 v6, $0x10  }
0x105: {  	p0 =	slt.u32 s23, $0x1E0;
	v62 =	vor.u32 $0x180, v52;
	[tilespmem:v57+s16+$0x0] =	vst.idx.add.f32.msk $0xffff, v5;
	v61 =	vand.u32 $0xFFFF0000, v6;
	v2 =	vmul.f32 v2, v42  }
.Ltmp1:
0x106: {  	[tilespmem:v4+s16+$0x0] =	vst.idx.add.f32.msk $0xffff, v1;
	v1 =	vmul.f32 v61, v42;
	v63 =	vshll.u32 v9, $0x10;
	(pc) =	sbr.rel @p0 .LBB2_5-.Ltmp1, $4  }
0x107: {  	[tilespmem:v59+s16+$0x0] =	vst.idx.add.f32.msk $0xffff, v2;
	v2 =	vand.u32 $0xFFFF0000, v9;
	v4 =	vmul.f32 v63, v50  }
0x108: {  	[tilespmem:v60+s16+$0x0] =	vst.idx.add.f32.msk $0xffff, v1;
	v1 =	vmul.f32 v2, v50  }
0x109: {  	[tilespmem:v3+s16+$0x0] =	vst.idx.add.f32.msk $0xffff, v4  }
0x10a: {  	s26 =	sadd.s32 $0x140, s26;
	s25 =	sadd.s32 $0x140, s25;
	s24 =	sadd.s32 $0x140, s24;
	[tilespmem:v62+s16+$0x0] =	vst.idx.add.f32.msk $0xffff, v1  }
0x10b: {  	p0 =	seq.s32 s21, $0x13  }
0x10c: {  	s22 =	sshrl.u32 @!p0 s22, $0x3  }
0x10d: {  	s22 =	sadd.s32 @!p0 $0x7D0, s22  }
0x10e: {  	s24 =	simm.s32 @!p0 $0x0;
	s25 =	simm.s32 @!p0 $0xF000;
	s23 =	sadd.s32 @!p0 s4, s22  }
0x10f: {  	[tilespmem:s25], [sflag:$0x1] =	stream.linear.gather @!p0 [hbm4b:s23+s24], $0x1F40, $0x38;
	[tilespmem:$0x16E00] =	vst v63  }
0x110: {  	s22 =	sadd.s32 @!p0 s1, s22;
	s23 =	simm.s32 @!p0 $0x12F00  }
0x111: {  	[tilespmem:s23], [sflag:$0x1] =	stream.linear.gather @!p0 [hbm4b:s22+s24], $0x1F40, $0x38;
	[tilespmem:$0x16E00] =	vst v63  }
0x112: {  	_ =	swait.ge [sflag:s17], $0x1F40  }
0x113: {  	[sflag:s17] =	ssyncset.done $0x0  }
0x114: {  	[sflag:s17] =	ssyncadd.s32 $0xFFFFE0C0  }
0x115: {  	_ =	swait.ge [sflag:s17], $0x1F40  }
0x116: {  	s25 =	simm.s32 $0x11020;
	s22 =	simm.s32 $0xFFFFFFEC;
	[sflag:s17] =	ssyncset.done $0x0  }
0x117: {  	s23 =	simm.s32 $0x0;
	s24 =	simm.s32 $0x14F20;
	[sflag:s17] =	ssyncadd.s32 $0xFFFFE0C0  }
.LBB2_7:
0x118: {  	v1 =	vld [tilespmem:s25+$0xFFFFFF60];
	_ =	sdelay $0x4  }
0x119: {  	v2 =	vshll.u32 v1, $0x1  }
0x11a: {  	v3 =	vand.u32 $0x7F, v1;
	v2 =	vand.u32 $0x7F00, v2  }
0x11b: {  	v2 =	vor.u32 v3, v2;
	_ =	sdelay $0x3  }
0x11c: {  	v63 =	vld [tilespmem:s25+$0xFFFFFF80]  }
0x11d: {  	v3 =	vld.idx.msk [tilespmem:v2+s3+$0x0], $0xffff  }
0x11e: {  	v4 =	vld [tilespmem:s24+$0xFFFFFF60];
	v5 =	vshrl.u32 v1, $0xE;
	v1 =	vshrl.u32 v1, $0xC  }
0x11f: {  	v5 =	vand.u32 $0x7F, v5;
	v1 =	vand.u32 $0xFFE00, v1  }
0x120: {  	v60 =	vld [tilespmem:s25+$0xFFFFFF70];
	v1 =	vor.u32 v5, v1  }
0x121: {  	v6 =	vor.u32 $0x80, v1  }
0x122: {  	v10 =	vld [tilespmem:s25+$0xFFFFFF90];
	v9 =	vshll.u32 v63, $0x1;
	v7 =	vshll.u32 v3, $0x10  }
0x123: {  	v13 =	vld [tilespmem:s24+$0xFFFFFF70];
	v2 =	vor.u32 $0x80, v2;
	v3 =	vand.u32 $0xFFFF0000, v3;
	v7 =	vmul.f32 v7, v4  }
0x124: {  	v14 =	vld [tilespmem:s25+$0xFFFFFFA0];
	v12 =	vand.u32 $0x7F, v63;
	v9 =	vand.u32 $0x7F00, v9;
	v3 =	vmul.f32 v3, v4  }
0x125: {  	v61 =	vshll.u32 v60, $0x1;
	v9 =	vor.u32 v12, v9;
	[tilespmem:v1+s16+$0x0] =	vst.idx.add.f32.msk $0xffff, v7  }
0x126: {  	v62 =	vand.u32 $0x7F00, v61;
	[tilespmem:v6+s16+$0x0] =	vst.idx.add.f32.msk $0xffff, v3;
	v3 =	vand.u32 $0x7F, v60  }
0x127: {  	v23 =	vld [tilespmem:s24+$0xFFFFFF80];
	v3 =	vor.u32 v3, v62  }
0x128: {  	v2 =	vld.idx.msk [tilespmem:v2+s3+$0x0], $0xffff  }
0x129: {  	v31 =	vld [tilespmem:s24+$0xFFFFFF90]  }
0x12a: {  	v15 =	vld.idx.msk [tilespmem:v9+s3+$0x0], $0xffff  }
0x12b: {  	v37 =	vld [tilespmem:s24+$0xFFFFFFA0];
	v18 =	vshrl.u32 v60, $0xE;
	v20 =	vshll.u32 v10, $0x1;
	v5 =	vshrl.u32 v60, $0xC  }
0x12c: {  	v22 =	vand.u32 $0x7F, v10;
	v11 =	vor.u32 $0x100, v1;
	v5 =	vand.u32 $0xFFE00, v5;
	v17 =	vld.idx.msk [tilespmem:v3+s3+$0x0], $0xffff  }
0x12d: {  	v38 =	vld [tilespmem:s25+$0xFFFFFFB0];
	v1 =	vor.u32 $0x180, v1;
	v8 =	vshll.u32 v2, $0x10;
	v2 =	vand.u32 $0xFFFF0000, v2  }
0x12e: {  	v49 =	vld [tilespmem:s25+$0xFFFFFFD0];
	v8 =	vmul.f32 v8, v4;
	v2 =	vmul.f32 v2, v4;
	v4 =	vand.u32 $0x7F, v18  }
0x12f: {  	v55 =	vld [tilespmem:s24+$0xFFFFFFB0];
	v16 =	vshrl.u32 v63, $0xE;
	v26 =	vshll.u32 v15, $0x10;
	v4 =	vor.u32 v4, v5  }
0x130: {  	v29 =	vmul.f32 v26, v23;
	v26 =	vld [tilespmem:s24+$0xFFFFFFD0];
	v6 =	vshrl.u32 v63, $0xC;
	v21 =	vor.u32 $0x80, v4  }
0x131: {  	v63 =	vld [tilespmem:s24+$0xFFFFFFC0];
	v3 =	vor.u32 $0x80, v3;
	v5 =	vand.u32 $0x7F00, v20;
	v19 =	vshll.u32 v17, $0x10  }
0x132: {  	[tilespmem:v11+s16+$0x0] =	vst.idx.add.f32.msk $0xffff, v8;
	v5 =	vor.u32 v22, v5;
	v7 =	vand.u32 $0xFFFF0000, v17;
	v12 =	vmul.f32 v19, v13  }
0x133: {  	v6 =	vand.u32 $0xFFE00, v6;
	[tilespmem:v1+s16+$0x0] =	vst.idx.add.f32.msk $0xffff, v2;
	v2 =	vand.u32 $0x7F, v16;
	v1 =	vmul.f32 v7, v13  }
0x134: {  	v24 =	vshll.u32 v14, $0x1;
	v2 =	vor.u32 v2, v6;
	[tilespmem:v4+s16+$0x0] =	vst.idx.add.f32.msk $0xffff, v12  }
0x135: {  	v25 =	vand.u32 $0x7F, v14;
	v6 =	vand.u32 $0x7F00, v24;
	[tilespmem:v21+s16+$0x0] =	vst.idx.add.f32.msk $0xffff, v1;
	v1 =	vor.u32 $0x80, v2  }
0x136: {  	v6 =	vor.u32 v25, v6;
	v3 =	vld.idx.msk [tilespmem:v3+s3+$0x0], $0xffff  }
0x137: {  	v32 =	vshrl.u32 v10, $0xE;
	v10 =	vshrl.u32 v10, $0xC;
	v27 =	vand.u32 $0xFFFF0000, v15;
	v28 =	vld.idx.msk [tilespmem:v5+s3+$0x0], $0xffff  }
0x138: {  	v33 =	vand.u32 $0x7F, v32;
	v9 =	vor.u32 $0x80, v9;
	v30 =	vmul.f32 v27, v23;
	v19 =	vld [tilespmem:s25+$0xFFFFFFC0]  }
0x139: {  	v10 =	vand.u32 $0xFFE00, v10;
	v41 =	vor.u32 $0x100, v4;
	v17 =	vshrl.u32 v14, $0xE;
	[tilespmem:v2+s16+$0x0] =	vst.idx.add.f32.msk $0xffff, v29  }
0x13a: {  	v14 =	vshrl.u32 v14, $0xC;
	v17 =	vand.u32 $0x7F, v17;
	[tilespmem:v1+s16+$0x0] =	vst.idx.add.f32.msk $0xffff, v30;
	v1 =	vor.u32 v33, v10  }
0x13b: {  	s26 =	sand.u32 $0x1FC0, s23;
	v14 =	vand.u32 $0xFFE00, v14;
	v4 =	vor.u32 $0x180, v4;
	v36 =	vld.idx.msk [tilespmem:v6+s3+$0x0], $0xffff;
	v18 =	vshll.u32 v3, $0x10  }
0x13c: {  	v34 =	vshll.u32 v28, $0x10;
	v30 =	vld [tilespmem:s26+$0x11000];
	v10 =	vor.u32 $0x80, v1;
	v18 =	vmul.f32 v18, v13  }
0x13d: {  	v5 =	vor.u32 $0x80, v5;
	v7 =	vmul.f32 v34, v31;
	v9 =	vld.idx.msk [tilespmem:v9+s3+$0x0], $0xffff;
	v3 =	vand.u32 $0xFFFF0000, v3  }
0x13e: {  	v14 =	vor.u32 v17, v14;
	v35 =	vand.u32 $0xFFFF0000, v28;
	v3 =	vmul.f32 v3, v13;
	[tilespmem:v41+s16+$0x0] =	vst.idx.add.f32.msk $0xffff, v18  }
0x13f: {  	v39 =	vor.u32 $0x80, v14;
	v8 =	vmul.f32 v35, v31;
	[tilespmem:v1+s16+$0x0] =	vst.idx.add.f32.msk $0xffff, v7  }
0x140: {  	v43 =	vor.u32 $0x100, v2;
	v2 =	vor.u32 $0x180, v2;
	v40 =	vshll.u32 v36, $0x10;
	[tilespmem:v4+s16+$0x0] =	vst.idx.add.f32.msk $0xffff, v3  }
0x141: {  	v6 =	vor.u32 $0x80, v6;
	v15 =	vand.u32 $0xFFFF0000, v36;
	[tilespmem:v10+s16+$0x0] =	vst.idx.add.f32.msk $0xffff, v8;
	v8 =	vmul.f32 v40, v37  }
0x142: {  	v48 =	vshll.u32 v19, $0x1;
	v15 =	vmul.f32 v15, v37;
	v45 =	vshll.u32 v9, $0x10;
	v5 =	vld.idx.msk [tilespmem:v5+s3+$0x0], $0xffff  }
0x143: {  	v50 =	vand.u32 $0x7F, v19;
	v11 =	vand.u32 $0x7F00, v48;
	v46 =	vmul.f32 v45, v23;
	[tilespmem:v14+s16+$0x0] =	vst.idx.add.f32.msk $0xffff, v8  }
0x144: {  	v42 =	vshll.u32 v38, $0x1;
	v4 =	vor.u32 v50, v11;
	[tilespmem:v39+s16+$0x0] =	vst.idx.add.f32.msk $0xffff, v15  }
0x145: {  	v44 =	vand.u32 $0x7F, v38;
	v9 =	vand.u32 $0xFFFF0000, v9;
	v8 =	vand.u32 $0x7F00, v42;
	[tilespmem:v43+s16+$0x0] =	vst.idx.add.f32.msk $0xffff, v46  }
0x146: {  	v9 =	vmul.f32 v9, v23;
	v7 =	vor.u32 v44, v8;
	v44 =	vld [tilespmem:s25+$0x0]  }
0x147: {  	v3 =	vor.u32 $0x100, v1;
	v6 =	vld.idx.msk [tilespmem:v6+s3+$0x0], $0xffff  }
0x148: {  	v1 =	vor.u32 $0x180, v1;
	[tilespmem:v2+s16+$0x0] =	vst.idx.add.f32.msk $0xffff, v9  }
0x149: {  	v56 =	vshrl.u32 v38, $0xE;
	v58 =	vshll.u32 v49, $0x1;
	v61 =	vld.idx.msk [tilespmem:v4+s3+$0x0], $0xffff;
	v47 =	vshll.u32 v5, $0x10  }
0x14a: {  	v2 =	vand.u32 $0x7F, v56;
	v56 =	vld [tilespmem:s25+$0x10];
	v5 =	vand.u32 $0xFFFF0000, v5;
	v51 =	vmul.f32 v47, v31  }
0x14b: {  	v17 =	vshrl.u32 v38, $0xC;
	v54 =	vor.u32 $0x100, v14;
	v5 =	vmul.f32 v5, v31;
	v53 =	vld.idx.msk [tilespmem:v7+s3+$0x0], $0xffff  }
0x14c: {  	v59 =	vand.u32 $0x7F00, v58;
	v57 =	vand.u32 $0xFFE00, v17;
	v34 =	vor.u32 $0x180, v14;
	[tilespmem:v3+s16+$0x0] =	vst.idx.add.f32.msk $0xffff, v51  }
0x14d: {  	v52 =	vshll.u32 v6, $0x10;
	v3 =	vand.u32 $0x7F, v49;
	v6 =	vand.u32 $0xFFFF0000, v6;
	[tilespmem:v1+s16+$0x0] =	vst.idx.add.f32.msk $0xffff, v5  }
0x14e: {  	v60 =	vmul.f32 v52, v37;
	v3 =	vor.u32 v3, v59;
	v6 =	vmul.f32 v6, v37;
	v37 =	vld [tilespmem:s25+$0xFFFFFFF0]  }
0x14f: {  	v21 =	vshrl.u32 v19, $0xC;
	v2 =	vor.u32 v2, v57;
	v52 =	vld [tilespmem:s26+$0x14F00]  }
0x150: {  	v27 =	vshrl.u32 v49, $0xE;
	v20 =	vshrl.u32 v19, $0xE;
	v22 =	vand.u32 $0xFFE00, v21;
	[tilespmem:v54+s16+$0x0] =	vst.idx.add.f32.msk $0xffff, v60  }
0x151: {  	v28 =	vand.u32 $0x7F, v27;
	v62 =	vor.u32 $0x80, v2;
	v1 =	vshll.u32 v53, $0x10;
	[tilespmem:v34+s16+$0x0] =	vst.idx.add.f32.msk $0xffff, v6  }
0x152: {  	v15 =	vshrl.u32 v49, $0xC;
	v4 =	vor.u32 $0x80, v4;
	v34 =	vld [tilespmem:s24+$0x10];
	v1 =	vmul.f32 v1, v55  }
0x153: {  	v29 =	vand.u32 $0xFFE00, v15;
	v7 =	vor.u32 $0x80, v7;
	v11 =	vand.u32 $0xFFFF0000, v53;
	v24 =	vld.idx.msk [tilespmem:v3+s3+$0x0], $0xffff  }
0x154: {  	v54 =	vshll.u32 v44, $0x1;
	v11 =	vmul.f32 v11, v55;
	[tilespmem:v2+s16+$0x0] =	vst.idx.add.f32.msk $0xffff, v1;
	v1 =	vand.u32 $0x7F, v20  }
0x155: {  	v23 =	vshll.u32 v61, $0x10;
	v13 =	vand.u32 $0x7F00, v54;
	v54 =	vld [tilespmem:s25+$0x40];
	v1 =	vor.u32 v1, v22  }
0x156: {  	v10 =	vand.u32 $0xFFFF0000, v61;
	[tilespmem:v62+s16+$0x0] =	vst.idx.add.f32.msk $0xffff, v11;
	v22 =	vshll.u32 v56, $0x1;
	v25 =	vor.u32 $0x80, v1  }
0x157: {  	v12 =	vmul.f32 v23, v63;
	v5 =	vor.u32 v28, v29;
	v62 =	vld [tilespmem:s24+$0xFFFFFFF0];
	v8 =	vand.u32 $0x7F00, v22  }
0x158: {  	v7 =	vld.idx.msk [tilespmem:v7+s3+$0x0], $0xffff;
	v31 =	vshll.u32 v24, $0x10;
	v9 =	vand.u32 $0xFFFF0000, v24;
	v24 =	vand.u32 $0x7F, v56  }
0x159: {  	v10 =	vmul.f32 v10, v63;
	v32 =	vor.u32 $0x80, v5;
	v8 =	vor.u32 v24, v8;
	v24 =	vld [tilespmem:s24+$0x30]  }
0x15a: {  	v3 =	vor.u32 $0x80, v3;
	v33 =	vmul.f32 v31, v26;
	[tilespmem:v1+s16+$0x0] =	vst.idx.add.f32.msk $0xffff, v12  }
0x15b: {  	v36 =	vshll.u32 v30, $0x1;
	v38 =	vand.u32 $0x7F, v30;
	[tilespmem:v25+s16+$0x0] =	vst.idx.add.f32.msk $0xffff, v10  }
0x15c: {  	v14 =	vand.u32 $0x7F00, v36;
	v35 =	vor.u32 $0x100, v2;
	v9 =	vmul.f32 v9, v26;
	[tilespmem:v5+s16+$0x0] =	vst.idx.add.f32.msk $0xffff, v33  }
0x15d: {  	v53 =	vshrl.u32 v30, $0xE;
	v2 =	vor.u32 $0x180, v2;
	v11 =	vshrl.u32 v30, $0xC;
	v4 =	vld.idx.msk [tilespmem:v4+s3+$0x0], $0xffff  }
0x15e: {  	v30 =	vshrl.u32 v44, $0xC;
	v39 =	vshll.u32 v7, $0x10;
	v40 =	vand.u32 $0xFFFF0000, v7;
	[tilespmem:v32+s16+$0x0] =	vst.idx.add.f32.msk $0xffff, v9  }
0x15f: {  	v41 =	vmul.f32 v39, v55;
	v6 =	vmul.f32 v40, v55;
	v55 =	vand.u32 $0x7F, v44;
	v3 =	vld.idx.msk [tilespmem:v3+s3+$0x0], $0xffff  }
0x160: {  	v9 =	vor.u32 v38, v14;
	v58 =	vor.u32 v55, v13;
	v13 =	vand.u32 $0xFFE00, v30;
	v30 =	vld [tilespmem:s24+$0x40]  }
0x161: {  	[tilespmem:v35+s16+$0x0] =	vst.idx.add.f32.msk $0xffff, v41  }
0x162: {  	v32 =	vld.idx.msk [tilespmem:v8+s3+$0x0], $0xffff  }
0x163: {  	v17 =	vshrl.u32 v56, $0xC;
	v29 =	vshrl.u32 v44, $0xE;
	v43 =	vor.u32 $0x100, v1;
	v41 =	vld [tilespmem:s25+$0x20]  }
0x164: {  	v51 =	vor.u32 $0x100, v5;
	v46 =	vshll.u32 v37, $0x1;
	v1 =	vor.u32 $0x180, v1;
	[tilespmem:v2+s16+$0x0] =	vst.idx.add.f32.msk $0xffff, v6  }
0x165: {  	v47 =	vand.u32 $0x7F00, v46;
	v2 =	vand.u32 $0x7F, v37;
	v42 =	vshll.u32 v4, $0x10;
	v49 =	vld.idx.msk [tilespmem:v9+s3+$0x0], $0xffff  }
0x166: {  	v2 =	vor.u32 v2, v47;
	v4 =	vand.u32 $0xFFFF0000, v4;
	v45 =	vmul.f32 v42, v63;
	v23 =	vld.idx.msk [tilespmem:v58+s3+$0x0], $0xffff  }
0x167: {  	v19 =	vshrl.u32 v37, $0xE;
	v36 =	vor.u32 $0x80, v58;
	v4 =	vmul.f32 v4, v63;
	v58 =	vld [tilespmem:s24+$0x20]  }
0x168: {  	v20 =	vshrl.u32 v37, $0xC;
	v57 =	vand.u32 $0xFFE00, v11;
	v5 =	vor.u32 $0x180, v5;
	[tilespmem:v43+s16+$0x0] =	vst.idx.add.f32.msk $0xffff, v45  }
0x169: {  	v48 =	vshll.u32 v3, $0x10;
	v3 =	vand.u32 $0xFFFF0000, v3;
	[tilespmem:v1+s16+$0x0] =	vst.idx.add.f32.msk $0xffff, v4;
	v1 =	vand.u32 $0x7F, v53  }
0x16a: {  	v50 =	vmul.f32 v48, v26;
	v3 =	vmul.f32 v3, v26;
	v26 =	vld [tilespmem:s24+$0x0];
	v1 =	vor.u32 v1, v57  }
0x16b: {  	v21 =	vand.u32 $0xFFE00, v20;
	v38 =	vand.u32 $0xFFE00, v17;
	v60 =	vld.idx.msk [tilespmem:v2+s3+$0x0], $0xffff;
	v61 =	vor.u32 $0x80, v1  }
0x16c: {  	v35 =	vshrl.u32 v56, $0xE;
	v63 =	vor.u32 $0x80, v9;
	[tilespmem:v51+s16+$0x0] =	vst.idx.add.f32.msk $0xffff, v50;
	v59 =	vshll.u32 v49, $0x10  }
0x16d: {  	v10 =	vand.u32 $0xFFFF0000, v49;
	[tilespmem:v5+s16+$0x0] =	vst.idx.add.f32.msk $0xffff, v3;
	v3 =	vand.u32 $0x7F, v19;
	v11 =	vmul.f32 v59, v52  }
0x16e: {  	v37 =	vand.u32 $0x7F, v35;
	v51 =	vld [tilespmem:s25+$0x30];
	v3 =	vor.u32 v3, v21;
	v10 =	vmul.f32 v10, v52  }
0x16f: {  	v7 =	vor.u32 v37, v38;
	v40 =	vshll.u32 v32, $0x10;
	v28 =	vor.u32 $0x80, v3;
	[tilespmem:v1+s16+$0x0] =	vst.idx.add.f32.msk $0xffff, v11  }
0x170: {  	v2 =	vor.u32 $0x80, v2;
	v25 =	vshll.u32 v60, $0x10;
	v4 =	vand.u32 $0xFFFF0000, v60;
	[tilespmem:v61+s16+$0x0] =	vst.idx.add.f32.msk $0xffff, v10  }
0x171: {  	v27 =	vmul.f32 v25, v62;
	v11 =	vand.u32 $0x7F, v29;
	v10 =	vmul.f32 v40, v34;
	v40 =	vld [tilespmem:s26+$0x11080]  }
0x172: {  	v4 =	vmul.f32 v4, v62;
	v11 =	vor.u32 v11, v13;
	v6 =	vld.idx.msk [tilespmem:v63+s3+$0x0], $0xffff  }
0x173: {  	[tilespmem:v3+s16+$0x0] =	vst.idx.add.f32.msk $0xffff, v27;
	v33 =	vor.u32 $0x80, v11  }
0x174: {  	v31 =	vshll.u32 v23, $0x10;
	[tilespmem:v28+s16+$0x0] =	vst.idx.add.f32.msk $0xffff, v4  }
0x175: {  	v39 =	vor.u32 $0x80, v7;
	v5 =	vand.u32 $0xFFFF0000, v23;
	v9 =	vmul.f32 v31, v26;
	[tilespmem:v7+s16+$0x0] =	vst.idx.add.f32.msk $0xffff, v10  }
0x176: {  	v17 =	vand.u32 $0x7F, v54;
	v8 =	vor.u32 $0x80, v8;
	v5 =	vmul.f32 v5, v26;
	v2 =	vld.idx.msk [tilespmem:v2+s3+$0x0], $0xffff  }
0x177: {  	v42 =	vand.u32 $0xFFFF0000, v32;
	v50 =	vand.u32 $0x7F, v41;
	v43 =	vor.u32 $0x100, v1;
	[tilespmem:v11+s16+$0x0] =	vst.idx.add.f32.msk $0xffff, v9  }
0x178: {  	v49 =	vshll.u32 v41, $0x1;
	v1 =	vor.u32 $0x180, v1;
	[tilespmem:v33+s16+$0x0] =	vst.idx.add.f32.msk $0xffff, v5;
	v5 =	vmul.f32 v42, v34  }
0x179: {  	v46 =	vor.u32 $0x100, v3;
	v9 =	vand.u32 $0x7F00, v49;
	v44 =	vshll.u32 v6, $0x10;
	v4 =	vld.idx.msk [tilespmem:v36+s3+$0x0], $0xffff  }
0x17a: {  	v6 =	vand.u32 $0xFFFF0000, v6;
	v9 =	vor.u32 v50, v9;
	v45 =	vmul.f32 v44, v52;
	[tilespmem:v39+s16+$0x0] =	vst.idx.add.f32.msk $0xffff, v5  }
0x17b: {  	v3 =	vor.u32 $0x180, v3;
	v47 =	vmul.f32 v6, v52;
	v48 =	vshll.u32 v2, $0x10;
	v8 =	vld.idx.msk [tilespmem:v8+s3+$0x0], $0xffff  }
0x17c: {  	v56 =	vor.u32 $0x100, v7;
	v59 =	vshrl.u32 v41, $0xE;
	[tilespmem:v43+s16+$0x0] =	vst.idx.add.f32.msk $0xffff, v45;
	v6 =	vmul.f32 v48, v62  }
0x17d: {  	v55 =	vshll.u32 v51, $0x1;
	v52 =	vor.u32 $0x100, v11;
	v2 =	vand.u32 $0xFFFF0000, v2;
	[tilespmem:v1+s16+$0x0] =	vst.idx.add.f32.msk $0xffff, v47  }
0x17e: {  	v57 =	vand.u32 $0x7F, v51;
	v1 =	vmul.f32 v2, v62;
	[tilespmem:v46+s16+$0x0] =	vst.idx.add.f32.msk $0xffff, v6;
	v2 =	vshll.u32 v4, $0x10  }
0x17f: {  	v60 =	vshrl.u32 v41, $0xC;
	v53 =	vor.u32 $0x180, v11;
	v12 =	vld.idx.msk [tilespmem:v9+s3+$0x0], $0xffff;
	v2 =	vmul.f32 v2, v26  }
0x180: {  	[tilespmem:v3+s16+$0x0] =	vst.idx.add.f32.msk $0xffff, v1;
	v1 =	vshll.u32 v8, $0x10;
	v3 =	vand.u32 $0xFFFF0000, v8;
	v8 =	vand.u32 $0x7F00, v55  }
0x181: {  	v5 =	vand.u32 $0x7F, v59;
	v62 =	vld [tilespmem:s25+$0x50];
	v4 =	vand.u32 $0xFFFF0000, v4;
	v8 =	vor.u32 v57, v8  }
0x182: {  	v4 =	vmul.f32 v4, v26;
	[tilespmem:v52+s16+$0x0] =	vst.idx.add.f32.msk $0xffff, v2;
	v2 =	vor.u32 $0x180, v7;
	v7 =	vand.u32 $0xFFE00, v60  }
0x183: {  	v61 =	vshll.u32 v54, $0x1;
	v48 =	vld [tilespmem:s25+$0x70];
	v1 =	vmul.f32 v1, v34;
	v63 =	vor.u32 v5, v7  }
0x184: {  	v25 =	vshrl.u32 v51, $0xE;
	v18 =	vand.u32 $0x7F00, v61;
	v9 =	vor.u32 $0x80, v9;
	[tilespmem:v53+s16+$0x0] =	vst.idx.add.f32.msk $0xffff, v4  }
0x185: {  	v3 =	vmul.f32 v3, v34;
	v5 =	vor.u32 v17, v18;
	[tilespmem:v56+s16+$0x0] =	vst.idx.add.f32.msk $0xffff, v1;
	v1 =	vshll.u32 v12, $0x10  }
0x186: {  	v26 =	vshrl.u32 v51, $0xC;
	v27 =	vshll.u32 v62, $0x1;
	v1 =	vmul.f32 v1, v58;
	v23 =	vld.idx.msk [tilespmem:v8+s3+$0x0], $0xffff  }
0x187: {  	v22 =	vor.u32 $0x80, v63;
	[tilespmem:v2+s16+$0x0] =	vst.idx.add.f32.msk $0xffff, v3;
	v2 =	vand.u32 $0x7F, v25;
	v3 =	vand.u32 $0xFFE00, v26  }
0x188: {  	[tilespmem:v63+s16+$0x0] =	vst.idx.add.f32.msk $0xffff, v1;
	v2 =	vor.u32 v2, v3;
	v1 =	vand.u32 $0x7F, v62;
	v3 =	vand.u32 $0x7F00, v27  }
0x189: {  	v31 =	vshrl.u32 v54, $0xE;
	v20 =	vand.u32 $0xFFFF0000, v12;
	v56 =	vld [tilespmem:s25+$0x80];
	v3 =	vor.u32 v1, v3  }
0x18a: {  	v10 =	vshrl.u32 v54, $0xC;
	v55 =	vshll.u32 v48, $0x1;
	v21 =	vmul.f32 v20, v58;
	v28 =	vld.idx.msk [tilespmem:v5+s3+$0x0], $0xffff  }
0x18b: {  	v59 =	vand.u32 $0x7F, v48;
	v35 =	vshrl.u32 v62, $0xE;
	v15 =	vshrl.u32 v62, $0xC;
	v62 =	vld [tilespmem:s25+$0x90]  }
0x18c: {  	v12 =	vand.u32 $0x7F00, v55;
	[tilespmem:v22+s16+$0x0] =	vst.idx.add.f32.msk $0xffff, v21;
	v29 =	vor.u32 $0x80, v2;
	v1 =	vshll.u32 v23, $0x10  }
0x18d: {  	v10 =	vand.u32 $0xFFE00, v10;
	v12 =	vor.u32 v59, v12;
	v6 =	vld.idx.msk [tilespmem:v9+s3+$0x0], $0xffff;
	v1 =	vmul.f32 v1, v24  }
0x18e: {  	v49 =	vand.u32 $0x7F, v40;
	v47 =	vshll.u32 v40, $0x1;
	v11 =	vand.u32 $0xFFFF0000, v23;
	v33 =	vld.idx.msk [tilespmem:v3+s3+$0x0], $0xffff  }
0x18f: {  	v8 =	vor.u32 $0x80, v8;
	v11 =	vmul.f32 v11, v24;
	[tilespmem:v2+s16+$0x0] =	vst.idx.add.f32.msk $0xffff, v1;
	v1 =	vand.u32 $0x7F, v31  }
0x190: {  	v50 =	vand.u32 $0x7F00, v47;
	v32 =	vshll.u32 v28, $0x10;
	v10 =	vor.u32 v1, v10;
	v1 =	vld [tilespmem:s24+$0x50]  }
0x191: {  	v36 =	vand.u32 $0x7F, v35;
	v38 =	vmul.f32 v32, v30;
	v32 =	vshll.u32 v62, $0x1;
	[tilespmem:v29+s16+$0x0] =	vst.idx.add.f32.msk $0xffff, v11  }
0x192: {  	v35 =	vand.u32 $0x7F, v62;
	v9 =	vand.u32 $0x7F00, v32;
	v11 =	vor.u32 v49, v50;
	v29 =	vld.idx.msk [tilespmem:v12+s3+$0x0], $0xffff  }
0x193: {  	v37 =	vand.u32 $0xFFE00, v15;
	v9 =	vor.u32 v35, v9;
	v50 =	vld [tilespmem:s24+$0x90]  }
0x194: {  	v46 =	vshll.u32 v6, $0x10;
	v6 =	vand.u32 $0xFFFF0000, v6;
	v34 =	vor.u32 $0x80, v10;
	v8 =	vld.idx.msk [tilespmem:v8+s3+$0x0], $0xffff  }
0x195: {  	v5 =	vor.u32 $0x80, v5;
	v6 =	vmul.f32 v6, v58;
	v17 =	vand.u32 $0xFFFF0000, v33;
	[tilespmem:v10+s16+$0x0] =	vst.idx.add.f32.msk $0xffff, v38  }
0x196: {  	v13 =	vand.u32 $0xFFFF0000, v28;
	v45 =	vmul.f32 v17, v1;
	v17 =	vmul.f32 v46, v58;
	v58 =	vld [tilespmem:s26+$0x14F80]  }
0x197: {  	v7 =	vor.u32 v36, v37;
	v39 =	vmul.f32 v13, v30;
	v21 =	vld.idx.msk [tilespmem:v11+s3+$0x0], $0xffff  }
0x198: {  	v44 =	vor.u32 $0x100, v63;
	v36 =	vshrl.u32 v48, $0xE;
	v37 =	vshrl.u32 v48, $0xC;
	v48 =	vld.idx.msk [tilespmem:v9+s3+$0x0], $0xffff  }
0x199: {  	v4 =	vor.u32 $0x180, v63;
	v42 =	vor.u32 $0x80, v7;
	v41 =	vshll.u32 v33, $0x10;
	[tilespmem:v34+s16+$0x0] =	vst.idx.add.f32.msk $0xffff, v39  }
0x19a: {  	v63 =	vor.u32 $0x100, v7;
	v52 =	vor.u32 $0x100, v2;
	v43 =	vmul.f32 v41, v1;
	v34 =	vld [tilespmem:s24+$0x70]  }
0x19b: {  	v22 =	vshrl.u32 v40, $0xE;
	v25 =	vand.u32 $0x7F, v56;
	v3 =	vor.u32 $0x80, v3;
	v5 =	vld.idx.msk [tilespmem:v5+s3+$0x0], $0xffff  }
0x19c: {  	v2 =	vor.u32 $0x180, v2;
	v51 =	vshll.u32 v8, $0x10;
	v8 =	vand.u32 $0xFFFF0000, v8;
	[tilespmem:v7+s16+$0x0] =	vst.idx.add.f32.msk $0xffff, v43  }
0x19d: {  	[tilespmem:v44+s16+$0x0] =	vst.idx.add.f32.msk $0xffff, v17;
	v14 =	vmul.f32 v51, v24;
	v53 =	vmul.f32 v8, v24;
	v24 =	vshll.u32 v56, $0x1  }
0x19e: {  	v57 =	vor.u32 $0x100, v10;
	v60 =	vor.u32 $0x180, v10;
	[tilespmem:v42+s16+$0x0] =	vst.idx.add.f32.msk $0xffff, v45;
	v26 =	vand.u32 $0x7F00, v24  }
0x19f: {  	v10 =	vand.u32 $0xFFE00, v37;
	[tilespmem:v4+s16+$0x0] =	vst.idx.add.f32.msk $0xffff, v6;
	v4 =	vand.u32 $0x7F, v36;
	v6 =	vor.u32 v25, v26  }
0x1a0: {  	v18 =	vshrl.u32 v62, $0xC;
	v13 =	vshrl.u32 v40, $0xC;
	v42 =	vld [tilespmem:s24+$0x80];
	v4 =	vor.u32 v4, v10  }
0x1a1: {  	v15 =	vshrl.u32 v56, $0xC;
	v18 =	vand.u32 $0xFFE00, v18;
	v23 =	vand.u32 $0xFFE00, v13;
	v3 =	vld.idx.msk [tilespmem:v3+s3+$0x0], $0xffff  }
0x1a2: {  	v12 =	vor.u32 $0x80, v12;
	v39 =	vshll.u32 v29, $0x10;
	[tilespmem:v52+s16+$0x0] =	vst.idx.add.f32.msk $0xffff, v14;
	v41 =	vor.u32 $0x80, v4  }
0x1a3: {  	[tilespmem:v2+s16+$0x0] =	vst.idx.add.f32.msk $0xffff, v53;
	v2 =	vand.u32 $0x7F, v22;
	v44 =	vmul.f32 v39, v34;
	v54 =	vshll.u32 v5, $0x10  }
0x1a4: {  	v16 =	vand.u32 $0xFFFF0000, v29;
	v2 =	vor.u32 v2, v23;
	v8 =	vmul.f32 v54, v30;
	v40 =	vld.idx.msk [tilespmem:v6+s3+$0x0], $0xffff  }
0x1a5: {  	v46 =	vand.u32 $0xFFE00, v15;
	v47 =	vmul.f32 v16, v34;
	v5 =	vand.u32 $0xFFFF0000, v5;
	[tilespmem:v4+s16+$0x0] =	vst.idx.add.f32.msk $0xffff, v44  }
0x1a6: {  	v43 =	vshrl.u32 v56, $0xE;
	v27 =	vshll.u32 v21, $0x10;
	v5 =	vmul.f32 v5, v30;
	[tilespmem:v57+s16+$0x0] =	vst.idx.add.f32.msk $0xffff, v8  }
0x1a7: {  	v45 =	vand.u32 $0x7F, v43;
	v33 =	vor.u32 $0x80, v2;
	v30 =	vmul.f32 v27, v58;
	[tilespmem:v41+s16+$0x0] =	vst.idx.add.f32.msk $0xffff, v47  }
0x1a8: {  	v38 =	vor.u32 $0x80, v11;
	v11 =	vor.u32 v45, v46;
	v20 =	vshll.u32 v3, $0x10;
	[tilespmem:v60+s16+$0x0] =	vst.idx.add.f32.msk $0xffff, v5  }
0x1a9: {  	v28 =	vand.u32 $0xFFFF0000, v21;
	v22 =	vshrl.u32 v62, $0xE;
	v61 =	vmul.f32 v20, v1;
	[tilespmem:v2+s16+$0x0] =	vst.idx.add.f32.msk $0xffff, v30  }
0x1aa: {  	v49 =	vor.u32 $0x80, v11;
	v31 =	vmul.f32 v28, v58;
	v22 =	vand.u32 $0x7F, v22;
	v54 =	vld.idx.msk [tilespmem:v12+s3+$0x0], $0xffff  }
0x1ab: {  	v52 =	vor.u32 v22, v18;
	[tilespmem:v63+s16+$0x0] =	vst.idx.add.f32.msk $0xffff, v61;
	v51 =	vshll.u32 v40, $0x10  }
0x1ac: {  	v6 =	vor.u32 $0x80, v6;
	[tilespmem:v33+s16+$0x0] =	vst.idx.add.f32.msk $0xffff, v31;
	v10 =	vand.u32 $0xFFFF0000, v40;
	v8 =	vmul.f32 v51, v42  }
0x1ad: {  	v53 =	vshll.u32 v48, $0x10;
	v18 =	vor.u32 $0x80, v52;
	v5 =	vld.idx.msk [tilespmem:v38+s3+$0x0], $0xffff;
	v10 =	vmul.f32 v10, v42  }
0x1ae: {  	v9 =	vor.u32 $0x80, v9;
	[tilespmem:v11+s16+$0x0] =	vst.idx.add.f32.msk $0xffff, v8;
	v8 =	vmul.f32 v53, v50  }
0x1af: {  	v7 =	vor.u32 $0x180, v7;
	v55 =	vand.u32 $0xFFFF0000, v48;
	[tilespmem:v49+s16+$0x0] =	vst.idx.add.f32.msk $0xffff, v10  }
0x1b0: {  	v56 =	vor.u32 $0x100, v2;
	v12 =	vmul.f32 v55, v50;
	[tilespmem:v52+s16+$0x0] =	vst.idx.add.f32.msk $0xffff, v8  }
0x1b1: {  	v3 =	vand.u32 $0xFFFF0000, v3;
	v2 =	vor.u32 $0x180, v2;
	v6 =	vld.idx.msk [tilespmem:v6+s3+$0x0], $0xffff  }
0x1b2: {  	v1 =	vmul.f32 v3, v1;
	v57 =	vor.u32 $0x100, v4;
	v3 =	vshll.u32 v5, $0x10;
	[tilespmem:v18+s16+$0x0] =	vst.idx.add.f32.msk $0xffff, v12  }
0x1b3: {  	v4 =	vor.u32 $0x180, v4;
	v5 =	vand.u32 $0xFFFF0000, v5;
	v3 =	vmul.f32 v3, v58;
	v9 =	vld.idx.msk [tilespmem:v9+s3+$0x0], $0xffff  }
0x1b4: {  	v59 =	vor.u32 $0x100, v11;
	[tilespmem:v7+s16+$0x0] =	vst.idx.add.f32.msk $0xffff, v1;
	v1 =	vmul.f32 v5, v58;
	v58 =	vshll.u32 v54, $0x10  }
0x1b5: {  	v60 =	vor.u32 $0x180, v11;
	v5 =	vmul.f32 v58, v34;
	[tilespmem:v56+s16+$0x0] =	vst.idx.add.f32.msk $0xffff, v3;
	v3 =	vand.u32 $0xFFFF0000, v54  }
0x1b6: {  	s22 =	sadd.s32 $0x14, s22;
	[tilespmem:v2+s16+$0x0] =	vst.idx.add.f32.msk $0xffff, v1;
	v1 =	vmul.f32 v3, v34;
	v3 =	vor.u32 $0x100, v52;
	v2 =	vshll.u32 v6, $0x10  }
0x1b7: {  	p0 =	slt.u32 s22, $0x1E0;
	v62 =	vor.u32 $0x180, v52;
	[tilespmem:v57+s16+$0x0] =	vst.idx.add.f32.msk $0xffff, v5;
	v61 =	vand.u32 $0xFFFF0000, v6;
	v2 =	vmul.f32 v2, v42  }
.Ltmp2:
0x1b8: {  	[tilespmem:v4+s16+$0x0] =	vst.idx.add.f32.msk $0xffff, v1;
	v1 =	vmul.f32 v61, v42;
	v63 =	vshll.u32 v9, $0x10;
	(pc) =	sbr.rel @p0 .LBB2_7-.Ltmp2, $4  }
0x1b9: {  	[tilespmem:v59+s16+$0x0] =	vst.idx.add.f32.msk $0xffff, v2;
	v2 =	vand.u32 $0xFFFF0000, v9;
	v4 =	vmul.f32 v63, v50  }
0x1ba: {  	[tilespmem:v60+s16+$0x0] =	vst.idx.add.f32.msk $0xffff, v1;
	v1 =	vmul.f32 v2, v50  }
0x1bb: {  	[tilespmem:v3+s16+$0x0] =	vst.idx.add.f32.msk $0xffff, v4  }
0x1bc: {  	s23 =	sadd.s32 $0x140, s23;
	s25 =	sadd.s32 $0x140, s25;
	s24 =	sadd.s32 $0x140, s24;
	[tilespmem:v62+s16+$0x0] =	vst.idx.add.f32.msk $0xffff, v1  }
0x1bd: {  	s21 =	sadd.s32 $0x1, s21  }
0x1be: {  	p0 =	sne.s32 s21, $0x14  }
.Ltmp3:
0x1bf: {  	_ = 	snop;
	(pc) =	sbr.rel @p0 .LBB2_4-.Ltmp3, $1  }
0x1c0: {  	_ =	sdelay $0x3  }
0x1c1: {  	s19 =	sadd.s32 $0x1, s19  }
0x1c2: {  	p0 =	sne.s32 s19, s7  }
.Ltmp4:
0x1c3: {  	_ = 	snop;
	(pc) =	sbr.rel @p0 .LBB2_1-.Ltmp4, $4  }
0x1c4: {  	[hbm4b:s6+s18] =	stream.strided.scatter [tilespmem:s16], [sflag:$0x3], $0xA000, s11, s18, $0x38;
	[tilespmem:$0x16E00] =	vst v63  }
0x1c5: {  	_ =	swait.ge [sflag:s12], $0xA000  }
0x1c6: {  	[sflag:s12] =	ssyncset.done $0x0  }
0x1c7: {  	[sflag:s12] =	ssyncadd.s32 $0xFFFF6000  }
0x1c8: {  	_ =	sfence.sel $0x180000  }
0x1c9: {  	[bflag:$0x0] =	sbarrier.arrive $0xFFFF  }
0x1ca: {  	p0 =	sne.s32 s2, $0x0;
	_ =	strace $0x90000050  }
0x1cb: {  	s0 =	sadd.s32 @!p0 $0x100000, s0;
	[bflag:$0x2] =	sbarrier.arrive $0xFFFF  }
0x1cc: {  	[sflag:s0] =	ssyncadd.tile.s32 @!p0 $0x1;
	_ =	shalt  }
.Lfunc_end2:
_tile_overlayer_lowered:
.L_overlay_start_2:
0x1cd: {  	(tag) =	ssettag $0x2  }
0x1ce: {  	s0 =	rddreg [dreg:$0x0];
	s2 =	stileid.u32  }
0x1cf: {  	s1 =	rddreg [dreg:$0x1];
	p0 =	sne.s32 s2, $0x0  }
0x1d0: {  	s3 =	rddreg [dreg:$0x2];
	[bflag:$0x3] =	sbarrier.arrive $0xFFFF;
	s2 =	simm.s32 @!p0 $0x1C03  }
0x1d1: {  	[timem:s3], [sflag:s2] =	dma.local @!p0 [hbm:s0], s1  }
0x1d2: {  	s0 =	simm.s32 @!p0 $0x3  }
0x1d3: {  	_ =	swait.ge @!p0 [sflag:s0], s1  }
0x1d4: {  	s1 =	ssub.s32 @!p0 $0x0, s1;
	[sflag:s0] =	ssyncset.done @!p0 $0x0  }
0x1d5: {  	[sflag:s0] =	ssyncadd.s32 @!p0 s1  }
0x1d6: {  	[bflag:$0x3] =	sbarrier.arrive $0xFFFF  }
0x1d7: {  	_ =	shalt  }

// kernel: kernel.9.cloned.1.call-start
scs
__scs_entry_jumppad:
0x0: {  	(pc) =	sbr.rel $0x88, $3  }
0x1: {  	(tag) =	ssettag $0x0;
	lr =	simm.s32 $0x1  }
0x2: {  	[smem:$0x3F8F] =	sst lr;
	_ =	strace $0xD0000000  }
0x3: {  	_ = 	snop  }
0x4: {  	_ = 	snop  }
0x5: {  	_ = 	snop  }
0x6: {  	_ = 	snop  }
0x7: {  	_ = 	snop  }
__scs_overlays_trampoline_lowered:
0x8: {  	[smem:$0x3F9E] =	sst s0  }
0x9: {  	[smem:$0x3F9F] =	sst s1  }
0xa: {  	[smem:$0x3FA0] =	sst s2  }
0xb: {  	[smem:$0x3FA1] =	sst s3  }
0xc: {  	[smem:$0x3FA2] =	sst s4  }
0xd: {  	[smem:$0x3FA3] =	sst s5  }
0xe: {  	[smem:$0x3FA4] =	sst s6  }
0xf: {  	[smem:$0x3FA5] =	sst s7  }
0x10: {  	[smem:$0x3FA6] =	sst s8  }
0x11: {  	[smem:$0x3FA7] =	sst s9;
	s0 =	simm.s32 @!p0 $0x0  }
0x12: {  	s1 =	sld [smem:$0x3F8D];
	s0 =	simm.s32 @p0 $0x1  }
0x13: {  	[smem:$0x3FA8] =	sst s0;
	s0 =	simm.s32 @!p1 $0x0  }
0x14: {  	s2 =	sld [smem:$0x3F8C];
	s0 =	simm.s32 @p1 $0x1  }
0x15: {  	[smem:$0x3FA9] =	sst s0;
	s0 =	simm.s32 @!p2 $0x0  }
0x16: {  	s3 =	sld [smem:$0x3FDB];
	s0 =	simm.s32 @p2 $0x1  }
0x17: {  	s4 =	simm.s32 $0x1BF5;
	[smem:$0x3FAB] =	sst s0  }
0x18: {  	s0 =	sld [smem:$0x3F8E];
	_ =	swait.ge [sflag:s4], $0x0  }
0x19: {  	s7 =	sld [smem:$0x3F8F]  }
0x1a: {  	s8 =	sadd.s32 $0xFFFFE003, lr  }
0x1b: {  	s9 =	sadd.s32 $0xFFFFFEF7, lr;
	s5 =	simm.s32 $0xFFFFFFFF;
	p2 =	slt.u32 s8, $0xFFFFF086  }
0x1c: {  	p1 =	slt.u32 s9, $0xF7A;
	s5 =	simm.s32 @!p2 $0x0  }
0x1d: {  	s5 =	simm.s32 @p1 $0x1;
	p0 =	seq.s32 s7, s2  }
0x1e: {  	s7 =	smul.u32 @!p0 $0xF7A, s2;
	p2 =	seq.s32 @!p0 s5, $0x0  }
0x1f: {  	s9 =	smul.u32 $0xF7A, s1;
	s8 =	simm.s32 @!p0 $0x1BF5;
	p2 =	por !p2, p0  }
0x20: {  	[sflag:s8] =	ssyncset.s32 @!p0 $0xFFFFF086;
	s6 =	sadd.s32 @!p0 s3, s7;
	s7 =	simm.s32 @!p0 $0x108  }
0x21: {  	s3 =	sadd.s32 s3, s9;
	s6 =	sadd.s32 @!p0 $0x88, s6;
	s7 =	simm.s32 @p2 $0x1082  }
0x22: {  	[simem:s7], [sflag:s8] =	dma.local @!p0 [hbm:s6], $0xF7A  }
0x23: {  	s9 =	sor.u32 $0xD0000000, s2;
	s6 =	simm.s32 $0x108;
	_ =	swait.ge @!p0 [sflag:s8], $0x0  }
0x24: {  	s3 =	sadd.s32 $0x88, s3;
	s6 =	simm.s32 @!p1 $0x1082;
	[sflag:s4] =	ssyncset.s32 $0xFFFFF086  }
0x25: {  	[simem:s6], [sflag:s4] =	dma.local [hbm:s3], $0xF7A  }
0x26: {  	[smem:$0x3F8F] =	sst s1;
	(tag) =	ssettag s2;
	_ =	strace s9  }
0x27: {  	s1 =	sld [smem:$0x3F9F]  }
0x28: {  	s2 =	sld [smem:$0x3FA0]  }
0x29: {  	s4 =	sld [smem:$0x3FA2]  }
0x2a: {  	p0 =	seq.s32 s5, $0x0;
	s5 =	sld [smem:$0x3FA3]  }
0x2b: {  	s6 =	sld [smem:$0x3FA4]  }
0x2c: {  	s7 =	sld [smem:$0x3FA5]  }
0x2d: {  	s3 =	simm.s32 $0x108;
	s8 =	sld [smem:$0x3FA6]  }
0x2e: {  	s3 =	simm.s32 @!p0 $0x1082;
	s9 =	sld [smem:$0x3FA7]  }
0x2f: {  	lr =	sadd.s32 s0, s3;
	s0 =	sld [smem:$0x3F9E]  }
0x30: {  	s3 =	sld [smem:$0x3FA1]  }
0x31: {  	[smem:$0x3FAA] =	sst s10  }
0x32: {  	s10 =	sld [smem:$0x3FA8];
	_ =	sdelay $0x3  }
0x33: {  	p0 =	seq.s32 s10, $0x1;
	s10 =	sld [smem:$0x3FAA];
	_ =	sdelay $0x3  }
0x34: {  	[smem:$0x3FAA] =	sst s10  }
0x35: {  	s10 =	sld [smem:$0x3FA9];
	_ =	sdelay $0x3  }
0x36: {  	p1 =	seq.s32 s10, $0x1;
	s10 =	sld [smem:$0x3FAA];
	_ =	sdelay $0x3  }
0x37: {  	[smem:$0x3FAA] =	sst s10  }
0x38: {  	s10 =	sld [smem:$0x3FAB]  }
0x39: {  	_ = 	snop;
	(pc) =	sbr.ind lr, $3  }
0x3a: {  	_ = 	snop  }
0x3b: {  	_ = 	snop  }
0x3c: {  	p2 =	seq.s32 s10, $0x1;
	s10 =	sld [smem:$0x3FAA]  }
0x3d: {  	_ =	shalt  }
0x3e: {  	_ =	shalt  }
0x3f: {  	_ =	shalt  }
0x40: {  	_ =	shalt  }
0x41: {  	_ =	shalt  }
0x42: {  	_ =	shalt  }
0x43: {  	_ =	shalt  }
0x44: {  	_ =	shalt  }
0x45: {  	_ =	shalt  }
0x46: {  	_ =	shalt  }
0x47: {  	_ =	shalt  }
0x48: {  	_ =	shalt  }
0x49: {  	_ =	shalt  }
0x4a: {  	_ =	shalt  }
0x4b: {  	_ =	shalt  }
0x4c: {  	_ =	shalt  }
0x4d: {  	_ =	shalt  }
0x4e: {  	_ =	shalt  }
0x4f: {  	_ =	shalt  }
0x50: {  	_ =	shalt  }
0x51: {  	_ =	shalt  }
0x52: {  	_ =	shalt  }
0x53: {  	_ =	shalt  }
0x54: {  	_ =	shalt  }
0x55: {  	_ =	shalt  }
0x56: {  	_ =	shalt  }
0x57: {  	_ =	shalt  }
0x58: {  	_ =	shalt  }
0x59: {  	_ =	shalt  }
0x5a: {  	_ =	shalt  }
0x5b: {  	_ =	shalt  }
0x5c: {  	_ =	shalt  }
0x5d: {  	_ =	shalt  }
0x5e: {  	_ =	shalt  }
0x5f: {  	_ =	shalt  }
0x60: {  	_ =	shalt  }
0x61: {  	_ =	shalt  }
0x62: {  	_ =	shalt  }
0x63: {  	_ =	shalt  }
0x64: {  	_ =	shalt  }
0x65: {  	_ =	shalt  }
0x66: {  	_ =	shalt  }
0x67: {  	_ =	shalt  }
0x68: {  	_ =	shalt  }
0x69: {  	_ =	shalt  }
0x6a: {  	_ =	shalt  }
0x6b: {  	_ =	shalt  }
0x6c: {  	_ =	shalt  }
0x6d: {  	_ =	shalt  }
0x6e: {  	_ =	shalt  }
0x6f: {  	_ =	shalt  }
0x70: {  	_ =	shalt  }
0x71: {  	_ =	shalt  }
0x72: {  	_ =	shalt  }
0x73: {  	_ =	shalt  }
0x74: {  	_ =	shalt  }
0x75: {  	_ =	shalt  }
0x76: {  	_ =	shalt  }
0x77: {  	_ =	shalt  }
0x78: {  	_ =	shalt  }
0x79: {  	_ =	shalt  }
0x7a: {  	_ =	shalt  }
0x7b: {  	_ =	shalt  }
0x7c: {  	_ =	shalt  }
0x7d: {  	_ =	shalt  }
0x7e: {  	_ =	shalt  }
0x7f: {  	_ =	shalt  }
0x80: {  	_ =	shalt  }
0x81: {  	_ =	shalt  }
0x82: {  	_ =	shalt  }
0x83: {  	_ =	shalt  }
0x84: {  	_ =	shalt  }
0x85: {  	_ =	shalt  }
0x86: {  	_ =	shalt  }
0x87: {  	_ =	shalt  }
.Lfunc_end0:
.L_simem_size_0:
called_computation_lowered:
.L_overlay_start_0:
0x88: {  	s2 =	sld [smem:$0x3FD9]  }
0x89: {  	s3 =	sld [smem:$0x3FFE];
	_ =	sdelay $0x1  }
0x8a: {  	s1 =	srdreg.scid  }
0x8b: {  	s0 =	sand.u32 $0x1, s1  }
0x8c: {  	s14 =	sshll.u32 s0, $0xA;
	s2 =	sadd.s32 s3, s2  }
0x8d: {  	s2 =	sadd.s32 s2, s14  }
0x8e: {  	[smem:$0x3FB6] =	sst s2  }
0x8f: {  	_ = 	snop  }
0x90: {  	s2 =	sld [smem:$0x3FD0];
	_ =	sdelay $0x2  }
0x91: {  	s4 =	simm.s32 $0xB;
	s5 =	simm.s32 $0x10;
	s15 =	sld [smem:$0x3FC7]  }
0x92: {  	[smem:s5], [sflag:s4] =	dma.local [hbm:s2], $0x1  }
0x93: {  	_ =	swait.eq [sflag:s4], $0x1  }
0x94: {  	[sflag:s4] =	ssyncset.done $0x0  }
0x95: {  	[sflag:s4] =	ssyncadd.s32 $0xFFFFFFFF  }
0x96: {  	s16 =	sld [smem:$0x11];
	(tm) =	ssettm $0x1  }
0x97: {  	s17 =	sld [smem:$0x3FFB];
	_ =	sdelay $0x3  }
0x98: {  	_ =	strace s17  }
0x99: {  	s4 =	sld [smem:$0x3FFC];
	_ =	sdelay $0x3  }
0x9a: {  	_ =	strace s4  }
0x9b: {  	s4 =	sld [smem:$0x3FFD];
	_ =	sdelay $0x3  }
0x9c: {  	_ =	strace s4  }
0x9d: {  	_ =	strace $0x8FFFFFFF  }
0x9e: {  	s18 =	sld [smem:$0x3FDB];
	_ =	sdelay $0x1  }
0x9f: {  	s19 =	simm.s32 $_scs_section_size  }
0xa0: {  	s6 =	simm.s32 $_size__tile_overlayer_lowered;
	s7 =	simm.s32 $_tile_overlayer_lowered  }
0xa1: {  	s22 =	simm.s32 $0x1BFF;
	s21 =	sshll.u32 s7, $0x1;
	s4 =	sadd.s32 s19, s18  }
0xa2: {  	s8 =	simm.s32 $0x0;
	s20 =	sshll.u32 s6, $0x1;
	s6 =	sadd.s32 s21, s4  }
0xa3: {  	[timem:s8], [sflag:s22] =	dma.local [hbm:s6], s20  }
0xa4: {  	_ =	swait.ge [sflag:s22], s20  }
0xa5: {  	s5 =	ssub.s32 $0x0, s20;
	[sflag:s22] =	ssyncset.done $0x0  }
0xa6: {  	[sflag:s22] =	ssyncadd.s32 s5;
	_ =	sdelay $0x1  }
0xa7: {  	s23 =	simm.s32 $0x1B8B  }
0xa8: {  	_ =	swait.ge [sflag:s23], $0x1  }
0xa9: {  	[sflag:s23] =	ssyncset.done $0x0  }
0xaa: {  	s25 =	simm.s32 $0x1B8E;
	s24 =	sld [smem:$0x3FFE];
	[sflag:s23] =	ssyncadd.s32 $0xFFFFFFFF  }
0xab: {  	s26 =	simm.s32 $execute0_lowered;
	[smem:$0x3FD2] =	sst s25  }
0xac: {  	s6 =	sshll.u32 s26, $0x1;
	_ =	strace $0x80000046;
	[dreg:$0x1] =	wrdreg $0xFFFFFFFF  }
0xad: {  	s28 =	simm.s32 $_size_execute0_lowered;
	s4 =	sadd.s32 s4, s6;
	[dreg:$0x0] =	wrdreg $0x0  }
0xae: {  	s6 =	sshll.u32 s28, $0x1;
	[dreg:$0x2] =	wrdreg s4  }
0xaf: {  	[dreg:$0x3] =	wrdreg s6  }
0xb0: {  	[dreg:$0x4] =	wrdreg $0xC0  }
0xb1: {  	_ =	task [dreg:s8], $0x5FFFF  }
0xb2: {  	[dreg:$0x1] =	wrdreg $0xFFFFFFFF  }
0xb3: {  	[dreg:$0x0] =	wrdreg $0x60  }
0xb4: {  	[dreg:$0x2] =	wrdreg s24  }
0xb5: {  	[dreg:$0x3] =	wrdreg s15  }
0xb6: {  	[dreg:$0x4] =	wrdreg s16  }
0xb7: {  	[dreg:$0x5] =	wrdreg $0x9  }
0xb8: {  	_ =	task.clear_ibuf [dreg:s8], $0x6FFFF;
	_ =	strace $0x90000046  }
0xb9: {  	s29 =	simm.s32 $0x9;
	_ =	strace $0x80000048  }
0xba: {  	_ =	swait.ge [sflag:s29], $0x1  }
0xbb: {  	[sflag:s29] =	ssyncadd.s32 $0xFFFFFFFF  }
0xbc: {  	_ =	strace $0x90000048  }
0xbd: {  	_ =	sfence  }
0xbe: {  	s30 =	sld [smem:$0x0];
	_ =	sdelay $0x2  }
0xbf: {  	s31 =	sshll.u32 s1, $0xD;
	s1 =	sshrl.u32 s1, $0x2  }
0xc0: {  	s3 =	sand.u32 $0x4000, s31;
	s1 =	sadd.s32 s1, s30  }
0xc1: {  	s0 =	sor.u32 s3, s0;
	s1 =	sshll.u32 s1, $0x11  }
0xc2: {  	s0 =	sor.u32 s1, s0  }
0xc3: {  	s0 =	sadd.s32 $0x8F2B, s0  }
0xc4: {  	[sflag:s0] =	ssyncadd.remote.s32 $0x1  }
0xc5: {  	_ =	sfence.sel $0xFFFF  }
0xc6: {  	[dreg:$0x0] =	wrdreg $0xFFFFFFFF;
	(pc) =	sbr.abs _section_cstart, $3  }
0xc7: {  	[dreg:$0x1] =	wrdreg $0xFFFFFFFF  }
0xc8: {  	_ =	task.clear_ibuf [dreg:s8], $0x2FFFF;
	_ =	strace $0x9FFFFFFF  }
0xc9: {  	(tm) =	ssettm $0x7FFFFFFF  }
tec
execute0_lowered:
.L_overlay_start_1:
0x0: {  	(tag) =	ssettag $0x1  }
0x1: {  	s3 =	rddreg [dreg:$0x0]  }
0x2: {  	s5 =	rddreg [dreg:$0x1];
	s1 =	srdreg.scid  }
0x3: {  	s0 =	stileid.u32;
	s6 =	rddreg [dreg:$0x2];
	s11 =	simm.s32 $0x4F00  }
0x4: {  	s12 =	simm.s32 $0x7680;
	s13 =	simm.s32 $0x80;
	s14 =	simm.s32 $0x400  }
0x5: {  	s15 =	simm.s32 $0x0;
	s4 =	sand.u32 $0x1, s1;
	s2 =	sshll.u32 s0, $0x1  }
0x6: {  	s1 =	rddreg [dreg:$0x3];
	s9 =	sshrl.u32 s0, $0x2;
	s7 =	sor.u32 s4, s2  }
0x7: {  	s2 =	simm.s32 $0x0;
	s9 =	smul.u32 $0x14000, s9;
	s4 =	ssub.s32 $0x2, s4  }
0x8: {  	s8 =	smul.u32 $0x4E2, s7;
	[smem:$0x7FF] =	sst s2;
	s7 =	sshll.u32 s7, $0x7  }
0x9: {  	s30 =	sshrl.u32 s4, $0x1;
	_ =	strace $0x80000047;
	s7 =	sand.u32 $0x380, s7  }
0xa: {  	s31 =	ssub.s32 s4, s30;
	s10 =	sadd.s32 s8, s3;
	s7 =	sor.u32 s9, s7  }
0xb: {  	s5 =	sadd.s32 s5, s8;
	s8 =	smax.u32 s31, $0x1;
	s9 =	simm.s32 $0x1  }
0xc: {  	s3 =	sadd.s32 $0xFA00, s10;
	s7 =	sshrl.u32 s7, $0x3;
	s4 =	sadd.s32 $0x5C00, s10  }
0xd: {  	v0 =	vimm.f32 $0.0e+00;
	s6 =	sadd.s32 s6, s7;
	s7 =	sadd.s32 $0x19800, s10;
	s10 =	simm.s32 $0x2780  }
.LBB2_1:
0xe: {  	s16 =	simm.s32 $0x76C0  }
0xf: {  	[tilespmem:s16+$0xFFFFFFC0] =	vst v0  }
0x10: {  	[tilespmem:s16+$0x30] =	vst v0  }
0x11: {  	[tilespmem:s16+$0x20] =	vst v0  }
0x12: {  	[tilespmem:s16+$0x10] =	vst v0  }
0x13: {  	[tilespmem:s16+$0x0] =	vst v0  }
0x14: {  	[tilespmem:s16+$0xFFFFFFF0] =	vst v0  }
0x15: {  	s17 =	simm.s32 $0x0;
	[tilespmem:s16+$0xFFFFFFE0] =	vst v0  }
.LBB2_2:
0x16: {  	s17 =	sadd.s32 $0x8, s17;
	[tilespmem:s16+$0xFFFFFFD0] =	vst v0;
	s16 =	sadd.s32 $0x80, s16  }
0x17: {  	[tilespmem:s16+$0xFFFFFFC0] =	vst v0;
	p0 =	slt.u32 s17, $0x278  }
0x18: {  	[tilespmem:s16+$0x30] =	vst v0  }
.Ltmp0:
0x19: {  	[tilespmem:s16+$0x20] =	vst v0;
	(pc) =	sbr.rel @p0 .LBB2_2-.Ltmp0, $4  }
0x1a: {  	[tilespmem:s16+$0x10] =	vst v0  }
0x1b: {  	[tilespmem:s16+$0x0] =	vst v0  }
0x1c: {  	[tilespmem:s16+$0xFFFFFFF0] =	vst v0  }
0x1d: {  	[tilespmem:s16+$0xFFFFFFE0] =	vst v0  }
0x1e: {  	[tilespmem:s16+$0xFFFFFFD0] =	vst v0  }
0x1f: {  	[tilespmem:s2], [sflag:$0x1] =	stream.linear.gather [hbm4b:s3+s2], $0x2710, $0x38;
	[tilespmem:$0x9E80] =	vst v63  }
0x20: {  	_ =	swait.ge [sflag:s9], $0x2710  }
0x21: {  	[sflag:s9] =	ssyncset.done $0x0  }
0x22: {  	[sflag:s9] =	ssyncadd.s32 $0xFFFFD8F0  }
0x23: {  	[tilespmem:s10], [sflag:$0x1] =	stream.linear.gather [hbm4b:s4+s2], $0x2710, $0x38;
	[tilespmem:$0x9E80] =	vst v63  }
0x24: {  	_ =	swait.ge [sflag:s9], $0x2710  }
0x25: {  	[sflag:s9] =	ssyncset.done $0x0  }
0x26: {  	[sflag:s9] =	ssyncadd.s32 $0xFFFFD8F0  }
0x27: {  	[tilespmem:s11], [sflag:$0x1] =	stream.linear.gather [hbm4b:s5+s2], $0x2710, $0x38;
	[tilespmem:$0x9E80] =	vst v63  }
0x28: {  	_ =	swait.ge [sflag:s9], $0x2710  }
0x29: {  	[sflag:s9] =	ssyncset.done $0x0  }
0x2a: {  	s31 =	simm.s32 $0x40;
	[sflag:s9] =	ssyncadd.s32 $0xFFFFD8F0  }
0x2b: {  	v7 =	vld [tilespmem:s31+$0x30]  }
0x2c: {  	v4 =	vld [tilespmem:s31+$0xFFFFFFD0]  }
0x2d: {  	s17 =	simm.s32 $0x4F40;
	v3 =	vld [tilespmem:s31+$0xFFFFFFE0]  }
0x2e: {  	v8 =	vld [tilespmem:s17+$0x30]  }
0x2f: {  	v6 =	vld [tilespmem:s31+$0xFFFFFFF0]  }
0x30: {  	v5 =	vld [tilespmem:s31+$0x0]  }
0x31: {  	v2 =	vld [tilespmem:s31+$0x10]  }
0x32: {  	v12 =	vld [tilespmem:s31+$0xFFFFFFC0]  }
0x33: {  	v1 =	vld [tilespmem:s31+$0x20]  }
0x34: {  	v9 =	vld [tilespmem:s17+$0xFFFFFFC0]  }
0x35: {  	v10 =	vld [tilespmem:s17+$0xFFFFFFD0]  }
0x36: {  	v11 =	vld [tilespmem:s17+$0xFFFFFFE0]  }
0x37: {  	v13 =	vld [tilespmem:s17+$0xFFFFFFF0]  }
0x38: {  	v14 =	vld [tilespmem:s17+$0x0]  }
0x39: {  	[tilespmem:v7+s12+$0x0] =	vst.idx.add.f32.msk $0xffff, v8  }
0x3a: {  	[tilespmem:v12+s12+$0x0] =	vst.idx.add.f32.msk $0xffff, v9  }
0x3b: {  	v9 =	vld [tilespmem:s17+$0x10]  }
0x3c: {  	[tilespmem:v4+s12+$0x0] =	vst.idx.add.f32.msk $0xffff, v10  }
0x3d: {  	v10 =	vld [tilespmem:s17+$0x20]  }
0x3e: {  	[tilespmem:v3+s12+$0x0] =	vst.idx.add.f32.msk $0xffff, v11  }
0x3f: {  	[tilespmem:v6+s12+$0x0] =	vst.idx.add.f32.msk $0xffff, v13  }
0x40: {  	s16 =	simm.s32 $0x27C0;
	[tilespmem:v5+s12+$0x0] =	vst.idx.add.f32.msk $0xffff, v14  }
0x41: {  	v8 =	vld [tilespmem:s16+$0x30]  }
0x42: {  	v13 =	vld [tilespmem:s16+$0xFFFFFFC0]  }
0x43: {  	v14 =	vld [tilespmem:s16+$0xFFFFFFD0]  }
0x44: {  	v11 =	vld [tilespmem:s16+$0xFFFFFFE0]  }
0x45: {  	[tilespmem:v2+s12+$0x0] =	vst.idx.add.f32.msk $0xffff, v9  }
0x46: {  	[tilespmem:v1+s12+$0x0] =	vst.idx.add.f32.msk $0xffff, v10  }
0x47: {  	v10 =	vld [tilespmem:s16+$0xFFFFFFF0]  }
0x48: {  	v9 =	vld [tilespmem:s16+$0x0];
	v8 =	vshll.u32 v8, $0xE  }
0x49: {  	v13 =	vshll.u32 v13, $0xE;
	v8 =	vadd.s32 v7, v8;
	v7 =	vld [tilespmem:s16+$0x10]  }
0x4a: {  	s18 =	simm.s32 $0x0;
	s19 =	simm.s32 $0xC0;
	v12 =	vadd.s32 v12, v13;
	v13 =	vshll.u32 v14, $0xE;
	[tilespmem:s16+$0x30] =	vst v8;
	v8 =	vld [tilespmem:s16+$0x20]  }
.LBB2_4:
0x4b: {  	v14 =	vld [tilespmem:s19+$0x30];
	s18 =	sadd.s32 $0x8, s18;
	[tilespmem:s16+$0xFFFFFFC0] =	vst v12;
	v12 =	vadd.s32 v4, v13;
	v11 =	vshll.u32 v11, $0xE  }
0x4c: {  	v4 =	vld [tilespmem:s19+$0xFFFFFFD0];
	p0 =	slt.u32 s18, $0x268;
	[tilespmem:s16+$0xFFFFFFD0] =	vst v12;
	v11 =	vadd.s32 v3, v11;
	v10 =	vshll.u32 v10, $0xE  }
0x4d: {  	s17 =	sadd.s32 $0x80, s17;
	v3 =	vld [tilespmem:s19+$0xFFFFFFE0];
	[tilespmem:s16+$0xFFFFFFE0] =	vst v11;
	v6 =	vadd.s32 v6, v10;
	v9 =	vshll.u32 v9, $0xE  }
0x4e: {  	v10 =	vld [tilespmem:s17+$0x30];
	[tilespmem:s16+$0xFFFFFFF0] =	vst v6;
	v5 =	vadd.s32 v5, v9;
	v7 =	vshll.u32 v7, $0xE  }
0x4f: {  	v6 =	vld [tilespmem:s19+$0xFFFFFFF0];
	[tilespmem:s16+$0x0] =	vst v5;
	v2 =	vadd.s32 v2, v7;
	v7 =	vshll.u32 v8, $0xE  }
0x50: {  	v5 =	vld [tilespmem:s19+$0x0];
	[tilespmem:s16+$0x10] =	vst v2;
	v1 =	vadd.s32 v1, v7  }
0x51: {  	v2 =	vld [tilespmem:s19+$0x10];
	[tilespmem:s16+$0x20] =	vst v1  }
0x52: {  	v1 =	vld [tilespmem:s19+$0x20]  }
0x53: {  	s16 =	sadd.s32 $0x80, s16;
	[tilespmem:v14+s12+$0x0] =	vst.idx.add.f32.msk $0xffff, v10  }
0x54: {  	v7 =	vld [tilespmem:s16+$0x30]  }
0x55: {  	v8 =	vld [tilespmem:s19+$0xFFFFFFC0]  }
0x56: {  	v9 =	vld [tilespmem:s17+$0xFFFFFFC0]  }
0x57: {  	v10 =	vld [tilespmem:s17+$0xFFFFFFD0]  }
0x58: {  	v11 =	vld [tilespmem:s17+$0xFFFFFFE0]  }
0x59: {  	v12 =	vld [tilespmem:s17+$0xFFFFFFF0];
	v7 =	vshll.u32 v7, $0xE  }
0x5a: {  	v13 =	vld [tilespmem:s17+$0x0];
	v7 =	vadd.s32 v14, v7  }
0x5b: {  	v14 =	vld [tilespmem:s17+$0x10];
	[tilespmem:s16+$0x30] =	vst v7  }
0x5c: {  	v7 =	vld [tilespmem:s17+$0x20]  }
0x5d: {  	[tilespmem:v8+s12+$0x0] =	vst.idx.add.f32.msk $0xffff, v9  }
0x5e: {  	[tilespmem:v4+s12+$0x0] =	vst.idx.add.f32.msk $0xffff, v10  }
0x5f: {  	[tilespmem:v3+s12+$0x0] =	vst.idx.add.f32.msk $0xffff, v11  }
0x60: {  	[tilespmem:v6+s12+$0x0] =	vst.idx.add.f32.msk $0xffff, v12  }
0x61: {  	[tilespmem:v5+s12+$0x0] =	vst.idx.add.f32.msk $0xffff, v13  }
0x62: {  	[tilespmem:v2+s12+$0x0] =	vst.idx.add.f32.msk $0xffff, v14  }
0x63: {  	[tilespmem:v1+s12+$0x0] =	vst.idx.add.f32.msk $0xffff, v7  }
0x64: {  	v7 =	vld [tilespmem:s16+$0xFFFFFFC0]  }
0x65: {  	v13 =	vld [tilespmem:s16+$0xFFFFFFD0]  }
.Ltmp1:
0x66: {  	v11 =	vld [tilespmem:s16+$0xFFFFFFE0];
	(pc) =	sbr.rel @p0 .LBB2_4-.Ltmp1, $4  }
0x67: {  	v10 =	vld [tilespmem:s16+$0xFFFFFFF0]  }
0x68: {  	v9 =	vld [tilespmem:s16+$0x0]  }
0x69: {  	v12 =	vshll.u32 v7, $0xE;
	v7 =	vld [tilespmem:s16+$0x10]  }
0x6a: {  	s19 =	sadd.s32 $0x80, s19;
	v12 =	vadd.s32 v8, v12;
	v13 =	vshll.u32 v13, $0xE;
	v8 =	vld [tilespmem:s16+$0x20]  }
0x6b: {  	[tilespmem:s16+$0xFFFFFFC0] =	vst v12;
	v4 =	vadd.s32 v4, v13;
	v11 =	vshll.u32 v11, $0xE  }
0x6c: {  	[tilespmem:s16+$0xFFFFFFD0] =	vst v4;
	v3 =	vadd.s32 v3, v11;
	v61 =	vshll.u32 v10, $0xE  }
0x6d: {  	[tilespmem:s16+$0xFFFFFFE0] =	vst v3;
	v3 =	vadd.s32 v6, v61;
	v62 =	vshll.u32 v9, $0xE  }
0x6e: {  	[tilespmem:s16+$0xFFFFFFF0] =	vst v3;
	v3 =	vadd.s32 v5, v62;
	v63 =	vshll.u32 v7, $0xE  }
0x6f: {  	[tilespmem:s16+$0x0] =	vst v3;
	v2 =	vadd.s32 v2, v63;
	v3 =	vshll.u32 v8, $0xE  }
0x70: {  	[tilespmem:s16+$0x10] =	vst v2;
	v1 =	vadd.s32 v1, v3  }
0x71: {  	[tilespmem:s16+$0x20] =	vst v1  }
0x72: {  	v1 =	vld [tilespmem:$0x2700];
	_ =	sdelay $0x2  }
0x73: {  	v2 =	vld [tilespmem:$0x7600];
	_ =	sdelay $0x4  }
0x74: {  	[tilespmem:v1+s12+$0x0] =	vst.idx.add.f32.msk $0xffff, v2  }
0x75: {  	v2 =	vld [tilespmem:$0x4E80];
	_ =	sdelay $0x4  }
0x76: {  	v2 =	vshll.u32 v2, $0xE  }
0x77: {  	v1 =	vadd.s32 v1, v2  }
0x78: {  	[tilespmem:$0x4E80] =	vst v1  }
0x79: {  	[hbm4b:s6+s13] =	stream.strided.scatter [tilespmem:s12], [sflag:$0x1], $0x2800, s14, s13, $0x38;
	[tilespmem:$0x9E80] =	vst v63  }
0x7a: {  	s15 =	sadd.s32 $0x1, s15;
	_ =	swait.ge [sflag:s9], $0x2800  }
0x7b: {  	p0 =	sne.s32 s15, s8;
	[sflag:s9] =	ssyncset.done $0x0  }
.Ltmp2:
0x7c: {  	[sflag:s9] =	ssyncadd.s32 $0xFFFFD800;
	(pc) =	sbr.rel @p0 .LBB2_1-.Ltmp2, $4  }
0x7d: {  	[hbm4b:s7+s2] =	stream.linear.scatter [tilespmem:s10], [sflag:$0x1], $0x2710, $0x38;
	[tilespmem:$0x9E80] =	vst v63  }
0x7e: {  	_ =	swait.ge [sflag:s9], $0x2710  }
0x7f: {  	[sflag:s9] =	ssyncset.done $0x0  }
0x80: {  	[sflag:s9] =	ssyncadd.s32 $0xFFFFD8F0  }
0x81: {  	_ =	sfence.sel $0x180000  }
0x82: {  	[bflag:$0x0] =	sbarrier.arrive $0xFFFF  }
0x83: {  	p0 =	sne.s32 s0, $0x0;
	_ =	strace $0x90000047  }
0x84: {  	s0 =	sadd.s32 @!p0 $0x100000, s1;
	[bflag:$0x2] =	sbarrier.arrive $0xFFFF  }
0x85: {  	[sflag:s0] =	ssyncadd.tile.s32 @!p0 $0x1;
	_ =	shalt  }
.Lfunc_end2:
_tile_overlayer_lowered:
.L_overlay_start_2:
0x86: {  	(tag) =	ssettag $0x2  }
0x87: {  	s0 =	rddreg [dreg:$0x0];
	s2 =	stileid.u32  }
0x88: {  	s1 =	rddreg [dreg:$0x1];
	p0 =	sne.s32 s2, $0x0  }
0x89: {  	s3 =	rddreg [dreg:$0x2];
	[bflag:$0x3] =	sbarrier.arrive $0xFFFF;
	s2 =	simm.s32 @!p0 $0x1C01  }
0x8a: {  	[timem:s3], [sflag:s2] =	dma.local @!p0 [hbm:s0], s1  }
0x8b: {  	s0 =	simm.s32 @!p0 $0x1  }
0x8c: {  	_ =	swait.ge @!p0 [sflag:s0], s1  }
0x8d: {  	s1 =	ssub.s32 @!p0 $0x0, s1;
	[sflag:s0] =	ssyncset.done @!p0 $0x0  }
0x8e: {  	[sflag:s0] =	ssyncadd.s32 @!p0 s1  }
0x8f: {  	[bflag:$0x3] =	sbarrier.arrive $0xFFFF  }
0x90: {  	_ =	shalt  }

</sc_bundles>
